<compile_context>
chip_gen: v7x
topology: tpu7x:2x2x1
jax: 0.10.2.dev20260603
libtpu: 0.0.44.dev20260713+nightly
codegen_flags: <defaults>
</compile_context>

<pallas_src>
import functools

import jax
import jax.numpy as jnp
from jax import lax
from jax.experimental import pallas as pl
from jax.experimental.pallas import tpu as pltpu
from jax.experimental.pallas import tpu_sc as plsc

NUM_ENTITY = 100000
DIM = 128
CTX = 16
TWO_B = 512
ROWS = 3 * TWO_B
W_N, W_P, W_E = 0.4, 0.3, 0.3

PER_C = TWO_B // 2
NUM_WORKERS = 32
PER_W = TWO_B // NUM_WORKERS

VTILE = 2000
NSTEP = NUM_ENTITY // VTILE


def _compact_idx_impl(ents_hbm, nbr_hbm, pth_hbm, edg_hbm,
                      nbr_out, pth_out, edg_out, ents_s, sem):
    cid = lax.axis_index("c")
    base = cid * PER_C
    pltpu.sync_copy(ents_hbm.at[pl.ds(base, PER_C)], ents_s)

    def body(i, carry):
        e = ents_s[i]
        pltpu.async_copy(nbr_hbm.at[e], nbr_out.at[base + i], sem)
        pltpu.async_copy(pth_hbm.at[e], pth_out.at[base + i], sem)
        pltpu.async_copy(edg_hbm.at[e], edg_out.at[base + i], sem)
        return carry

    lax.fori_loop(0, PER_C, body, 0)
    for out in (nbr_out, pth_out, edg_out):
        pltpu.make_async_copy(
            out.at[pl.ds(base, PER_C)],
            out.at[pl.ds(base, PER_C)],
            sem,
        ).wait()


@functools.cache
def _compact_idx_kernel():
    mesh = plsc.ScalarSubcoreMesh(axis_name="c", num_cores=2)
    return pl.kernel(
        _compact_idx_impl,
        mesh=mesh,
        out_type=(
            jax.ShapeDtypeStruct((TWO_B, CTX), jnp.int32),
            jax.ShapeDtypeStruct((TWO_B, CTX), jnp.int32),
            jax.ShapeDtypeStruct((TWO_B, CTX), jnp.int32),
        ),
        scratch_types=[
            pltpu.SMEM((PER_C,), jnp.int32),
            pltpu.SemaphoreType.DMA,
        ],
    )


def _gather_ctx_impl(ents_hbm, nbrc_hbm, pthc_hbm, edgc_hbm, ent_hbm, rel_hbm,
                     ctx_out, g_out,
                     ents_v, idx2_v, idxf_v, rows_v, stage_v, g_v, sem, semg):
    wid = lax.axis_index("s") * 2 + lax.axis_index("c")
    base = wid * PER_W
    pltpu.sync_copy(ents_hbm.at[pl.ds(base, PER_W)], ents_v)
    gcp = pltpu.async_copy(ent_hbm.at[ents_v], g_v, semg)

    def one_ctx(idxc_hbm, table_hbm, out_base):
        pltpu.sync_copy(idxc_hbm.at[pl.ds(base, PER_W)], idx2_v)
        for h in range(2):
            for j in range(8):
                idxf_v[h, pl.ds(j * CTX, CTX)] = idx2_v[h * 8 + j, :]
        cp0 = pltpu.async_copy(table_hbm.at[idxf_v.at[0]],
                               rows_v.at[pl.ds(0, 128)], sem)
        cp1 = pltpu.async_copy(table_hbm.at[idxf_v.at[1]],
                               rows_v.at[pl.ds(128, 128)], sem)
        cp0.wait()
        cp1.wait()

        def body(j, carry):
            r0 = j * CTX
            for c in range(DIM // 16):
                acc = rows_v[r0, pl.ds(c * 16, 16)]
                for r in range(1, CTX):
                    acc = acc + rows_v[r0 + r, pl.ds(c * 16, 16)]
                stage_v[j, pl.ds(c * 16, 16)] = acc * (1.0 / CTX)
            return carry

        lax.fori_loop(0, PER_W, body, 0)
        pltpu.sync_copy(stage_v, ctx_out.at[pl.ds(out_base + base, PER_W)])

    one_ctx(nbrc_hbm, ent_hbm, 0)
    one_ctx(pthc_hbm, ent_hbm, TWO_B)
    one_ctx(edgc_hbm, rel_hbm, 2 * TWO_B)

    gcp.wait()
    pltpu.sync_copy(g_v, g_out.at[pl.ds(base, PER_W)])


@functools.cache
def _gather_ctx_kernel():
    mesh = plsc.VectorSubcoreMesh(core_axis_name="c", subcore_axis_name="s",
                                  num_cores=2, num_subcores=16)
    return pl.kernel(
        _gather_ctx_impl,
        mesh=mesh,
        out_type=(
            jax.ShapeDtypeStruct((ROWS, DIM), jnp.float32),
            jax.ShapeDtypeStruct((TWO_B, DIM), jnp.float32),
        ),
        scratch_types=[
            pltpu.VMEM((PER_W,), jnp.int32),
            pltpu.VMEM((PER_W, CTX), jnp.int32),
            pltpu.VMEM((2, 128), jnp.int32),
            pltpu.VMEM((PER_W * CTX, DIM), jnp.float32),
            pltpu.VMEM((PER_W, DIM), jnp.float32),
            pltpu.VMEM((PER_W, DIM), jnp.float32),
            pltpu.SemaphoreType.DMA,
            pltpu.SemaphoreType.DMA,
        ],
    )


def _lse_body(ctx_ref, g_ref, tab_ref, preds_ref, loss_ref, s_ref):
    k = pl.program_id(0)

    @pl.when(k == 0)
    def _init():
        s_ref[...] = jnp.zeros((ROWS, 1), jnp.float32)

    ctxb = ctx_ref[...].astype(jnp.bfloat16)
    tabb = tab_ref[...].astype(jnp.bfloat16)
    logits = lax.dot_general(ctxb, tabb, (((1,), (1,)), ((), ())),
                             preferred_element_type=jnp.float32)
    part = jnp.sum(jnp.exp(logits), axis=1, keepdims=True)
    s_ref[...] = s_ref[...] + part

    @pl.when(k == NSTEP - 1)
    def _finish():
        lse = jnp.log(s_ref[...])
        ctx = ctx_ref[...]
        gv = g_ref[...]
        tn = jnp.sum(ctx[0:TWO_B] * gv, axis=1, keepdims=True)
        tp = jnp.sum(ctx[TWO_B:2 * TWO_B] * gv, axis=1, keepdims=True)
        te = jnp.sum(ctx[2 * TWO_B:] * gv, axis=1, keepdims=True)
        preds = (W_N * (tn - lse[0:TWO_B])
                 + W_P * (tp - lse[TWO_B:2 * TWO_B])
                 + W_E * (te - lse[2 * TWO_B:]))
        preds_ref[...] = preds
        loss_ref[...] = -jnp.sum(preds).reshape(1, 1)


def _lse_call(ctx_all, g, ent_table):
    return pl.pallas_call(
        _lse_body,
        grid=(NSTEP,),
        in_specs=[
            pl.BlockSpec((ROWS, DIM), lambda k: (0, 0)),
            pl.BlockSpec((TWO_B, DIM), lambda k: (0, 0)),
            pl.BlockSpec((VTILE, DIM), lambda k: (k, 0)),
        ],
        out_specs=[
            pl.BlockSpec((TWO_B, 1), lambda k: (0, 0)),
            pl.BlockSpec((1, 1), lambda k: (0, 0)),
        ],
        out_shape=[
            jax.ShapeDtypeStruct((TWO_B, 1), jnp.float32),
            jax.ShapeDtypeStruct((1, 1), jnp.float32),
        ],
        scratch_shapes=[
            pltpu.VMEM((ROWS, 1), jnp.float32),
        ],
    )(ctx_all, g, ent_table)


def kernel(htrs, neighbor_ctx, path_ctx, edge_ctx, ent_table, rel_table):
    ents = jnp.concatenate([htrs[:, 0], htrs[:, 2]], axis=0)
    nbrc, pthc, edgc = _compact_idx_kernel()(ents, neighbor_ctx, path_ctx,
                                             edge_ctx)
    ctx_all, g = _gather_ctx_kernel()(ents, nbrc, pthc, edgc,
                                      ent_table, rel_table)
    preds2, loss = _lse_call(ctx_all, g, ent_table)
    return preds2.reshape(TWO_B), loss

# --- scband reference (transcript-rebuilt; emitter-appended) ---
"""Pipeline reference for scband-gakegraph-encoder-33938831573154 (READ-ONLY COPY).

The authoritative reference and input builder live on the scoring server;
editing this copy changes nothing except your own understanding.
"""

import jax, jax.numpy as jnp
import numpy as np

NUM_ENTITY = 100000
NUM_RELATION = 1000
DIM = 128
CTX = 16
B = 256
W_N, W_P, W_E = 0.4, 0.3, 0.3


def setup_inputs(seed: int = 0) -> dict:
    key = jax.random.key(seed)
    k0, k1, k2, k3, k4, k5 = jax.random.split(key, 6)
    htrs = jax.random.randint(k0, (B, 3), 0, NUM_ENTITY, dtype=jnp.int32)
    neighbor_ctx = jax.random.randint(k1, (NUM_ENTITY, CTX), 0, NUM_ENTITY, dtype=jnp.int32)
    path_ctx = jax.random.randint(k2, (NUM_ENTITY, CTX), 0, NUM_ENTITY, dtype=jnp.int32)
    edge_ctx = jax.random.randint(k3, (NUM_ENTITY, CTX), 0, NUM_RELATION, dtype=jnp.int32)
    ent_table = jax.random.normal(k4, (NUM_ENTITY, DIM), dtype=jnp.float32) * 0.02
    rel_table = jax.random.normal(k5, (NUM_RELATION, DIM), dtype=jnp.float32) * 0.02
    return {"htrs": htrs, "neighbor_ctx": neighbor_ctx, "path_ctx": path_ctx,
            "edge_ctx": edge_ctx, "ent_table": ent_table, "rel_table": rel_table}


def reference(htrs, neighbor_ctx, path_ctx, edge_ctx, ent_table, rel_table):
    # For each triple (h, r, t) GAKE scores both h and t against three graph contexts:
    # neighbor context (entities), path context (entities), edge context (relations).
    ents = jnp.concatenate([htrs[:, 0], htrs[:, 2]], axis=0)  # [2B]
    nbr = jnp.take(neighbor_ctx, ents, axis=0)  # [2B, CTX]
    pth = jnp.take(path_ctx, ents, axis=0)      # [2B, CTX]
    edg = jnp.take(edge_ctx, ents, axis=0)      # [2B, CTX]

    ctx_n = jnp.mean(jnp.take(ent_table, nbr, axis=0), axis=1)  # [2B, D]
    ctx_p = jnp.mean(jnp.take(ent_table, pth, axis=0), axis=1)  # [2B, D]
    ctx_e = jnp.mean(jnp.take(rel_table, edg, axis=0), axis=1)  # [2B, D]

    def _logp(ctx):
        # p(e | context) via full softmax over the entity vocabulary
        logits = ctx @ ent_table.T                              # [2B, NUM_ENTITY]
        lse = jax.nn.logsumexp(logits, axis=-1)                 # [2B]
        true = jnp.take_along_axis(logits, ents[:, None].astype(jnp.int32), axis=1)[:, 0]
        return true - lse

    preds = W_N * _logp(ctx_n) + W_P * _logp(ctx_p) + W_E * _logp(ctx_e)  # [2B]
    loss = -jnp.sum(preds).reshape(1, 1)
    return preds, loss

if __name__ == "__main__":
    import jax
    _d = setup_inputs()
    print(jax.jit(kernel)(*tuple(_d.values())))

</pallas_src>

<mosaic_0001>
#map = affine_map<(d0) -> (0)>
#map1 = affine_map<(d0) -> (0, 0)>
module attributes {stable_mosaic.version = 14 : i64} {
  func.func @_compact_idx_impl(%arg0: i32, %arg1: memref<512xi32, #tpu.memory_space<hbm>>, %arg2: memref<100000x16xi32, #tpu.memory_space<hbm>>, %arg3: memref<100000x16xi32, #tpu.memory_space<hbm>>, %arg4: memref<100000x16xi32, #tpu.memory_space<hbm>>, %arg5: memref<512x16xi32, #tpu.memory_space<hbm>>, %arg6: memref<512x16xi32, #tpu.memory_space<hbm>>, %arg7: memref<512x16xi32, #tpu.memory_space<hbm>>, %arg8: memref<256xi32, #tpu.memory_space<smem>>, %arg9: memref<!tpu.dma_semaphore, #tpu.memory_space<semaphore_mem>>) attributes {dimension_semantics = [#tpu.dimension_semantics<core_parallel>], iteration_bounds = array<i64: 2>, scalar_prefetch = 0 : i64, scratch_operands = 2 : i64, tpu.core_type = #tpu.core_type<sc_scalar_subcore>, window_params = [{transform_indices = #map}, {transform_indices = #map1}, {transform_indices = #map1}, {transform_indices = #map1}, {transform_indices = #map1}, {transform_indices = #map1}, {transform_indices = #map1}]} {
    %mul3A = arith.constant 256 : i32
    %mul3A_0 = arith.muli %arg0, %mul3A : i32
    "tpu.region"() ({
      %run_scoped3A = tpu.sem_alloc : memref<!tpu.dma_semaphore, #tpu.memory_space<semaphore_mem>>
      %dma_start3A = tpu.memref_slice %arg1[%mul3A_0] : memref<512xi32, #tpu.memory_space<hbm>> -> memref<256xi32, #tpu.memory_space<hbm>>
      tpu.enqueue_dma source(%dma_start3A : memref<256xi32, #tpu.memory_space<hbm>>) target(%arg8 : memref<256xi32, #tpu.memory_space<smem>>) target_semaphore(%run_scoped3A : memref<!tpu.dma_semaphore, #tpu.memory_space<semaphore_mem>>)
      %dma_wait3A_17 = tpu.memref_slice %arg1[%mul3A_0] : memref<512xi32, #tpu.memory_space<hbm>> -> memref<256xi32, #tpu.memory_space<hbm>>
      tpu.wait_dma2 semaphore(%run_scoped3A : memref<!tpu.dma_semaphore, #tpu.memory_space<semaphore_mem>>) src(%dma_wait3A_17 : memref<256xi32, #tpu.memory_space<hbm>>) dst(%arg8 : memref<256xi32, #tpu.memory_space<smem>>)
      tpu.yield
    }) : () -> ()
    %scan3A = arith.constant 0 : i32
    %scan3A_1 = arith.constant 0 : i32
    %scan3A_2 = arith.constant 256 : i32
    %scan3A_3 = arith.addi %scan3A_1, %scan3A_2 : i32
    %scan3A_4 = arith.constant 1 : i32
    scf.for %scan3A_17 = %scan3A_1 to %scan3A_3 step %scan3A_4  : i32 {
      %get3A = arith.index_cast %scan3A_17 : i32 to index
      %get3A_18 = memref.load %arg8[%get3A] : memref<256xi32, #tpu.memory_space<smem>>
      %add3A = arith.addi %mul3A_0, %scan3A_17 : i32
      %dma_start3A = arith.constant 0 : i32
      %dma_start3A_19 = tpu.memref_slice %arg5[%add3A, %dma_start3A] : memref<512x16xi32, #tpu.memory_space<hbm>> -> memref<1x16xi32, #tpu.memory_space<hbm>>
      %dma_start3A_20 = tpu.memref_squeeze %dma_start3A_19 : memref<1x16xi32, #tpu.memory_space<hbm>> -> memref<16xi32, #tpu.memory_space<hbm>>
      %dma_start3A_21 = arith.constant 0 : i32
      %dma_start3A_22 = tpu.memref_slice %arg2[%get3A_18, %dma_start3A_21] : memref<100000x16xi32, #tpu.memory_space<hbm>> -> memref<1x16xi32, #tpu.memory_space<hbm>>
      %dma_start3A_23 = tpu.memref_squeeze %dma_start3A_22 : memref<1x16xi32, #tpu.memory_space<hbm>> -> memref<16xi32, #tpu.memory_space<hbm>>
      tpu.enqueue_dma source(%dma_start3A_23 : memref<16xi32, #tpu.memory_space<hbm>>) target(%dma_start3A_20 : memref<16xi32, #tpu.memory_space<hbm>>) target_semaphore(%arg9 : memref<!tpu.dma_semaphore, #tpu.memory_space<semaphore_mem>>)
      %add3A_24 = arith.addi %mul3A_0, %scan3A_17 : i32
      %dma_start3A_25 = arith.constant 0 : i32
      %dma_start3A_26 = tpu.memref_slice %arg6[%add3A_24, %dma_start3A_25] : memref<512x16xi32, #tpu.memory_space<hbm>> -> memref<1x16xi32, #tpu.memory_space<hbm>>
      %dma_start3A_27 = tpu.memref_squeeze %dma_start3A_26 : memref<1x16xi32, #tpu.memory_space<hbm>> -> memref<16xi32, #tpu.memory_space<hbm>>
      %dma_start3A_28 = arith.constant 0 : i32
      %dma_start3A_29 = tpu.memref_slice %arg3[%get3A_18, %dma_start3A_28] : memref<100000x16xi32, #tpu.memory_space<hbm>> -> memref<1x16xi32, #tpu.memory_space<hbm>>
      %dma_start3A_30 = tpu.memref_squeeze %dma_start3A_29 : memref<1x16xi32, #tpu.memory_space<hbm>> -> memref<16xi32, #tpu.memory_space<hbm>>
      tpu.enqueue_dma source(%dma_start3A_30 : memref<16xi32, #tpu.memory_space<hbm>>) target(%dma_start3A_27 : memref<16xi32, #tpu.memory_space<hbm>>) target_semaphore(%arg9 : memref<!tpu.dma_semaphore, #tpu.memory_space<semaphore_mem>>)
      %add3A_31 = arith.addi %mul3A_0, %scan3A_17 : i32
      %dma_start3A_32 = arith.constant 0 : i32
      %dma_start3A_33 = tpu.memref_slice %arg7[%add3A_31, %dma_start3A_32] : memref<512x16xi32, #tpu.memory_space<hbm>> -> memref<1x16xi32, #tpu.memory_space<hbm>>
      %dma_start3A_34 = tpu.memref_squeeze %dma_start3A_33 : memref<1x16xi32, #tpu.memory_space<hbm>> -> memref<16xi32, #tpu.memory_space<hbm>>
      %dma_start3A_35 = arith.constant 0 : i32
      %dma_start3A_36 = tpu.memref_slice %arg4[%get3A_18, %dma_start3A_35] : memref<100000x16xi32, #tpu.memory_space<hbm>> -> memref<1x16xi32, #tpu.memory_space<hbm>>
      %dma_start3A_37 = tpu.memref_squeeze %dma_start3A_36 : memref<1x16xi32, #tpu.memory_space<hbm>> -> memref<16xi32, #tpu.memory_space<hbm>>
      tpu.enqueue_dma source(%dma_start3A_37 : memref<16xi32, #tpu.memory_space<hbm>>) target(%dma_start3A_34 : memref<16xi32, #tpu.memory_space<hbm>>) target_semaphore(%arg9 : memref<!tpu.dma_semaphore, #tpu.memory_space<semaphore_mem>>)
    }
    %scan3A_5 = arith.constant 256 : i32
    %dma_wait3A = arith.constant 0 : i32
    %dma_wait3A_6 = tpu.memref_slice %arg5[%mul3A_0, %dma_wait3A] : memref<512x16xi32, #tpu.memory_space<hbm>> -> memref<256x16xi32, #tpu.memory_space<hbm>>
    %dma_wait3A_7 = arith.constant 0 : i32
    %dma_wait3A_8 = tpu.memref_slice %arg5[%mul3A_0, %dma_wait3A_7] : memref<512x16xi32, #tpu.memory_space<hbm>> -> memref<256x16xi32, #tpu.memory_space<hbm>>
    tpu.wait_dma2 semaphore(%arg9 : memref<!tpu.dma_semaphore, #tpu.memory_space<semaphore_mem>>) src(%dma_wait3A_8 : memref<256x16xi32, #tpu.memory_space<hbm>>) dst(%dma_wait3A_6 : memref<256x16xi32, #tpu.memory_space<hbm>>)
    %dma_wait3A_9 = arith.constant 0 : i32
    %dma_wait3A_10 = tpu.memref_slice %arg6[%mul3A_0, %dma_wait3A_9] : memref<512x16xi32, #tpu.memory_space<hbm>> -> memref<256x16xi32, #tpu.memory_space<hbm>>
    %dma_wait3A_11 = arith.constant 0 : i32
    %dma_wait3A_12 = tpu.memref_slice %arg6[%mul3A_0, %dma_wait3A_11] : memref<512x16xi32, #tpu.memory_space<hbm>> -> memref<256x16xi32, #tpu.memory_space<hbm>>
    tpu.wait_dma2 semaphore(%arg9 : memref<!tpu.dma_semaphore, #tpu.memory_space<semaphore_mem>>) src(%dma_wait3A_12 : memref<256x16xi32, #tpu.memory_space<hbm>>) dst(%dma_wait3A_10 : memref<256x16xi32, #tpu.memory_space<hbm>>)
    %dma_wait3A_13 = arith.constant 0 : i32
    %dma_wait3A_14 = tpu.memref_slice %arg7[%mul3A_0, %dma_wait3A_13] : memref<512x16xi32, #tpu.memory_space<hbm>> -> memref<256x16xi32, #tpu.memory_space<hbm>>
    %dma_wait3A_15 = arith.constant 0 : i32
    %dma_wait3A_16 = tpu.memref_slice %arg7[%mul3A_0, %dma_wait3A_15] : memref<512x16xi32, #tpu.memory_space<hbm>> -> memref<256x16xi32, #tpu.memory_space<hbm>>
    tpu.wait_dma2 semaphore(%arg9 : memref<!tpu.dma_semaphore, #tpu.memory_space<semaphore_mem>>) src(%dma_wait3A_16 : memref<256x16xi32, #tpu.memory_space<hbm>>) dst(%dma_wait3A_14 : memref<256x16xi32, #tpu.memory_space<hbm>>)
    return
  }
}

#map = affine_map<(d0, d1) -> (0)>
#map1 = affine_map<(d0, d1) -> (0, 0)>
module attributes {stable_mosaic.version = 14 : i64} {
  func.func @_gather_ctx_impl(%arg0: i32, %arg1: i32, %arg2: memref<512xi32, #tpu.memory_space<hbm>>, %arg3: memref<512x16xi32, #tpu.memory_space<hbm>>, %arg4: memref<512x16xi32, #tpu.memory_space<hbm>>, %arg5: memref<512x16xi32, #tpu.memory_space<hbm>>, %arg6: memref<100000x128xf32, #tpu.memory_space<hbm>>, %arg7: memref<1000x128xf32, #tpu.memory_space<hbm>>, %arg8: memref<1536x128xf32, #tpu.memory_space<hbm>>, %arg9: memref<512x128xf32, #tpu.memory_space<hbm>>, %arg10: memref<16xi32, #tpu.memory_space<vmem>>, %arg11: memref<16x16xi32, #tpu.memory_space<vmem>>, %arg12: memref<2x128xi32, #tpu.memory_space<vmem>>, %arg13: memref<256x128xf32, #tpu.memory_space<vmem>>, %arg14: memref<16x128xf32, #tpu.memory_space<vmem>>, %arg15: memref<16x128xf32, #tpu.memory_space<vmem>>, %arg16: memref<!tpu.dma_semaphore, #tpu.memory_space<semaphore_mem>>, %arg17: memref<!tpu.dma_semaphore, #tpu.memory_space<semaphore_mem>>) attributes {dimension_semantics = [#tpu.dimension_semantics<core_parallel>, #tpu.dimension_semantics<subcore_parallel>], iteration_bounds = array<i64: 2, 16>, scalar_prefetch = 0 : i64, scratch_operands = 8 : i64, tpu.core_type = #tpu.core_type<sc_vector_subcore>, window_params = [{transform_indices = #map}, {transform_indices = #map1}, {transform_indices = #map1}, {transform_indices = #map1}, {transform_indices = #map1}, {transform_indices = #map1}, {transform_indices = #map1}, {transform_indices = #map1}]} {
    %mul3A = arith.constant 2 : i32
    %mul3A_0 = arith.muli %arg1, %mul3A : i32
    %add3A = arith.addi %mul3A_0, %arg0 : i32
    %mul3A_1 = arith.constant 16 : i32
    %mul3A_2 = arith.muli %add3A, %mul3A_1 : i32
    "tpu.region"() ({
      %run_scoped3A = tpu.sem_alloc : memref<!tpu.dma_semaphore, #tpu.memory_space<semaphore_mem>>
      %dma_start3A_676 = tpu.memref_slice %arg2[%mul3A_2] : memref<512xi32, #tpu.memory_space<hbm>> -> memref<16xi32, #tpu.memory_space<hbm>>
      %dma_start3A_677 = tpu.memref_slice %arg2[%mul3A_2] : memref<512xi32, #tpu.memory_space<hbm>> -> memref<16xi32, #tpu.memory_space<hbm>>
      tpu.enqueue_dma source(%dma_start3A_677 : memref<16xi32, #tpu.memory_space<hbm>>) target(%arg10 : memref<16xi32, #tpu.memory_space<vmem>>) target_semaphore(%run_scoped3A : memref<!tpu.dma_semaphore, #tpu.memory_space<semaphore_mem>>)
      %dma_wait3A_678 = tpu.memref_slice %arg2[%mul3A_2] : memref<512xi32, #tpu.memory_space<hbm>> -> memref<16xi32, #tpu.memory_space<hbm>>
      %dma_wait3A_679 = tpu.memref_slice %arg2[%mul3A_2] : memref<512xi32, #tpu.memory_space<hbm>> -> memref<16xi32, #tpu.memory_space<hbm>>
      tpu.wait_dma2 semaphore(%run_scoped3A : memref<!tpu.dma_semaphore, #tpu.memory_space<semaphore_mem>>) src(%dma_wait3A_679 : memref<16xi32, #tpu.memory_space<hbm>>) dst(%arg10 : memref<16xi32, #tpu.memory_space<vmem>>)
      tpu.yield
    }) : () -> ()
    %dma_start3A = arith.constant 0 : i32
    %dma_start3A_3 = arith.constant 0 : i32
    %dma_start3A_4 = tpu.memref_slice %arg6[%dma_start3A, %dma_start3A_3] : memref<100000x128xf32, #tpu.memory_space<hbm>> -> memref<100000x128xf32, #tpu.memory_space<hbm>>
    tpu.enqueue_indirect_dma source(%dma_start3A_4 : memref<100000x128xf32, #tpu.memory_space<hbm>>) target(%arg15 : memref<16x128xf32, #tpu.memory_space<vmem>>) offsets(%arg10 : memref<16xi32, #tpu.memory_space<vmem>>) semaphore(%arg17 : memref<!tpu.dma_semaphore, #tpu.memory_space<semaphore_mem>>)
    "tpu.region"() ({
      %run_scoped3A = tpu.sem_alloc : memref<!tpu.dma_semaphore, #tpu.memory_space<semaphore_mem>>
      %dma_start3A_676 = arith.constant 0 : i32
      %dma_start3A_677 = tpu.memref_slice %arg3[%mul3A_2, %dma_start3A_676] : memref<512x16xi32, #tpu.memory_space<hbm>> -> memref<16x16xi32, #tpu.memory_space<hbm>>
      %dma_start3A_678 = arith.constant 0 : i32
      %dma_start3A_679 = tpu.memref_slice %arg3[%mul3A_2, %dma_start3A_678] : memref<512x16xi32, #tpu.memory_space<hbm>> -> memref<16x16xi32, #tpu.memory_space<hbm>>
      tpu.enqueue_dma source(%dma_start3A_679 : memref<16x16xi32, #tpu.memory_space<hbm>>) target(%arg11 : memref<16x16xi32, #tpu.memory_space<vmem>>) target_semaphore(%run_scoped3A : memref<!tpu.dma_semaphore, #tpu.memory_space<semaphore_mem>>)
      %dma_wait3A_680 = arith.constant 0 : i32
      %dma_wait3A_681 = tpu.memref_slice %arg3[%mul3A_2, %dma_wait3A_680] : memref<512x16xi32, #tpu.memory_space<hbm>> -> memref<16x16xi32, #tpu.memory_space<hbm>>
      %dma_wait3A_682 = arith.constant 0 : i32
      %dma_wait3A_683 = tpu.memref_slice %arg3[%mul3A_2, %dma_wait3A_682] : memref<512x16xi32, #tpu.memory_space<hbm>> -> memref<16x16xi32, #tpu.memory_space<hbm>>
      tpu.wait_dma2 semaphore(%run_scoped3A : memref<!tpu.dma_semaphore, #tpu.memory_space<semaphore_mem>>) src(%dma_wait3A_683 : memref<16x16xi32, #tpu.memory_space<hbm>>) dst(%arg11 : memref<16x16xi32, #tpu.memory_space<vmem>>)
      tpu.yield
    }) : () -> ()
    %get3A = arith.constant 0 : i32
    %get3A_5 = arith.index_cast %get3A : i32 to index
    %get3A_6 = arith.constant 0 : index
    %get3A_7 = tpu.vector_load %arg11[%get3A_5, %get3A_6] {strides = array<i32>} : memref<16x16xi32, #tpu.memory_space<vmem>>, vector<1x16xi32>,
    %get3A_8 = vector.shape_cast %get3A_7 : vector<1x16xi32> to vector<16xi32>
    %swap3A = arith.constant 0 : i32
    %swap3A_9 = arith.index_cast %swap3A : i32 to index
    %swap3A_10 = arith.constant 0 : index
    %swap3A_11 = tpu.vector_load %arg12[%swap3A_9, %swap3A_10] {strides = array<i32>} : memref<2x128xi32, #tpu.memory_space<vmem>>, vector<1x16xi32>,
    %swap3A_12 = vector.shape_cast %swap3A_11 : vector<1x16xi32> to vector<16xi32>
    %swap3A_13 = vector.shape_cast %get3A_8 : vector<16xi32> to vector<1x16xi32>
    tpu.vector_store %arg12[%swap3A_9, %swap3A_10], %swap3A_13 {strides = array<i32>} : memref<2x128xi32, #tpu.memory_space<vmem>>, vector<1x16xi32>,
    %get3A_14 = arith.constant 1 : i32
    %get3A_15 = arith.index_cast %get3A_14 : i32 to index
    %get3A_16 = arith.constant 0 : index
    %get3A_17 = tpu.vector_load %arg11[%get3A_15, %get3A_16] {strides = array<i32>} : memref<16x16xi32, #tpu.memory_space<vmem>>, vector<1x16xi32>,
    %get3A_18 = vector.shape_cast %get3A_17 : vector<1x16xi32> to vector<16xi32>
    %swap3A_19 = arith.constant 0 : i32
    %swap3A_20 = arith.index_cast %swap3A_19 : i32 to index
    %swap3A_21 = arith.constant 16 : index
    %swap3A_22 = tpu.vector_load %arg12[%swap3A_20, %swap3A_21] {strides = array<i32>} : memref<2x128xi32, #tpu.memory_space<vmem>>, vector<1x16xi32>,
    %swap3A_23 = vector.shape_cast %swap3A_22 : vector<1x16xi32> to vector<16xi32>
    %swap3A_24 = vector.shape_cast %get3A_18 : vector<16xi32> to vector<1x16xi32>
    tpu.vector_store %arg12[%swap3A_20, %swap3A_21], %swap3A_24 {strides = array<i32>} : memref<2x128xi32, #tpu.memory_space<vmem>>, vector<1x16xi32>,
    %get3A_25 = arith.constant 2 : i32
    %get3A_26 = arith.index_cast %get3A_25 : i32 to index
    %get3A_27 = arith.constant 0 : index
    %get3A_28 = tpu.vector_load %arg11[%get3A_26, %get3A_27] {strides = array<i32>} : memref<16x16xi32, #tpu.memory_space<vmem>>, vector<1x16xi32>,
    %get3A_29 = vector.shape_cast %get3A_28 : vector<1x16xi32> to vector<16xi32>
    %swap3A_30 = arith.constant 0 : i32
    %swap3A_31 = arith.index_cast %swap3A_30 : i32 to index
    %swap3A_32 = arith.constant 32 : index
    %swap3A_33 = tpu.vector_load %arg12[%swap3A_31, %swap3A_32] {strides = array<i32>} : memref<2x128xi32, #tpu.memory_space<vmem>>, vector<1x16xi32>,
    %swap3A_34 = vector.shape_cast %swap3A_33 : vector<1x16xi32> to vector<16xi32>
    %swap3A_35 = vector.shape_cast %get3A_29 : vector<16xi32> to vector<1x16xi32>
    tpu.vector_store %arg12[%swap3A_31, %swap3A_32], %swap3A_35 {strides = array<i32>} : memref<2x128xi32, #tpu.memory_space<vmem>>, vector<1x16xi32>,
    %get3A_36 = arith.constant 3 : i32
    %get3A_37 = arith.index_cast %get3A_36 : i32 to index
    %get3A_38 = arith.constant 0 : index
    %get3A_39 = tpu.vector_load %arg11[%get3A_37, %get3A_38] {strides = array<i32>} : memref<16x16xi32, #tpu.memory_space<vmem>>, vector<1x16xi32>,
    %get3A_40 = vector.shape_cast %get3A_39 : vector<1x16xi32> to vector<16xi32>
    %swap3A_41 = arith.constant 0 : i32
    %swap3A_42 = arith.index_cast %swap3A_41 : i32 to index
    %swap3A_43 = arith.constant 48 : index
    %swap3A_44 = tpu.vector_load %arg12[%swap3A_42, %swap3A_43] {strides = array<i32>} : memref<2x128xi32, #tpu.memory_space<vmem>>, vector<1x16xi32>,
    %swap3A_45 = vector.shape_cast %swap3A_44 : vector<1x16xi32> to vector<16xi32>
    %swap3A_46 = vector.shape_cast %get3A_40 : vector<16xi32> to vector<1x16xi32>
    tpu.vector_store %arg12[%swap3A_42, %swap3A_43], %swap3A_46 {strides = array<i32>} : memref<2x128xi32, #tpu.memory_space<vmem>>, vector<1x16xi32>,
    %get3A_47 = arith.constant 4 : i32
    %get3A_48 = arith.index_cast %get3A_47 : i32 to index
    %get3A_49 = arith.constant 0 : index
    %get3A_50 = tpu.vector_load %arg11[%get3A_48, %get3A_49] {strides = array<i32>} : memref<16x16xi32, #tpu.memory_space<vmem>>, vector<1x16xi32>,
    %get3A_51 = vector.shape_cast %get3A_50 : vector<1x16xi32> to vector<16xi32>
    %swap3A_52 = arith.constant 0 : i32
    %swap3A_53 = arith.index_cast %swap3A_52 : i32 to index
    %swap3A_54 = arith.constant 64 : index
    %swap3A_55 = tpu.vector_load %arg12[%swap3A_53, %swap3A_54] {strides = array<i32>} : memref<2x128xi32, #tpu.memory_space<vmem>>, vector<1x16xi32>,
    %swap3A_56 = vector.shape_cast %swap3A_55 : vector<1x16xi32> to vector<16xi32>
    %swap3A_57 = vector.shape_cast %get3A_51 : vector<16xi32> to vector<1x16xi32>
    tpu.vector_store %arg12[%swap3A_53, %swap3A_54], %swap3A_57 {strides = array<i32>} : memref<2x128xi32, #tpu.memory_space<vmem>>, vector<1x16xi32>,
    %get3A_58 = arith.constant 5 : i32
    %get3A_59 = arith.index_cast %get3A_58 : i32 to index
    %get3A_60 = arith.constant 0 : index
    %get3A_61 = tpu.vector_load %arg11[%get3A_59, %get3A_60] {strides = array<i32>} : memref<16x16xi32, #tpu.memory_space<vmem>>, vector<1x16xi32>,
    %get3A_62 = vector.shape_cast %get3A_61 : vector<1x16xi32> to vector<16xi32>
    %swap3A_63 = arith.constant 0 : i32
    %swap3A_64 = arith.index_cast %swap3A_63 : i32 to index
    %swap3A_65 = arith.constant 80 : index
    %swap3A_66 = tpu.vector_load %arg12[%swap3A_64, %swap3A_65] {strides = array<i32>} : memref<2x128xi32, #tpu.memory_space<vmem>>, vector<1x16xi32>,
    %swap3A_67 = vector.shape_cast %swap3A_66 : vector<1x16xi32> to vector<16xi32>
    %swap3A_68 = vector.shape_cast %get3A_62 : vector<16xi32> to vector<1x16xi32>
    tpu.vector_store %arg12[%swap3A_64, %swap3A_65], %swap3A_68 {strides = array<i32>} : memref<2x128xi32, #tpu.memory_space<vmem>>, vector<1x16xi32>,
    %get3A_69 = arith.constant 6 : i32
    %get3A_70 = arith.index_cast %get3A_69 : i32 to index
    %get3A_71 = arith.constant 0 : index
    %get3A_72 = tpu.vector_load %arg11[%get3A_70, %get3A_71] {strides = array<i32>} : memref<16x16xi32, #tpu.memory_space<vmem>>, vector<1x16xi32>,
    %get3A_73 = vector.shape_cast %get3A_72 : vector<1x16xi32> to vector<16xi32>
    %swap3A_74 = arith.constant 0 : i32
    %swap3A_75 = arith.index_cast %swap3A_74 : i32 to index
    %swap3A_76 = arith.constant 96 : index
    %swap3A_77 = tpu.vector_load %arg12[%swap3A_75, %swap3A_76] {strides = array<i32>} : memref<2x128xi32, #tpu.memory_space<vmem>>, vector<1x16xi32>,
    %swap3A_78 = vector.shape_cast %swap3A_77 : vector<1x16xi32> to vector<16xi32>
    %swap3A_79 = vector.shape_cast %get3A_73 : vector<16xi32> to vector<1x16xi32>
    tpu.vector_store %arg12[%swap3A_75, %swap3A_76], %swap3A_79 {strides = array<i32>} : memref<2x128xi32, #tpu.memory_space<vmem>>, vector<1x16xi32>,
    %get3A_80 = arith.constant 7 : i32
    %get3A_81 = arith.index_cast %get3A_80 : i32 to index
    %get3A_82 = arith.constant 0 : index
    %get3A_83 = tpu.vector_load %arg11[%get3A_81, %get3A_82] {strides = array<i32>} : memref<16x16xi32, #tpu.memory_space<vmem>>, vector<1x16xi32>,
    %get3A_84 = vector.shape_cast %get3A_83 : vector<1x16xi32> to vector<16xi32>
    %swap3A_85 = arith.constant 0 : i32
    %swap3A_86 = arith.index_cast %swap3A_85 : i32 to index
    %swap3A_87 = arith.constant 112 : index
    %swap3A_88 = tpu.vector_load %arg12[%swap3A_86, %swap3A_87] {strides = array<i32>} : memref<2x128xi32, #tpu.memory_space<vmem>>, vector<1x16xi32>,
    %swap3A_89 = vector.shape_cast %swap3A_88 : vector<1x16xi32> to vector<16xi32>
    %swap3A_90 = vector.shape_cast %get3A_84 : vector<16xi32> to vector<1x16xi32>
    tpu.vector_store %arg12[%swap3A_86, %swap3A_87], %swap3A_90 {strides = array<i32>} : memref<2x128xi32, #tpu.memory_space<vmem>>, vector<1x16xi32>,
    %get3A_91 = arith.constant 8 : i32
    %get3A_92 = arith.index_cast %get3A_91 : i32 to index
    %get3A_93 = arith.constant 0 : index
    %get3A_94 = tpu.vector_load %arg11[%get3A_92, %get3A_93] {strides = array<i32>} : memref<16x16xi32, #tpu.memory_space<vmem>>, vector<1x16xi32>,
    %get3A_95 = vector.shape_cast %get3A_94 : vector<1x16xi32> to vector<16xi32>
    %swap3A_96 = arith.constant 1 : i32
    %swap3A_97 = arith.index_cast %swap3A_96 : i32 to index
    %swap3A_98 = arith.constant 0 : index
    %swap3A_99 = tpu.vector_load %arg12[%swap3A_97, %swap3A_98] {strides = array<i32>} : memref<2x128xi32, #tpu.memory_space<vmem>>, vector<1x16xi32>,
    %swap3A_100 = vector.shape_cast %swap3A_99 : vector<1x16xi32> to vector<16xi32>
    %swap3A_101 = vector.shape_cast %get3A_95 : vector<16xi32> to vector<1x16xi32>
    tpu.vector_store %arg12[%swap3A_97, %swap3A_98], %swap3A_101 {strides = array<i32>} : memref<2x128xi32, #tpu.memory_space<vmem>>, vector<1x16xi32>,
    %get3A_102 = arith.constant 9 : i32
    %get3A_103 = arith.index_cast %get3A_102 : i32 to index
    %get3A_104 = arith.constant 0 : index
    %get3A_105 = tpu.vector_load %arg11[%get3A_103, %get3A_104] {strides = array<i32>} : memref<16x16xi32, #tpu.memory_space<vmem>>, vector<1x16xi32>,
    %get3A_106 = vector.shape_cast %get3A_105 : vector<1x16xi32> to vector<16xi32>
    %swap3A_107 = arith.constant 1 : i32
    %swap3A_108 = arith.index_cast %swap3A_107 : i32 to index
    %swap3A_109 = arith.constant 16 : index
    %swap3A_110 = tpu.vector_load %arg12[%swap3A_108, %swap3A_109] {strides = array<i32>} : memref<2x128xi32, #tpu.memory_space<vmem>>, vector<1x16xi32>,
    %swap3A_111 = vector.shape_cast %swap3A_110 : vector<1x16xi32> to vector<16xi32>
    %swap3A_112 = vector.shape_cast %get3A_106 : vector<16xi32> to vector<1x16xi32>
    tpu.vector_store %arg12[%swap3A_108, %swap3A_109], %swap3A_112 {strides = array<i32>} : memref<2x128xi32, #tpu.memory_space<vmem>>, vector<1x16xi32>,
    %get3A_113 = arith.constant 10 : i32
    %get3A_114 = arith.index_cast %get3A_113 : i32 to index
    %get3A_115 = arith.constant 0 : index
    %get3A_116 = tpu.vector_load %arg11[%get3A_114, %get3A_115] {strides = array<i32>} : memref<16x16xi32, #tpu.memory_space<vmem>>, vector<1x16xi32>,
    %get3A_117 = vector.shape_cast %get3A_116 : vector<1x16xi32> to vector<16xi32>
    %swap3A_118 = arith.constant 1 : i32
    %swap3A_119 = arith.index_cast %swap3A_118 : i32 to index
    %swap3A_120 = arith.constant 32 : index
    %swap3A_121 = tpu.vector_load %arg12[%swap3A_119, %swap3A_120] {strides = array<i32>} : memref<2x128xi32, #tpu.memory_space<vmem>>, vector<1x16xi32>,
    %swap3A_122 = vector.shape_cast %swap3A_121 : vector<1x16xi32> to vector<16xi32>
    %swap3A_123 = vector.shape_cast %get3A_117 : vector<16xi32> to vector<1x16xi32>
    tpu.vector_store %arg12[%swap3A_119, %swap3A_120], %swap3A_123 {strides = array<i32>} : memref<2x128xi32, #tpu.memory_space<vmem>>, vector<1x16xi32>,
    %get3A_124 = arith.constant 11 : i32
    %get3A_125 = arith.index_cast %get3A_124 : i32 to index
    %get3A_126 = arith.constant 0 : index
    %get3A_127 = tpu.vector_load %arg11[%get3A_125, %get3A_126] {strides = array<i32>} : memref<16x16xi32, #tpu.memory_space<vmem>>, vector<1x16xi32>,
    %get3A_128 = vector.shape_cast %get3A_127 : vector<1x16xi32> to vector<16xi32>
    %swap3A_129 = arith.constant 1 : i32
    %swap3A_130 = arith.index_cast %swap3A_129 : i32 to index
    %swap3A_131 = arith.constant 48 : index
    %swap3A_132 = tpu.vector_load %arg12[%swap3A_130, %swap3A_131] {strides = array<i32>} : memref<2x128xi32, #tpu.memory_space<vmem>>, vector<1x16xi32>,
    %swap3A_133 = vector.shape_cast %swap3A_132 : vector<1x16xi32> to vector<16xi32>
    %swap3A_134 = vector.shape_cast %get3A_128 : vector<16xi32> to vector<1x16xi32>
    tpu.vector_store %arg12[%swap3A_130, %swap3A_131], %swap3A_134 {strides = array<i32>} : memref<2x128xi32, #tpu.memory_space<vmem>>, vector<1x16xi32>,
    %get3A_135 = arith.constant 12 : i32
    %get3A_136 = arith.index_cast %get3A_135 : i32 to index
    %get3A_137 = arith.constant 0 : index
    %get3A_138 = tpu.vector_load %arg11[%get3A_136, %get3A_137] {strides = array<i32>} : memref<16x16xi32, #tpu.memory_space<vmem>>, vector<1x16xi32>,
    %get3A_139 = vector.shape_cast %get3A_138 : vector<1x16xi32> to vector<16xi32>
    %swap3A_140 = arith.constant 1 : i32
    %swap3A_141 = arith.index_cast %swap3A_140 : i32 to index
    %swap3A_142 = arith.constant 64 : index
    %swap3A_143 = tpu.vector_load %arg12[%swap3A_141, %swap3A_142] {strides = array<i32>} : memref<2x128xi32, #tpu.memory_space<vmem>>, vector<1x16xi32>,
    %swap3A_144 = vector.shape_cast %swap3A_143 : vector<1x16xi32> to vector<16xi32>
    %swap3A_145 = vector.shape_cast %get3A_139 : vector<16xi32> to vector<1x16xi32>
    tpu.vector_store %arg12[%swap3A_141, %swap3A_142], %swap3A_145 {strides = array<i32>} : memref<2x128xi32, #tpu.memory_space<vmem>>, vector<1x16xi32>,
    %get3A_146 = arith.constant 13 : i32
    %get3A_147 = arith.index_cast %get3A_146 : i32 to index
    %get3A_148 = arith.constant 0 : index
    %get3A_149 = tpu.vector_load %arg11[%get3A_147, %get3A_148] {strides = array<i32>} : memref<16x16xi32, #tpu.memory_space<vmem>>, vector<1x16xi32>,
    %get3A_150 = vector.shape_cast %get3A_149 : vector<1x16xi32> to vector<16xi32>
    %swap3A_151 = arith.constant 1 : i32
    %swap3A_152 = arith.index_cast %swap3A_151 : i32 to index
    %swap3A_153 = arith.constant 80 : index
    %swap3A_154 = tpu.vector_load %arg12[%swap3A_152, %swap3A_153] {strides = array<i32>} : memref<2x128xi32, #tpu.memory_space<vmem>>, vector<1x16xi32>,
    %swap3A_155 = vector.shape_cast %swap3A_154 : vector<1x16xi32> to vector<16xi32>
    %swap3A_156 = vector.shape_cast %get3A_150 : vector<16xi32> to vector<1x16xi32>
    tpu.vector_store %arg12[%swap3A_152, %swap3A_153], %swap3A_156 {strides = array<i32>} : memref<2x128xi32, #tpu.memory_space<vmem>>, vector<1x16xi32>,
    %get3A_157 = arith.constant 14 : i32
    %get3A_158 = arith.index_cast %get3A_157 : i32 to index
    %get3A_159 = arith.constant 0 : index
    %get3A_160 = tpu.vector_load %arg11[%get3A_158, %get3A_159] {strides = array<i32>} : memref<16x16xi32, #tpu.memory_space<vmem>>, vector<1x16xi32>,
    %get3A_161 = vector.shape_cast %get3A_160 : vector<1x16xi32> to vector<16xi32>
    %swap3A_162 = arith.constant 1 : i32
    %swap3A_163 = arith.index_cast %swap3A_162 : i32 to index
    %swap3A_164 = arith.constant 96 : index
    %swap3A_165 = tpu.vector_load %arg12[%swap3A_163, %swap3A_164] {strides = array<i32>} : memref<2x128xi32, #tpu.memory_space<vmem>>, vector<1x16xi32>,
    %swap3A_166 = vector.shape_cast %swap3A_165 : vector<1x16xi32> to vector<16xi32>
    %swap3A_167 = vector.shape_cast %get3A_161 : vector<16xi32> to vector<1x16xi32>
    tpu.vector_store %arg12[%swap3A_163, %swap3A_164], %swap3A_167 {strides = array<i32>} : memref<2x128xi32, #tpu.memory_space<vmem>>, vector<1x16xi32>,
    %get3A_168 = arith.constant 15 : i32
    %get3A_169 = arith.index_cast %get3A_168 : i32 to index
    %get3A_170 = arith.constant 0 : index
    %get3A_171 = tpu.vector_load %arg11[%get3A_169, %get3A_170] {strides = array<i32>} : memref<16x16xi32, #tpu.memory_space<vmem>>, vector<1x16xi32>,
    %get3A_172 = vector.shape_cast %get3A_171 : vector<1x16xi32> to vector<16xi32>
    %swap3A_173 = arith.constant 1 : i32
    %swap3A_174 = arith.index_cast %swap3A_173 : i32 to index
    %swap3A_175 = arith.constant 112 : index
    %swap3A_176 = tpu.vector_load %arg12[%swap3A_174, %swap3A_175] {strides = array<i32>} : memref<2x128xi32, #tpu.memory_space<vmem>>, vector<1x16xi32>,
    %swap3A_177 = vector.shape_cast %swap3A_176 : vector<1x16xi32> to vector<16xi32>
    %swap3A_178 = vector.shape_cast %get3A_172 : vector<16xi32> to vector<1x16xi32>
    tpu.vector_store %arg12[%swap3A_174, %swap3A_175], %swap3A_178 {strides = array<i32>} : memref<2x128xi32, #tpu.memory_space<vmem>>, vector<1x16xi32>,
    %dma_start3A_179 = arith.constant 0 : i32
    %dma_start3A_180 = arith.constant 0 : i32
    %dma_start3A_181 = arith.constant 0 : i32
    %dma_start3A_182 = tpu.memref_slice %arg13[%dma_start3A_180, %dma_start3A_181] : memref<256x128xf32, #tpu.memory_space<vmem>> -> memref<128x128xf32, #tpu.memory_space<vmem>>
    %dma_start3A_183 = arith.constant 0 : i32
    %dma_start3A_184 = tpu.memref_slice %arg12[%dma_start3A_179, %dma_start3A_183] : memref<2x128xi32, #tpu.memory_space<vmem>> -> memref<1x128xi32, #tpu.memory_space<vmem>>
    %dma_start3A_185 = tpu.memref_squeeze %dma_start3A_184 : memref<1x128xi32, #tpu.memory_space<vmem>> -> memref<128xi32, #tpu.memory_space<vmem>>
    %dma_start3A_186 = arith.constant 0 : i32
    %dma_start3A_187 = arith.constant 0 : i32
    %dma_start3A_188 = tpu.memref_slice %arg6[%dma_start3A_186, %dma_start3A_187] : memref<100000x128xf32, #tpu.memory_space<hbm>> -> memref<100000x128xf32, #tpu.memory_space<hbm>>
    tpu.enqueue_indirect_dma source(%dma_start3A_188 : memref<100000x128xf32, #tpu.memory_space<hbm>>) target(%dma_start3A_182 : memref<128x128xf32, #tpu.memory_space<vmem>>) offsets(%dma_start3A_185 : memref<128xi32, #tpu.memory_space<vmem>>) semaphore(%arg16 : memref<!tpu.dma_semaphore, #tpu.memory_space<semaphore_mem>>)
    %dma_start3A_189 = arith.constant 1 : i32
    %dma_start3A_190 = arith.constant 128 : i32
    %dma_start3A_191 = arith.constant 0 : i32
    %dma_start3A_192 = tpu.memref_slice %arg13[%dma_start3A_190, %dma_start3A_191] : memref<256x128xf32, #tpu.memory_space<vmem>> -> memref<128x128xf32, #tpu.memory_space<vmem>>
    %dma_start3A_193 = arith.constant 0 : i32
    %dma_start3A_194 = tpu.memref_slice %arg12[%dma_start3A_189, %dma_start3A_193] : memref<2x128xi32, #tpu.memory_space<vmem>> -> memref<1x128xi32, #tpu.memory_space<vmem>>
    %dma_start3A_195 = tpu.memref_squeeze %dma_start3A_194 : memref<1x128xi32, #tpu.memory_space<vmem>> -> memref<128xi32, #tpu.memory_space<vmem>>
    %dma_start3A_196 = arith.constant 0 : i32
    %dma_start3A_197 = arith.constant 0 : i32
    %dma_start3A_198 = tpu.memref_slice %arg6[%dma_start3A_196, %dma_start3A_197] : memref<100000x128xf32, #tpu.memory_space<hbm>> -> memref<100000x128xf32, #tpu.memory_space<hbm>>
    tpu.enqueue_indirect_dma source(%dma_start3A_198 : memref<100000x128xf32, #tpu.memory_space<hbm>>) target(%dma_start3A_192 : memref<128x128xf32, #tpu.memory_space<vmem>>) offsets(%dma_start3A_195 : memref<128xi32, #tpu.memory_space<vmem>>) semaphore(%arg16 : memref<!tpu.dma_semaphore, #tpu.memory_space<semaphore_mem>>)
    %dma_wait3A = arith.constant 0 : i32
    %dma_wait3A_199 = arith.constant 0 : i32
    %dma_wait3A_200 = arith.constant 0 : i32
    %dma_wait3A_201 = tpu.memref_slice %arg13[%dma_wait3A_199, %dma_wait3A_200] : memref<256x128xf32, #tpu.memory_space<vmem>> -> memref<128x128xf32, #tpu.memory_space<vmem>>
    %dma_wait3A_202 = arith.constant 0 : i32
    %dma_wait3A_203 = tpu.memref_slice %arg12[%dma_wait3A, %dma_wait3A_202] : memref<2x128xi32, #tpu.memory_space<vmem>> -> memref<1x128xi32, #tpu.memory_space<vmem>>
    %dma_wait3A_204 = tpu.memref_squeeze %dma_wait3A_203 : memref<1x128xi32, #tpu.memory_space<vmem>> -> memref<128xi32, #tpu.memory_space<vmem>>
    %dma_wait3A_205 = arith.constant 0 : i32
    %dma_wait3A_206 = arith.constant 0 : i32
    %dma_wait3A_207 = tpu.memref_slice %arg6[%dma_wait3A_205, %dma_wait3A_206] : memref<100000x128xf32, #tpu.memory_space<hbm>> -> memref<100000x128xf32, #tpu.memory_space<hbm>>
    tpu.wait_indirect_dma semaphore(%arg16 : memref<!tpu.dma_semaphore, #tpu.memory_space<semaphore_mem>>) src(%dma_wait3A_207 : memref<100000x128xf32, #tpu.memory_space<hbm>>) dst(%dma_wait3A_201 : memref<128x128xf32, #tpu.memory_space<vmem>>)
    %dma_wait3A_208 = arith.constant 1 : i32
    %dma_wait3A_209 = arith.constant 128 : i32
    %dma_wait3A_210 = arith.constant 0 : i32
    %dma_wait3A_211 = tpu.memref_slice %arg13[%dma_wait3A_209, %dma_wait3A_210] : memref<256x128xf32, #tpu.memory_space<vmem>> -> memref<128x128xf32, #tpu.memory_space<vmem>>
    %dma_wait3A_212 = arith.constant 0 : i32
    %dma_wait3A_213 = tpu.memref_slice %arg12[%dma_wait3A_208, %dma_wait3A_212] : memref<2x128xi32, #tpu.memory_space<vmem>> -> memref<1x128xi32, #tpu.memory_space<vmem>>
    %dma_wait3A_214 = tpu.memref_squeeze %dma_wait3A_213 : memref<1x128xi32, #tpu.memory_space<vmem>> -> memref<128xi32, #tpu.memory_space<vmem>>
    %dma_wait3A_215 = arith.constant 0 : i32
    %dma_wait3A_216 = arith.constant 0 : i32
    %dma_wait3A_217 = tpu.memref_slice %arg6[%dma_wait3A_215, %dma_wait3A_216] : memref<100000x128xf32, #tpu.memory_space<hbm>> -> memref<100000x128xf32, #tpu.memory_space<hbm>>
    tpu.wait_indirect_dma semaphore(%arg16 : memref<!tpu.dma_semaphore, #tpu.memory_space<semaphore_mem>>) src(%dma_wait3A_217 : memref<100000x128xf32, #tpu.memory_space<hbm>>) dst(%dma_wait3A_211 : memref<128x128xf32, #tpu.memory_space<vmem>>)
    %scan3A = arith.constant 0 : i32
    %scan3A_218 = arith.constant 0 : i32
    %scan3A_219 = arith.constant 16 : i32
    %scan3A_220 = arith.addi %scan3A_218, %scan3A_219 : i32
    %scan3A_221 = arith.constant 1 : i32
    scf.for %scan3A_676 = %scan3A_218 to %scan3A_220 step %scan3A_221  : i32 {
      %mul3A_677 = arith.constant 16 : i32
      %mul3A_678 = arith.muli %scan3A_676, %mul3A_677 : i32
      %get3A_679 = arith.index_cast %mul3A_678 : i32 to index
      %get3A_680 = arith.constant 0 : index
      %get3A_681 = tpu.vector_load %arg13[%get3A_679, %get3A_680] {strides = array<i32>} : memref<256x128xf32, #tpu.memory_space<vmem>>, vector<1x16xf32>,
      %get3A_682 = vector.shape_cast %get3A_681 : vector<1x16xf32> to vector<16xf32>
      %add3A_683 = arith.constant 1 : i32
      %add3A_684 = arith.addi %mul3A_678, %add3A_683 : i32
      %get3A_685 = arith.index_cast %add3A_684 : i32 to index
      %get3A_686 = arith.constant 0 : index
      %get3A_687 = tpu.vector_load %arg13[%get3A_685, %get3A_686] {strides = array<i32>} : memref<256x128xf32, #tpu.memory_space<vmem>>, vector<1x16xf32>,
      %get3A_688 = vector.shape_cast %get3A_687 : vector<1x16xf32> to vector<16xf32>
      %add3A_689 = arith.addf %get3A_682, %get3A_688 : vector<16xf32>
      %add3A_690 = arith.constant 2 : i32
      %add3A_691 = arith.addi %mul3A_678, %add3A_690 : i32
      %get3A_692 = arith.index_cast %add3A_691 : i32 to index
      %get3A_693 = arith.constant 0 : index
      %get3A_694 = tpu.vector_load %arg13[%get3A_692, %get3A_693] {strides = array<i32>} : memref<256x128xf32, #tpu.memory_space<vmem>>, vector<1x16xf32>,
      %get3A_695 = vector.shape_cast %get3A_694 : vector<1x16xf32> to vector<16xf32>
      %add3A_696 = arith.addf %add3A_689, %get3A_695 : vector<16xf32>
      %add3A_697 = arith.constant 3 : i32
      %add3A_698 = arith.addi %mul3A_678, %add3A_697 : i32
      %get3A_699 = arith.index_cast %add3A_698 : i32 to index
      %get3A_700 = arith.constant 0 : index
      %get3A_701 = tpu.vector_load %arg13[%get3A_699, %get3A_700] {strides = array<i32>} : memref<256x128xf32, #tpu.memory_space<vmem>>, vector<1x16xf32>,
      %get3A_702 = vector.shape_cast %get3A_701 : vector<1x16xf32> to vector<16xf32>
      %add3A_703 = arith.addf %add3A_696, %get3A_702 : vector<16xf32>
      %add3A_704 = arith.constant 4 : i32
      %add3A_705 = arith.addi %mul3A_678, %add3A_704 : i32
      %get3A_706 = arith.index_cast %add3A_705 : i32 to index
      %get3A_707 = arith.constant 0 : index
      %get3A_708 = tpu.vector_load %arg13[%get3A_706, %get3A_707] {strides = array<i32>} : memref<256x128xf32, #tpu.memory_space<vmem>>, vector<1x16xf32>,
      %get3A_709 = vector.shape_cast %get3A_708 : vector<1x16xf32> to vector<16xf32>
      %add3A_710 = arith.addf %add3A_703, %get3A_709 : vector<16xf32>
      %add3A_711 = arith.constant 5 : i32
      %add3A_712 = arith.addi %mul3A_678, %add3A_711 : i32
      %get3A_713 = arith.index_cast %add3A_712 : i32 to index
      %get3A_714 = arith.constant 0 : index
      %get3A_715 = tpu.vector_load %arg13[%get3A_713, %get3A_714] {strides = array<i32>} : memref<256x128xf32, #tpu.memory_space<vmem>>, vector<1x16xf32>,
      %get3A_716 = vector.shape_cast %get3A_715 : vector<1x16xf32> to vector<16xf32>
      %add3A_717 = arith.addf %add3A_710, %get3A_716 : vector<16xf32>
      %add3A_718 = arith.constant 6 : i32
      %add3A_719 = arith.addi %mul3A_678, %add3A_718 : i32
      %get3A_720 = arith.index_cast %add3A_719 : i32 to index
      %get3A_721 = arith.constant 0 : index
      %get3A_722 = tpu.vector_load %arg13[%get3A_720, %get3A_721] {strides = array<i32>} : memref<256x128xf32, #tpu.memory_space<vmem>>, vector<1x16xf32>,
      %get3A_723 = vector.shape_cast %get3A_722 : vector<1x16xf32> to vector<16xf32>
      %add3A_724 = arith.addf %add3A_717, %get3A_723 : vector<16xf32>
      %add3A_725 = arith.constant 7 : i32
      %add3A_726 = arith.addi %mul3A_678, %add3A_725 : i32
      %get3A_727 = arith.index_cast %add3A_726 : i32 to index
      %get3A_728 = arith.constant 0 : index
      %get3A_729 = tpu.vector_load %arg13[%get3A_727, %get3A_728] {strides = array<i32>} : memref<256x128xf32, #tpu.memory_space<vmem>>, vector<1x16xf32>,
      %get3A_730 = vector.shape_cast %get3A_729 : vector<1x16xf32> to vector<16xf32>
      %add3A_731 = arith.addf %add3A_724, %get3A_730 : vector<16xf32>
      %add3A_732 = arith.constant 8 : i32
      %add3A_733 = arith.addi %mul3A_678, %add3A_732 : i32
      %get3A_734 = arith.index_cast %add3A_733 : i32 to index
      %get3A_735 = arith.constant 0 : index
      %get3A_736 = tpu.vector_load %arg13[%get3A_734, %get3A_735] {strides = array<i32>} : memref<256x128xf32, #tpu.memory_space<vmem>>, vector<1x16xf32>,
      %get3A_737 = vector.shape_cast %get3A_736 : vector<1x16xf32> to vector<16xf32>
      %add3A_738 = arith.addf %add3A_731, %get3A_737 : vector<16xf32>
      %add3A_739 = arith.constant 9 : i32
      %add3A_740 = arith.addi %mul3A_678, %add3A_739 : i32
      %get3A_741 = arith.index_cast %add3A_740 : i32 to index
      %get3A_742 = arith.constant 0 : index
      %get3A_743 = tpu.vector_load %arg13[%get3A_741, %get3A_742] {strides = array<i32>} : memref<256x128xf32, #tpu.memory_space<vmem>>, vector<1x16xf32>,
      %get3A_744 = vector.shape_cast %get3A_743 : vector<1x16xf32> to vector<16xf32>
      %add3A_745 = arith.addf %add3A_738, %get3A_744 : vector<16xf32>
      %add3A_746 = arith.constant 10 : i32
      %add3A_747 = arith.addi %mul3A_678, %add3A_746 : i32
      %get3A_748 = arith.index_cast %add3A_747 : i32 to index
      %get3A_749 = arith.constant 0 : index
      %get3A_750 = tpu.vector_load %arg13[%get3A_748, %get3A_749] {strides = array<i32>} : memref<256x128xf32, #tpu.memory_space<vmem>>, vector<1x16xf32>,
      %get3A_751 = vector.shape_cast %get3A_750 : vector<1x16xf32> to vector<16xf32>
      %add3A_752 = arith.addf %add3A_745, %get3A_751 : vector<16xf32>
      %add3A_753 = arith.constant 11 : i32
      %add3A_754 = arith.addi %mul3A_678, %add3A_753 : i32
      %get3A_755 = arith.index_cast %add3A_754 : i32 to index
      %get3A_756 = arith.constant 0 : index
      %get3A_757 = tpu.vector_load %arg13[%get3A_755, %get3A_756] {strides = array<i32>} : memref<256x128xf32, #tpu.memory_space<vmem>>, vector<1x16xf32>,
      %get3A_758 = vector.shape_cast %get3A_757 : vector<1x16xf32> to vector<16xf32>
      %add3A_759 = arith.addf %add3A_752, %get3A_758 : vector<16xf32>
      %add3A_760 = arith.constant 12 : i32
      %add3A_761 = arith.addi %mul3A_678, %add3A_760 : i32
      %get3A_762 = arith.index_cast %add3A_761 : i32 to index
      %get3A_763 = arith.constant 0 : index
      %get3A_764 = tpu.vector_load %arg13[%get3A_762, %get3A_763] {strides = array<i32>} : memref<256x128xf32, #tpu.memory_space<vmem>>, vector<1x16xf32>,
      %get3A_765 = vector.shape_cast %get3A_764 : vector<1x16xf32> to vector<16xf32>
      %add3A_766 = arith.addf %add3A_759, %get3A_765 : vector<16xf32>
      %add3A_767 = arith.constant 13 : i32
      %add3A_768 = arith.addi %mul3A_678, %add3A_767 : i32
      %get3A_769 = arith.index_cast %add3A_768 : i32 to index
      %get3A_770 = arith.constant 0 : index
      %get3A_771 = tpu.vector_load %arg13[%get3A_769, %get3A_770] {strides = array<i32>} : memref<256x128xf32, #tpu.memory_space<vmem>>, vector<1x16xf32>,
      %get3A_772 = vector.shape_cast %get3A_771 : vector<1x16xf32> to vector<16xf32>
      %add3A_773 = arith.addf %add3A_766, %get3A_772 : vector<16xf32>
      %add3A_774 = arith.constant 14 : i32
      %add3A_775 = arith.addi %mul3A_678, %add3A_774 : i32
      %get3A_776 = arith.index_cast %add3A_775 : i32 to index
      %get3A_777 = arith.constant 0 : index
      %get3A_778 = tpu.vector_load %arg13[%get3A_776, %get3A_777] {strides = array<i32>} : memref<256x128xf32, #tpu.memory_space<vmem>>, vector<1x16xf32>,
      %get3A_779 = vector.shape_cast %get3A_778 : vector<1x16xf32> to vector<16xf32>
      %add3A_780 = arith.addf %add3A_773, %get3A_779 : vector<16xf32>
      %add3A_781 = arith.constant 15 : i32
      %add3A_782 = arith.addi %mul3A_678, %add3A_781 : i32
      %get3A_783 = arith.index_cast %add3A_782 : i32 to index
      %get3A_784 = arith.constant 0 : index
      %get3A_785 = tpu.vector_load %arg13[%get3A_783, %get3A_784] {strides = array<i32>} : memref<256x128xf32, #tpu.memory_space<vmem>>, vector<1x16xf32>,
      %get3A_786 = vector.shape_cast %get3A_785 : vector<1x16xf32> to vector<16xf32>
      %add3A_787 = arith.addf %add3A_780, %get3A_786 : vector<16xf32>
      %mul3A_788 = arith.constant 6.250000e-02 : f32
      %mul3A_789 = vector.broadcast %mul3A_788 : f32 to vector<16xf32>
      %mul3A_790 = arith.mulf %add3A_787, %mul3A_789 : vector<16xf32>
      %swap3A_791 = arith.index_cast %scan3A_676 : i32 to index
      %swap3A_792 = arith.constant 0 : index
      %swap3A_793 = tpu.vector_load %arg14[%swap3A_791, %swap3A_792] {strides = array<i32>} : memref<16x128xf32, #tpu.memory_space<vmem>>, vector<1x16xf32>,
      %swap3A_794 = vector.shape_cast %swap3A_793 : vector<1x16xf32> to vector<16xf32>
      %swap3A_795 = vector.shape_cast %mul3A_790 : vector<16xf32> to vector<1x16xf32>
      tpu.vector_store %arg14[%swap3A_791, %swap3A_792], %swap3A_795 {strides = array<i32>} : memref<16x128xf32, #tpu.memory_space<vmem>>, vector<1x16xf32>,
      %get3A_796 = arith.index_cast %mul3A_678 : i32 to index
      %get3A_797 = arith.constant 16 : index
      %get3A_798 = tpu.vector_load %arg13[%get3A_796, %get3A_797] {strides = array<i32>} : memref<256x128xf32, #tpu.memory_space<vmem>>, vector<1x16xf32>,
      %get3A_799 = vector.shape_cast %get3A_798 : vector<1x16xf32> to vector<16xf32>
      %add3A_800 = arith.constant 1 : i32
      %add3A_801 = arith.addi %mul3A_678, %add3A_800 : i32
      %get3A_802 = arith.index_cast %add3A_801 : i32 to index
      %get3A_803 = arith.constant 16 : index
      %get3A_804 = tpu.vector_load %arg13[%get3A_802, %get3A_803] {strides = array<i32>} : memref<256x128xf32, #tpu.memory_space<vmem>>, vector<1x16xf32>,
      %get3A_805 = vector.shape_cast %get3A_804 : vector<1x16xf32> to vector<16xf32>
      %add3A_806 = arith.addf %get3A_799, %get3A_805 : vector<16xf32>
      %add3A_807 = arith.constant 2 : i32
      %add3A_808 = arith.addi %mul3A_678, %add3A_807 : i32
      %get3A_809 = arith.index_cast %add3A_808 : i32 to index
      %get3A_810 = arith.constant 16 : index
      %get3A_811 = tpu.vector_load %arg13[%get3A_809, %get3A_810] {strides = array<i32>} : memref<256x128xf32, #tpu.memory_space<vmem>>, vector<1x16xf32>,
      %get3A_812 = vector.shape_cast %get3A_811 : vector<1x16xf32> to vector<16xf32>
      %add3A_813 = arith.addf %add3A_806, %get3A_812 : vector<16xf32>
      %add3A_814 = arith.constant 3 : i32
      %add3A_815 = arith.addi %mul3A_678, %add3A_814 : i32
      %get3A_816 = arith.index_cast %add3A_815 : i32 to index
      %get3A_817 = arith.constant 16 : index
      %get3A_818 = tpu.vector_load %arg13[%get3A_816, %get3A_817] {strides = array<i32>} : memref<256x128xf32, #tpu.memory_space<vmem>>, vector<1x16xf32>,
      %get3A_819 = vector.shape_cast %get3A_818 : vector<1x16xf32> to vector<16xf32>
      %add3A_820 = arith.addf %add3A_813, %get3A_819 : vector<16xf32>
      %add3A_821 = arith.constant 4 : i32
      %add3A_822 = arith.addi %mul3A_678, %add3A_821 : i32
      %get3A_823 = arith.index_cast %add3A_822 : i32 to index
      %get3A_824 = arith.constant 16 : index
      %get3A_825 = tpu.vector_load %arg13[%get3A_823, %get3A_824] {strides = array<i32>} : memref<256x128xf32, #tpu.memory_space<vmem>>, vector<1x16xf32>,
      %get3A_826 = vector.shape_cast %get3A_825 : vector<1x16xf32> to vector<16xf32>
      %add3A_827 = arith.addf %add3A_820, %get3A_826 : vector<16xf32>
      %add3A_828 = arith.constant 5 : i32
      %add3A_829 = arith.addi %mul3A_678, %add3A_828 : i32
      %get3A_830 = arith.index_cast %add3A_829 : i32 to index
      %get3A_831 = arith.constant 16 : index
      %get3A_832 = tpu.vector_load %arg13[%get3A_830, %get3A_831] {strides = array<i32>} : memref<256x128xf32, #tpu.memory_space<vmem>>, vector<1x16xf32>,
      %get3A_833 = vector.shape_cast %get3A_832 : vector<1x16xf32> to vector<16xf32>
      %add3A_834 = arith.addf %add3A_827, %get3A_833 : vector<16xf32>
      %add3A_835 = arith.constant 6 : i32
      %add3A_836 = arith.addi %mul3A_678, %add3A_835 : i32
      %get3A_837 = arith.index_cast %add3A_836 : i32 to index
      %get3A_838 = arith.constant 16 : index
      %get3A_839 = tpu.vector_load %arg13[%get3A_837, %get3A_838] {strides = array<i32>} : memref<256x128xf32, #tpu.memory_space<vmem>>, vector<1x16xf32>,
      %get3A_840 = vector.shape_cast %get3A_839 : vector<1x16xf32> to vector<16xf32>
      %add3A_841 = arith.addf %add3A_834, %get3A_840 : vector<16xf32>
      %add3A_842 = arith.constant 7 : i32
      %add3A_843 = arith.addi %mul3A_678, %add3A_842 : i32
      %get3A_844 = arith.index_cast %add3A_843 : i32 to index
      %get3A_845 = arith.constant 16 : index
      %get3A_846 = tpu.vector_load %arg13[%get3A_844, %get3A_845] {strides = array<i32>} : memref<256x128xf32, #tpu.memory_space<vmem>>, vector<1x16xf32>,
      %get3A_847 = vector.shape_cast %get3A_846 : vector<1x16xf32> to vector<16xf32>
      %add3A_848 = arith.addf %add3A_841, %get3A_847 : vector<16xf32>
      %add3A_849 = arith.constant 8 : i32
      %add3A_850 = arith.addi %mul3A_678, %add3A_849 : i32
      %get3A_851 = arith.index_cast %add3A_850 : i32 to index
      %get3A_852 = arith.constant 16 : index
      %get3A_853 = tpu.vector_load %arg13[%get3A_851, %get3A_852] {strides = array<i32>} : memref<256x128xf32, #tpu.memory_space<vmem>>, vector<1x16xf32>,
      %get3A_854 = vector.shape_cast %get3A_853 : vector<1x16xf32> to vector<16xf32>
      %add3A_855 = arith.addf %add3A_848, %get3A_854 : vector<16xf32>
      %add3A_856 = arith.constant 9 : i32
      %add3A_857 = arith.addi %mul3A_678, %add3A_856 : i32
      %get3A_858 = arith.index_cast %add3A_857 : i32 to index
      %get3A_859 = arith.constant 16 : index
      %get3A_860 = tpu.vector_load %arg13[%get3A_858, %get3A_859] {strides = array<i32>} : memref<256x128xf32, #tpu.memory_space<vmem>>, vector<1x16xf32>,
      %get3A_861 = vector.shape_cast %get3A_860 : vector<1x16xf32> to vector<16xf32>
      %add3A_862 = arith.addf %add3A_855, %get3A_861 : vector<16xf32>
      %add3A_863 = arith.constant 10 : i32
      %add3A_864 = arith.addi %mul3A_678, %add3A_863 : i32
      %get3A_865 = arith.index_cast %add3A_864 : i32 to index
      %get3A_866 = arith.constant 16 : index
      %get3A_867 = tpu.vector_load %arg13[%get3A_865, %get3A_866] {strides = array<i32>} : memref<256x128xf32, #tpu.memory_space<vmem>>, vector<1x16xf32>,
      %get3A_868 = vector.shape_cast %get3A_867 : vector<1x16xf32> to vector<16xf32>
      %add3A_869 = arith.addf %add3A_862, %get3A_868 : vector<16xf32>
      %add3A_870 = arith.constant 11 : i32
      %add3A_871 = arith.addi %mul3A_678, %add3A_870 : i32
      %get3A_872 = arith.index_cast %add3A_871 : i32 to index
      %get3A_873 = arith.constant 16 : index
      %get3A_874 = tpu.vector_load %arg13[%get3A_872, %get3A_873] {strides = array<i32>} : memref<256x128xf32, #tpu.memory_space<vmem>>, vector<1x16xf32>,
      %get3A_875 = vector.shape_cast %get3A_874 : vector<1x16xf32> to vector<16xf32>
      %add3A_876 = arith.addf %add3A_869, %get3A_875 : vector<16xf32>
      %add3A_877 = arith.constant 12 : i32
      %add3A_878 = arith.addi %mul3A_678, %add3A_877 : i32
      %get3A_879 = arith.index_cast %add3A_878 : i32 to index
      %get3A_880 = arith.constant 16 : index
      %get3A_881 = tpu.vector_load %arg13[%get3A_879, %get3A_880] {strides = array<i32>} : memref<256x128xf32, #tpu.memory_space<vmem>>, vector<1x16xf32>,
      %get3A_882 = vector.shape_cast %get3A_881 : vector<1x16xf32> to vector<16xf32>
      %add3A_883 = arith.addf %add3A_876, %get3A_882 : vector<16xf32>
      %add3A_884 = arith.constant 13 : i32
      %add3A_885 = arith.addi %mul3A_678, %add3A_884 : i32
      %get3A_886 = arith.index_cast %add3A_885 : i32 to index
      %get3A_887 = arith.constant 16 : index
      %get3A_888 = tpu.vector_load %arg13[%get3A_886, %get3A_887] {strides = array<i32>} : memref<256x128xf32, #tpu.memory_space<vmem>>, vector<1x16xf32>,
      %get3A_889 = vector.shape_cast %get3A_888 : vector<1x16xf32> to vector<16xf32>
      %add3A_890 = arith.addf %add3A_883, %get3A_889 : vector<16xf32>
      %add3A_891 = arith.constant 14 : i32
      %add3A_892 = arith.addi %mul3A_678, %add3A_891 : i32
      %get3A_893 = arith.index_cast %add3A_892 : i32 to index
      %get3A_894 = arith.constant 16 : index
      %get3A_895 = tpu.vector_load %arg13[%get3A_893, %get3A_894] {strides = array<i32>} : memref<256x128xf32, #tpu.memory_space<vmem>>, vector<1x16xf32>,
      %get3A_896 = vector.shape_cast %get3A_895 : vector<1x16xf32> to vector<16xf32>
      %add3A_897 = arith.addf %add3A_890, %get3A_896 : vector<16xf32>
      %add3A_898 = arith.constant 15 : i32
      %add3A_899 = arith.addi %mul3A_678, %add3A_898 : i32
      %get3A_900 = arith.index_cast %add3A_899 : i32 to index
      %get3A_901 = arith.constant 16 : index
      %get3A_902 = tpu.vector_load %arg13[%get3A_900, %get3A_901] {strides = array<i32>} : memref<256x128xf32, #tpu.memory_space<vmem>>, vector<1x16xf32>,
      %get3A_903 = vector.shape_cast %get3A_902 : vector<1x16xf32> to vector<16xf32>
      %add3A_904 = arith.addf %add3A_897, %get3A_903 : vector<16xf32>
      %mul3A_905 = arith.constant 6.250000e-02 : f32
      %mul3A_906 = vector.broadcast %mul3A_905 : f32 to vector<16xf32>
      %mul3A_907 = arith.mulf %add3A_904, %mul3A_906 : vector<16xf32>
      %swap3A_908 = arith.index_cast %scan3A_676 : i32 to index
      %swap3A_909 = arith.constant 16 : index
      %swap3A_910 = tpu.vector_load %arg14[%swap3A_908, %swap3A_909] {strides = array<i32>} : memref<16x128xf32, #tpu.memory_space<vmem>>, vector<1x16xf32>,
      %swap3A_911 = vector.shape_cast %swap3A_910 : vector<1x16xf32> to vector<16xf32>
      %swap3A_912 = vector.shape_cast %mul3A_907 : vector<16xf32> to vector<1x16xf32>
      tpu.vector_store %arg14[%swap3A_908, %swap3A_909], %swap3A_912 {strides = array<i32>} : memref<16x128xf32, #tpu.memory_space<vmem>>, vector<1x16xf32>,
      %get3A_913 = arith.index_cast %mul3A_678 : i32 to index
      %get3A_914 = arith.constant 32 : index
      %get3A_915 = tpu.vector_load %arg13[%get3A_913, %get3A_914] {strides = array<i32>} : memref<256x128xf32, #tpu.memory_space<vmem>>, vector<1x16xf32>,
      %get3A_916 = vector.shape_cast %get3A_915 : vector<1x16xf32> to vector<16xf32>
      %add3A_917 = arith.constant 1 : i32
      %add3A_918 = arith.addi %mul3A_678, %add3A_917 : i32
      %get3A_919 = arith.index_cast %add3A_918 : i32 to index
      %get3A_920 = arith.constant 32 : index
      %get3A_921 = tpu.vector_load %arg13[%get3A_919, %get3A_920] {strides = array<i32>} : memref<256x128xf32, #tpu.memory_space<vmem>>, vector<1x16xf32>,
      %get3A_922 = vector.shape_cast %get3A_921 : vector<1x16xf32> to vector<16xf32>
      %add3A_923 = arith.addf %get3A_916, %get3A_922 : vector<16xf32>
      %add3A_924 = arith.constant 2 : i32
      %add3A_925 = arith.addi %mul3A_678, %add3A_924 : i32
      %get3A_926 = arith.index_cast %add3A_925 : i32 to index
      %get3A_927 = arith.constant 32 : index
      %get3A_928 = tpu.vector_load %arg13[%get3A_926, %get3A_927] {strides = array<i32>} : memref<256x128xf32, #tpu.memory_space<vmem>>, vector<1x16xf32>,
      %get3A_929 = vector.shape_cast %get3A_928 : vector<1x16xf32> to vector<16xf32>
      %add3A_930 = arith.addf %add3A_923, %get3A_929 : vector<16xf32>
      %add3A_931 = arith.constant 3 : i32
      %add3A_932 = arith.addi %mul3A_678, %add3A_931 : i32
      %get3A_933 = arith.index_cast %add3A_932 : i32 to index
      %get3A_934 = arith.constant 32 : index
      %get3A_935 = tpu.vector_load %arg13[%get3A_933, %get3A_934] {strides = array<i32>} : memref<256x128xf32, #tpu.memory_space<vmem>>, vector<1x16xf32>,
      %get3A_936 = vector.shape_cast %get3A_935 : vector<1x16xf32> to vector<16xf32>
      %add3A_937 = arith.addf %add3A_930, %get3A_936 : vector<16xf32>
      %add3A_938 = arith.constant 4 : i32
      %add3A_939 = arith.addi %mul3A_678, %add3A_938 : i32
      %get3A_940 = arith.index_cast %add3A_939 : i32 to index
      %get3A_941 = arith.constant 32 : index
      %get3A_942 = tpu.vector_load %arg13[%get3A_940, %get3A_941] {strides = array<i32>} : memref<256x128xf32, #tpu.memory_space<vmem>>, vector<1x16xf32>,
      %get3A_943 = vector.shape_cast %get3A_942 : vector<1x16xf32> to vector<16xf32>
      %add3A_944 = arith.addf %add3A_937, %get3A_943 : vector<16xf32>
      %add3A_945 = arith.constant 5 : i32
      %add3A_946 = arith.addi %mul3A_678, %add3A_945 : i32
      %get3A_947 = arith.index_cast %add3A_946 : i32 to index
      %get3A_948 = arith.constant 32 : index
      %get3A_949 = tpu.vector_load %arg13[%get3A_947, %get3A_948] {strides = array<i32>} : memref<256x128xf32, #tpu.memory_space<vmem>>, vector<1x16xf32>,
      %get3A_950 = vector.shape_cast %get3A_949 : vector<1x16xf32> to vector<16xf32>
      %add3A_951 = arith.addf %add3A_944, %get3A_950 : vector<16xf32>
      %add3A_952 = arith.constant 6 : i32
      %add3A_953 = arith.addi %mul3A_678, %add3A_952 : i32
      %get3A_954 = arith.index_cast %add3A_953 : i32 to index
      %get3A_955 = arith.constant 32 : index
      %get3A_956 = tpu.vector_load %arg13[%get3A_954, %get3A_955] {strides = array<i32>} : memref<256x128xf32, #tpu.memory_space<vmem>>, vector<1x16xf32>,
      %get3A_957 = vector.shape_cast %get3A_956 : vector<1x16xf32> to vector<16xf32>
      %add3A_958 = arith.addf %add3A_951, %get3A_957 : vector<16xf32>
      %add3A_959 = arith.constant 7 : i32
      %add3A_960 = arith.addi %mul3A_678, %add3A_959 : i32
      %get3A_961 = arith.index_cast %add3A_960 : i32 to index
      %get3A_962 = arith.constant 32 : index
      %get3A_963 = tpu.vector_load %arg13[%get3A_961, %get3A_962] {strides = array<i32>} : memref<256x128xf32, #tpu.memory_space<vmem>>, vector<1x16xf32>,
      %get3A_964 = vector.shape_cast %get3A_963 : vector<1x16xf32> to vector<16xf32>
      %add3A_965 = arith.addf %add3A_958, %get3A_964 : vector<16xf32>
      %add3A_966 = arith.constant 8 : i32
      %add3A_967 = arith.addi %mul3A_678, %add3A_966 : i32
      %get3A_968 = arith.index_cast %add3A_967 : i32 to index
      %get3A_969 = arith.constant 32 : index
      %get3A_970 = tpu.vector_load %arg13[%get3A_968, %get3A_969] {strides = array<i32>} : memref<256x128xf32, #tpu.memory_space<vmem>>, vector<1x16xf32>,
      %get3A_971 = vector.shape_cast %get3A_970 : vector<1x16xf32> to vector<16xf32>
      %add3A_972 = arith.addf %add3A_965, %get3A_971 : vector<16xf32>
      %add3A_973 = arith.constant 9 : i32
      %add3A_974 = arith.addi %mul3A_678, %add3A_973 : i32
      %get3A_975 = arith.index_cast %add3A_974 : i32 to index
      %get3A_976 = arith.constant 32 : index
      %get3A_977 = tpu.vector_load %arg13[%get3A_975, %get3A_976] {strides = array<i32>} : memref<256x128xf32, #tpu.memory_space<vmem>>, vector<1x16xf32>,
      %get3A_978 = vector.shape_cast %get3A_977 : vector<1x16xf32> to vector<16xf32>
      %add3A_979 = arith.addf %add3A_972, %get3A_978 : vector<16xf32>
      %add3A_980 = arith.constant 10 : i32
      %add3A_981 = arith.addi %mul3A_678, %add3A_980 : i32
      %get3A_982 = arith.index_cast %add3A_981 : i32 to index
      %get3A_983 = arith.constant 32 : index
      %get3A_984 = tpu.vector_load %arg13[%get3A_982, %get3A_983] {strides = array<i32>} : memref<256x128xf32, #tpu.memory_space<vmem>>, vector<1x16xf32>,
      %get3A_985 = vector.shape_cast %get3A_984 : vector<1x16xf32> to vector<16xf32>
      %add3A_986 = arith.addf %add3A_979, %get3A_985 : vector<16xf32>
      %add3A_987 = arith.constant 11 : i32
      %add3A_988 = arith.addi %mul3A_678, %add3A_987 : i32
      %get3A_989 = arith.index_cast %add3A_988 : i32 to index
      %get3A_990 = arith.constant 32 : index
      %get3A_991 = tpu.vector_load %arg13[%get3A_989, %get3A_990] {strides = array<i32>} : memref<256x128xf32, #tpu.memory_space<vmem>>, vector<1x16xf32>,
      %get3A_992 = vector.shape_cast %get3A_991 : vector<1x16xf32> to vector<16xf32>
      %add3A_993 = arith.addf %add3A_986, %get3A_992 : vector<16xf32>
      %add3A_994 = arith.constant 12 : i32
      %add3A_995 = arith.addi %mul3A_678, %add3A_994 : i32
      %get3A_996 = arith.index_cast %add3A_995 : i32 to index
      %get3A_997 = arith.constant 32 : index
      %get3A_998 = tpu.vector_load %arg13[%get3A_996, %get3A_997] {strides = array<i32>} : memref<256x128xf32, #tpu.memory_space<vmem>>, vector<1x16xf32>,
      %get3A_999 = vector.shape_cast %get3A_998 : vector<1x16xf32> to vector<16xf32>
      %add3A_1000 = arith.addf %add3A_993, %get3A_999 : vector<16xf32>
      %add3A_1001 = arith.constant 13 : i32
      %add3A_1002 = arith.addi %mul3A_678, %add3A_1001 : i32
      %get3A_1003 = arith.index_cast %add3A_1002 : i32 to index
      %get3A_1004 = arith.constant 32 : index
      %get3A_1005 = tpu.vector_load %arg13[%get3A_1003, %get3A_1004] {strides = array<i32>} : memref<256x128xf32, #tpu.memory_space<vmem>>, vector<1x16xf32>,
      %get3A_1006 = vector.shape_cast %get3A_1005 : vector<1x16xf32> to vector<16xf32>
      %add3A_1007 = arith.addf %add3A_1000, %get3A_1006 : vector<16xf32>
      %add3A_1008 = arith.constant 14 : i32
      %add3A_1009 = arith.addi %mul3A_678, %add3A_1008 : i32
      %get3A_1010 = arith.index_cast %add3A_1009 : i32 to index
      %get3A_1011 = arith.constant 32 : index
      %get3A_1012 = tpu.vector_load %arg13[%get3A_1010, %get3A_1011] {strides = array<i32>} : memref<256x128xf32, #tpu.memory_space<vmem>>, vector<1x16xf32>,
      %get3A_1013 = vector.shape_cast %get3A_1012 : vector<1x16xf32> to vector<16xf32>
      %add3A_1014 = arith.addf %add3A_1007, %get3A_1013 : vector<16xf32>
      %add3A_1015 = arith.constant 15 : i32
      %add3A_1016 = arith.addi %mul3A_678, %add3A_1015 : i32
      %get3A_1017 = arith.index_cast %add3A_1016 : i32 to index
      %get3A_1018 = arith.constant 32 : index
      %get3A_1019 = tpu.vector_load %arg13[%get3A_1017, %get3A_1018] {strides = array<i32>} : memref<256x128xf32, #tpu.memory_space<vmem>>, vector<1x16xf32>,
      %get3A_1020 = vector.shape_cast %get3A_1019 : vector<1x16xf32> to vector<16xf32>
      %add3A_1021 = arith.addf %add3A_1014, %get3A_1020 : vector<16xf32>
      %mul3A_1022 = arith.constant 6.250000e-02 : f32
      %mul3A_1023 = vector.broadcast %mul3A_1022 : f32 to vector<16xf32>
      %mul3A_1024 = arith.mulf %add3A_1021, %mul3A_1023 : vector<16xf32>
      %swap3A_1025 = arith.index_cast %scan3A_676 : i32 to index
      %swap3A_1026 = arith.constant 32 : index
      %swap3A_1027 = tpu.vector_load %arg14[%swap3A_1025, %swap3A_1026] {strides = array<i32>} : memref<16x128xf32, #tpu.memory_space<vmem>>, vector<1x16xf32>,
      %swap3A_1028 = vector.shape_cast %swap3A_1027 : vector<1x16xf32> to vector<16xf32>
      %swap3A_1029 = vector.shape_cast %mul3A_1024 : vector<16xf32> to vector<1x16xf32>
      tpu.vector_store %arg14[%swap3A_1025, %swap3A_1026], %swap3A_1029 {strides = array<i32>} : memref<16x128xf32, #tpu.memory_space<vmem>>, vector<1x16xf32>,
      %get3A_1030 = arith.index_cast %mul3A_678 : i32 to index
      %get3A_1031 = arith.constant 48 : index
      %get3A_1032 = tpu.vector_load %arg13[%get3A_1030, %get3A_1031] {strides = array<i32>} : memref<256x128xf32, #tpu.memory_space<vmem>>, vector<1x16xf32>,
      %get3A_1033 = vector.shape_cast %get3A_1032 : vector<1x16xf32> to vector<16xf32>
      %add3A_1034 = arith.constant 1 : i32
      %add3A_1035 = arith.addi %mul3A_678, %add3A_1034 : i32
      %get3A_1036 = arith.index_cast %add3A_1035 : i32 to index
      %get3A_1037 = arith.constant 48 : index
      %get3A_1038 = tpu.vector_load %arg13[%get3A_1036, %get3A_1037] {strides = array<i32>} : memref<256x128xf32, #tpu.memory_space<vmem>>, vector<1x16xf32>,
      %get3A_1039 = vector.shape_cast %get3A_1038 : vector<1x16xf32> to vector<16xf32>
      %add3A_1040 = arith.addf %get3A_1033, %get3A_1039 : vector<16xf32>
      %add3A_1041 = arith.constant 2 : i32
      %add3A_1042 = arith.addi %mul3A_678, %add3A_1041 : i32
      %get3A_1043 = arith.index_cast %add3A_1042 : i32 to index
      %get3A_1044 = arith.constant 48 : index
      %get3A_1045 = tpu.vector_load %arg13[%get3A_1043, %get3A_1044] {strides = array<i32>} : memref<256x128xf32, #tpu.memory_space<vmem>>, vector<1x16xf32>,
      %get3A_1046 = vector.shape_cast %get3A_1045 : vector<1x16xf32> to vector<16xf32>
      %add3A_1047 = arith.addf %add3A_1040, %get3A_1046 : vector<16xf32>
      %add3A_1048 = arith.constant 3 : i32
      %add3A_1049 = arith.addi %mul3A_678, %add3A_1048 : i32
      %get3A_1050 = arith.index_cast %add3A_1049 : i32 to index
      %get3A_1051 = arith.constant 48 : index
      %get3A_1052 = tpu.vector_load %arg13[%get3A_1050, %get3A_1051] {strides = array<i32>} : memref<256x128xf32, #tpu.memory_space<vmem>>, vector<1x16xf32>,
      %get3A_1053 = vector.shape_cast %get3A_1052 : vector<1x16xf32> to vector<16xf32>
      %add3A_1054 = arith.addf %add3A_1047, %get3A_1053 : vector<16xf32>
      %add3A_1055 = arith.constant 4 : i32
      %add3A_1056 = arith.addi %mul3A_678, %add3A_1055 : i32
      %get3A_1057 = arith.index_cast %add3A_1056 : i32 to index
      %get3A_1058 = arith.constant 48 : index
      %get3A_1059 = tpu.vector_load %arg13[%get3A_1057, %get3A_1058] {strides = array<i32>} : memref<256x128xf32, #tpu.memory_space<vmem>>, vector<1x16xf32>,
      %get3A_1060 = vector.shape_cast %get3A_1059 : vector<1x16xf32> to vector<16xf32>
      %add3A_1061 = arith.addf %add3A_1054, %get3A_1060 : vector<16xf32>
      %add3A_1062 = arith.constant 5 : i32
      %add3A_1063 = arith.addi %mul3A_678, %add3A_1062 : i32
      %get3A_1064 = arith.index_cast %add3A_1063 : i32 to index
      %get3A_1065 = arith.constant 48 : index
      %get3A_1066 = tpu.vector_load %arg13[%get3A_1064, %get3A_1065] {strides = array<i32>} : memref<256x128xf32, #tpu.memory_space<vmem>>, vector<1x16xf32>,
      %get3A_1067 = vector.shape_cast %get3A_1066 : vector<1x16xf32> to vector<16xf32>
      %add3A_1068 = arith.addf %add3A_1061, %get3A_1067 : vector<16xf32>
      %add3A_1069 = arith.constant 6 : i32
      %add3A_1070 = arith.addi %mul3A_678, %add3A_1069 : i32
      %get3A_1071 = arith.index_cast %add3A_1070 : i32 to index
      %get3A_1072 = arith.constant 48 : index
      %get3A_1073 = tpu.vector_load %arg13[%get3A_1071, %get3A_1072] {strides = array<i32>} : memref<256x128xf32, #tpu.memory_space<vmem>>, vector<1x16xf32>,
      %get3A_1074 = vector.shape_cast %get3A_1073 : vector<1x16xf32> to vector<16xf32>
      %add3A_1075 = arith.addf %add3A_1068, %get3A_1074 : vector<16xf32>
      %add3A_1076 = arith.constant 7 : i32
      %add3A_1077 = arith.addi %mul3A_678, %add3A_1076 : i32
      %get3A_1078 = arith.index_cast %add3A_1077 : i32 to index
      %get3A_1079 = arith.constant 48 : index
      %get3A_1080 = tpu.vector_load %arg13[%get3A_1078, %get3A_1079] {strides = array<i32>} : memref<256x128xf32, #tpu.memory_space<vmem>>, vector<1x16xf32>,
      %get3A_1081 = vector.shape_cast %get3A_1080 : vector<1x16xf32> to vector<16xf32>
      %add3A_1082 = arith.addf %add3A_1075, %get3A_1081 : vector<16xf32>
      %add3A_1083 = arith.constant 8 : i32
      %add3A_1084 = arith.addi %mul3A_678, %add3A_1083 : i32
      %get3A_1085 = arith.index_cast %add3A_1084 : i32 to index
      %get3A_1086 = arith.constant 48 : index
      %get3A_1087 = tpu.vector_load %arg13[%get3A_1085, %get3A_1086] {strides = array<i32>} : memref<256x128xf32, #tpu.memory_space<vmem>>, vector<1x16xf32>,
      %get3A_1088 = vector.shape_cast %get3A_1087 : vector<1x16xf32> to vector<16xf32>
      %add3A_1089 = arith.addf %add3A_1082, %get3A_1088 : vector<16xf32>
      %add3A_1090 = arith.constant 9 : i32
      %add3A_1091 = arith.addi %mul3A_678, %add3A_1090 : i32
      %get3A_1092 = arith.index_cast %add3A_1091 : i32 to index
      %get3A_1093 = arith.constant 48 : index
      %get3A_1094 = tpu.vector_load %arg13[%get3A_1092, %get3A_1093] {strides = array<i32>} : memref<256x128xf32, #tpu.memory_space<vmem>>, vector<1x16xf32>,
      %get3A_1095 = vector.shape_cast %get3A_1094 : vector<1x16xf32> to vector<16xf32>
      %add3A_1096 = arith.addf %add3A_1089, %get3A_1095 : vector<16xf32>
      %add3A_1097 = arith.constant 10 : i32
      %add3A_1098 = arith.addi %mul3A_678, %add3A_1097 : i32
      %get3A_1099 = arith.index_cast %add3A_1098 : i32 to index
      %get3A_1100 = arith.constant 48 : index
      %get3A_1101 = tpu.vector_load %arg13[%get3A_1099, %get3A_1100] {strides = array<i32>} : memref<256x128xf32, #tpu.memory_space<vmem>>, vector<1x16xf32>,
      %get3A_1102 = vector.shape_cast %get3A_1101 : vector<1x16xf32> to vector<16xf32>
      %add3A_1103 = arith.addf %add3A_1096, %get3A_1102 : vector<16xf32>
      %add3A_1104 = arith.constant 11 : i32
      %add3A_1105 = arith.addi %mul3A_678, %add3A_1104 : i32
      %get3A_1106 = arith.index_cast %add3A_1105 : i32 to index
      %get3A_1107 = arith.constant 48 : index
      %get3A_1108 = tpu.vector_load %arg13[%get3A_1106, %get3A_1107] {strides = array<i32>} : memref<256x128xf32, #tpu.memory_space<vmem>>, vector<1x16xf32>,
      %get3A_1109 = vector.shape_cast %get3A_1108 : vector<1x16xf32> to vector<16xf32>
      %add3A_1110 = arith.addf %add3A_1103, %get3A_1109 : vector<16xf32>
      %add3A_1111 = arith.constant 12 : i32
      %add3A_1112 = arith.addi %mul3A_678, %add3A_1111 : i32
      %get3A_1113 = arith.index_cast %add3A_1112 : i32 to index
      %get3A_1114 = arith.constant 48 : index
      %get3A_1115 = tpu.vector_load %arg13[%get3A_1113, %get3A_1114] {strides = array<i32>} : memref<256x128xf32, #tpu.memory_space<vmem>>, vector<1x16xf32>,
      %get3A_1116 = vector.shape_cast %get3A_1115 : vector<1x16xf32> to vector<16xf32>
      %add3A_1117 = arith.addf %add3A_1110, %get3A_1116 : vector<16xf32>
      %add3A_1118 = arith.constant 13 : i32
      %add3A_1119 = arith.addi %mul3A_678, %add3A_1118 : i32
      %get3A_1120 = arith.index_cast %add3A_1119 : i32 to index
      %get3A_1121 = arith.constant 48 : index
      %get3A_1122 = tpu.vector_load %arg13[%get3A_1120, %get3A_1121] {strides = array<i32>} : memref<256x128xf32, #tpu.memory_space<vmem>>, vector<1x16xf32>,
      %get3A_1123 = vector.shape_cast %get3A_1122 : vector<1x16xf32> to vector<16xf32>
      %add3A_1124 = arith.addf %add3A_1117, %get3A_1123 : vector<16xf32>
      %add3A_1125 = arith.constant 14 : i32
      %add3A_1126 = arith.addi %mul3A_678, %add3A_1125 : i32
      %get3A_1127 = arith.index_cast %add3A_1126 : i32 to index
      %get3A_1128 = arith.constant 48 : index
      %get3A_1129 = tpu.vector_load %arg13[%get3A_1127, %get3A_1128] {strides = array<i32>} : memref<256x128xf32, #tpu.memory_space<vmem>>, vector<1x16xf32>,
      %get3A_1130 = vector.shape_cast %get3A_1129 : vector<1x16xf32> to vector<16xf32>
      %add3A_1131 = arith.addf %add3A_1124, %get3A_1130 : vector<16xf32>
      %add3A_1132 = arith.constant 15 : i32
      %add3A_1133 = arith.addi %mul3A_678, %add3A_1132 : i32
      %get3A_1134 = arith.index_cast %add3A_1133 : i32 to index
      %get3A_1135 = arith.constant 48 : index
      %get3A_1136 = tpu.vector_load %arg13[%get3A_1134, %get3A_1135] {strides = array<i32>} : memref<256x128xf32, #tpu.memory_space<vmem>>, vector<1x16xf32>,
      %get3A_1137 = vector.shape_cast %get3A_1136 : vector<1x16xf32> to vector<16xf32>
      %add3A_1138 = arith.addf %add3A_1131, %get3A_1137 : vector<16xf32>
      %mul3A_1139 = arith.constant 6.250000e-02 : f32
      %mul3A_1140 = vector.broadcast %mul3A_1139 : f32 to vector<16xf32>
      %mul3A_1141 = arith.mulf %add3A_1138, %mul3A_1140 : vector<16xf32>
      %swap3A_1142 = arith.index_cast %scan3A_676 : i32 to index
      %swap3A_1143 = arith.constant 48 : index
      %swap3A_1144 = tpu.vector_load %arg14[%swap3A_1142, %swap3A_1143] {strides = array<i32>} : memref<16x128xf32, #tpu.memory_space<vmem>>, vector<1x16xf32>,
      %swap3A_1145 = vector.shape_cast %swap3A_1144 : vector<1x16xf32> to vector<16xf32>
      %swap3A_1146 = vector.shape_cast %mul3A_1141 : vector<16xf32> to vector<1x16xf32>
      tpu.vector_store %arg14[%swap3A_1142, %swap3A_1143], %swap3A_1146 {strides = array<i32>} : memref<16x128xf32, #tpu.memory_space<vmem>>, vector<1x16xf32>,
      %get3A_1147 = arith.index_cast %mul3A_678 : i32 to index
      %get3A_1148 = arith.constant 64 : index
      %get3A_1149 = tpu.vector_load %arg13[%get3A_1147, %get3A_1148] {strides = array<i32>} : memref<256x128xf32, #tpu.memory_space<vmem>>, vector<1x16xf32>,
      %get3A_1150 = vector.shape_cast %get3A_1149 : vector<1x16xf32> to vector<16xf32>
      %add3A_1151 = arith.constant 1 : i32
      %add3A_1152 = arith.addi %mul3A_678, %add3A_1151 : i32
      %get3A_1153 = arith.index_cast %add3A_1152 : i32 to index
      %get3A_1154 = arith.constant 64 : index
      %get3A_1155 = tpu.vector_load %arg13[%get3A_1153, %get3A_1154] {strides = array<i32>} : memref<256x128xf32, #tpu.memory_space<vmem>>, vector<1x16xf32>,
      %get3A_1156 = vector.shape_cast %get3A_1155 : vector<1x16xf32> to vector<16xf32>
      %add3A_1157 = arith.addf %get3A_1150, %get3A_1156 : vector<16xf32>
      %add3A_1158 = arith.constant 2 : i32
      %add3A_1159 = arith.addi %mul3A_678, %add3A_1158 : i32
      %get3A_1160 = arith.index_cast %add3A_1159 : i32 to index
      %get3A_1161 = arith.constant 64 : index
      %get3A_1162 = tpu.vector_load %arg13[%get3A_1160, %get3A_1161] {strides = array<i32>} : memref<256x128xf32, #tpu.memory_space<vmem>>, vector<1x16xf32>,
      %get3A_1163 = vector.shape_cast %get3A_1162 : vector<1x16xf32> to vector<16xf32>
      %add3A_1164 = arith.addf %add3A_1157, %get3A_1163 : vector<16xf32>
      %add3A_1165 = arith.constant 3 : i32
      %add3A_1166 = arith.addi %mul3A_678, %add3A_1165 : i32
      %get3A_1167 = arith.index_cast %add3A_1166 : i32 to index
      %get3A_1168 = arith.constant 64 : index
      %get3A_1169 = tpu.vector_load %arg13[%get3A_1167, %get3A_1168] {strides = array<i32>} : memref<256x128xf32, #tpu.memory_space<vmem>>, vector<1x16xf32>,
      %get3A_1170 = vector.shape_cast %get3A_1169 : vector<1x16xf32> to vector<16xf32>
      %add3A_1171 = arith.addf %add3A_1164, %get3A_1170 : vector<16xf32>
      %add3A_1172 = arith.constant 4 : i32
      %add3A_1173 = arith.addi %mul3A_678, %add3A_1172 : i32
      %get3A_1174 = arith.index_cast %add3A_1173 : i32 to index
      %get3A_1175 = arith.constant 64 : index
      %get3A_1176 = tpu.vector_load %arg13[%get3A_1174, %get3A_1175] {strides = array<i32>} : memref<256x128xf32, #tpu.memory_space<vmem>>, vector<1x16xf32>,
      %get3A_1177 = vector.shape_cast %get3A_1176 : vector<1x16xf32> to vector<16xf32>
      %add3A_1178 = arith.addf %add3A_1171, %get3A_1177 : vector<16xf32>
      %add3A_1179 = arith.constant 5 : i32
      %add3A_1180 = arith.addi %mul3A_678, %add3A_1179 : i32
      %get3A_1181 = arith.index_cast %add3A_1180 : i32 to index
      %get3A_1182 = arith.constant 64 : index
      %get3A_1183 = tpu.vector_load %arg13[%get3A_1181, %get3A_1182] {strides = array<i32>} : memref<256x128xf32, #tpu.memory_space<vmem>>, vector<1x16xf32>,
      %get3A_1184 = vector.shape_cast %get3A_1183 : vector<1x16xf32> to vector<16xf32>
      %add3A_1185 = arith.addf %add3A_1178, %get3A_1184 : vector<16xf32>
      %add3A_1186 = arith.constant 6 : i32
      %add3A_1187 = arith.addi %mul3A_678, %add3A_1186 : i32
      %get3A_1188 = arith.index_cast %add3A_1187 : i32 to index
      %get3A_1189 = arith.constant 64 : index
      %get3A_1190 = tpu.vector_load %arg13[%get3A_1188, %get3A_1189] {strides = array<i32>} : memref<256x128xf32, #tpu.memory_space<vmem>>, vector<1x16xf32>,
      %get3A_1191 = vector.shape_cast %get3A_1190 : vector<1x16xf32> to vector<16xf32>
      %add3A_1192 = arith.addf %add3A_1185, %get3A_1191 : vector<16xf32>
      %add3A_1193 = arith.constant 7 : i32
      %add3A_1194 = arith.addi %mul3A_678, %add3A_1193 : i32
      %get3A_1195 = arith.index_cast %add3A_1194 : i32 to index
      %get3A_1196 = arith.constant 64 : index
      %get3A_1197 = tpu.vector_load %arg13[%get3A_1195, %get3A_1196] {strides = array<i32>} : memref<256x128xf32, #tpu.memory_space<vmem>>, vector<1x16xf32>,
      %get3A_1198 = vector.shape_cast %get3A_1197 : vector<1x16xf32> to vector<16xf32>
      %add3A_1199 = arith.addf %add3A_1192, %get3A_1198 : vector<16xf32>
      %add3A_1200 = arith.constant 8 : i32
      %add3A_1201 = arith.addi %mul3A_678, %add3A_1200 : i32
      %get3A_1202 = arith.index_cast %add3A_1201 : i32 to index
      %get3A_1203 = arith.constant 64 : index
      %get3A_1204 = tpu.vector_load %arg13[%get3A_1202, %get3A_1203] {strides = array<i32>} : memref<256x128xf32, #tpu.memory_space<vmem>>, vector<1x16xf32>,
      %get3A_1205 = vector.shape_cast %get3A_1204 : vector<1x16xf32> to vector<16xf32>
      %add3A_1206 = arith.addf %add3A_1199, %get3A_1205 : vector<16xf32>
      %add3A_1207 = arith.constant 9 : i32
      %add3A_1208 = arith.addi %mul3A_678, %add3A_1207 : i32
      %get3A_1209 = arith.index_cast %add3A_1208 : i32 to index
      %get3A_1210 = arith.constant 64 : index
      %get3A_1211 = tpu.vector_load %arg13[%get3A_1209, %get3A_1210] {strides = array<i32>} : memref<256x128xf32, #tpu.memory_space<vmem>>, vector<1x16xf32>,
      %get3A_1212 = vector.shape_cast %get3A_1211 : vector<1x16xf32> to vector<16xf32>
      %add3A_1213 = arith.addf %add3A_1206, %get3A_1212 : vector<16xf32>
      %add3A_1214 = arith.constant 10 : i32
      %add3A_1215 = arith.addi %mul3A_678, %add3A_1214 : i32
      %get3A_1216 = arith.index_cast %add3A_1215 : i32 to index
      %get3A_1217 = arith.constant 64 : index
      %get3A_1218 = tpu.vector_load %arg13[%get3A_1216, %get3A_1217] {strides = array<i32>} : memref<256x128xf32, #tpu.memory_space<vmem>>, vector<1x16xf32>,
      %get3A_1219 = vector.shape_cast %get3A_1218 : vector<1x16xf32> to vector<16xf32>
      %add3A_1220 = arith.addf %add3A_1213, %get3A_1219 : vector<16xf32>
      %add3A_1221 = arith.constant 11 : i32
      %add3A_1222 = arith.addi %mul3A_678, %add3A_1221 : i32
      %get3A_1223 = arith.index_cast %add3A_1222 : i32 to index
      %get3A_1224 = arith.constant 64 : index
      %get3A_1225 = tpu.vector_load %arg13[%get3A_1223, %get3A_1224] {strides = array<i32>} : memref<256x128xf32, #tpu.memory_space<vmem>>, vector<1x16xf32>,
      %get3A_1226 = vector.shape_cast %get3A_1225 : vector<1x16xf32> to vector<16xf32>
      %add3A_1227 = arith.addf %add3A_1220, %get3A_1226 : vector<16xf32>
      %add3A_1228 = arith.constant 12 : i32
      %add3A_1229 = arith.addi %mul3A_678, %add3A_1228 : i32
      %get3A_1230 = arith.index_cast %add3A_1229 : i32 to index
      %get3A_1231 = arith.constant 64 : index
      %get3A_1232 = tpu.vector_load %arg13[%get3A_1230, %get3A_1231] {strides = array<i32>} : memref<256x128xf32, #tpu.memory_space<vmem>>, vector<1x16xf32>,
      %get3A_1233 = vector.shape_cast %get3A_1232 : vector<1x16xf32> to vector<16xf32>
      %add3A_1234 = arith.addf %add3A_1227, %get3A_1233 : vector<16xf32>
      %add3A_1235 = arith.constant 13 : i32
      %add3A_1236 = arith.addi %mul3A_678, %add3A_1235 : i32
      %get3A_1237 = arith.index_cast %add3A_1236 : i32 to index
      %get3A_1238 = arith.constant 64 : index
      %get3A_1239 = tpu.vector_load %arg13[%get3A_1237, %get3A_1238] {strides = array<i32>} : memref<256x128xf32, #tpu.memory_space<vmem>>, vector<1x16xf32>,
      %get3A_1240 = vector.shape_cast %get3A_1239 : vector<1x16xf32> to vector<16xf32>
      %add3A_1241 = arith.addf %add3A_1234, %get3A_1240 : vector<16xf32>
      %add3A_1242 = arith.constant 14 : i32
      %add3A_1243 = arith.addi %mul3A_678, %add3A_1242 : i32
      %get3A_1244 = arith.index_cast %add3A_1243 : i32 to index
      %get3A_1245 = arith.constant 64 : index
      %get3A_1246 = tpu.vector_load %arg13[%get3A_1244, %get3A_1245] {strides = array<i32>} : memref<256x128xf32, #tpu.memory_space<vmem>>, vector<1x16xf32>,
      %get3A_1247 = vector.shape_cast %get3A_1246 : vector<1x16xf32> to vector<16xf32>
      %add3A_1248 = arith.addf %add3A_1241, %get3A_1247 : vector<16xf32>
      %add3A_1249 = arith.constant 15 : i32
      %add3A_1250 = arith.addi %mul3A_678, %add3A_1249 : i32
      %get3A_1251 = arith.index_cast %add3A_1250 : i32 to index
      %get3A_1252 = arith.constant 64 : index
      %get3A_1253 = tpu.vector_load %arg13[%get3A_1251, %get3A_1252] {strides = array<i32>} : memref<256x128xf32, #tpu.memory_space<vmem>>, vector<1x16xf32>,
      %get3A_1254 = vector.shape_cast %get3A_1253 : vector<1x16xf32> to vector<16xf32>
      %add3A_1255 = arith.addf %add3A_1248, %get3A_1254 : vector<16xf32>
      %mul3A_1256 = arith.constant 6.250000e-02 : f32
      %mul3A_1257 = vector.broadcast %mul3A_1256 : f32 to vector<16xf32>
      %mul3A_1258 = arith.mulf %add3A_1255, %mul3A_1257 : vector<16xf32>
      %swap3A_1259 = arith.index_cast %scan3A_676 : i32 to index
      %swap3A_1260 = arith.constant 64 : index
      %swap3A_1261 = tpu.vector_load %arg14[%swap3A_1259, %swap3A_1260] {strides = array<i32>} : memref<16x128xf32, #tpu.memory_space<vmem>>, vector<1x16xf32>,
      %swap3A_1262 = vector.shape_cast %swap3A_1261 : vector<1x16xf32> to vector<16xf32>
      %swap3A_1263 = vector.shape_cast %mul3A_1258 : vector<16xf32> to vector<1x16xf32>
      tpu.vector_store %arg14[%swap3A_1259, %swap3A_1260], %swap3A_1263 {strides = array<i32>} : memref<16x128xf32, #tpu.memory_space<vmem>>, vector<1x16xf32>,
      %get3A_1264 = arith.index_cast %mul3A_678 : i32 to index
      %get3A_1265 = arith.constant 80 : index
      %get3A_1266 = tpu.vector_load %arg13[%get3A_1264, %get3A_1265] {strides = array<i32>} : memref<256x128xf32, #tpu.memory_space<vmem>>, vector<1x16xf32>,
      %get3A_1267 = vector.shape_cast %get3A_1266 : vector<1x16xf32> to vector<16xf32>
      %add3A_1268 = arith.constant 1 : i32
      %add3A_1269 = arith.addi %mul3A_678, %add3A_1268 : i32
      %get3A_1270 = arith.index_cast %add3A_1269 : i32 to index
      %get3A_1271 = arith.constant 80 : index
      %get3A_1272 = tpu.vector_load %arg13[%get3A_1270, %get3A_1271] {strides = array<i32>} : memref<256x128xf32, #tpu.memory_space<vmem>>, vector<1x16xf32>,
      %get3A_1273 = vector.shape_cast %get3A_1272 : vector<1x16xf32> to vector<16xf32>
      %add3A_1274 = arith.addf %get3A_1267, %get3A_1273 : vector<16xf32>
      %add3A_1275 = arith.constant 2 : i32
      %add3A_1276 = arith.addi %mul3A_678, %add3A_1275 : i32
      %get3A_1277 = arith.index_cast %add3A_1276 : i32 to index
      %get3A_1278 = arith.constant 80 : index
      %get3A_1279 = tpu.vector_load %arg13[%get3A_1277, %get3A_1278] {strides = array<i32>} : memref<256x128xf32, #tpu.memory_space<vmem>>, vector<1x16xf32>,
      %get3A_1280 = vector.shape_cast %get3A_1279 : vector<1x16xf32> to vector<16xf32>
      %add3A_1281 = arith.addf %add3A_1274, %get3A_1280 : vector<16xf32>
      %add3A_1282 = arith.constant 3 : i32
      %add3A_1283 = arith.addi %mul3A_678, %add3A_1282 : i32
      %get3A_1284 = arith.index_cast %add3A_1283 : i32 to index
      %get3A_1285 = arith.constant 80 : index
      %get3A_1286 = tpu.vector_load %arg13[%get3A_1284, %get3A_1285] {strides = array<i32>} : memref<256x128xf32, #tpu.memory_space<vmem>>, vector<1x16xf32>,
      %get3A_1287 = vector.shape_cast %get3A_1286 : vector<1x16xf32> to vector<16xf32>
      %add3A_1288 = arith.addf %add3A_1281, %get3A_1287 : vector<16xf32>
      %add3A_1289 = arith.constant 4 : i32
      %add3A_1290 = arith.addi %mul3A_678, %add3A_1289 : i32
      %get3A_1291 = arith.index_cast %add3A_1290 : i32 to index
      %get3A_1292 = arith.constant 80 : index
      %get3A_1293 = tpu.vector_load %arg13[%get3A_1291, %get3A_1292] {strides = array<i32>} : memref<256x128xf32, #tpu.memory_space<vmem>>, vector<1x16xf32>,
      %get3A_1294 = vector.shape_cast %get3A_1293 : vector<1x16xf32> to vector<16xf32>
      %add3A_1295 = arith.addf %add3A_1288, %get3A_1294 : vector<16xf32>
      %add3A_1296 = arith.constant 5 : i32
      %add3A_1297 = arith.addi %mul3A_678, %add3A_1296 : i32
      %get3A_1298 = arith.index_cast %add3A_1297 : i32 to index
      %get3A_1299 = arith.constant 80 : index
      %get3A_1300 = tpu.vector_load %arg13[%get3A_1298, %get3A_1299] {strides = array<i32>} : memref<256x128xf32, #tpu.memory_space<vmem>>, vector<1x16xf32>,
      %get3A_1301 = vector.shape_cast %get3A_1300 : vector<1x16xf32> to vector<16xf32>
      %add3A_1302 = arith.addf %add3A_1295, %get3A_1301 : vector<16xf32>
      %add3A_1303 = arith.constant 6 : i32
      %add3A_1304 = arith.addi %mul3A_678, %add3A_1303 : i32
      %get3A_1305 = arith.index_cast %add3A_1304 : i32 to index
      %get3A_1306 = arith.constant 80 : index
      %get3A_1307 = tpu.vector_load %arg13[%get3A_1305, %get3A_1306] {strides = array<i32>} : memref<256x128xf32, #tpu.memory_space<vmem>>, vector<1x16xf32>,
      %get3A_1308 = vector.shape_cast %get3A_1307 : vector<1x16xf32> to vector<16xf32>
      %add3A_1309 = arith.addf %add3A_1302, %get3A_1308 : vector<16xf32>
      %add3A_1310 = arith.constant 7 : i32
      %add3A_1311 = arith.addi %mul3A_678, %add3A_1310 : i32
      %get3A_1312 = arith.index_cast %add3A_1311 : i32 to index
      %get3A_1313 = arith.constant 80 : index
      %get3A_1314 = tpu.vector_load %arg13[%get3A_1312, %get3A_1313] {strides = array<i32>} : memref<256x128xf32, #tpu.memory_space<vmem>>, vector<1x16xf32>,
      %get3A_1315 = vector.shape_cast %get3A_1314 : vector<1x16xf32> to vector<16xf32>
      %add3A_1316 = arith.addf %add3A_1309, %get3A_1315 : vector<16xf32>
      %add3A_1317 = arith.constant 8 : i32
      %add3A_1318 = arith.addi %mul3A_678, %add3A_1317 : i32
      %get3A_1319 = arith.index_cast %add3A_1318 : i32 to index
      %get3A_1320 = arith.constant 80 : index
      %get3A_1321 = tpu.vector_load %arg13[%get3A_1319, %get3A_1320] {strides = array<i32>} : memref<256x128xf32, #tpu.memory_space<vmem>>, vector<1x16xf32>,
      %get3A_1322 = vector.shape_cast %get3A_1321 : vector<1x16xf32> to vector<16xf32>
      %add3A_1323 = arith.addf %add3A_1316, %get3A_1322 : vector<16xf32>
      %add3A_1324 = arith.constant 9 : i32
      %add3A_1325 = arith.addi %mul3A_678, %add3A_1324 : i32
      %get3A_1326 = arith.index_cast %add3A_1325 : i32 to index
      %get3A_1327 = arith.constant 80 : index
      %get3A_1328 = tpu.vector_load %arg13[%get3A_1326, %get3A_1327] {strides = array<i32>} : memref<256x128xf32, #tpu.memory_space<vmem>>, vector<1x16xf32>,
      %get3A_1329 = vector.shape_cast %get3A_1328 : vector<1x16xf32> to vector<16xf32>
      %add3A_1330 = arith.addf %add3A_1323, %get3A_1329 : vector<16xf32>
      %add3A_1331 = arith.constant 10 : i32
      %add3A_1332 = arith.addi %mul3A_678, %add3A_1331 : i32
      %get3A_1333 = arith.index_cast %add3A_1332 : i32 to index
      %get3A_1334 = arith.constant 80 : index
      %get3A_1335 = tpu.vector_load %arg13[%get3A_1333, %get3A_1334] {strides = array<i32>} : memref<256x128xf32, #tpu.memory_space<vmem>>, vector<1x16xf32>,
      %get3A_1336 = vector.shape_cast %get3A_1335 : vector<1x16xf32> to vector<16xf32>
      %add3A_1337 = arith.addf %add3A_1330, %get3A_1336 : vector<16xf32>
      %add3A_1338 = arith.constant 11 : i32
      %add3A_1339 = arith.addi %mul3A_678, %add3A_1338 : i32
      %get3A_1340 = arith.index_cast %add3A_1339 : i32 to index
      %get3A_1341 = arith.constant 80 : index
      %get3A_1342 = tpu.vector_load %arg13[%get3A_1340, %get3A_1341] {strides = array<i32>} : memref<256x128xf32, #tpu.memory_space<vmem>>, vector<1x16xf32>,
      %get3A_1343 = vector.shape_cast %get3A_1342 : vector<1x16xf32> to vector<16xf32>
      %add3A_1344 = arith.addf %add3A_1337, %get3A_1343 : vector<16xf32>
      %add3A_1345 = arith.constant 12 : i32
      %add3A_1346 = arith.addi %mul3A_678, %add3A_1345 : i32
      %get3A_1347 = arith.index_cast %add3A_1346 : i32 to index
      %get3A_1348 = arith.constant 80 : index
      %get3A_1349 = tpu.vector_load %arg13[%get3A_1347, %get3A_1348] {strides = array<i32>} : memref<256x128xf32, #tpu.memory_space<vmem>>, vector<1x16xf32>,
      %get3A_1350 = vector.shape_cast %get3A_1349 : vector<1x16xf32> to vector<16xf32>
      %add3A_1351 = arith.addf %add3A_1344, %get3A_1350 : vector<16xf32>
      %add3A_1352 = arith.constant 13 : i32
      %add3A_1353 = arith.addi %mul3A_678, %add3A_1352 : i32
      %get3A_1354 = arith.index_cast %add3A_1353 : i32 to index
      %get3A_1355 = arith.constant 80 : index
      %get3A_1356 = tpu.vector_load %arg13[%get3A_1354, %get3A_1355] {strides = array<i32>} : memref<256x128xf32, #tpu.memory_space<vmem>>, vector<1x16xf32>,
      %get3A_1357 = vector.shape_cast %get3A_1356 : vector<1x16xf32> to vector<16xf32>
      %add3A_1358 = arith.addf %add3A_1351, %get3A_1357 : vector<16xf32>
      %add3A_1359 = arith.constant 14 : i32
      %add3A_1360 = arith.addi %mul3A_678, %add3A_1359 : i32
      %get3A_1361 = arith.index_cast %add3A_1360 : i32 to index
      %get3A_1362 = arith.constant 80 : index
      %get3A_1363 = tpu.vector_load %arg13[%get3A_1361, %get3A_1362] {strides = array<i32>} : memref<256x128xf32, #tpu.memory_space<vmem>>, vector<1x16xf32>,
      %get3A_1364 = vector.shape_cast %get3A_1363 : vector<1x16xf32> to vector<16xf32>
      %add3A_1365 = arith.addf %add3A_1358, %get3A_1364 : vector<16xf32>
      %add3A_1366 = arith.constant 15 : i32
      %add3A_1367 = arith.addi %mul3A_678, %add3A_1366 : i32
      %get3A_1368 = arith.index_cast %add3A_1367 : i32 to index
      %get3A_1369 = arith.constant 80 : index
      %get3A_1370 = tpu.vector_load %arg13[%get3A_1368, %get3A_1369] {strides = array<i32>} : memref<256x128xf32, #tpu.memory_space<vmem>>, vector<1x16xf32>,
      %get3A_1371 = vector.shape_cast %get3A_1370 : vector<1x16xf32> to vector<16xf32>
      %add3A_1372 = arith.addf %add3A_1365, %get3A_1371 : vector<16xf32>
      %mul3A_1373 = arith.constant 6.250000e-02 : f32
      %mul3A_1374 = vector.broadcast %mul3A_1373 : f32 to vector<16xf32>
      %mul3A_1375 = arith.mulf %add3A_1372, %mul3A_1374 : vector<16xf32>
      %swap3A_1376 = arith.index_cast %scan3A_676 : i32 to index
      %swap3A_1377 = arith.constant 80 : index
      %swap3A_1378 = tpu.vector_load %arg14[%swap3A_1376, %swap3A_1377] {strides = array<i32>} : memref<16x128xf32, #tpu.memory_space<vmem>>, vector<1x16xf32>,
      %swap3A_1379 = vector.shape_cast %swap3A_1378 : vector<1x16xf32> to vector<16xf32>
      %swap3A_1380 = vector.shape_cast %mul3A_1375 : vector<16xf32> to vector<1x16xf32>
      tpu.vector_store %arg14[%swap3A_1376, %swap3A_1377], %swap3A_1380 {strides = array<i32>} : memref<16x128xf32, #tpu.memory_space<vmem>>, vector<1x16xf32>,
      %get3A_1381 = arith.index_cast %mul3A_678 : i32 to index
      %get3A_1382 = arith.constant 96 : index
      %get3A_1383 = tpu.vector_load %arg13[%get3A_1381, %get3A_1382] {strides = array<i32>} : memref<256x128xf32, #tpu.memory_space<vmem>>, vector<1x16xf32>,
      %get3A_1384 = vector.shape_cast %get3A_1383 : vector<1x16xf32> to vector<16xf32>
      %add3A_1385 = arith.constant 1 : i32
      %add3A_1386 = arith.addi %mul3A_678, %add3A_1385 : i32
      %get3A_1387 = arith.index_cast %add3A_1386 : i32 to index
      %get3A_1388 = arith.constant 96 : index
      %get3A_1389 = tpu.vector_load %arg13[%get3A_1387, %get3A_1388] {strides = array<i32>} : memref<256x128xf32, #tpu.memory_space<vmem>>, vector<1x16xf32>,
      %get3A_1390 = vector.shape_cast %get3A_1389 : vector<1x16xf32> to vector<16xf32>
      %add3A_1391 = arith.addf %get3A_1384, %get3A_1390 : vector<16xf32>
      %add3A_1392 = arith.constant 2 : i32
      %add3A_1393 = arith.addi %mul3A_678, %add3A_1392 : i32
      %get3A_1394 = arith.index_cast %add3A_1393 : i32 to index
      %get3A_1395 = arith.constant 96 : index
      %get3A_1396 = tpu.vector_load %arg13[%get3A_1394, %get3A_1395] {strides = array<i32>} : memref<256x128xf32, #tpu.memory_space<vmem>>, vector<1x16xf32>,
      %get3A_1397 = vector.shape_cast %get3A_1396 : vector<1x16xf32> to vector<16xf32>
      %add3A_1398 = arith.addf %add3A_1391, %get3A_1397 : vector<16xf32>
      %add3A_1399 = arith.constant 3 : i32
      %add3A_1400 = arith.addi %mul3A_678, %add3A_1399 : i32
      %get3A_1401 = arith.index_cast %add3A_1400 : i32 to index
      %get3A_1402 = arith.constant 96 : index
      %get3A_1403 = tpu.vector_load %arg13[%get3A_1401, %get3A_1402] {strides = array<i32>} : memref<256x128xf32, #tpu.memory_space<vmem>>, vector<1x16xf32>,
      %get3A_1404 = vector.shape_cast %get3A_1403 : vector<1x16xf32> to vector<16xf32>
      %add3A_1405 = arith.addf %add3A_1398, %get3A_1404 : vector<16xf32>
      %add3A_1406 = arith.constant 4 : i32
      %add3A_1407 = arith.addi %mul3A_678, %add3A_1406 : i32
      %get3A_1408 = arith.index_cast %add3A_1407 : i32 to index
      %get3A_1409 = arith.constant 96 : index
      %get3A_1410 = tpu.vector_load %arg13[%get3A_1408, %get3A_1409] {strides = array<i32>} : memref<256x128xf32, #tpu.memory_space<vmem>>, vector<1x16xf32>,
      %get3A_1411 = vector.shape_cast %get3A_1410 : vector<1x16xf32> to vector<16xf32>
      %add3A_1412 = arith.addf %add3A_1405, %get3A_1411 : vector<16xf32>
      %add3A_1413 = arith.constant 5 : i32
      %add3A_1414 = arith.addi %mul3A_678, %add3A_1413 : i32
      %get3A_1415 = arith.index_cast %add3A_1414 : i32 to index
      %get3A_1416 = arith.constant 96 : index
      %get3A_1417 = tpu.vector_load %arg13[%get3A_1415, %get3A_1416] {strides = array<i32>} : memref<256x128xf32, #tpu.memory_space<vmem>>, vector<1x16xf32>,
      %get3A_1418 = vector.shape_cast %get3A_1417 : vector<1x16xf32> to vector<16xf32>
      %add3A_1419 = arith.addf %add3A_1412, %get3A_1418 : vector<16xf32>
      %add3A_1420 = arith.constant 6 : i32
      %add3A_1421 = arith.addi %mul3A_678, %add3A_1420 : i32
      %get3A_1422 = arith.index_cast %add3A_1421 : i32 to index
      %get3A_1423 = arith.constant 96 : index
      %get3A_1424 = tpu.vector_load %arg13[%get3A_1422, %get3A_1423] {strides = array<i32>} : memref<256x128xf32, #tpu.memory_space<vmem>>, vector<1x16xf32>,
      %get3A_1425 = vector.shape_cast %get3A_1424 : vector<1x16xf32> to vector<16xf32>
      %add3A_1426 = arith.addf %add3A_1419, %get3A_1425 : vector<16xf32>
      %add3A_1427 = arith.constant 7 : i32
      %add3A_1428 = arith.addi %mul3A_678, %add3A_1427 : i32
      %get3A_1429 = arith.index_cast %add3A_1428 : i32 to index
      %get3A_1430 = arith.constant 96 : index
      %get3A_1431 = tpu.vector_load %arg13[%get3A_1429, %get3A_1430] {strides = array<i32>} : memref<256x128xf32, #tpu.memory_space<vmem>>, vector<1x16xf32>,
      %get3A_1432 = vector.shape_cast %get3A_1431 : vector<1x16xf32> to vector<16xf32>
      %add3A_1433 = arith.addf %add3A_1426, %get3A_1432 : vector<16xf32>
      %add3A_1434 = arith.constant 8 : i32
      %add3A_1435 = arith.addi %mul3A_678, %add3A_1434 : i32
      %get3A_1436 = arith.index_cast %add3A_1435 : i32 to index
      %get3A_1437 = arith.constant 96 : index
      %get3A_1438 = tpu.vector_load %arg13[%get3A_1436, %get3A_1437] {strides = array<i32>} : memref<256x128xf32, #tpu.memory_space<vmem>>, vector<1x16xf32>,
      %get3A_1439 = vector.shape_cast %get3A_1438 : vector<1x16xf32> to vector<16xf32>
      %add3A_1440 = arith.addf %add3A_1433, %get3A_1439 : vector<16xf32>
      %add3A_1441 = arith.constant 9 : i32
      %add3A_1442 = arith.addi %mul3A_678, %add3A_1441 : i32
      %get3A_1443 = arith.index_cast %add3A_1442 : i32 to index
      %get3A_1444 = arith.constant 96 : index
      %get3A_1445 = tpu.vector_load %arg13[%get3A_1443, %get3A_1444] {strides = array<i32>} : memref<256x128xf32, #tpu.memory_space<vmem>>, vector<1x16xf32>,
      %get3A_1446 = vector.shape_cast %get3A_1445 : vector<1x16xf32> to vector<16xf32>
      %add3A_1447 = arith.addf %add3A_1440, %get3A_1446 : vector<16xf32>
      %add3A_1448 = arith.constant 10 : i32
      %add3A_1449 = arith.addi %mul3A_678, %add3A_1448 : i32
      %get3A_1450 = arith.index_cast %add3A_1449 : i32 to index
      %get3A_1451 = arith.constant 96 : index
      %get3A_1452 = tpu.vector_load %arg13[%get3A_1450, %get3A_1451] {strides = array<i32>} : memref<256x128xf32, #tpu.memory_space<vmem>>, vector<1x16xf32>,
      %get3A_1453 = vector.shape_cast %get3A_1452 : vector<1x16xf32> to vector<16xf32>
      %add3A_1454 = arith.addf %add3A_1447, %get3A_1453 : vector<16xf32>
      %add3A_1455 = arith.constant 11 : i32
      %add3A_1456 = arith.addi %mul3A_678, %add3A_1455 : i32
      %get3A_1457 = arith.index_cast %add3A_1456 : i32 to index
      %get3A_1458 = arith.constant 96 : index
      %get3A_1459 = tpu.vector_load %arg13[%get3A_1457, %get3A_1458] {strides = array<i32>} : memref<256x128xf32, #tpu.memory_space<vmem>>, vector<1x16xf32>,
      %get3A_1460 = vector.shape_cast %get3A_1459 : vector<1x16xf32> to vector<16xf32>
      %add3A_1461 = arith.addf %add3A_1454, %get3A_1460 : vector<16xf32>
      %add3A_1462 = arith.constant 12 : i32
      %add3A_1463 = arith.addi %mul3A_678, %add3A_1462 : i32
      %get3A_1464 = arith.index_cast %add3A_1463 : i32 to index
      %get3A_1465 = arith.constant 96 : index
      %get3A_1466 = tpu.vector_load %arg13[%get3A_1464, %get3A_1465] {strides = array<i32>} : memref<256x128xf32, #tpu.memory_space<vmem>>, vector<1x16xf32>,
      %get3A_1467 = vector.shape_cast %get3A_1466 : vector<1x16xf32> to vector<16xf32>
      %add3A_1468 = arith.addf %add3A_1461, %get3A_1467 : vector<16xf32>
      %add3A_1469 = arith.constant 13 : i32
      %add3A_1470 = arith.addi %mul3A_678, %add3A_1469 : i32
      %get3A_1471 = arith.index_cast %add3A_1470 : i32 to index
      %get3A_1472 = arith.constant 96 : index
      %get3A_1473 = tpu.vector_load %arg13[%get3A_1471, %get3A_1472] {strides = array<i32>} : memref<256x128xf32, #tpu.memory_space<vmem>>, vector<1x16xf32>,
      %get3A_1474 = vector.shape_cast %get3A_1473 : vector<1x16xf32> to vector<16xf32>
      %add3A_1475 = arith.addf %add3A_1468, %get3A_1474 : vector<16xf32>
      %add3A_1476 = arith.constant 14 : i32
      %add3A_1477 = arith.addi %mul3A_678, %add3A_1476 : i32
      %get3A_1478 = arith.index_cast %add3A_1477 : i32 to index
      %get3A_1479 = arith.constant 96 : index
      %get3A_1480 = tpu.vector_load %arg13[%get3A_1478, %get3A_1479] {strides = array<i32>} : memref<256x128xf32, #tpu.memory_space<vmem>>, vector<1x16xf32>,
      %get3A_1481 = vector.shape_cast %get3A_1480 : vector<1x16xf32> to vector<16xf32>
      %add3A_1482 = arith.addf %add3A_1475, %get3A_1481 : vector<16xf32>
      %add3A_1483 = arith.constant 15 : i32
      %add3A_1484 = arith.addi %mul3A_678, %add3A_1483 : i32
      %get3A_1485 = arith.index_cast %add3A_1484 : i32 to index
      %get3A_1486 = arith.constant 96 : index
      %get3A_1487 = tpu.vector_load %arg13[%get3A_1485, %get3A_1486] {strides = array<i32>} : memref<256x128xf32, #tpu.memory_space<vmem>>, vector<1x16xf32>,
      %get3A_1488 = vector.shape_cast %get3A_1487 : vector<1x16xf32> to vector<16xf32>
      %add3A_1489 = arith.addf %add3A_1482, %get3A_1488 : vector<16xf32>
      %mul3A_1490 = arith.constant 6.250000e-02 : f32
      %mul3A_1491 = vector.broadcast %mul3A_1490 : f32 to vector<16xf32>
      %mul3A_1492 = arith.mulf %add3A_1489, %mul3A_1491 : vector<16xf32>
      %swap3A_1493 = arith.index_cast %scan3A_676 : i32 to index
      %swap3A_1494 = arith.constant 96 : index
      %swap3A_1495 = tpu.vector_load %arg14[%swap3A_1493, %swap3A_1494] {strides = array<i32>} : memref<16x128xf32, #tpu.memory_space<vmem>>, vector<1x16xf32>,
      %swap3A_1496 = vector.shape_cast %swap3A_1495 : vector<1x16xf32> to vector<16xf32>
      %swap3A_1497 = vector.shape_cast %mul3A_1492 : vector<16xf32> to vector<1x16xf32>
      tpu.vector_store %arg14[%swap3A_1493, %swap3A_1494], %swap3A_1497 {strides = array<i32>} : memref<16x128xf32, #tpu.memory_space<vmem>>, vector<1x16xf32>,
      %get3A_1498 = arith.index_cast %mul3A_678 : i32 to index
      %get3A_1499 = arith.constant 112 : index
      %get3A_1500 = tpu.vector_load %arg13[%get3A_1498, %get3A_1499] {strides = array<i32>} : memref<256x128xf32, #tpu.memory_space<vmem>>, vector<1x16xf32>,
      %get3A_1501 = vector.shape_cast %get3A_1500 : vector<1x16xf32> to vector<16xf32>
      %add3A_1502 = arith.constant 1 : i32
      %add3A_1503 = arith.addi %mul3A_678, %add3A_1502 : i32
      %get3A_1504 = arith.index_cast %add3A_1503 : i32 to index
      %get3A_1505 = arith.constant 112 : index
      %get3A_1506 = tpu.vector_load %arg13[%get3A_1504, %get3A_1505] {strides = array<i32>} : memref<256x128xf32, #tpu.memory_space<vmem>>, vector<1x16xf32>,
      %get3A_1507 = vector.shape_cast %get3A_1506 : vector<1x16xf32> to vector<16xf32>
      %add3A_1508 = arith.addf %get3A_1501, %get3A_1507 : vector<16xf32>
      %add3A_1509 = arith.constant 2 : i32
      %add3A_1510 = arith.addi %mul3A_678, %add3A_1509 : i32
      %get3A_1511 = arith.index_cast %add3A_1510 : i32 to index
      %get3A_1512 = arith.constant 112 : index
      %get3A_1513 = tpu.vector_load %arg13[%get3A_1511, %get3A_1512] {strides = array<i32>} : memref<256x128xf32, #tpu.memory_space<vmem>>, vector<1x16xf32>,
      %get3A_1514 = vector.shape_cast %get3A_1513 : vector<1x16xf32> to vector<16xf32>
      %add3A_1515 = arith.addf %add3A_1508, %get3A_1514 : vector<16xf32>
      %add3A_1516 = arith.constant 3 : i32
      %add3A_1517 = arith.addi %mul3A_678, %add3A_1516 : i32
      %get3A_1518 = arith.index_cast %add3A_1517 : i32 to index
      %get3A_1519 = arith.constant 112 : index
      %get3A_1520 = tpu.vector_load %arg13[%get3A_1518, %get3A_1519] {strides = array<i32>} : memref<256x128xf32, #tpu.memory_space<vmem>>, vector<1x16xf32>,
      %get3A_1521 = vector.shape_cast %get3A_1520 : vector<1x16xf32> to vector<16xf32>
      %add3A_1522 = arith.addf %add3A_1515, %get3A_1521 : vector<16xf32>
      %add3A_1523 = arith.constant 4 : i32
      %add3A_1524 = arith.addi %mul3A_678, %add3A_1523 : i32
      %get3A_1525 = arith.index_cast %add3A_1524 : i32 to index
      %get3A_1526 = arith.constant 112 : index
      %get3A_1527 = tpu.vector_load %arg13[%get3A_1525, %get3A_1526] {strides = array<i32>} : memref<256x128xf32, #tpu.memory_space<vmem>>, vector<1x16xf32>,
      %get3A_1528 = vector.shape_cast %get3A_1527 : vector<1x16xf32> to vector<16xf32>
      %add3A_1529 = arith.addf %add3A_1522, %get3A_1528 : vector<16xf32>
      %add3A_1530 = arith.constant 5 : i32
      %add3A_1531 = arith.addi %mul3A_678, %add3A_1530 : i32
      %get3A_1532 = arith.index_cast %add3A_1531 : i32 to index
      %get3A_1533 = arith.constant 112 : index
      %get3A_1534 = tpu.vector_load %arg13[%get3A_1532, %get3A_1533] {strides = array<i32>} : memref<256x128xf32, #tpu.memory_space<vmem>>, vector<1x16xf32>,
      %get3A_1535 = vector.shape_cast %get3A_1534 : vector<1x16xf32> to vector<16xf32>
      %add3A_1536 = arith.addf %add3A_1529, %get3A_1535 : vector<16xf32>
      %add3A_1537 = arith.constant 6 : i32
      %add3A_1538 = arith.addi %mul3A_678, %add3A_1537 : i32
      %get3A_1539 = arith.index_cast %add3A_1538 : i32 to index
      %get3A_1540 = arith.constant 112 : index
      %get3A_1541 = tpu.vector_load %arg13[%get3A_1539, %get3A_1540] {strides = array<i32>} : memref<256x128xf32, #tpu.memory_space<vmem>>, vector<1x16xf32>,
      %get3A_1542 = vector.shape_cast %get3A_1541 : vector<1x16xf32> to vector<16xf32>
      %add3A_1543 = arith.addf %add3A_1536, %get3A_1542 : vector<16xf32>
      %add3A_1544 = arith.constant 7 : i32
      %add3A_1545 = arith.addi %mul3A_678, %add3A_1544 : i32
      %get3A_1546 = arith.index_cast %add3A_1545 : i32 to index
      %get3A_1547 = arith.constant 112 : index
      %get3A_1548 = tpu.vector_load %arg13[%get3A_1546, %get3A_1547] {strides = array<i32>} : memref<256x128xf32, #tpu.memory_space<vmem>>, vector<1x16xf32>,
      %get3A_1549 = vector.shape_cast %get3A_1548 : vector<1x16xf32> to vector<16xf32>
      %add3A_1550 = arith.addf %add3A_1543, %get3A_1549 : vector<16xf32>
      %add3A_1551 = arith.constant 8 : i32
      %add3A_1552 = arith.addi %mul3A_678, %add3A_1551 : i32
      %get3A_1553 = arith.index_cast %add3A_1552 : i32 to index
      %get3A_1554 = arith.constant 112 : index
      %get3A_1555 = tpu.vector_load %arg13[%get3A_1553, %get3A_1554] {strides = array<i32>} : memref<256x128xf32, #tpu.memory_space<vmem>>, vector<1x16xf32>,
      %get3A_1556 = vector.shape_cast %get3A_1555 : vector<1x16xf32> to vector<16xf32>
      %add3A_1557 = arith.addf %add3A_1550, %get3A_1556 : vector<16xf32>
      %add3A_1558 = arith.constant 9 : i32
      %add3A_1559 = arith.addi %mul3A_678, %add3A_1558 : i32
      %get3A_1560 = arith.index_cast %add3A_1559 : i32 to index
      %get3A_1561 = arith.constant 112 : index
      %get3A_1562 = tpu.vector_load %arg13[%get3A_1560, %get3A_1561] {strides = array<i32>} : memref<256x128xf32, #tpu.memory_space<vmem>>, vector<1x16xf32>,
      %get3A_1563 = vector.shape_cast %get3A_1562 : vector<1x16xf32> to vector<16xf32>
      %add3A_1564 = arith.addf %add3A_1557, %get3A_1563 : vector<16xf32>
      %add3A_1565 = arith.constant 10 : i32
      %add3A_1566 = arith.addi %mul3A_678, %add3A_1565 : i32
      %get3A_1567 = arith.index_cast %add3A_1566 : i32 to index
      %get3A_1568 = arith.constant 112 : index
      %get3A_1569 = tpu.vector_load %arg13[%get3A_1567, %get3A_1568] {strides = array<i32>} : memref<256x128xf32, #tpu.memory_space<vmem>>, vector<1x16xf32>,
      %get3A_1570 = vector.shape_cast %get3A_1569 : vector<1x16xf32> to vector<16xf32>
      %add3A_1571 = arith.addf %add3A_1564, %get3A_1570 : vector<16xf32>
      %add3A_1572 = arith.constant 11 : i32
      %add3A_1573 = arith.addi %mul3A_678, %add3A_1572 : i32
      %get3A_1574 = arith.index_cast %add3A_1573 : i32 to index
      %get3A_1575 = arith.constant 112 : index
      %get3A_1576 = tpu.vector_load %arg13[%get3A_1574, %get3A_1575] {strides = array<i32>} : memref<256x128xf32, #tpu.memory_space<vmem>>, vector<1x16xf32>,
      %get3A_1577 = vector.shape_cast %get3A_1576 : vector<1x16xf32> to vector<16xf32>
      %add3A_1578 = arith.addf %add3A_1571, %get3A_1577 : vector<16xf32>
      %add3A_1579 = arith.constant 12 : i32
      %add3A_1580 = arith.addi %mul3A_678, %add3A_1579 : i32
      %get3A_1581 = arith.index_cast %add3A_1580 : i32 to index
      %get3A_1582 = arith.constant 112 : index
      %get3A_1583 = tpu.vector_load %arg13[%get3A_1581, %get3A_1582] {strides = array<i32>} : memref<256x128xf32, #tpu.memory_space<vmem>>, vector<1x16xf32>,
      %get3A_1584 = vector.shape_cast %get3A_1583 : vector<1x16xf32> to vector<16xf32>
      %add3A_1585 = arith.addf %add3A_1578, %get3A_1584 : vector<16xf32>
      %add3A_1586 = arith.constant 13 : i32
      %add3A_1587 = arith.addi %mul3A_678, %add3A_1586 : i32
      %get3A_1588 = arith.index_cast %add3A_1587 : i32 to index
      %get3A_1589 = arith.constant 112 : index
      %get3A_1590 = tpu.vector_load %arg13[%get3A_1588, %get3A_1589] {strides = array<i32>} : memref<256x128xf32, #tpu.memory_space<vmem>>, vector<1x16xf32>,
      %get3A_1591 = vector.shape_cast %get3A_1590 : vector<1x16xf32> to vector<16xf32>
      %add3A_1592 = arith.addf %add3A_1585, %get3A_1591 : vector<16xf32>
      %add3A_1593 = arith.constant 14 : i32
      %add3A_1594 = arith.addi %mul3A_678, %add3A_1593 : i32
      %get3A_1595 = arith.index_cast %add3A_1594 : i32 to index
      %get3A_1596 = arith.constant 112 : index
      %get3A_1597 = tpu.vector_load %arg13[%get3A_1595, %get3A_1596] {strides = array<i32>} : memref<256x128xf32, #tpu.memory_space<vmem>>, vector<1x16xf32>,
      %get3A_1598 = vector.shape_cast %get3A_1597 : vector<1x16xf32> to vector<16xf32>
      %add3A_1599 = arith.addf %add3A_1592, %get3A_1598 : vector<16xf32>
      %add3A_1600 = arith.constant 15 : i32
      %add3A_1601 = arith.addi %mul3A_678, %add3A_1600 : i32
      %get3A_1602 = arith.index_cast %add3A_1601 : i32 to index
      %get3A_1603 = arith.constant 112 : index
      %get3A_1604 = tpu.vector_load %arg13[%get3A_1602, %get3A_1603] {strides = array<i32>} : memref<256x128xf32, #tpu.memory_space<vmem>>, vector<1x16xf32>,
      %get3A_1605 = vector.shape_cast %get3A_1604 : vector<1x16xf32> to vector<16xf32>
      %add3A_1606 = arith.addf %add3A_1599, %get3A_1605 : vector<16xf32>
      %mul3A_1607 = arith.constant 6.250000e-02 : f32
      %mul3A_1608 = vector.broadcast %mul3A_1607 : f32 to vector<16xf32>
      %mul3A_1609 = arith.mulf %add3A_1606, %mul3A_1608 : vector<16xf32>
      %swap3A_1610 = arith.index_cast %scan3A_676 : i32 to index
      %swap3A_1611 = arith.constant 112 : index
      %swap3A_1612 = tpu.vector_load %arg14[%swap3A_1610, %swap3A_1611] {strides = array<i32>} : memref<16x128xf32, #tpu.memory_space<vmem>>, vector<1x16xf32>,
      %swap3A_1613 = vector.shape_cast %swap3A_1612 : vector<1x16xf32> to vector<16xf32>
      %swap3A_1614 = vector.shape_cast %mul3A_1609 : vector<16xf32> to vector<1x16xf32>
      tpu.vector_store %arg14[%swap3A_1610, %swap3A_1611], %swap3A_1614 {strides = array<i32>} : memref<16x128xf32, #tpu.memory_space<vmem>>, vector<1x16xf32>,
    }
    %scan3A_222 = arith.constant 16 : i32
    %add3A_223 = arith.constant 0 : i32
    %add3A_224 = arith.addi %add3A_223, %mul3A_2 : i32
    "tpu.region"() ({
      %run_scoped3A = tpu.sem_alloc : memref<!tpu.dma_semaphore, #tpu.memory_space<semaphore_mem>>
      %dma_start3A_676 = arith.constant 0 : i32
      %dma_start3A_677 = tpu.memref_slice %arg8[%add3A_224, %dma_start3A_676] : memref<1536x128xf32, #tpu.memory_space<hbm>> -> memref<16x128xf32, #tpu.memory_space<hbm>>
      %dma_start3A_678 = arith.constant 0 : i32
      %dma_start3A_679 = tpu.memref_slice %arg8[%add3A_224, %dma_start3A_678] : memref<1536x128xf32, #tpu.memory_space<hbm>> -> memref<16x128xf32, #tpu.memory_space<hbm>>
      tpu.enqueue_dma source(%arg14 : memref<16x128xf32, #tpu.memory_space<vmem>>) target(%dma_start3A_679 : memref<16x128xf32, #tpu.memory_space<hbm>>) target_semaphore(%run_scoped3A : memref<!tpu.dma_semaphore, #tpu.memory_space<semaphore_mem>>)
      %dma_wait3A_680 = arith.constant 0 : i32
      %dma_wait3A_681 = tpu.memref_slice %arg8[%add3A_224, %dma_wait3A_680] : memref<1536x128xf32, #tpu.memory_space<hbm>> -> memref<16x128xf32, #tpu.memory_space<hbm>>
      %dma_wait3A_682 = arith.constant 0 : i32
      %dma_wait3A_683 = tpu.memref_slice %arg8[%add3A_224, %dma_wait3A_682] : memref<1536x128xf32, #tpu.memory_space<hbm>> -> memref<16x128xf32, #tpu.memory_space<hbm>>
      tpu.wait_dma2 semaphore(%run_scoped3A : memref<!tpu.dma_semaphore, #tpu.memory_space<semaphore_mem>>) src(%arg14 : memref<16x128xf32, #tpu.memory_space<vmem>>) dst(%dma_wait3A_683 : memref<16x128xf32, #tpu.memory_space<hbm>>)
      tpu.yield
    }) : () -> ()
    "tpu.region"() ({
      %run_scoped3A = tpu.sem_alloc : memref<!tpu.dma_semaphore, #tpu.memory_space<semaphore_mem>>
      %dma_start3A_676 = arith.constant 0 : i32
      %dma_start3A_677 = tpu.memref_slice %arg4[%mul3A_2, %dma_start3A_676] : memref<512x16xi32, #tpu.memory_space<hbm>> -> memref<16x16xi32, #tpu.memory_space<hbm>>
      %dma_start3A_678 = arith.constant 0 : i32
      %dma_start3A_679 = tpu.memref_slice %arg4[%mul3A_2, %dma_start3A_678] : memref<512x16xi32, #tpu.memory_space<hbm>> -> memref<16x16xi32, #tpu.memory_space<hbm>>
      tpu.enqueue_dma source(%dma_start3A_679 : memref<16x16xi32, #tpu.memory_space<hbm>>) target(%arg11 : memref<16x16xi32, #tpu.memory_space<vmem>>) target_semaphore(%run_scoped3A : memref<!tpu.dma_semaphore, #tpu.memory_space<semaphore_mem>>)
      %dma_wait3A_680 = arith.constant 0 : i32
      %dma_wait3A_681 = tpu.memref_slice %arg4[%mul3A_2, %dma_wait3A_680] : memref<512x16xi32, #tpu.memory_space<hbm>> -> memref<16x16xi32, #tpu.memory_space<hbm>>
      %dma_wait3A_682 = arith.constant 0 : i32
      %dma_wait3A_683 = tpu.memref_slice %arg4[%mul3A_2, %dma_wait3A_682] : memref<512x16xi32, #tpu.memory_space<hbm>> -> memref<16x16xi32, #tpu.memory_space<hbm>>
      tpu.wait_dma2 semaphore(%run_scoped3A : memref<!tpu.dma_semaphore, #tpu.memory_space<semaphore_mem>>) src(%dma_wait3A_683 : memref<16x16xi32, #tpu.memory_space<hbm>>) dst(%arg11 : memref<16x16xi32, #tpu.memory_space<vmem>>)
      tpu.yield
    }) : () -> ()
    %get3A_225 = arith.constant 0 : i32
    %get3A_226 = arith.index_cast %get3A_225 : i32 to index
    %get3A_227 = arith.constant 0 : index
    %get3A_228 = tpu.vector_load %arg11[%get3A_226, %get3A_227] {strides = array<i32>} : memref<16x16xi32, #tpu.memory_space<vmem>>, vector<1x16xi32>,
    %get3A_229 = vector.shape_cast %get3A_228 : vector<1x16xi32> to vector<16xi32>
    %swap3A_230 = arith.constant 0 : i32
    %swap3A_231 = arith.index_cast %swap3A_230 : i32 to index
    %swap3A_232 = arith.constant 0 : index
    %swap3A_233 = tpu.vector_load %arg12[%swap3A_231, %swap3A_232] {strides = array<i32>} : memref<2x128xi32, #tpu.memory_space<vmem>>, vector<1x16xi32>,
    %swap3A_234 = vector.shape_cast %swap3A_233 : vector<1x16xi32> to vector<16xi32>
    %swap3A_235 = vector.shape_cast %get3A_229 : vector<16xi32> to vector<1x16xi32>
    tpu.vector_store %arg12[%swap3A_231, %swap3A_232], %swap3A_235 {strides = array<i32>} : memref<2x128xi32, #tpu.memory_space<vmem>>, vector<1x16xi32>,
    %get3A_236 = arith.constant 1 : i32
    %get3A_237 = arith.index_cast %get3A_236 : i32 to index
    %get3A_238 = arith.constant 0 : index
    %get3A_239 = tpu.vector_load %arg11[%get3A_237, %get3A_238] {strides = array<i32>} : memref<16x16xi32, #tpu.memory_space<vmem>>, vector<1x16xi32>,
    %get3A_240 = vector.shape_cast %get3A_239 : vector<1x16xi32> to vector<16xi32>
    %swap3A_241 = arith.constant 0 : i32
    %swap3A_242 = arith.index_cast %swap3A_241 : i32 to index
    %swap3A_243 = arith.constant 16 : index
    %swap3A_244 = tpu.vector_load %arg12[%swap3A_242, %swap3A_243] {strides = array<i32>} : memref<2x128xi32, #tpu.memory_space<vmem>>, vector<1x16xi32>,
    %swap3A_245 = vector.shape_cast %swap3A_244 : vector<1x16xi32> to vector<16xi32>
    %swap3A_246 = vector.shape_cast %get3A_240 : vector<16xi32> to vector<1x16xi32>
    tpu.vector_store %arg12[%swap3A_242, %swap3A_243], %swap3A_246 {strides = array<i32>} : memref<2x128xi32, #tpu.memory_space<vmem>>, vector<1x16xi32>,
    %get3A_247 = arith.constant 2 : i32
    %get3A_248 = arith.index_cast %get3A_247 : i32 to index
    %get3A_249 = arith.constant 0 : index
    %get3A_250 = tpu.vector_load %arg11[%get3A_248, %get3A_249] {strides = array<i32>} : memref<16x16xi32, #tpu.memory_space<vmem>>, vector<1x16xi32>,
    %get3A_251 = vector.shape_cast %get3A_250 : vector<1x16xi32> to vector<16xi32>
    %swap3A_252 = arith.constant 0 : i32
    %swap3A_253 = arith.index_cast %swap3A_252 : i32 to index
    %swap3A_254 = arith.constant 32 : index
    %swap3A_255 = tpu.vector_load %arg12[%swap3A_253, %swap3A_254] {strides = array<i32>} : memref<2x128xi32, #tpu.memory_space<vmem>>, vector<1x16xi32>,
    %swap3A_256 = vector.shape_cast %swap3A_255 : vector<1x16xi32> to vector<16xi32>
    %swap3A_257 = vector.shape_cast %get3A_251 : vector<16xi32> to vector<1x16xi32>
    tpu.vector_store %arg12[%swap3A_253, %swap3A_254], %swap3A_257 {strides = array<i32>} : memref<2x128xi32, #tpu.memory_space<vmem>>, vector<1x16xi32>,
    %get3A_258 = arith.constant 3 : i32
    %get3A_259 = arith.index_cast %get3A_258 : i32 to index
    %get3A_260 = arith.constant 0 : index
    %get3A_261 = tpu.vector_load %arg11[%get3A_259, %get3A_260] {strides = array<i32>} : memref<16x16xi32, #tpu.memory_space<vmem>>, vector<1x16xi32>,
    %get3A_262 = vector.shape_cast %get3A_261 : vector<1x16xi32> to vector<16xi32>
    %swap3A_263 = arith.constant 0 : i32
    %swap3A_264 = arith.index_cast %swap3A_263 : i32 to index
    %swap3A_265 = arith.constant 48 : index
    %swap3A_266 = tpu.vector_load %arg12[%swap3A_264, %swap3A_265] {strides = array<i32>} : memref<2x128xi32, #tpu.memory_space<vmem>>, vector<1x16xi32>,
    %swap3A_267 = vector.shape_cast %swap3A_266 : vector<1x16xi32> to vector<16xi32>
    %swap3A_268 = vector.shape_cast %get3A_262 : vector<16xi32> to vector<1x16xi32>
    tpu.vector_store %arg12[%swap3A_264, %swap3A_265], %swap3A_268 {strides = array<i32>} : memref<2x128xi32, #tpu.memory_space<vmem>>, vector<1x16xi32>,
    %get3A_269 = arith.constant 4 : i32
    %get3A_270 = arith.index_cast %get3A_269 : i32 to index
    %get3A_271 = arith.constant 0 : index
    %get3A_272 = tpu.vector_load %arg11[%get3A_270, %get3A_271] {strides = array<i32>} : memref<16x16xi32, #tpu.memory_space<vmem>>, vector<1x16xi32>,
    %get3A_273 = vector.shape_cast %get3A_272 : vector<1x16xi32> to vector<16xi32>
    %swap3A_274 = arith.constant 0 : i32
    %swap3A_275 = arith.index_cast %swap3A_274 : i32 to index
    %swap3A_276 = arith.constant 64 : index
    %swap3A_277 = tpu.vector_load %arg12[%swap3A_275, %swap3A_276] {strides = array<i32>} : memref<2x128xi32, #tpu.memory_space<vmem>>, vector<1x16xi32>,
    %swap3A_278 = vector.shape_cast %swap3A_277 : vector<1x16xi32> to vector<16xi32>
    %swap3A_279 = vector.shape_cast %get3A_273 : vector<16xi32> to vector<1x16xi32>
    tpu.vector_store %arg12[%swap3A_275, %swap3A_276], %swap3A_279 {strides = array<i32>} : memref<2x128xi32, #tpu.memory_space<vmem>>, vector<1x16xi32>,
    %get3A_280 = arith.constant 5 : i32
    %get3A_281 = arith.index_cast %get3A_280 : i32 to index
    %get3A_282 = arith.constant 0 : index
    %get3A_283 = tpu.vector_load %arg11[%get3A_281, %get3A_282] {strides = array<i32>} : memref<16x16xi32, #tpu.memory_space<vmem>>, vector<1x16xi32>,
    %get3A_284 = vector.shape_cast %get3A_283 : vector<1x16xi32> to vector<16xi32>
    %swap3A_285 = arith.constant 0 : i32
    %swap3A_286 = arith.index_cast %swap3A_285 : i32 to index
    %swap3A_287 = arith.constant 80 : index
    %swap3A_288 = tpu.vector_load %arg12[%swap3A_286, %swap3A_287] {strides = array<i32>} : memref<2x128xi32, #tpu.memory_space<vmem>>, vector<1x16xi32>,
    %swap3A_289 = vector.shape_cast %swap3A_288 : vector<1x16xi32> to vector<16xi32>
    %swap3A_290 = vector.shape_cast %get3A_284 : vector<16xi32> to vector<1x16xi32>
    tpu.vector_store %arg12[%swap3A_286, %swap3A_287], %swap3A_290 {strides = array<i32>} : memref<2x128xi32, #tpu.memory_space<vmem>>, vector<1x16xi32>,
    %get3A_291 = arith.constant 6 : i32
    %get3A_292 = arith.index_cast %get3A_291 : i32 to index
    %get3A_293 = arith.constant 0 : index
    %get3A_294 = tpu.vector_load %arg11[%get3A_292, %get3A_293] {strides = array<i32>} : memref<16x16xi32, #tpu.memory_space<vmem>>, vector<1x16xi32>,
    %get3A_295 = vector.shape_cast %get3A_294 : vector<1x16xi32> to vector<16xi32>
    %swap3A_296 = arith.constant 0 : i32
    %swap3A_297 = arith.index_cast %swap3A_296 : i32 to index
    %swap3A_298 = arith.constant 96 : index
    %swap3A_299 = tpu.vector_load %arg12[%swap3A_297, %swap3A_298] {strides = array<i32>} : memref<2x128xi32, #tpu.memory_space<vmem>>, vector<1x16xi32>,
    %swap3A_300 = vector.shape_cast %swap3A_299 : vector<1x16xi32> to vector<16xi32>
    %swap3A_301 = vector.shape_cast %get3A_295 : vector<16xi32> to vector<1x16xi32>
    tpu.vector_store %arg12[%swap3A_297, %swap3A_298], %swap3A_301 {strides = array<i32>} : memref<2x128xi32, #tpu.memory_space<vmem>>, vector<1x16xi32>,
    %get3A_302 = arith.constant 7 : i32
    %get3A_303 = arith.index_cast %get3A_302 : i32 to index
    %get3A_304 = arith.constant 0 : index
    %get3A_305 = tpu.vector_load %arg11[%get3A_303, %get3A_304] {strides = array<i32>} : memref<16x16xi32, #tpu.memory_space<vmem>>, vector<1x16xi32>,
    %get3A_306 = vector.shape_cast %get3A_305 : vector<1x16xi32> to vector<16xi32>
    %swap3A_307 = arith.constant 0 : i32
    %swap3A_308 = arith.index_cast %swap3A_307 : i32 to index
    %swap3A_309 = arith.constant 112 : index
    %swap3A_310 = tpu.vector_load %arg12[%swap3A_308, %swap3A_309] {strides = array<i32>} : memref<2x128xi32, #tpu.memory_space<vmem>>, vector<1x16xi32>,
    %swap3A_311 = vector.shape_cast %swap3A_310 : vector<1x16xi32> to vector<16xi32>
    %swap3A_312 = vector.shape_cast %get3A_306 : vector<16xi32> to vector<1x16xi32>
    tpu.vector_store %arg12[%swap3A_308, %swap3A_309], %swap3A_312 {strides = array<i32>} : memref<2x128xi32, #tpu.memory_space<vmem>>, vector<1x16xi32>,
    %get3A_313 = arith.constant 8 : i32
    %get3A_314 = arith.index_cast %get3A_313 : i32 to index
    %get3A_315 = arith.constant 0 : index
    %get3A_316 = tpu.vector_load %arg11[%get3A_314, %get3A_315] {strides = array<i32>} : memref<16x16xi32, #tpu.memory_space<vmem>>, vector<1x16xi32>,
    %get3A_317 = vector.shape_cast %get3A_316 : vector<1x16xi32> to vector<16xi32>
    %swap3A_318 = arith.constant 1 : i32
    %swap3A_319 = arith.index_cast %swap3A_318 : i32 to index
    %swap3A_320 = arith.constant 0 : index
    %swap3A_321 = tpu.vector_load %arg12[%swap3A_319, %swap3A_320] {strides = array<i32>} : memref<2x128xi32, #tpu.memory_space<vmem>>, vector<1x16xi32>,
    %swap3A_322 = vector.shape_cast %swap3A_321 : vector<1x16xi32> to vector<16xi32>
    %swap3A_323 = vector.shape_cast %get3A_317 : vector<16xi32> to vector<1x16xi32>
    tpu.vector_store %arg12[%swap3A_319, %swap3A_320], %swap3A_323 {strides = array<i32>} : memref<2x128xi32, #tpu.memory_space<vmem>>, vector<1x16xi32>,
    %get3A_324 = arith.constant 9 : i32
    %get3A_325 = arith.index_cast %get3A_324 : i32 to index
    %get3A_326 = arith.constant 0 : index
    %get3A_327 = tpu.vector_load %arg11[%get3A_325, %get3A_326] {strides = array<i32>} : memref<16x16xi32, #tpu.memory_space<vmem>>, vector<1x16xi32>,
    %get3A_328 = vector.shape_cast %get3A_327 : vector<1x16xi32> to vector<16xi32>
    %swap3A_329 = arith.constant 1 : i32
    %swap3A_330 = arith.index_cast %swap3A_329 : i32 to index
    %swap3A_331 = arith.constant 16 : index
    %swap3A_332 = tpu.vector_load %arg12[%swap3A_330, %swap3A_331] {strides = array<i32>} : memref<2x128xi32, #tpu.memory_space<vmem>>, vector<1x16xi32>,
    %swap3A_333 = vector.shape_cast %swap3A_332 : vector<1x16xi32> to vector<16xi32>
    %swap3A_334 = vector.shape_cast %get3A_328 : vector<16xi32> to vector<1x16xi32>
    tpu.vector_store %arg12[%swap3A_330, %swap3A_331], %swap3A_334 {strides = array<i32>} : memref<2x128xi32, #tpu.memory_space<vmem>>, vector<1x16xi32>,
    %get3A_335 = arith.constant 10 : i32
    %get3A_336 = arith.index_cast %get3A_335 : i32 to index
    %get3A_337 = arith.constant 0 : index
    %get3A_338 = tpu.vector_load %arg11[%get3A_336, %get3A_337] {strides = array<i32>} : memref<16x16xi32, #tpu.memory_space<vmem>>, vector<1x16xi32>,
    %get3A_339 = vector.shape_cast %get3A_338 : vector<1x16xi32> to vector<16xi32>
    %swap3A_340 = arith.constant 1 : i32
    %swap3A_341 = arith.index_cast %swap3A_340 : i32 to index
    %swap3A_342 = arith.constant 32 : index
    %swap3A_343 = tpu.vector_load %arg12[%swap3A_341, %swap3A_342] {strides = array<i32>} : memref<2x128xi32, #tpu.memory_space<vmem>>, vector<1x16xi32>,
    %swap3A_344 = vector.shape_cast %swap3A_343 : vector<1x16xi32> to vector<16xi32>
    %swap3A_345 = vector.shape_cast %get3A_339 : vector<16xi32> to vector<1x16xi32>
    tpu.vector_store %arg12[%swap3A_341, %swap3A_342], %swap3A_345 {strides = array<i32>} : memref<2x128xi32, #tpu.memory_space<vmem>>, vector<1x16xi32>,
    %get3A_346 = arith.constant 11 : i32
    %get3A_347 = arith.index_cast %get3A_346 : i32 to index
    %get3A_348 = arith.constant 0 : index
    %get3A_349 = tpu.vector_load %arg11[%get3A_347, %get3A_348] {strides = array<i32>} : memref<16x16xi32, #tpu.memory_space<vmem>>, vector<1x16xi32>,
    %get3A_350 = vector.shape_cast %get3A_349 : vector<1x16xi32> to vector<16xi32>
    %swap3A_351 = arith.constant 1 : i32
    %swap3A_352 = arith.index_cast %swap3A_351 : i32 to index
    %swap3A_353 = arith.constant 48 : index
    %swap3A_354 = tpu.vector_load %arg12[%swap3A_352, %swap3A_353] {strides = array<i32>} : memref<2x128xi32, #tpu.memory_space<vmem>>, vector<1x16xi32>,
    %swap3A_355 = vector.shape_cast %swap3A_354 : vector<1x16xi32> to vector<16xi32>
    %swap3A_356 = vector.shape_cast %get3A_350 : vector<16xi32> to vector<1x16xi32>
    tpu.vector_store %arg12[%swap3A_352, %swap3A_353], %swap3A_356 {strides = array<i32>} : memref<2x128xi32, #tpu.memory_space<vmem>>, vector<1x16xi32>,
    %get3A_357 = arith.constant 12 : i32
    %get3A_358 = arith.index_cast %get3A_357 : i32 to index
    %get3A_359 = arith.constant 0 : index
    %get3A_360 = tpu.vector_load %arg11[%get3A_358, %get3A_359] {strides = array<i32>} : memref<16x16xi32, #tpu.memory_space<vmem>>, vector<1x16xi32>,
    %get3A_361 = vector.shape_cast %get3A_360 : vector<1x16xi32> to vector<16xi32>
    %swap3A_362 = arith.constant 1 : i32
    %swap3A_363 = arith.index_cast %swap3A_362 : i32 to index
    %swap3A_364 = arith.constant 64 : index
    %swap3A_365 = tpu.vector_load %arg12[%swap3A_363, %swap3A_364] {strides = array<i32>} : memref<2x128xi32, #tpu.memory_space<vmem>>, vector<1x16xi32>,
    %swap3A_366 = vector.shape_cast %swap3A_365 : vector<1x16xi32> to vector<16xi32>
    %swap3A_367 = vector.shape_cast %get3A_361 : vector<16xi32> to vector<1x16xi32>
    tpu.vector_store %arg12[%swap3A_363, %swap3A_364], %swap3A_367 {strides = array<i32>} : memref<2x128xi32, #tpu.memory_space<vmem>>, vector<1x16xi32>,
    %get3A_368 = arith.constant 13 : i32
    %get3A_369 = arith.index_cast %get3A_368 : i32 to index
    %get3A_370 = arith.constant 0 : index
    %get3A_371 = tpu.vector_load %arg11[%get3A_369, %get3A_370] {strides = array<i32>} : memref<16x16xi32, #tpu.memory_space<vmem>>, vector<1x16xi32>,
    %get3A_372 = vector.shape_cast %get3A_371 : vector<1x16xi32> to vector<16xi32>
    %swap3A_373 = arith.constant 1 : i32
    %swap3A_374 = arith.index_cast %swap3A_373 : i32 to index
    %swap3A_375 = arith.constant 80 : index
    %swap3A_376 = tpu.vector_load %arg12[%swap3A_374, %swap3A_375] {strides = array<i32>} : memref<2x128xi32, #tpu.memory_space<vmem>>, vector<1x16xi32>,
    %swap3A_377 = vector.shape_cast %swap3A_376 : vector<1x16xi32> to vector<16xi32>
    %swap3A_378 = vector.shape_cast %get3A_372 : vector<16xi32> to vector<1x16xi32>
    tpu.vector_store %arg12[%swap3A_374, %swap3A_375], %swap3A_378 {strides = array<i32>} : memref<2x128xi32, #tpu.memory_space<vmem>>, vector<1x16xi32>,
    %get3A_379 = arith.constant 14 : i32
    %get3A_380 = arith.index_cast %get3A_379 : i32 to index
    %get3A_381 = arith.constant 0 : index
    %get3A_382 = tpu.vector_load %arg11[%get3A_380, %get3A_381] {strides = array<i32>} : memref<16x16xi32, #tpu.memory_space<vmem>>, vector<1x16xi32>,
    %get3A_383 = vector.shape_cast %get3A_382 : vector<1x16xi32> to vector<16xi32>
    %swap3A_384 = arith.constant 1 : i32
    %swap3A_385 = arith.index_cast %swap3A_384 : i32 to index
    %swap3A_386 = arith.constant 96 : index
    %swap3A_387 = tpu.vector_load %arg12[%swap3A_385, %swap3A_386] {strides = array<i32>} : memref<2x128xi32, #tpu.memory_space<vmem>>, vector<1x16xi32>,
    %swap3A_388 = vector.shape_cast %swap3A_387 : vector<1x16xi32> to vector<16xi32>
    %swap3A_389 = vector.shape_cast %get3A_383 : vector<16xi32> to vector<1x16xi32>
    tpu.vector_store %arg12[%swap3A_385, %swap3A_386], %swap3A_389 {strides = array<i32>} : memref<2x128xi32, #tpu.memory_space<vmem>>, vector<1x16xi32>,
    %get3A_390 = arith.constant 15 : i32
    %get3A_391 = arith.index_cast %get3A_390 : i32 to index
    %get3A_392 = arith.constant 0 : index
    %get3A_393 = tpu.vector_load %arg11[%get3A_391, %get3A_392] {strides = array<i32>} : memref<16x16xi32, #tpu.memory_space<vmem>>, vector<1x16xi32>,
    %get3A_394 = vector.shape_cast %get3A_393 : vector<1x16xi32> to vector<16xi32>
    %swap3A_395 = arith.constant 1 : i32
    %swap3A_396 = arith.index_cast %swap3A_395 : i32 to index
    %swap3A_397 = arith.constant 112 : index
    %swap3A_398 = tpu.vector_load %arg12[%swap3A_396, %swap3A_397] {strides = array<i32>} : memref<2x128xi32, #tpu.memory_space<vmem>>, vector<1x16xi32>,
    %swap3A_399 = vector.shape_cast %swap3A_398 : vector<1x16xi32> to vector<16xi32>
    %swap3A_400 = vector.shape_cast %get3A_394 : vector<16xi32> to vector<1x16xi32>
    tpu.vector_store %arg12[%swap3A_396, %swap3A_397], %swap3A_400 {strides = array<i32>} : memref<2x128xi32, #tpu.memory_space<vmem>>, vector<1x16xi32>,
    %dma_start3A_401 = arith.constant 0 : i32
    %dma_start3A_402 = arith.constant 0 : i32
    %dma_start3A_403 = arith.constant 0 : i32
    %dma_start3A_404 = tpu.memref_slice %arg13[%dma_start3A_402, %dma_start3A_403] : memref<256x128xf32, #tpu.memory_space<vmem>> -> memref<128x128xf32, #tpu.memory_space<vmem>>
    %dma_start3A_405 = arith.constant 0 : i32
    %dma_start3A_406 = tpu.memref_slice %arg12[%dma_start3A_401, %dma_start3A_405] : memref<2x128xi32, #tpu.memory_space<vmem>> -> memref<1x128xi32, #tpu.memory_space<vmem>>
    %dma_start3A_407 = tpu.memref_squeeze %dma_start3A_406 : memref<1x128xi32, #tpu.memory_space<vmem>> -> memref<128xi32, #tpu.memory_space<vmem>>
    %dma_start3A_408 = arith.constant 0 : i32
    %dma_start3A_409 = arith.constant 0 : i32
    %dma_start3A_410 = tpu.memref_slice %arg6[%dma_start3A_408, %dma_start3A_409] : memref<100000x128xf32, #tpu.memory_space<hbm>> -> memref<100000x128xf32, #tpu.memory_space<hbm>>
    tpu.enqueue_indirect_dma source(%dma_start3A_410 : memref<100000x128xf32, #tpu.memory_space<hbm>>) target(%dma_start3A_404 : memref<128x128xf32, #tpu.memory_space<vmem>>) offsets(%dma_start3A_407 : memref<128xi32, #tpu.memory_space<vmem>>) semaphore(%arg16 : memref<!tpu.dma_semaphore, #tpu.memory_space<semaphore_mem>>)
    %dma_start3A_411 = arith.constant 1 : i32
    %dma_start3A_412 = arith.constant 128 : i32
    %dma_start3A_413 = arith.constant 0 : i32
    %dma_start3A_414 = tpu.memref_slice %arg13[%dma_start3A_412, %dma_start3A_413] : memref<256x128xf32, #tpu.memory_space<vmem>> -> memref<128x128xf32, #tpu.memory_space<vmem>>
    %dma_start3A_415 = arith.constant 0 : i32
    %dma_start3A_416 = tpu.memref_slice %arg12[%dma_start3A_411, %dma_start3A_415] : memref<2x128xi32, #tpu.memory_space<vmem>> -> memref<1x128xi32, #tpu.memory_space<vmem>>
    %dma_start3A_417 = tpu.memref_squeeze %dma_start3A_416 : memref<1x128xi32, #tpu.memory_space<vmem>> -> memref<128xi32, #tpu.memory_space<vmem>>
    %dma_start3A_418 = arith.constant 0 : i32
    %dma_start3A_419 = arith.constant 0 : i32
    %dma_start3A_420 = tpu.memref_slice %arg6[%dma_start3A_418, %dma_start3A_419] : memref<100000x128xf32, #tpu.memory_space<hbm>> -> memref<100000x128xf32, #tpu.memory_space<hbm>>
    tpu.enqueue_indirect_dma source(%dma_start3A_420 : memref<100000x128xf32, #tpu.memory_space<hbm>>) target(%dma_start3A_414 : memref<128x128xf32, #tpu.memory_space<vmem>>) offsets(%dma_start3A_417 : memref<128xi32, #tpu.memory_space<vmem>>) semaphore(%arg16 : memref<!tpu.dma_semaphore, #tpu.memory_space<semaphore_mem>>)
    %dma_wait3A_421 = arith.constant 0 : i32
    %dma_wait3A_422 = arith.constant 0 : i32
    %dma_wait3A_423 = arith.constant 0 : i32
    %dma_wait3A_424 = tpu.memref_slice %arg13[%dma_wait3A_422, %dma_wait3A_423] : memref<256x128xf32, #tpu.memory_space<vmem>> -> memref<128x128xf32, #tpu.memory_space<vmem>>
    %dma_wait3A_425 = arith.constant 0 : i32
    %dma_wait3A_426 = tpu.memref_slice %arg12[%dma_wait3A_421, %dma_wait3A_425] : memref<2x128xi32, #tpu.memory_space<vmem>> -> memref<1x128xi32, #tpu.memory_space<vmem>>
    %dma_wait3A_427 = tpu.memref_squeeze %dma_wait3A_426 : memref<1x128xi32, #tpu.memory_space<vmem>> -> memref<128xi32, #tpu.memory_space<vmem>>
    %dma_wait3A_428 = arith.constant 0 : i32
    %dma_wait3A_429 = arith.constant 0 : i32
    %dma_wait3A_430 = tpu.memref_slice %arg6[%dma_wait3A_428, %dma_wait3A_429] : memref<100000x128xf32, #tpu.memory_space<hbm>> -> memref<100000x128xf32, #tpu.memory_space<hbm>>
    tpu.wait_indirect_dma semaphore(%arg16 : memref<!tpu.dma_semaphore, #tpu.memory_space<semaphore_mem>>) src(%dma_wait3A_430 : memref<100000x128xf32, #tpu.memory_space<hbm>>) dst(%dma_wait3A_424 : memref<128x128xf32, #tpu.memory_space<vmem>>)
    %dma_wait3A_431 = arith.constant 1 : i32
    %dma_wait3A_432 = arith.constant 128 : i32
    %dma_wait3A_433 = arith.constant 0 : i32
    %dma_wait3A_434 = tpu.memref_slice %arg13[%dma_wait3A_432, %dma_wait3A_433] : memref<256x128xf32, #tpu.memory_space<vmem>> -> memref<128x128xf32, #tpu.memory_space<vmem>>
    %dma_wait3A_435 = arith.constant 0 : i32
    %dma_wait3A_436 = tpu.memref_slice %arg12[%dma_wait3A_431, %dma_wait3A_435] : memref<2x128xi32, #tpu.memory_space<vmem>> -> memref<1x128xi32, #tpu.memory_space<vmem>>
    %dma_wait3A_437 = tpu.memref_squeeze %dma_wait3A_436 : memref<1x128xi32, #tpu.memory_space<vmem>> -> memref<128xi32, #tpu.memory_space<vmem>>
    %dma_wait3A_438 = arith.constant 0 : i32
    %dma_wait3A_439 = arith.constant 0 : i32
    %dma_wait3A_440 = tpu.memref_slice %arg6[%dma_wait3A_438, %dma_wait3A_439] : memref<100000x128xf32, #tpu.memory_space<hbm>> -> memref<100000x128xf32, #tpu.memory_space<hbm>>
    tpu.wait_indirect_dma semaphore(%arg16 : memref<!tpu.dma_semaphore, #tpu.memory_space<semaphore_mem>>) src(%dma_wait3A_440 : memref<100000x128xf32, #tpu.memory_space<hbm>>) dst(%dma_wait3A_434 : memref<128x128xf32, #tpu.memory_space<vmem>>)
    %scan3A_441 = arith.constant 0 : i32
    %scan3A_442 = arith.constant 0 : i32
    %scan3A_443 = arith.constant 16 : i32
    %scan3A_444 = arith.addi %scan3A_442, %scan3A_443 : i32
    %scan3A_445 = arith.constant 1 : i32
    scf.for %scan3A_676 = %scan3A_442 to %scan3A_444 step %scan3A_445  : i32 {
      %mul3A_677 = arith.constant 16 : i32
      %mul3A_678 = arith.muli %scan3A_676, %mul3A_677 : i32
      %get3A_679 = arith.index_cast %mul3A_678 : i32 to index
      %get3A_680 = arith.constant 0 : index
      %get3A_681 = tpu.vector_load %arg13[%get3A_679, %get3A_680] {strides = array<i32>} : memref<256x128xf32, #tpu.memory_space<vmem>>, vector<1x16xf32>,
      %get3A_682 = vector.shape_cast %get3A_681 : vector<1x16xf32> to vector<16xf32>
      %add3A_683 = arith.constant 1 : i32
      %add3A_684 = arith.addi %mul3A_678, %add3A_683 : i32
      %get3A_685 = arith.index_cast %add3A_684 : i32 to index
      %get3A_686 = arith.constant 0 : index
      %get3A_687 = tpu.vector_load %arg13[%get3A_685, %get3A_686] {strides = array<i32>} : memref<256x128xf32, #tpu.memory_space<vmem>>, vector<1x16xf32>,
      %get3A_688 = vector.shape_cast %get3A_687 : vector<1x16xf32> to vector<16xf32>
      %add3A_689 = arith.addf %get3A_682, %get3A_688 : vector<16xf32>
      %add3A_690 = arith.constant 2 : i32
      %add3A_691 = arith.addi %mul3A_678, %add3A_690 : i32
      %get3A_692 = arith.index_cast %add3A_691 : i32 to index
      %get3A_693 = arith.constant 0 : index
      %get3A_694 = tpu.vector_load %arg13[%get3A_692, %get3A_693] {strides = array<i32>} : memref<256x128xf32, #tpu.memory_space<vmem>>, vector<1x16xf32>,
      %get3A_695 = vector.shape_cast %get3A_694 : vector<1x16xf32> to vector<16xf32>
      %add3A_696 = arith.addf %add3A_689, %get3A_695 : vector<16xf32>
      %add3A_697 = arith.constant 3 : i32
      %add3A_698 = arith.addi %mul3A_678, %add3A_697 : i32
      %get3A_699 = arith.index_cast %add3A_698 : i32 to index
      %get3A_700 = arith.constant 0 : index
      %get3A_701 = tpu.vector_load %arg13[%get3A_699, %get3A_700] {strides = array<i32>} : memref<256x128xf32, #tpu.memory_space<vmem>>, vector<1x16xf32>,
      %get3A_702 = vector.shape_cast %get3A_701 : vector<1x16xf32> to vector<16xf32>
      %add3A_703 = arith.addf %add3A_696, %get3A_702 : vector<16xf32>
      %add3A_704 = arith.constant 4 : i32
      %add3A_705 = arith.addi %mul3A_678, %add3A_704 : i32
      %get3A_706 = arith.index_cast %add3A_705 : i32 to index
      %get3A_707 = arith.constant 0 : index
      %get3A_708 = tpu.vector_load %arg13[%get3A_706, %get3A_707] {strides = array<i32>} : memref<256x128xf32, #tpu.memory_space<vmem>>, vector<1x16xf32>,
      %get3A_709 = vector.shape_cast %get3A_708 : vector<1x16xf32> to vector<16xf32>
      %add3A_710 = arith.addf %add3A_703, %get3A_709 : vector<16xf32>
      %add3A_711 = arith.constant 5 : i32
      %add3A_712 = arith.addi %mul3A_678, %add3A_711 : i32
      %get3A_713 = arith.index_cast %add3A_712 : i32 to index
      %get3A_714 = arith.constant 0 : index
      %get3A_715 = tpu.vector_load %arg13[%get3A_713, %get3A_714] {strides = array<i32>} : memref<256x128xf32, #tpu.memory_space<vmem>>, vector<1x16xf32>,
      %get3A_716 = vector.shape_cast %get3A_715 : vector<1x16xf32> to vector<16xf32>
      %add3A_717 = arith.addf %add3A_710, %get3A_716 : vector<16xf32>
      %add3A_718 = arith.constant 6 : i32
      %add3A_719 = arith.addi %mul3A_678, %add3A_718 : i32
      %get3A_720 = arith.index_cast %add3A_719 : i32 to index
      %get3A_721 = arith.constant 0 : index
      %get3A_722 = tpu.vector_load %arg13[%get3A_720, %get3A_721] {strides = array<i32>} : memref<256x128xf32, #tpu.memory_space<vmem>>, vector<1x16xf32>,
      %get3A_723 = vector.shape_cast %get3A_722 : vector<1x16xf32> to vector<16xf32>
      %add3A_724 = arith.addf %add3A_717, %get3A_723 : vector<16xf32>
      %add3A_725 = arith.constant 7 : i32
      %add3A_726 = arith.addi %mul3A_678, %add3A_725 : i32
      %get3A_727 = arith.index_cast %add3A_726 : i32 to index
      %get3A_728 = arith.constant 0 : index
      %get3A_729 = tpu.vector_load %arg13[%get3A_727, %get3A_728] {strides = array<i32>} : memref<256x128xf32, #tpu.memory_space<vmem>>, vector<1x16xf32>,
      %get3A_730 = vector.shape_cast %get3A_729 : vector<1x16xf32> to vector<16xf32>
      %add3A_731 = arith.addf %add3A_724, %get3A_730 : vector<16xf32>
      %add3A_732 = arith.constant 8 : i32
      %add3A_733 = arith.addi %mul3A_678, %add3A_732 : i32
      %get3A_734 = arith.index_cast %add3A_733 : i32 to index
      %get3A_735 = arith.constant 0 : index
      %get3A_736 = tpu.vector_load %arg13[%get3A_734, %get3A_735] {strides = array<i32>} : memref<256x128xf32, #tpu.memory_space<vmem>>, vector<1x16xf32>,
      %get3A_737 = vector.shape_cast %get3A_736 : vector<1x16xf32> to vector<16xf32>
      %add3A_738 = arith.addf %add3A_731, %get3A_737 : vector<16xf32>
      %add3A_739 = arith.constant 9 : i32
      %add3A_740 = arith.addi %mul3A_678, %add3A_739 : i32
      %get3A_741 = arith.index_cast %add3A_740 : i32 to index
      %get3A_742 = arith.constant 0 : index
      %get3A_743 = tpu.vector_load %arg13[%get3A_741, %get3A_742] {strides = array<i32>} : memref<256x128xf32, #tpu.memory_space<vmem>>, vector<1x16xf32>,
      %get3A_744 = vector.shape_cast %get3A_743 : vector<1x16xf32> to vector<16xf32>
      %add3A_745 = arith.addf %add3A_738, %get3A_744 : vector<16xf32>
      %add3A_746 = arith.constant 10 : i32
      %add3A_747 = arith.addi %mul3A_678, %add3A_746 : i32
      %get3A_748 = arith.index_cast %add3A_747 : i32 to index
      %get3A_749 = arith.constant 0 : index
      %get3A_750 = tpu.vector_load %arg13[%get3A_748, %get3A_749] {strides = array<i32>} : memref<256x128xf32, #tpu.memory_space<vmem>>, vector<1x16xf32>,
      %get3A_751 = vector.shape_cast %get3A_750 : vector<1x16xf32> to vector<16xf32>
      %add3A_752 = arith.addf %add3A_745, %get3A_751 : vector<16xf32>
      %add3A_753 = arith.constant 11 : i32
      %add3A_754 = arith.addi %mul3A_678, %add3A_753 : i32
      %get3A_755 = arith.index_cast %add3A_754 : i32 to index
      %get3A_756 = arith.constant 0 : index
      %get3A_757 = tpu.vector_load %arg13[%get3A_755, %get3A_756] {strides = array<i32>} : memref<256x128xf32, #tpu.memory_space<vmem>>, vector<1x16xf32>,
      %get3A_758 = vector.shape_cast %get3A_757 : vector<1x16xf32> to vector<16xf32>
      %add3A_759 = arith.addf %add3A_752, %get3A_758 : vector<16xf32>
      %add3A_760 = arith.constant 12 : i32
      %add3A_761 = arith.addi %mul3A_678, %add3A_760 : i32
      %get3A_762 = arith.index_cast %add3A_761 : i32 to index
      %get3A_763 = arith.constant 0 : index
      %get3A_764 = tpu.vector_load %arg13[%get3A_762, %get3A_763] {strides = array<i32>} : memref<256x128xf32, #tpu.memory_space<vmem>>, vector<1x16xf32>,
      %get3A_765 = vector.shape_cast %get3A_764 : vector<1x16xf32> to vector<16xf32>
      %add3A_766 = arith.addf %add3A_759, %get3A_765 : vector<16xf32>
      %add3A_767 = arith.constant 13 : i32
      %add3A_768 = arith.addi %mul3A_678, %add3A_767 : i32
      %get3A_769 = arith.index_cast %add3A_768 : i32 to index
      %get3A_770 = arith.constant 0 : index
      %get3A_771 = tpu.vector_load %arg13[%get3A_769, %get3A_770] {strides = array<i32>} : memref<256x128xf32, #tpu.memory_space<vmem>>, vector<1x16xf32>,
      %get3A_772 = vector.shape_cast %get3A_771 : vector<1x16xf32> to vector<16xf32>
      %add3A_773 = arith.addf %add3A_766, %get3A_772 : vector<16xf32>
      %add3A_774 = arith.constant 14 : i32
      %add3A_775 = arith.addi %mul3A_678, %add3A_774 : i32
      %get3A_776 = arith.index_cast %add3A_775 : i32 to index
      %get3A_777 = arith.constant 0 : index
      %get3A_778 = tpu.vector_load %arg13[%get3A_776, %get3A_777] {strides = array<i32>} : memref<256x128xf32, #tpu.memory_space<vmem>>, vector<1x16xf32>,
      %get3A_779 = vector.shape_cast %get3A_778 : vector<1x16xf32> to vector<16xf32>
      %add3A_780 = arith.addf %add3A_773, %get3A_779 : vector<16xf32>
      %add3A_781 = arith.constant 15 : i32
      %add3A_782 = arith.addi %mul3A_678, %add3A_781 : i32
      %get3A_783 = arith.index_cast %add3A_782 : i32 to index
      %get3A_784 = arith.constant 0 : index
      %get3A_785 = tpu.vector_load %arg13[%get3A_783, %get3A_784] {strides = array<i32>} : memref<256x128xf32, #tpu.memory_space<vmem>>, vector<1x16xf32>,
      %get3A_786 = vector.shape_cast %get3A_785 : vector<1x16xf32> to vector<16xf32>
      %add3A_787 = arith.addf %add3A_780, %get3A_786 : vector<16xf32>
      %mul3A_788 = arith.constant 6.250000e-02 : f32
      %mul3A_789 = vector.broadcast %mul3A_788 : f32 to vector<16xf32>
      %mul3A_790 = arith.mulf %add3A_787, %mul3A_789 : vector<16xf32>
      %swap3A_791 = arith.index_cast %scan3A_676 : i32 to index
      %swap3A_792 = arith.constant 0 : index
      %swap3A_793 = tpu.vector_load %arg14[%swap3A_791, %swap3A_792] {strides = array<i32>} : memref<16x128xf32, #tpu.memory_space<vmem>>, vector<1x16xf32>,
      %swap3A_794 = vector.shape_cast %swap3A_793 : vector<1x16xf32> to vector<16xf32>
      %swap3A_795 = vector.shape_cast %mul3A_790 : vector<16xf32> to vector<1x16xf32>
      tpu.vector_store %arg14[%swap3A_791, %swap3A_792], %swap3A_795 {strides = array<i32>} : memref<16x128xf32, #tpu.memory_space<vmem>>, vector<1x16xf32>,
      %get3A_796 = arith.index_cast %mul3A_678 : i32 to index
      %get3A_797 = arith.constant 16 : index
      %get3A_798 = tpu.vector_load %arg13[%get3A_796, %get3A_797] {strides = array<i32>} : memref<256x128xf32, #tpu.memory_space<vmem>>, vector<1x16xf32>,
      %get3A_799 = vector.shape_cast %get3A_798 : vector<1x16xf32> to vector<16xf32>
      %add3A_800 = arith.constant 1 : i32
      %add3A_801 = arith.addi %mul3A_678, %add3A_800 : i32
      %get3A_802 = arith.index_cast %add3A_801 : i32 to index
      %get3A_803 = arith.constant 16 : index
      %get3A_804 = tpu.vector_load %arg13[%get3A_802, %get3A_803] {strides = array<i32>} : memref<256x128xf32, #tpu.memory_space<vmem>>, vector<1x16xf32>,
      %get3A_805 = vector.shape_cast %get3A_804 : vector<1x16xf32> to vector<16xf32>
      %add3A_806 = arith.addf %get3A_799, %get3A_805 : vector<16xf32>
      %add3A_807 = arith.constant 2 : i32
      %add3A_808 = arith.addi %mul3A_678, %add3A_807 : i32
      %get3A_809 = arith.index_cast %add3A_808 : i32 to index
      %get3A_810 = arith.constant 16 : index
      %get3A_811 = tpu.vector_load %arg13[%get3A_809, %get3A_810] {strides = array<i32>} : memref<256x128xf32, #tpu.memory_space<vmem>>, vector<1x16xf32>,
      %get3A_812 = vector.shape_cast %get3A_811 : vector<1x16xf32> to vector<16xf32>
      %add3A_813 = arith.addf %add3A_806, %get3A_812 : vector<16xf32>
      %add3A_814 = arith.constant 3 : i32
      %add3A_815 = arith.addi %mul3A_678, %add3A_814 : i32
      %get3A_816 = arith.index_cast %add3A_815 : i32 to index
      %get3A_817 = arith.constant 16 : index
      %get3A_818 = tpu.vector_load %arg13[%get3A_816, %get3A_817] {strides = array<i32>} : memref<256x128xf32, #tpu.memory_space<vmem>>, vector<1x16xf32>,
      %get3A_819 = vector.shape_cast %get3A_818 : vector<1x16xf32> to vector<16xf32>
      %add3A_820 = arith.addf %add3A_813, %get3A_819 : vector<16xf32>
      %add3A_821 = arith.constant 4 : i32
      %add3A_822 = arith.addi %mul3A_678, %add3A_821 : i32
      %get3A_823 = arith.index_cast %add3A_822 : i32 to index
      %get3A_824 = arith.constant 16 : index
      %get3A_825 = tpu.vector_load %arg13[%get3A_823, %get3A_824] {strides = array<i32>} : memref<256x128xf32, #tpu.memory_space<vmem>>, vector<1x16xf32>,
      %get3A_826 = vector.shape_cast %get3A_825 : vector<1x16xf32> to vector<16xf32>
      %add3A_827 = arith.addf %add3A_820, %get3A_826 : vector<16xf32>
      %add3A_828 = arith.constant 5 : i32
      %add3A_829 = arith.addi %mul3A_678, %add3A_828 : i32
      %get3A_830 = arith.index_cast %add3A_829 : i32 to index
      %get3A_831 = arith.constant 16 : index
      %get3A_832 = tpu.vector_load %arg13[%get3A_830, %get3A_831] {strides = array<i32>} : memref<256x128xf32, #tpu.memory_space<vmem>>, vector<1x16xf32>,
      %get3A_833 = vector.shape_cast %get3A_832 : vector<1x16xf32> to vector<16xf32>
      %add3A_834 = arith.addf %add3A_827, %get3A_833 : vector<16xf32>
      %add3A_835 = arith.constant 6 : i32
      %add3A_836 = arith.addi %mul3A_678, %add3A_835 : i32
      %get3A_837 = arith.index_cast %add3A_836 : i32 to index
      %get3A_838 = arith.constant 16 : index
      %get3A_839 = tpu.vector_load %arg13[%get3A_837, %get3A_838] {strides = array<i32>} : memref<256x128xf32, #tpu.memory_space<vmem>>, vector<1x16xf32>,
      %get3A_840 = vector.shape_cast %get3A_839 : vector<1x16xf32> to vector<16xf32>
      %add3A_841 = arith.addf %add3A_834, %get3A_840 : vector<16xf32>
      %add3A_842 = arith.constant 7 : i32
      %add3A_843 = arith.addi %mul3A_678, %add3A_842 : i32
      %get3A_844 = arith.index_cast %add3A_843 : i32 to index
      %get3A_845 = arith.constant 16 : index
      %get3A_846 = tpu.vector_load %arg13[%get3A_844, %get3A_845] {strides = array<i32>} : memref<256x128xf32, #tpu.memory_space<vmem>>, vector<1x16xf32>,
      %get3A_847 = vector.shape_cast %get3A_846 : vector<1x16xf32> to vector<16xf32>
      %add3A_848 = arith.addf %add3A_841, %get3A_847 : vector<16xf32>
      %add3A_849 = arith.constant 8 : i32
      %add3A_850 = arith.addi %mul3A_678, %add3A_849 : i32
      %get3A_851 = arith.index_cast %add3A_850 : i32 to index
      %get3A_852 = arith.constant 16 : index
      %get3A_853 = tpu.vector_load %arg13[%get3A_851, %get3A_852] {strides = array<i32>} : memref<256x128xf32, #tpu.memory_space<vmem>>, vector<1x16xf32>,
      %get3A_854 = vector.shape_cast %get3A_853 : vector<1x16xf32> to vector<16xf32>
      %add3A_855 = arith.addf %add3A_848, %get3A_854 : vector<16xf32>
      %add3A_856 = arith.constant 9 : i32
      %add3A_857 = arith.addi %mul3A_678, %add3A_856 : i32
      %get3A_858 = arith.index_cast %add3A_857 : i32 to index
      %get3A_859 = arith.constant 16 : index
      %get3A_860 = tpu.vector_load %arg13[%get3A_858, %get3A_859] {strides = array<i32>} : memref<256x128xf32, #tpu.memory_space<vmem>>, vector<1x16xf32>,
      %get3A_861 = vector.shape_cast %get3A_860 : vector<1x16xf32> to vector<16xf32>
      %add3A_862 = arith.addf %add3A_855, %get3A_861 : vector<16xf32>
      %add3A_863 = arith.constant 10 : i32
      %add3A_864 = arith.addi %mul3A_678, %add3A_863 : i32
      %get3A_865 = arith.index_cast %add3A_864 : i32 to index
      %get3A_866 = arith.constant 16 : index
      %get3A_867 = tpu.vector_load %arg13[%get3A_865, %get3A_866] {strides = array<i32>} : memref<256x128xf32, #tpu.memory_space<vmem>>, vector<1x16xf32>,
      %get3A_868 = vector.shape_cast %get3A_867 : vector<1x16xf32> to vector<16xf32>
      %add3A_869 = arith.addf %add3A_862, %get3A_868 : vector<16xf32>
      %add3A_870 = arith.constant 11 : i32
      %add3A_871 = arith.addi %mul3A_678, %add3A_870 : i32
      %get3A_872 = arith.index_cast %add3A_871 : i32 to index
      %get3A_873 = arith.constant 16 : index
      %get3A_874 = tpu.vector_load %arg13[%get3A_872, %get3A_873] {strides = array<i32>} : memref<256x128xf32, #tpu.memory_space<vmem>>, vector<1x16xf32>,
      %get3A_875 = vector.shape_cast %get3A_874 : vector<1x16xf32> to vector<16xf32>
      %add3A_876 = arith.addf %add3A_869, %get3A_875 : vector<16xf32>
      %add3A_877 = arith.constant 12 : i32
      %add3A_878 = arith.addi %mul3A_678, %add3A_877 : i32
      %get3A_879 = arith.index_cast %add3A_878 : i32 to index
      %get3A_880 = arith.constant 16 : index
      %get3A_881 = tpu.vector_load %arg13[%get3A_879, %get3A_880] {strides = array<i32>} : memref<256x128xf32, #tpu.memory_space<vmem>>, vector<1x16xf32>,
      %get3A_882 = vector.shape_cast %get3A_881 : vector<1x16xf32> to vector<16xf32>
      %add3A_883 = arith.addf %add3A_876, %get3A_882 : vector<16xf32>
      %add3A_884 = arith.constant 13 : i32
      %add3A_885 = arith.addi %mul3A_678, %add3A_884 : i32
      %get3A_886 = arith.index_cast %add3A_885 : i32 to index
      %get3A_887 = arith.constant 16 : index
      %get3A_888 = tpu.vector_load %arg13[%get3A_886, %get3A_887] {strides = array<i32>} : memref<256x128xf32, #tpu.memory_space<vmem>>, vector<1x16xf32>,
      %get3A_889 = vector.shape_cast %get3A_888 : vector<1x16xf32> to vector<16xf32>
      %add3A_890 = arith.addf %add3A_883, %get3A_889 : vector<16xf32>
      %add3A_891 = arith.constant 14 : i32
      %add3A_892 = arith.addi %mul3A_678, %add3A_891 : i32
      %get3A_893 = arith.index_cast %add3A_892 : i32 to index
      %get3A_894 = arith.constant 16 : index
      %get3A_895 = tpu.vector_load %arg13[%get3A_893, %get3A_894] {strides = array<i32>} : memref<256x128xf32, #tpu.memory_space<vmem>>, vector<1x16xf32>,
      %get3A_896 = vector.shape_cast %get3A_895 : vector<1x16xf32> to vector<16xf32>
      %add3A_897 = arith.addf %add3A_890, %get3A_896 : vector<16xf32>
      %add3A_898 = arith.constant 15 : i32
      %add3A_899 = arith.addi %mul3A_678, %add3A_898 : i32
      %get3A_900 = arith.index_cast %add3A_899 : i32 to index
      %get3A_901 = arith.constant 16 : index
      %get3A_902 = tpu.vector_load %arg13[%get3A_900, %get3A_901] {strides = array<i32>} : memref<256x128xf32, #tpu.memory_space<vmem>>, vector<1x16xf32>,
      %get3A_903 = vector.shape_cast %get3A_902 : vector<1x16xf32> to vector<16xf32>
      %add3A_904 = arith.addf %add3A_897, %get3A_903 : vector<16xf32>
      %mul3A_905 = arith.constant 6.250000e-02 : f32
      %mul3A_906 = vector.broadcast %mul3A_905 : f32 to vector<16xf32>
      %mul3A_907 = arith.mulf %add3A_904, %mul3A_906 : vector<16xf32>
      %swap3A_908 = arith.index_cast %scan3A_676 : i32 to index
      %swap3A_909 = arith.constant 16 : index
      %swap3A_910 = tpu.vector_load %arg14[%swap3A_908, %swap3A_909] {strides = array<i32>} : memref<16x128xf32, #tpu.memory_space<vmem>>, vector<1x16xf32>,
      %swap3A_911 = vector.shape_cast %swap3A_910 : vector<1x16xf32> to vector<16xf32>
      %swap3A_912 = vector.shape_cast %mul3A_907 : vector<16xf32> to vector<1x16xf32>
      tpu.vector_store %arg14[%swap3A_908, %swap3A_909], %swap3A_912 {strides = array<i32>} : memref<16x128xf32, #tpu.memory_space<vmem>>, vector<1x16xf32>,
      %get3A_913 = arith.index_cast %mul3A_678 : i32 to index
      %get3A_914 = arith.constant 32 : index
      %get3A_915 = tpu.vector_load %arg13[%get3A_913, %get3A_914] {strides = array<i32>} : memref<256x128xf32, #tpu.memory_space<vmem>>, vector<1x16xf32>,
      %get3A_916 = vector.shape_cast %get3A_915 : vector<1x16xf32> to vector<16xf32>
      %add3A_917 = arith.constant 1 : i32
      %add3A_918 = arith.addi %mul3A_678, %add3A_917 : i32
      %get3A_919 = arith.index_cast %add3A_918 : i32 to index
      %get3A_920 = arith.constant 32 : index
      %get3A_921 = tpu.vector_load %arg13[%get3A_919, %get3A_920] {strides = array<i32>} : memref<256x128xf32, #tpu.memory_space<vmem>>, vector<1x16xf32>,
      %get3A_922 = vector.shape_cast %get3A_921 : vector<1x16xf32> to vector<16xf32>
      %add3A_923 = arith.addf %get3A_916, %get3A_922 : vector<16xf32>
      %add3A_924 = arith.constant 2 : i32
      %add3A_925 = arith.addi %mul3A_678, %add3A_924 : i32
      %get3A_926 = arith.index_cast %add3A_925 : i32 to index
      %get3A_927 = arith.constant 32 : index
      %get3A_928 = tpu.vector_load %arg13[%get3A_926, %get3A_927] {strides = array<i32>} : memref<256x128xf32, #tpu.memory_space<vmem>>, vector<1x16xf32>,
      %get3A_929 = vector.shape_cast %get3A_928 : vector<1x16xf32> to vector<16xf32>
      %add3A_930 = arith.addf %add3A_923, %get3A_929 : vector<16xf32>
      %add3A_931 = arith.constant 3 : i32
      %add3A_932 = arith.addi %mul3A_678, %add3A_931 : i32
      %get3A_933 = arith.index_cast %add3A_932 : i32 to index
      %get3A_934 = arith.constant 32 : index
      %get3A_935 = tpu.vector_load %arg13[%get3A_933, %get3A_934] {strides = array<i32>} : memref<256x128xf32, #tpu.memory_space<vmem>>, vector<1x16xf32>,
      %get3A_936 = vector.shape_cast %get3A_935 : vector<1x16xf32> to vector<16xf32>
      %add3A_937 = arith.addf %add3A_930, %get3A_936 : vector<16xf32>
      %add3A_938 = arith.constant 4 : i32
      %add3A_939 = arith.addi %mul3A_678, %add3A_938 : i32
      %get3A_940 = arith.index_cast %add3A_939 : i32 to index
      %get3A_941 = arith.constant 32 : index
      %get3A_942 = tpu.vector_load %arg13[%get3A_940, %get3A_941] {strides = array<i32>} : memref<256x128xf32, #tpu.memory_space<vmem>>, vector<1x16xf32>,
      %get3A_943 = vector.shape_cast %get3A_942 : vector<1x16xf32> to vector<16xf32>
      %add3A_944 = arith.addf %add3A_937, %get3A_943 : vector<16xf32>
      %add3A_945 = arith.constant 5 : i32
      %add3A_946 = arith.addi %mul3A_678, %add3A_945 : i32
      %get3A_947 = arith.index_cast %add3A_946 : i32 to index
      %get3A_948 = arith.constant 32 : index
      %get3A_949 = tpu.vector_load %arg13[%get3A_947, %get3A_948] {strides = array<i32>} : memref<256x128xf32, #tpu.memory_space<vmem>>, vector<1x16xf32>,
      %get3A_950 = vector.shape_cast %get3A_949 : vector<1x16xf32> to vector<16xf32>
      %add3A_951 = arith.addf %add3A_944, %get3A_950 : vector<16xf32>
      %add3A_952 = arith.constant 6 : i32
      %add3A_953 = arith.addi %mul3A_678, %add3A_952 : i32
      %get3A_954 = arith.index_cast %add3A_953 : i32 to index
      %get3A_955 = arith.constant 32 : index
      %get3A_956 = tpu.vector_load %arg13[%get3A_954, %get3A_955] {strides = array<i32>} : memref<256x128xf32, #tpu.memory_space<vmem>>, vector<1x16xf32>,
      %get3A_957 = vector.shape_cast %get3A_956 : vector<1x16xf32> to vector<16xf32>
      %add3A_958 = arith.addf %add3A_951, %get3A_957 : vector<16xf32>
      %add3A_959 = arith.constant 7 : i32
      %add3A_960 = arith.addi %mul3A_678, %add3A_959 : i32
      %get3A_961 = arith.index_cast %add3A_960 : i32 to index
      %get3A_962 = arith.constant 32 : index
      %get3A_963 = tpu.vector_load %arg13[%get3A_961, %get3A_962] {strides = array<i32>} : memref<256x128xf32, #tpu.memory_space<vmem>>, vector<1x16xf32>,
      %get3A_964 = vector.shape_cast %get3A_963 : vector<1x16xf32> to vector<16xf32>
      %add3A_965 = arith.addf %add3A_958, %get3A_964 : vector<16xf32>
      %add3A_966 = arith.constant 8 : i32
      %add3A_967 = arith.addi %mul3A_678, %add3A_966 : i32
      %get3A_968 = arith.index_cast %add3A_967 : i32 to index
      %get3A_969 = arith.constant 32 : index
      %get3A_970 = tpu.vector_load %arg13[%get3A_968, %get3A_969] {strides = array<i32>} : memref<256x128xf32, #tpu.memory_space<vmem>>, vector<1x16xf32>,
      %get3A_971 = vector.shape_cast %get3A_970 : vector<1x16xf32> to vector<16xf32>
      %add3A_972 = arith.addf %add3A_965, %get3A_971 : vector<16xf32>
      %add3A_973 = arith.constant 9 : i32
      %add3A_974 = arith.addi %mul3A_678, %add3A_973 : i32
      %get3A_975 = arith.index_cast %add3A_974 : i32 to index
      %get3A_976 = arith.constant 32 : index
      %get3A_977 = tpu.vector_load %arg13[%get3A_975, %get3A_976] {strides = array<i32>} : memref<256x128xf32, #tpu.memory_space<vmem>>, vector<1x16xf32>,
      %get3A_978 = vector.shape_cast %get3A_977 : vector<1x16xf32> to vector<16xf32>
      %add3A_979 = arith.addf %add3A_972, %get3A_978 : vector<16xf32>
      %add3A_980 = arith.constant 10 : i32
      %add3A_981 = arith.addi %mul3A_678, %add3A_980 : i32
      %get3A_982 = arith.index_cast %add3A_981 : i32 to index
      %get3A_983 = arith.constant 32 : index
      %get3A_984 = tpu.vector_load %arg13[%get3A_982, %get3A_983] {strides = array<i32>} : memref<256x128xf32, #tpu.memory_space<vmem>>, vector<1x16xf32>,
      %get3A_985 = vector.shape_cast %get3A_984 : vector<1x16xf32> to vector<16xf32>
      %add3A_986 = arith.addf %add3A_979, %get3A_985 : vector<16xf32>
      %add3A_987 = arith.constant 11 : i32
      %add3A_988 = arith.addi %mul3A_678, %add3A_987 : i32
      %get3A_989 = arith.index_cast %add3A_988 : i32 to index
      %get3A_990 = arith.constant 32 : index
      %get3A_991 = tpu.vector_load %arg13[%get3A_989, %get3A_990] {strides = array<i32>} : memref<256x128xf32, #tpu.memory_space<vmem>>, vector<1x16xf32>,
      %get3A_992 = vector.shape_cast %get3A_991 : vector<1x16xf32> to vector<16xf32>
      %add3A_993 = arith.addf %add3A_986, %get3A_992 : vector<16xf32>
      %add3A_994 = arith.constant 12 : i32
      %add3A_995 = arith.addi %mul3A_678, %add3A_994 : i32
      %get3A_996 = arith.index_cast %add3A_995 : i32 to index
      %get3A_997 = arith.constant 32 : index
      %get3A_998 = tpu.vector_load %arg13[%get3A_996, %get3A_997] {strides = array<i32>} : memref<256x128xf32, #tpu.memory_space<vmem>>, vector<1x16xf32>,
      %get3A_999 = vector.shape_cast %get3A_998 : vector<1x16xf32> to vector<16xf32>
      %add3A_1000 = arith.addf %add3A_993, %get3A_999 : vector<16xf32>
      %add3A_1001 = arith.constant 13 : i32
      %add3A_1002 = arith.addi %mul3A_678, %add3A_1001 : i32
      %get3A_1003 = arith.index_cast %add3A_1002 : i32 to index
      %get3A_1004 = arith.constant 32 : index
      %get3A_1005 = tpu.vector_load %arg13[%get3A_1003, %get3A_1004] {strides = array<i32>} : memref<256x128xf32, #tpu.memory_space<vmem>>, vector<1x16xf32>,
      %get3A_1006 = vector.shape_cast %get3A_1005 : vector<1x16xf32> to vector<16xf32>
      %add3A_1007 = arith.addf %add3A_1000, %get3A_1006 : vector<16xf32>
      %add3A_1008 = arith.constant 14 : i32
      %add3A_1009 = arith.addi %mul3A_678, %add3A_1008 : i32
      %get3A_1010 = arith.index_cast %add3A_1009 : i32 to index
      %get3A_1011 = arith.constant 32 : index
      %get3A_1012 = tpu.vector_load %arg13[%get3A_1010, %get3A_1011] {strides = array<i32>} : memref<256x128xf32, #tpu.memory_space<vmem>>, vector<1x16xf32>,
      %get3A_1013 = vector.shape_cast %get3A_1012 : vector<1x16xf32> to vector<16xf32>
      %add3A_1014 = arith.addf %add3A_1007, %get3A_1013 : vector<16xf32>
      %add3A_1015 = arith.constant 15 : i32
      %add3A_1016 = arith.addi %mul3A_678, %add3A_1015 : i32
      %get3A_1017 = arith.index_cast %add3A_1016 : i32 to index
      %get3A_1018 = arith.constant 32 : index
      %get3A_1019 = tpu.vector_load %arg13[%get3A_1017, %get3A_1018] {strides = array<i32>} : memref<256x128xf32, #tpu.memory_space<vmem>>, vector<1x16xf32>,
      %get3A_1020 = vector.shape_cast %get3A_1019 : vector<1x16xf32> to vector<16xf32>
      %add3A_1021 = arith.addf %add3A_1014, %get3A_1020 : vector<16xf32>
      %mul3A_1022 = arith.constant 6.250000e-02 : f32
      %mul3A_1023 = vector.broadcast %mul3A_1022 : f32 to vector<16xf32>
      %mul3A_1024 = arith.mulf %add3A_1021, %mul3A_1023 : vector<16xf32>
      %swap3A_1025 = arith.index_cast %scan3A_676 : i32 to index
      %swap3A_1026 = arith.constant 32 : index
      %swap3A_1027 = tpu.vector_load %arg14[%swap3A_1025, %swap3A_1026] {strides = array<i32>} : memref<16x128xf32, #tpu.memory_space<vmem>>, vector<1x16xf32>,
      %swap3A_1028 = vector.shape_cast %swap3A_1027 : vector<1x16xf32> to vector<16xf32>
      %swap3A_1029 = vector.shape_cast %mul3A_1024 : vector<16xf32> to vector<1x16xf32>
      tpu.vector_store %arg14[%swap3A_1025, %swap3A_1026], %swap3A_1029 {strides = array<i32>} : memref<16x128xf32, #tpu.memory_space<vmem>>, vector<1x16xf32>,
      %get3A_1030 = arith.index_cast %mul3A_678 : i32 to index
      %get3A_1031 = arith.constant 48 : index
      %get3A_1032 = tpu.vector_load %arg13[%get3A_1030, %get3A_1031] {strides = array<i32>} : memref<256x128xf32, #tpu.memory_space<vmem>>, vector<1x16xf32>,
      %get3A_1033 = vector.shape_cast %get3A_1032 : vector<1x16xf32> to vector<16xf32>
      %add3A_1034 = arith.constant 1 : i32
      %add3A_1035 = arith.addi %mul3A_678, %add3A_1034 : i32
      %get3A_1036 = arith.index_cast %add3A_1035 : i32 to index
      %get3A_1037 = arith.constant 48 : index
      %get3A_1038 = tpu.vector_load %arg13[%get3A_1036, %get3A_1037] {strides = array<i32>} : memref<256x128xf32, #tpu.memory_space<vmem>>, vector<1x16xf32>,
      %get3A_1039 = vector.shape_cast %get3A_1038 : vector<1x16xf32> to vector<16xf32>
      %add3A_1040 = arith.addf %get3A_1033, %get3A_1039 : vector<16xf32>
      %add3A_1041 = arith.constant 2 : i32
      %add3A_1042 = arith.addi %mul3A_678, %add3A_1041 : i32
      %get3A_1043 = arith.index_cast %add3A_1042 : i32 to index
      %get3A_1044 = arith.constant 48 : index
      %get3A_1045 = tpu.vector_load %arg13[%get3A_1043, %get3A_1044] {strides = array<i32>} : memref<256x128xf32, #tpu.memory_space<vmem>>, vector<1x16xf32>,
      %get3A_1046 = vector.shape_cast %get3A_1045 : vector<1x16xf32> to vector<16xf32>
      %add3A_1047 = arith.addf %add3A_1040, %get3A_1046 : vector<16xf32>
      %add3A_1048 = arith.constant 3 : i32
      %add3A_1049 = arith.addi %mul3A_678, %add3A_1048 : i32
      %get3A_1050 = arith.index_cast %add3A_1049 : i32 to index
      %get3A_1051 = arith.constant 48 : index
      %get3A_1052 = tpu.vector_load %arg13[%get3A_1050, %get3A_1051] {strides = array<i32>} : memref<256x128xf32, #tpu.memory_space<vmem>>, vector<1x16xf32>,
      %get3A_1053 = vector.shape_cast %get3A_1052 : vector<1x16xf32> to vector<16xf32>
      %add3A_1054 = arith.addf %add3A_1047, %get3A_1053 : vector<16xf32>
      %add3A_1055 = arith.constant 4 : i32
      %add3A_1056 = arith.addi %mul3A_678, %add3A_1055 : i32
      %get3A_1057 = arith.index_cast %add3A_1056 : i32 to index
      %get3A_1058 = arith.constant 48 : index
      %get3A_1059 = tpu.vector_load %arg13[%get3A_1057, %get3A_1058] {strides = array<i32>} : memref<256x128xf32, #tpu.memory_space<vmem>>, vector<1x16xf32>,
      %get3A_1060 = vector.shape_cast %get3A_1059 : vector<1x16xf32> to vector<16xf32>
      %add3A_1061 = arith.addf %add3A_1054, %get3A_1060 : vector<16xf32>
      %add3A_1062 = arith.constant 5 : i32
      %add3A_1063 = arith.addi %mul3A_678, %add3A_1062 : i32
      %get3A_1064 = arith.index_cast %add3A_1063 : i32 to index
      %get3A_1065 = arith.constant 48 : index
      %get3A_1066 = tpu.vector_load %arg13[%get3A_1064, %get3A_1065] {strides = array<i32>} : memref<256x128xf32, #tpu.memory_space<vmem>>, vector<1x16xf32>,
      %get3A_1067 = vector.shape_cast %get3A_1066 : vector<1x16xf32> to vector<16xf32>
      %add3A_1068 = arith.addf %add3A_1061, %get3A_1067 : vector<16xf32>
      %add3A_1069 = arith.constant 6 : i32
      %add3A_1070 = arith.addi %mul3A_678, %add3A_1069 : i32
      %get3A_1071 = arith.index_cast %add3A_1070 : i32 to index
      %get3A_1072 = arith.constant 48 : index
      %get3A_1073 = tpu.vector_load %arg13[%get3A_1071, %get3A_1072] {strides = array<i32>} : memref<256x128xf32, #tpu.memory_space<vmem>>, vector<1x16xf32>,
      %get3A_1074 = vector.shape_cast %get3A_1073 : vector<1x16xf32> to vector<16xf32>
      %add3A_1075 = arith.addf %add3A_1068, %get3A_1074 : vector<16xf32>
      %add3A_1076 = arith.constant 7 : i32
      %add3A_1077 = arith.addi %mul3A_678, %add3A_1076 : i32
      %get3A_1078 = arith.index_cast %add3A_1077 : i32 to index
      %get3A_1079 = arith.constant 48 : index
      %get3A_1080 = tpu.vector_load %arg13[%get3A_1078, %get3A_1079] {strides = array<i32>} : memref<256x128xf32, #tpu.memory_space<vmem>>, vector<1x16xf32>,
      %get3A_1081 = vector.shape_cast %get3A_1080 : vector<1x16xf32> to vector<16xf32>
      %add3A_1082 = arith.addf %add3A_1075, %get3A_1081 : vector<16xf32>
      %add3A_1083 = arith.constant 8 : i32
      %add3A_1084 = arith.addi %mul3A_678, %add3A_1083 : i32
      %get3A_1085 = arith.index_cast %add3A_1084 : i32 to index
      %get3A_1086 = arith.constant 48 : index
      %get3A_1087 = tpu.vector_load %arg13[%get3A_1085, %get3A_1086] {strides = array<i32>} : memref<256x128xf32, #tpu.memory_space<vmem>>, vector<1x16xf32>,
      %get3A_1088 = vector.shape_cast %get3A_1087 : vector<1x16xf32> to vector<16xf32>
      %add3A_1089 = arith.addf %add3A_1082, %get3A_1088 : vector<16xf32>
      %add3A_1090 = arith.constant 9 : i32
      %add3A_1091 = arith.addi %mul3A_678, %add3A_1090 : i32
      %get3A_1092 = arith.index_cast %add3A_1091 : i32 to index
      %get3A_1093 = arith.constant 48 : index
      %get3A_1094 = tpu.vector_load %arg13[%get3A_1092, %get3A_1093] {strides = array<i32>} : memref<256x128xf32, #tpu.memory_space<vmem>>, vector<1x16xf32>,
      %get3A_1095 = vector.shape_cast %get3A_1094 : vector<1x16xf32> to vector<16xf32>
      %add3A_1096 = arith.addf %add3A_1089, %get3A_1095 : vector<16xf32>
      %add3A_1097 = arith.constant 10 : i32
      %add3A_1098 = arith.addi %mul3A_678, %add3A_1097 : i32
      %get3A_1099 = arith.index_cast %add3A_1098 : i32 to index
      %get3A_1100 = arith.constant 48 : index
      %get3A_1101 = tpu.vector_load %arg13[%get3A_1099, %get3A_1100] {strides = array<i32>} : memref<256x128xf32, #tpu.memory_space<vmem>>, vector<1x16xf32>,
      %get3A_1102 = vector.shape_cast %get3A_1101 : vector<1x16xf32> to vector<16xf32>
      %add3A_1103 = arith.addf %add3A_1096, %get3A_1102 : vector<16xf32>
      %add3A_1104 = arith.constant 11 : i32
      %add3A_1105 = arith.addi %mul3A_678, %add3A_1104 : i32
      %get3A_1106 = arith.index_cast %add3A_1105 : i32 to index
      %get3A_1107 = arith.constant 48 : index
      %get3A_1108 = tpu.vector_load %arg13[%get3A_1106, %get3A_1107] {strides = array<i32>} : memref<256x128xf32, #tpu.memory_space<vmem>>, vector<1x16xf32>,
      %get3A_1109 = vector.shape_cast %get3A_1108 : vector<1x16xf32> to vector<16xf32>
      %add3A_1110 = arith.addf %add3A_1103, %get3A_1109 : vector<16xf32>
      %add3A_1111 = arith.constant 12 : i32
      %add3A_1112 = arith.addi %mul3A_678, %add3A_1111 : i32
      %get3A_1113 = arith.index_cast %add3A_1112 : i32 to index
      %get3A_1114 = arith.constant 48 : index
      %get3A_1115 = tpu.vector_load %arg13[%get3A_1113, %get3A_1114] {strides = array<i32>} : memref<256x128xf32, #tpu.memory_space<vmem>>, vector<1x16xf32>,
      %get3A_1116 = vector.shape_cast %get3A_1115 : vector<1x16xf32> to vector<16xf32>
      %add3A_1117 = arith.addf %add3A_1110, %get3A_1116 : vector<16xf32>
      %add3A_1118 = arith.constant 13 : i32
      %add3A_1119 = arith.addi %mul3A_678, %add3A_1118 : i32
      %get3A_1120 = arith.index_cast %add3A_1119 : i32 to index
      %get3A_1121 = arith.constant 48 : index
      %get3A_1122 = tpu.vector_load %arg13[%get3A_1120, %get3A_1121] {strides = array<i32>} : memref<256x128xf32, #tpu.memory_space<vmem>>, vector<1x16xf32>,
      %get3A_1123 = vector.shape_cast %get3A_1122 : vector<1x16xf32> to vector<16xf32>
      %add3A_1124 = arith.addf %add3A_1117, %get3A_1123 : vector<16xf32>
      %add3A_1125 = arith.constant 14 : i32
      %add3A_1126 = arith.addi %mul3A_678, %add3A_1125 : i32
      %get3A_1127 = arith.index_cast %add3A_1126 : i32 to index
      %get3A_1128 = arith.constant 48 : index
      %get3A_1129 = tpu.vector_load %arg13[%get3A_1127, %get3A_1128] {strides = array<i32>} : memref<256x128xf32, #tpu.memory_space<vmem>>, vector<1x16xf32>,
      %get3A_1130 = vector.shape_cast %get3A_1129 : vector<1x16xf32> to vector<16xf32>
      %add3A_1131 = arith.addf %add3A_1124, %get3A_1130 : vector<16xf32>
      %add3A_1132 = arith.constant 15 : i32
      %add3A_1133 = arith.addi %mul3A_678, %add3A_1132 : i32
      %get3A_1134 = arith.index_cast %add3A_1133 : i32 to index
      %get3A_1135 = arith.constant 48 : index
      %get3A_1136 = tpu.vector_load %arg13[%get3A_1134, %get3A_1135] {strides = array<i32>} : memref<256x128xf32, #tpu.memory_space<vmem>>, vector<1x16xf32>,
      %get3A_1137 = vector.shape_cast %get3A_1136 : vector<1x16xf32> to vector<16xf32>
      %add3A_1138 = arith.addf %add3A_1131, %get3A_1137 : vector<16xf32>
      %mul3A_1139 = arith.constant 6.250000e-02 : f32
      %mul3A_1140 = vector.broadcast %mul3A_1139 : f32 to vector<16xf32>
      %mul3A_1141 = arith.mulf %add3A_1138, %mul3A_1140 : vector<16xf32>
      %swap3A_1142 = arith.index_cast %scan3A_676 : i32 to index
      %swap3A_1143 = arith.constant 48 : index
      %swap3A_1144 = tpu.vector_load %arg14[%swap3A_1142, %swap3A_1143] {strides = array<i32>} : memref<16x128xf32, #tpu.memory_space<vmem>>, vector<1x16xf32>,
      %swap3A_1145 = vector.shape_cast %swap3A_1144 : vector<1x16xf32> to vector<16xf32>
      %swap3A_1146 = vector.shape_cast %mul3A_1141 : vector<16xf32> to vector<1x16xf32>
      tpu.vector_store %arg14[%swap3A_1142, %swap3A_1143], %swap3A_1146 {strides = array<i32>} : memref<16x128xf32, #tpu.memory_space<vmem>>, vector<1x16xf32>,
      %get3A_1147 = arith.index_cast %mul3A_678 : i32 to index
      %get3A_1148 = arith.constant 64 : index
      %get3A_1149 = tpu.vector_load %arg13[%get3A_1147, %get3A_1148] {strides = array<i32>} : memref<256x128xf32, #tpu.memory_space<vmem>>, vector<1x16xf32>,
      %get3A_1150 = vector.shape_cast %get3A_1149 : vector<1x16xf32> to vector<16xf32>
      %add3A_1151 = arith.constant 1 : i32
      %add3A_1152 = arith.addi %mul3A_678, %add3A_1151 : i32
      %get3A_1153 = arith.index_cast %add3A_1152 : i32 to index
      %get3A_1154 = arith.constant 64 : index
      %get3A_1155 = tpu.vector_load %arg13[%get3A_1153, %get3A_1154] {strides = array<i32>} : memref<256x128xf32, #tpu.memory_space<vmem>>, vector<1x16xf32>,
      %get3A_1156 = vector.shape_cast %get3A_1155 : vector<1x16xf32> to vector<16xf32>
      %add3A_1157 = arith.addf %get3A_1150, %get3A_1156 : vector<16xf32>
      %add3A_1158 = arith.constant 2 : i32
      %add3A_1159 = arith.addi %mul3A_678, %add3A_1158 : i32
      %get3A_1160 = arith.index_cast %add3A_1159 : i32 to index
      %get3A_1161 = arith.constant 64 : index
      %get3A_1162 = tpu.vector_load %arg13[%get3A_1160, %get3A_1161] {strides = array<i32>} : memref<256x128xf32, #tpu.memory_space<vmem>>, vector<1x16xf32>,
      %get3A_1163 = vector.shape_cast %get3A_1162 : vector<1x16xf32> to vector<16xf32>
      %add3A_1164 = arith.addf %add3A_1157, %get3A_1163 : vector<16xf32>
      %add3A_1165 = arith.constant 3 : i32
      %add3A_1166 = arith.addi %mul3A_678, %add3A_1165 : i32
      %get3A_1167 = arith.index_cast %add3A_1166 : i32 to index
      %get3A_1168 = arith.constant 64 : index
      %get3A_1169 = tpu.vector_load %arg13[%get3A_1167, %get3A_1168] {strides = array<i32>} : memref<256x128xf32, #tpu.memory_space<vmem>>, vector<1x16xf32>,
      %get3A_1170 = vector.shape_cast %get3A_1169 : vector<1x16xf32> to vector<16xf32>
      %add3A_1171 = arith.addf %add3A_1164, %get3A_1170 : vector<16xf32>
      %add3A_1172 = arith.constant 4 : i32
      %add3A_1173 = arith.addi %mul3A_678, %add3A_1172 : i32
      %get3A_1174 = arith.index_cast %add3A_1173 : i32 to index
      %get3A_1175 = arith.constant 64 : index
      %get3A_1176 = tpu.vector_load %arg13[%get3A_1174, %get3A_1175] {strides = array<i32>} : memref<256x128xf32, #tpu.memory_space<vmem>>, vector<1x16xf32>,
      %get3A_1177 = vector.shape_cast %get3A_1176 : vector<1x16xf32> to vector<16xf32>
      %add3A_1178 = arith.addf %add3A_1171, %get3A_1177 : vector<16xf32>
      %add3A_1179 = arith.constant 5 : i32
      %add3A_1180 = arith.addi %mul3A_678, %add3A_1179 : i32
      %get3A_1181 = arith.index_cast %add3A_1180 : i32 to index
      %get3A_1182 = arith.constant 64 : index
      %get3A_1183 = tpu.vector_load %arg13[%get3A_1181, %get3A_1182] {strides = array<i32>} : memref<256x128xf32, #tpu.memory_space<vmem>>, vector<1x16xf32>,
      %get3A_1184 = vector.shape_cast %get3A_1183 : vector<1x16xf32> to vector<16xf32>
      %add3A_1185 = arith.addf %add3A_1178, %get3A_1184 : vector<16xf32>
      %add3A_1186 = arith.constant 6 : i32
      %add3A_1187 = arith.addi %mul3A_678, %add3A_1186 : i32
      %get3A_1188 = arith.index_cast %add3A_1187 : i32 to index
      %get3A_1189 = arith.constant 64 : index
      %get3A_1190 = tpu.vector_load %arg13[%get3A_1188, %get3A_1189] {strides = array<i32>} : memref<256x128xf32, #tpu.memory_space<vmem>>, vector<1x16xf32>,
      %get3A_1191 = vector.shape_cast %get3A_1190 : vector<1x16xf32> to vector<16xf32>
      %add3A_1192 = arith.addf %add3A_1185, %get3A_1191 : vector<16xf32>
      %add3A_1193 = arith.constant 7 : i32
      %add3A_1194 = arith.addi %mul3A_678, %add3A_1193 : i32
      %get3A_1195 = arith.index_cast %add3A_1194 : i32 to index
      %get3A_1196 = arith.constant 64 : index
      %get3A_1197 = tpu.vector_load %arg13[%get3A_1195, %get3A_1196] {strides = array<i32>} : memref<256x128xf32, #tpu.memory_space<vmem>>, vector<1x16xf32>,
      %get3A_1198 = vector.shape_cast %get3A_1197 : vector<1x16xf32> to vector<16xf32>
      %add3A_1199 = arith.addf %add3A_1192, %get3A_1198 : vector<16xf32>
      %add3A_1200 = arith.constant 8 : i32
      %add3A_1201 = arith.addi %mul3A_678, %add3A_1200 : i32
      %get3A_1202 = arith.index_cast %add3A_1201 : i32 to index
      %get3A_1203 = arith.constant 64 : index
      %get3A_1204 = tpu.vector_load %arg13[%get3A_1202, %get3A_1203] {strides = array<i32>} : memref<256x128xf32, #tpu.memory_space<vmem>>, vector<1x16xf32>,
      %get3A_1205 = vector.shape_cast %get3A_1204 : vector<1x16xf32> to vector<16xf32>
      %add3A_1206 = arith.addf %add3A_1199, %get3A_1205 : vector<16xf32>
      %add3A_1207 = arith.constant 9 : i32
      %add3A_1208 = arith.addi %mul3A_678, %add3A_1207 : i32
      %get3A_1209 = arith.index_cast %add3A_1208 : i32 to index
      %get3A_1210 = arith.constant 64 : index
      %get3A_1211 = tpu.vector_load %arg13[%get3A_1209, %get3A_1210] {strides = array<i32>} : memref<256x128xf32, #tpu.memory_space<vmem>>, vector<1x16xf32>,
      %get3A_1212 = vector.shape_cast %get3A_1211 : vector<1x16xf32> to vector<16xf32>
      %add3A_1213 = arith.addf %add3A_1206, %get3A_1212 : vector<16xf32>
      %add3A_1214 = arith.constant 10 : i32
      %add3A_1215 = arith.addi %mul3A_678, %add3A_1214 : i32
      %get3A_1216 = arith.index_cast %add3A_1215 : i32 to index
      %get3A_1217 = arith.constant 64 : index
      %get3A_1218 = tpu.vector_load %arg13[%get3A_1216, %get3A_1217] {strides = array<i32>} : memref<256x128xf32, #tpu.memory_space<vmem>>, vector<1x16xf32>,
      %get3A_1219 = vector.shape_cast %get3A_1218 : vector<1x16xf32> to vector<16xf32>
      %add3A_1220 = arith.addf %add3A_1213, %get3A_1219 : vector<16xf32>
      %add3A_1221 = arith.constant 11 : i32
      %add3A_1222 = arith.addi %mul3A_678, %add3A_1221 : i32
      %get3A_1223 = arith.index_cast %add3A_1222 : i32 to index
      %get3A_1224 = arith.constant 64 : index
      %get3A_1225 = tpu.vector_load %arg13[%get3A_1223, %get3A_1224] {strides = array<i32>} : memref<256x128xf32, #tpu.memory_space<vmem>>, vector<1x16xf32>,
      %get3A_1226 = vector.shape_cast %get3A_1225 : vector<1x16xf32> to vector<16xf32>
      %add3A_1227 = arith.addf %add3A_1220, %get3A_1226 : vector<16xf32>
      %add3A_1228 = arith.constant 12 : i32
      %add3A_1229 = arith.addi %mul3A_678, %add3A_1228 : i32
      %get3A_1230 = arith.index_cast %add3A_1229 : i32 to index
      %get3A_1231 = arith.constant 64 : index
      %get3A_1232 = tpu.vector_load %arg13[%get3A_1230, %get3A_1231] {strides = array<i32>} : memref<256x128xf32, #tpu.memory_space<vmem>>, vector<1x16xf32>,
      %get3A_1233 = vector.shape_cast %get3A_1232 : vector<1x16xf32> to vector<16xf32>
      %add3A_1234 = arith.addf %add3A_1227, %get3A_1233 : vector<16xf32>
      %add3A_1235 = arith.constant 13 : i32
      %add3A_1236 = arith.addi %mul3A_678, %add3A_1235 : i32
      %get3A_1237 = arith.index_cast %add3A_1236 : i32 to index
      %get3A_1238 = arith.constant 64 : index
      %get3A_1239 = tpu.vector_load %arg13[%get3A_1237, %get3A_1238] {strides = array<i32>} : memref<256x128xf32, #tpu.memory_space<vmem>>, vector<1x16xf32>,
      %get3A_1240 = vector.shape_cast %get3A_1239 : vector<1x16xf32> to vector<16xf32>
      %add3A_1241 = arith.addf %add3A_1234, %get3A_1240 : vector<16xf32>
      %add3A_1242 = arith.constant 14 : i32
      %add3A_1243 = arith.addi %mul3A_678, %add3A_1242 : i32
      %get3A_1244 = arith.index_cast %add3A_1243 : i32 to index
      %get3A_1245 = arith.constant 64 : index
      %get3A_1246 = tpu.vector_load %arg13[%get3A_1244, %get3A_1245] {strides = array<i32>} : memref<256x128xf32, #tpu.memory_space<vmem>>, vector<1x16xf32>,
      %get3A_1247 = vector.shape_cast %get3A_1246 : vector<1x16xf32> to vector<16xf32>
      %add3A_1248 = arith.addf %add3A_1241, %get3A_1247 : vector<16xf32>
      %add3A_1249 = arith.constant 15 : i32
      %add3A_1250 = arith.addi %mul3A_678, %add3A_1249 : i32
      %get3A_1251 = arith.index_cast %add3A_1250 : i32 to index
      %get3A_1252 = arith.constant 64 : index
      %get3A_1253 = tpu.vector_load %arg13[%get3A_1251, %get3A_1252] {strides = array<i32>} : memref<256x128xf32, #tpu.memory_space<vmem>>, vector<1x16xf32>,
      %get3A_1254 = vector.shape_cast %get3A_1253 : vector<1x16xf32> to vector<16xf32>
      %add3A_1255 = arith.addf %add3A_1248, %get3A_1254 : vector<16xf32>
      %mul3A_1256 = arith.constant 6.250000e-02 : f32
      %mul3A_1257 = vector.broadcast %mul3A_1256 : f32 to vector<16xf32>
      %mul3A_1258 = arith.mulf %add3A_1255, %mul3A_1257 : vector<16xf32>
      %swap3A_1259 = arith.index_cast %scan3A_676 : i32 to index
      %swap3A_1260 = arith.constant 64 : index
      %swap3A_1261 = tpu.vector_load %arg14[%swap3A_1259, %swap3A_1260] {strides = array<i32>} : memref<16x128xf32, #tpu.memory_space<vmem>>, vector<1x16xf32>,
      %swap3A_1262 = vector.shape_cast %swap3A_1261 : vector<1x16xf32> to vector<16xf32>
      %swap3A_1263 = vector.shape_cast %mul3A_1258 : vector<16xf32> to vector<1x16xf32>
      tpu.vector_store %arg14[%swap3A_1259, %swap3A_1260], %swap3A_1263 {strides = array<i32>} : memref<16x128xf32, #tpu.memory_space<vmem>>, vector<1x16xf32>,
      %get3A_1264 = arith.index_cast %mul3A_678 : i32 to index
      %get3A_1265 = arith.constant 80 : index
      %get3A_1266 = tpu.vector_load %arg13[%get3A_1264, %get3A_1265] {strides = array<i32>} : memref<256x128xf32, #tpu.memory_space<vmem>>, vector<1x16xf32>,
      %get3A_1267 = vector.shape_cast %get3A_1266 : vector<1x16xf32> to vector<16xf32>
      %add3A_1268 = arith.constant 1 : i32
      %add3A_1269 = arith.addi %mul3A_678, %add3A_1268 : i32
      %get3A_1270 = arith.index_cast %add3A_1269 : i32 to index
      %get3A_1271 = arith.constant 80 : index
      %get3A_1272 = tpu.vector_load %arg13[%get3A_1270, %get3A_1271] {strides = array<i32>} : memref<256x128xf32, #tpu.memory_space<vmem>>, vector<1x16xf32>,
      %get3A_1273 = vector.shape_cast %get3A_1272 : vector<1x16xf32> to vector<16xf32>
      %add3A_1274 = arith.addf %get3A_1267, %get3A_1273 : vector<16xf32>
      %add3A_1275 = arith.constant 2 : i32
      %add3A_1276 = arith.addi %mul3A_678, %add3A_1275 : i32
      %get3A_1277 = arith.index_cast %add3A_1276 : i32 to index
      %get3A_1278 = arith.constant 80 : index
      %get3A_1279 = tpu.vector_load %arg13[%get3A_1277, %get3A_1278] {strides = array<i32>} : memref<256x128xf32, #tpu.memory_space<vmem>>, vector<1x16xf32>,
      %get3A_1280 = vector.shape_cast %get3A_1279 : vector<1x16xf32> to vector<16xf32>
      %add3A_1281 = arith.addf %add3A_1274, %get3A_1280 : vector<16xf32>
      %add3A_1282 = arith.constant 3 : i32
      %add3A_1283 = arith.addi %mul3A_678, %add3A_1282 : i32
      %get3A_1284 = arith.index_cast %add3A_1283 : i32 to index
      %get3A_1285 = arith.constant 80 : index
      %get3A_1286 = tpu.vector_load %arg13[%get3A_1284, %get3A_1285] {strides = array<i32>} : memref<256x128xf32, #tpu.memory_space<vmem>>, vector<1x16xf32>,
      %get3A_1287 = vector.shape_cast %get3A_1286 : vector<1x16xf32> to vector<16xf32>
      %add3A_1288 = arith.addf %add3A_1281, %get3A_1287 : vector<16xf32>
      %add3A_1289 = arith.constant 4 : i32
      %add3A_1290 = arith.addi %mul3A_678, %add3A_1289 : i32
      %get3A_1291 = arith.index_cast %add3A_1290 : i32 to index
      %get3A_1292 = arith.constant 80 : index
      %get3A_1293 = tpu.vector_load %arg13[%get3A_1291, %get3A_1292] {strides = array<i32>} : memref<256x128xf32, #tpu.memory_space<vmem>>, vector<1x16xf32>,
      %get3A_1294 = vector.shape_cast %get3A_1293 : vector<1x16xf32> to vector<16xf32>
      %add3A_1295 = arith.addf %add3A_1288, %get3A_1294 : vector<16xf32>
      %add3A_1296 = arith.constant 5 : i32
      %add3A_1297 = arith.addi %mul3A_678, %add3A_1296 : i32
      %get3A_1298 = arith.index_cast %add3A_1297 : i32 to index
      %get3A_1299 = arith.constant 80 : index
      %get3A_1300 = tpu.vector_load %arg13[%get3A_1298, %get3A_1299] {strides = array<i32>} : memref<256x128xf32, #tpu.memory_space<vmem>>, vector<1x16xf32>,
      %get3A_1301 = vector.shape_cast %get3A_1300 : vector<1x16xf32> to vector<16xf32>
      %add3A_1302 = arith.addf %add3A_1295, %get3A_1301 : vector<16xf32>
      %add3A_1303 = arith.constant 6 : i32
      %add3A_1304 = arith.addi %mul3A_678, %add3A_1303 : i32
      %get3A_1305 = arith.index_cast %add3A_1304 : i32 to index
      %get3A_1306 = arith.constant 80 : index
      %get3A_1307 = tpu.vector_load %arg13[%get3A_1305, %get3A_1306] {strides = array<i32>} : memref<256x128xf32, #tpu.memory_space<vmem>>, vector<1x16xf32>,
      %get3A_1308 = vector.shape_cast %get3A_1307 : vector<1x16xf32> to vector<16xf32>
      %add3A_1309 = arith.addf %add3A_1302, %get3A_1308 : vector<16xf32>
      %add3A_1310 = arith.constant 7 : i32
      %add3A_1311 = arith.addi %mul3A_678, %add3A_1310 : i32
      %get3A_1312 = arith.index_cast %add3A_1311 : i32 to index
      %get3A_1313 = arith.constant 80 : index
      %get3A_1314 = tpu.vector_load %arg13[%get3A_1312, %get3A_1313] {strides = array<i32>} : memref<256x128xf32, #tpu.memory_space<vmem>>, vector<1x16xf32>,
      %get3A_1315 = vector.shape_cast %get3A_1314 : vector<1x16xf32> to vector<16xf32>
      %add3A_1316 = arith.addf %add3A_1309, %get3A_1315 : vector<16xf32>
      %add3A_1317 = arith.constant 8 : i32
      %add3A_1318 = arith.addi %mul3A_678, %add3A_1317 : i32
      %get3A_1319 = arith.index_cast %add3A_1318 : i32 to index
      %get3A_1320 = arith.constant 80 : index
      %get3A_1321 = tpu.vector_load %arg13[%get3A_1319, %get3A_1320] {strides = array<i32>} : memref<256x128xf32, #tpu.memory_space<vmem>>, vector<1x16xf32>,
      %get3A_1322 = vector.shape_cast %get3A_1321 : vector<1x16xf32> to vector<16xf32>
      %add3A_1323 = arith.addf %add3A_1316, %get3A_1322 : vector<16xf32>
      %add3A_1324 = arith.constant 9 : i32
      %add3A_1325 = arith.addi %mul3A_678, %add3A_1324 : i32
      %get3A_1326 = arith.index_cast %add3A_1325 : i32 to index
      %get3A_1327 = arith.constant 80 : index
      %get3A_1328 = tpu.vector_load %arg13[%get3A_1326, %get3A_1327] {strides = array<i32>} : memref<256x128xf32, #tpu.memory_space<vmem>>, vector<1x16xf32>,
      %get3A_1329 = vector.shape_cast %get3A_1328 : vector<1x16xf32> to vector<16xf32>
      %add3A_1330 = arith.addf %add3A_1323, %get3A_1329 : vector<16xf32>
      %add3A_1331 = arith.constant 10 : i32
      %add3A_1332 = arith.addi %mul3A_678, %add3A_1331 : i32
      %get3A_1333 = arith.index_cast %add3A_1332 : i32 to index
      %get3A_1334 = arith.constant 80 : index
      %get3A_1335 = tpu.vector_load %arg13[%get3A_1333, %get3A_1334] {strides = array<i32>} : memref<256x128xf32, #tpu.memory_space<vmem>>, vector<1x16xf32>,
      %get3A_1336 = vector.shape_cast %get3A_1335 : vector<1x16xf32> to vector<16xf32>
      %add3A_1337 = arith.addf %add3A_1330, %get3A_1336 : vector<16xf32>
      %add3A_1338 = arith.constant 11 : i32
      %add3A_1339 = arith.addi %mul3A_678, %add3A_1338 : i32
      %get3A_1340 = arith.index_cast %add3A_1339 : i32 to index
      %get3A_1341 = arith.constant 80 : index
      %get3A_1342 = tpu.vector_load %arg13[%get3A_1340, %get3A_1341] {strides = array<i32>} : memref<256x128xf32, #tpu.memory_space<vmem>>, vector<1x16xf32>,
      %get3A_1343 = vector.shape_cast %get3A_1342 : vector<1x16xf32> to vector<16xf32>
      %add3A_1344 = arith.addf %add3A_1337, %get3A_1343 : vector<16xf32>
      %add3A_1345 = arith.constant 12 : i32
      %add3A_1346 = arith.addi %mul3A_678, %add3A_1345 : i32
      %get3A_1347 = arith.index_cast %add3A_1346 : i32 to index
      %get3A_1348 = arith.constant 80 : index
      %get3A_1349 = tpu.vector_load %arg13[%get3A_1347, %get3A_1348] {strides = array<i32>} : memref<256x128xf32, #tpu.memory_space<vmem>>, vector<1x16xf32>,
      %get3A_1350 = vector.shape_cast %get3A_1349 : vector<1x16xf32> to vector<16xf32>
      %add3A_1351 = arith.addf %add3A_1344, %get3A_1350 : vector<16xf32>
      %add3A_1352 = arith.constant 13 : i32
      %add3A_1353 = arith.addi %mul3A_678, %add3A_1352 : i32
      %get3A_1354 = arith.index_cast %add3A_1353 : i32 to index
      %get3A_1355 = arith.constant 80 : index
      %get3A_1356 = tpu.vector_load %arg13[%get3A_1354, %get3A_1355] {strides = array<i32>} : memref<256x128xf32, #tpu.memory_space<vmem>>, vector<1x16xf32>,
      %get3A_1357 = vector.shape_cast %get3A_1356 : vector<1x16xf32> to vector<16xf32>
      %add3A_1358 = arith.addf %add3A_1351, %get3A_1357 : vector<16xf32>
      %add3A_1359 = arith.constant 14 : i32
      %add3A_1360 = arith.addi %mul3A_678, %add3A_1359 : i32
      %get3A_1361 = arith.index_cast %add3A_1360 : i32 to index
      %get3A_1362 = arith.constant 80 : index
      %get3A_1363 = tpu.vector_load %arg13[%get3A_1361, %get3A_1362] {strides = array<i32>} : memref<256x128xf32, #tpu.memory_space<vmem>>, vector<1x16xf32>,
      %get3A_1364 = vector.shape_cast %get3A_1363 : vector<1x16xf32> to vector<16xf32>
      %add3A_1365 = arith.addf %add3A_1358, %get3A_1364 : vector<16xf32>
      %add3A_1366 = arith.constant 15 : i32
      %add3A_1367 = arith.addi %mul3A_678, %add3A_1366 : i32
      %get3A_1368 = arith.index_cast %add3A_1367 : i32 to index
      %get3A_1369 = arith.constant 80 : index
      %get3A_1370 = tpu.vector_load %arg13[%get3A_1368, %get3A_1369] {strides = array<i32>} : memref<256x128xf32, #tpu.memory_space<vmem>>, vector<1x16xf32>,
      %get3A_1371 = vector.shape_cast %get3A_1370 : vector<1x16xf32> to vector<16xf32>
      %add3A_1372 = arith.addf %add3A_1365, %get3A_1371 : vector<16xf32>
      %mul3A_1373 = arith.constant 6.250000e-02 : f32
      %mul3A_1374 = vector.broadcast %mul3A_1373 : f32 to vector<16xf32>
      %mul3A_1375 = arith.mulf %add3A_1372, %mul3A_1374 : vector<16xf32>
      %swap3A_1376 = arith.index_cast %scan3A_676 : i32 to index
      %swap3A_1377 = arith.constant 80 : index
      %swap3A_1378 = tpu.vector_load %arg14[%swap3A_1376, %swap3A_1377] {strides = array<i32>} : memref<16x128xf32, #tpu.memory_space<vmem>>, vector<1x16xf32>,
      %swap3A_1379 = vector.shape_cast %swap3A_1378 : vector<1x16xf32> to vector<16xf32>
      %swap3A_1380 = vector.shape_cast %mul3A_1375 : vector<16xf32> to vector<1x16xf32>
      tpu.vector_store %arg14[%swap3A_1376, %swap3A_1377], %swap3A_1380 {strides = array<i32>} : memref<16x128xf32, #tpu.memory_space<vmem>>, vector<1x16xf32>,
      %get3A_1381 = arith.index_cast %mul3A_678 : i32 to index
      %get3A_1382 = arith.constant 96 : index
      %get3A_1383 = tpu.vector_load %arg13[%get3A_1381, %get3A_1382] {strides = array<i32>} : memref<256x128xf32, #tpu.memory_space<vmem>>, vector<1x16xf32>,
      %get3A_1384 = vector.shape_cast %get3A_1383 : vector<1x16xf32> to vector<16xf32>
      %add3A_1385 = arith.constant 1 : i32
      %add3A_1386 = arith.addi %mul3A_678, %add3A_1385 : i32
      %get3A_1387 = arith.index_cast %add3A_1386 : i32 to index
      %get3A_1388 = arith.constant 96 : index
      %get3A_1389 = tpu.vector_load %arg13[%get3A_1387, %get3A_1388] {strides = array<i32>} : memref<256x128xf32, #tpu.memory_space<vmem>>, vector<1x16xf32>,
      %get3A_1390 = vector.shape_cast %get3A_1389 : vector<1x16xf32> to vector<16xf32>
      %add3A_1391 = arith.addf %get3A_1384, %get3A_1390 : vector<16xf32>
      %add3A_1392 = arith.constant 2 : i32
      %add3A_1393 = arith.addi %mul3A_678, %add3A_1392 : i32
      %get3A_1394 = arith.index_cast %add3A_1393 : i32 to index
      %get3A_1395 = arith.constant 96 : index
      %get3A_1396 = tpu.vector_load %arg13[%get3A_1394, %get3A_1395] {strides = array<i32>} : memref<256x128xf32, #tpu.memory_space<vmem>>, vector<1x16xf32>,
      %get3A_1397 = vector.shape_cast %get3A_1396 : vector<1x16xf32> to vector<16xf32>
      %add3A_1398 = arith.addf %add3A_1391, %get3A_1397 : vector<16xf32>
      %add3A_1399 = arith.constant 3 : i32
      %add3A_1400 = arith.addi %mul3A_678, %add3A_1399 : i32
      %get3A_1401 = arith.index_cast %add3A_1400 : i32 to index
      %get3A_1402 = arith.constant 96 : index
      %get3A_1403 = tpu.vector_load %arg13[%get3A_1401, %get3A_1402] {strides = array<i32>} : memref<256x128xf32, #tpu.memory_space<vmem>>, vector<1x16xf32>,
      %get3A_1404 = vector.shape_cast %get3A_1403 : vector<1x16xf32> to vector<16xf32>
      %add3A_1405 = arith.addf %add3A_1398, %get3A_1404 : vector<16xf32>
      %add3A_1406 = arith.constant 4 : i32
      %add3A_1407 = arith.addi %mul3A_678, %add3A_1406 : i32
      %get3A_1408 = arith.index_cast %add3A_1407 : i32 to index
      %get3A_1409 = arith.constant 96 : index
      %get3A_1410 = tpu.vector_load %arg13[%get3A_1408, %get3A_1409] {strides = array<i32>} : memref<256x128xf32, #tpu.memory_space<vmem>>, vector<1x16xf32>,
      %get3A_1411 = vector.shape_cast %get3A_1410 : vector<1x16xf32> to vector<16xf32>
      %add3A_1412 = arith.addf %add3A_1405, %get3A_1411 : vector<16xf32>
      %add3A_1413 = arith.constant 5 : i32
      %add3A_1414 = arith.addi %mul3A_678, %add3A_1413 : i32
      %get3A_1415 = arith.index_cast %add3A_1414 : i32 to index
      %get3A_1416 = arith.constant 96 : index
      %get3A_1417 = tpu.vector_load %arg13[%get3A_1415, %get3A_1416] {strides = array<i32>} : memref<256x128xf32, #tpu.memory_space<vmem>>, vector<1x16xf32>,
      %get3A_1418 = vector.shape_cast %get3A_1417 : vector<1x16xf32> to vector<16xf32>
      %add3A_1419 = arith.addf %add3A_1412, %get3A_1418 : vector<16xf32>
      %add3A_1420 = arith.constant 6 : i32
      %add3A_1421 = arith.addi %mul3A_678, %add3A_1420 : i32
      %get3A_1422 = arith.index_cast %add3A_1421 : i32 to index
      %get3A_1423 = arith.constant 96 : index
      %get3A_1424 = tpu.vector_load %arg13[%get3A_1422, %get3A_1423] {strides = array<i32>} : memref<256x128xf32, #tpu.memory_space<vmem>>, vector<1x16xf32>,
      %get3A_1425 = vector.shape_cast %get3A_1424 : vector<1x16xf32> to vector<16xf32>
      %add3A_1426 = arith.addf %add3A_1419, %get3A_1425 : vector<16xf32>
      %add3A_1427 = arith.constant 7 : i32
      %add3A_1428 = arith.addi %mul3A_678, %add3A_1427 : i32
      %get3A_1429 = arith.index_cast %add3A_1428 : i32 to index
      %get3A_1430 = arith.constant 96 : index
      %get3A_1431 = tpu.vector_load %arg13[%get3A_1429, %get3A_1430] {strides = array<i32>} : memref<256x128xf32, #tpu.memory_space<vmem>>, vector<1x16xf32>,
      %get3A_1432 = vector.shape_cast %get3A_1431 : vector<1x16xf32> to vector<16xf32>
      %add3A_1433 = arith.addf %add3A_1426, %get3A_1432 : vector<16xf32>
      %add3A_1434 = arith.constant 8 : i32
      %add3A_1435 = arith.addi %mul3A_678, %add3A_1434 : i32
      %get3A_1436 = arith.index_cast %add3A_1435 : i32 to index
      %get3A_1437 = arith.constant 96 : index
      %get3A_1438 = tpu.vector_load %arg13[%get3A_1436, %get3A_1437] {strides = array<i32>} : memref<256x128xf32, #tpu.memory_space<vmem>>, vector<1x16xf32>,
      %get3A_1439 = vector.shape_cast %get3A_1438 : vector<1x16xf32> to vector<16xf32>
      %add3A_1440 = arith.addf %add3A_1433, %get3A_1439 : vector<16xf32>
      %add3A_1441 = arith.constant 9 : i32
      %add3A_1442 = arith.addi %mul3A_678, %add3A_1441 : i32
      %get3A_1443 = arith.index_cast %add3A_1442 : i32 to index
      %get3A_1444 = arith.constant 96 : index
      %get3A_1445 = tpu.vector_load %arg13[%get3A_1443, %get3A_1444] {strides = array<i32>} : memref<256x128xf32, #tpu.memory_space<vmem>>, vector<1x16xf32>,
      %get3A_1446 = vector.shape_cast %get3A_1445 : vector<1x16xf32> to vector<16xf32>
      %add3A_1447 = arith.addf %add3A_1440, %get3A_1446 : vector<16xf32>
      %add3A_1448 = arith.constant 10 : i32
      %add3A_1449 = arith.addi %mul3A_678, %add3A_1448 : i32
      %get3A_1450 = arith.index_cast %add3A_1449 : i32 to index
      %get3A_1451 = arith.constant 96 : index
      %get3A_1452 = tpu.vector_load %arg13[%get3A_1450, %get3A_1451] {strides = array<i32>} : memref<256x128xf32, #tpu.memory_space<vmem>>, vector<1x16xf32>,
      %get3A_1453 = vector.shape_cast %get3A_1452 : vector<1x16xf32> to vector<16xf32>
      %add3A_1454 = arith.addf %add3A_1447, %get3A_1453 : vector<16xf32>
      %add3A_1455 = arith.constant 11 : i32
      %add3A_1456 = arith.addi %mul3A_678, %add3A_1455 : i32
      %get3A_1457 = arith.index_cast %add3A_1456 : i32 to index
      %get3A_1458 = arith.constant 96 : index
      %get3A_1459 = tpu.vector_load %arg13[%get3A_1457, %get3A_1458] {strides = array<i32>} : memref<256x128xf32, #tpu.memory_space<vmem>>, vector<1x16xf32>,
      %get3A_1460 = vector.shape_cast %get3A_1459 : vector<1x16xf32> to vector<16xf32>
      %add3A_1461 = arith.addf %add3A_1454, %get3A_1460 : vector<16xf32>
      %add3A_1462 = arith.constant 12 : i32
      %add3A_1463 = arith.addi %mul3A_678, %add3A_1462 : i32
      %get3A_1464 = arith.index_cast %add3A_1463 : i32 to index
      %get3A_1465 = arith.constant 96 : index
      %get3A_1466 = tpu.vector_load %arg13[%get3A_1464, %get3A_1465] {strides = array<i32>} : memref<256x128xf32, #tpu.memory_space<vmem>>, vector<1x16xf32>,
      %get3A_1467 = vector.shape_cast %get3A_1466 : vector<1x16xf32> to vector<16xf32>
      %add3A_1468 = arith.addf %add3A_1461, %get3A_1467 : vector<16xf32>
      %add3A_1469 = arith.constant 13 : i32
      %add3A_1470 = arith.addi %mul3A_678, %add3A_1469 : i32
      %get3A_1471 = arith.index_cast %add3A_1470 : i32 to index
      %get3A_1472 = arith.constant 96 : index
      %get3A_1473 = tpu.vector_load %arg13[%get3A_1471, %get3A_1472] {strides = array<i32>} : memref<256x128xf32, #tpu.memory_space<vmem>>, vector<1x16xf32>,
      %get3A_1474 = vector.shape_cast %get3A_1473 : vector<1x16xf32> to vector<16xf32>
      %add3A_1475 = arith.addf %add3A_1468, %get3A_1474 : vector<16xf32>
      %add3A_1476 = arith.constant 14 : i32
      %add3A_1477 = arith.addi %mul3A_678, %add3A_1476 : i32
      %get3A_1478 = arith.index_cast %add3A_1477 : i32 to index
      %get3A_1479 = arith.constant 96 : index
      %get3A_1480 = tpu.vector_load %arg13[%get3A_1478, %get3A_1479] {strides = array<i32>} : memref<256x128xf32, #tpu.memory_space<vmem>>, vector<1x16xf32>,
      %get3A_1481 = vector.shape_cast %get3A_1480 : vector<1x16xf32> to vector<16xf32>
      %add3A_1482 = arith.addf %add3A_1475, %get3A_1481 : vector<16xf32>
      %add3A_1483 = arith.constant 15 : i32
      %add3A_1484 = arith.addi %mul3A_678, %add3A_1483 : i32
      %get3A_1485 = arith.index_cast %add3A_1484 : i32 to index
      %get3A_1486 = arith.constant 96 : index
      %get3A_1487 = tpu.vector_load %arg13[%get3A_1485, %get3A_1486] {strides = array<i32>} : memref<256x128xf32, #tpu.memory_space<vmem>>, vector<1x16xf32>,
      %get3A_1488 = vector.shape_cast %get3A_1487 : vector<1x16xf32> to vector<16xf32>
      %add3A_1489 = arith.addf %add3A_1482, %get3A_1488 : vector<16xf32>
      %mul3A_1490 = arith.constant 6.250000e-02 : f32
      %mul3A_1491 = vector.broadcast %mul3A_1490 : f32 to vector<16xf32>
      %mul3A_1492 = arith.mulf %add3A_1489, %mul3A_1491 : vector<16xf32>
      %swap3A_1493 = arith.index_cast %scan3A_676 : i32 to index
      %swap3A_1494 = arith.constant 96 : index
      %swap3A_1495 = tpu.vector_load %arg14[%swap3A_1493, %swap3A_1494] {strides = array<i32>} : memref<16x128xf32, #tpu.memory_space<vmem>>, vector<1x16xf32>,
      %swap3A_1496 = vector.shape_cast %swap3A_1495 : vector<1x16xf32> to vector<16xf32>
      %swap3A_1497 = vector.shape_cast %mul3A_1492 : vector<16xf32> to vector<1x16xf32>
      tpu.vector_store %arg14[%swap3A_1493, %swap3A_1494], %swap3A_1497 {strides = array<i32>} : memref<16x128xf32, #tpu.memory_space<vmem>>, vector<1x16xf32>,
      %get3A_1498 = arith.index_cast %mul3A_678 : i32 to index
      %get3A_1499 = arith.constant 112 : index
      %get3A_1500 = tpu.vector_load %arg13[%get3A_1498, %get3A_1499] {strides = array<i32>} : memref<256x128xf32, #tpu.memory_space<vmem>>, vector<1x16xf32>,
      %get3A_1501 = vector.shape_cast %get3A_1500 : vector<1x16xf32> to vector<16xf32>
      %add3A_1502 = arith.constant 1 : i32
      %add3A_1503 = arith.addi %mul3A_678, %add3A_1502 : i32
      %get3A_1504 = arith.index_cast %add3A_1503 : i32 to index
      %get3A_1505 = arith.constant 112 : index
      %get3A_1506 = tpu.vector_load %arg13[%get3A_1504, %get3A_1505] {strides = array<i32>} : memref<256x128xf32, #tpu.memory_space<vmem>>, vector<1x16xf32>,
      %get3A_1507 = vector.shape_cast %get3A_1506 : vector<1x16xf32> to vector<16xf32>
      %add3A_1508 = arith.addf %get3A_1501, %get3A_1507 : vector<16xf32>
      %add3A_1509 = arith.constant 2 : i32
      %add3A_1510 = arith.addi %mul3A_678, %add3A_1509 : i32
      %get3A_1511 = arith.index_cast %add3A_1510 : i32 to index
      %get3A_1512 = arith.constant 112 : index
      %get3A_1513 = tpu.vector_load %arg13[%get3A_1511, %get3A_1512] {strides = array<i32>} : memref<256x128xf32, #tpu.memory_space<vmem>>, vector<1x16xf32>,
      %get3A_1514 = vector.shape_cast %get3A_1513 : vector<1x16xf32> to vector<16xf32>
      %add3A_1515 = arith.addf %add3A_1508, %get3A_1514 : vector<16xf32>
      %add3A_1516 = arith.constant 3 : i32
      %add3A_1517 = arith.addi %mul3A_678, %add3A_1516 : i32
      %get3A_1518 = arith.index_cast %add3A_1517 : i32 to index
      %get3A_1519 = arith.constant 112 : index
      %get3A_1520 = tpu.vector_load %arg13[%get3A_1518, %get3A_1519] {strides = array<i32>} : memref<256x128xf32, #tpu.memory_space<vmem>>, vector<1x16xf32>,
      %get3A_1521 = vector.shape_cast %get3A_1520 : vector<1x16xf32> to vector<16xf32>
      %add3A_1522 = arith.addf %add3A_1515, %get3A_1521 : vector<16xf32>
      %add3A_1523 = arith.constant 4 : i32
      %add3A_1524 = arith.addi %mul3A_678, %add3A_1523 : i32
      %get3A_1525 = arith.index_cast %add3A_1524 : i32 to index
      %get3A_1526 = arith.constant 112 : index
      %get3A_1527 = tpu.vector_load %arg13[%get3A_1525, %get3A_1526] {strides = array<i32>} : memref<256x128xf32, #tpu.memory_space<vmem>>, vector<1x16xf32>,
      %get3A_1528 = vector.shape_cast %get3A_1527 : vector<1x16xf32> to vector<16xf32>
      %add3A_1529 = arith.addf %add3A_1522, %get3A_1528 : vector<16xf32>
      %add3A_1530 = arith.constant 5 : i32
      %add3A_1531 = arith.addi %mul3A_678, %add3A_1530 : i32
      %get3A_1532 = arith.index_cast %add3A_1531 : i32 to index
      %get3A_1533 = arith.constant 112 : index
      %get3A_1534 = tpu.vector_load %arg13[%get3A_1532, %get3A_1533] {strides = array<i32>} : memref<256x128xf32, #tpu.memory_space<vmem>>, vector<1x16xf32>,
      %get3A_1535 = vector.shape_cast %get3A_1534 : vector<1x16xf32> to vector<16xf32>
      %add3A_1536 = arith.addf %add3A_1529, %get3A_1535 : vector<16xf32>
      %add3A_1537 = arith.constant 6 : i32
      %add3A_1538 = arith.addi %mul3A_678, %add3A_1537 : i32
      %get3A_1539 = arith.index_cast %add3A_1538 : i32 to index
      %get3A_1540 = arith.constant 112 : index
      %get3A_1541 = tpu.vector_load %arg13[%get3A_1539, %get3A_1540] {strides = array<i32>} : memref<256x128xf32, #tpu.memory_space<vmem>>, vector<1x16xf32>,
      %get3A_1542 = vector.shape_cast %get3A_1541 : vector<1x16xf32> to vector<16xf32>
      %add3A_1543 = arith.addf %add3A_1536, %get3A_1542 : vector<16xf32>
      %add3A_1544 = arith.constant 7 : i32
      %add3A_1545 = arith.addi %mul3A_678, %add3A_1544 : i32
      %get3A_1546 = arith.index_cast %add3A_1545 : i32 to index
      %get3A_1547 = arith.constant 112 : index
      %get3A_1548 = tpu.vector_load %arg13[%get3A_1546, %get3A_1547] {strides = array<i32>} : memref<256x128xf32, #tpu.memory_space<vmem>>, vector<1x16xf32>,
      %get3A_1549 = vector.shape_cast %get3A_1548 : vector<1x16xf32> to vector<16xf32>
      %add3A_1550 = arith.addf %add3A_1543, %get3A_1549 : vector<16xf32>
      %add3A_1551 = arith.constant 8 : i32
      %add3A_1552 = arith.addi %mul3A_678, %add3A_1551 : i32
      %get3A_1553 = arith.index_cast %add3A_1552 : i32 to index
      %get3A_1554 = arith.constant 112 : index
      %get3A_1555 = tpu.vector_load %arg13[%get3A_1553, %get3A_1554] {strides = array<i32>} : memref<256x128xf32, #tpu.memory_space<vmem>>, vector<1x16xf32>,
      %get3A_1556 = vector.shape_cast %get3A_1555 : vector<1x16xf32> to vector<16xf32>
      %add3A_1557 = arith.addf %add3A_1550, %get3A_1556 : vector<16xf32>
      %add3A_1558 = arith.constant 9 : i32
      %add3A_1559 = arith.addi %mul3A_678, %add3A_1558 : i32
      %get3A_1560 = arith.index_cast %add3A_1559 : i32 to index
      %get3A_1561 = arith.constant 112 : index
      %get3A_1562 = tpu.vector_load %arg13[%get3A_1560, %get3A_1561] {strides = array<i32>} : memref<256x128xf32, #tpu.memory_space<vmem>>, vector<1x16xf32>,
      %get3A_1563 = vector.shape_cast %get3A_1562 : vector<1x16xf32> to vector<16xf32>
      %add3A_1564 = arith.addf %add3A_1557, %get3A_1563 : vector<16xf32>
      %add3A_1565 = arith.constant 10 : i32
      %add3A_1566 = arith.addi %mul3A_678, %add3A_1565 : i32
      %get3A_1567 = arith.index_cast %add3A_1566 : i32 to index
      %get3A_1568 = arith.constant 112 : index
      %get3A_1569 = tpu.vector_load %arg13[%get3A_1567, %get3A_1568] {strides = array<i32>} : memref<256x128xf32, #tpu.memory_space<vmem>>, vector<1x16xf32>,
      %get3A_1570 = vector.shape_cast %get3A_1569 : vector<1x16xf32> to vector<16xf32>
      %add3A_1571 = arith.addf %add3A_1564, %get3A_1570 : vector<16xf32>
      %add3A_1572 = arith.constant 11 : i32
      %add3A_1573 = arith.addi %mul3A_678, %add3A_1572 : i32
      %get3A_1574 = arith.index_cast %add3A_1573 : i32 to index
      %get3A_1575 = arith.constant 112 : index
      %get3A_1576 = tpu.vector_load %arg13[%get3A_1574, %get3A_1575] {strides = array<i32>} : memref<256x128xf32, #tpu.memory_space<vmem>>, vector<1x16xf32>,
      %get3A_1577 = vector.shape_cast %get3A_1576 : vector<1x16xf32> to vector<16xf32>
      %add3A_1578 = arith.addf %add3A_1571, %get3A_1577 : vector<16xf32>
      %add3A_1579 = arith.constant 12 : i32
      %add3A_1580 = arith.addi %mul3A_678, %add3A_1579 : i32
      %get3A_1581 = arith.index_cast %add3A_1580 : i32 to index
      %get3A_1582 = arith.constant 112 : index
      %get3A_1583 = tpu.vector_load %arg13[%get3A_1581, %get3A_1582] {strides = array<i32>} : memref<256x128xf32, #tpu.memory_space<vmem>>, vector<1x16xf32>,
      %get3A_1584 = vector.shape_cast %get3A_1583 : vector<1x16xf32> to vector<16xf32>
      %add3A_1585 = arith.addf %add3A_1578, %get3A_1584 : vector<16xf32>
      %add3A_1586 = arith.constant 13 : i32
      %add3A_1587 = arith.addi %mul3A_678, %add3A_1586 : i32
      %get3A_1588 = arith.index_cast %add3A_1587 : i32 to index
      %get3A_1589 = arith.constant 112 : index
      %get3A_1590 = tpu.vector_load %arg13[%get3A_1588, %get3A_1589] {strides = array<i32>} : memref<256x128xf32, #tpu.memory_space<vmem>>, vector<1x16xf32>,
      %get3A_1591 = vector.shape_cast %get3A_1590 : vector<1x16xf32> to vector<16xf32>
      %add3A_1592 = arith.addf %add3A_1585, %get3A_1591 : vector<16xf32>
      %add3A_1593 = arith.constant 14 : i32
      %add3A_1594 = arith.addi %mul3A_678, %add3A_1593 : i32
      %get3A_1595 = arith.index_cast %add3A_1594 : i32 to index
      %get3A_1596 = arith.constant 112 : index
      %get3A_1597 = tpu.vector_load %arg13[%get3A_1595, %get3A_1596] {strides = array<i32>} : memref<256x128xf32, #tpu.memory_space<vmem>>, vector<1x16xf32>,
      %get3A_1598 = vector.shape_cast %get3A_1597 : vector<1x16xf32> to vector<16xf32>
      %add3A_1599 = arith.addf %add3A_1592, %get3A_1598 : vector<16xf32>
      %add3A_1600 = arith.constant 15 : i32
      %add3A_1601 = arith.addi %mul3A_678, %add3A_1600 : i32
      %get3A_1602 = arith.index_cast %add3A_1601 : i32 to index
      %get3A_1603 = arith.constant 112 : index
      %get3A_1604 = tpu.vector_load %arg13[%get3A_1602, %get3A_1603] {strides = array<i32>} : memref<256x128xf32, #tpu.memory_space<vmem>>, vector<1x16xf32>,
      %get3A_1605 = vector.shape_cast %get3A_1604 : vector<1x16xf32> to vector<16xf32>
      %add3A_1606 = arith.addf %add3A_1599, %get3A_1605 : vector<16xf32>
      %mul3A_1607 = arith.constant 6.250000e-02 : f32
      %mul3A_1608 = vector.broadcast %mul3A_1607 : f32 to vector<16xf32>
      %mul3A_1609 = arith.mulf %add3A_1606, %mul3A_1608 : vector<16xf32>
      %swap3A_1610 = arith.index_cast %scan3A_676 : i32 to index
      %swap3A_1611 = arith.constant 112 : index
      %swap3A_1612 = tpu.vector_load %arg14[%swap3A_1610, %swap3A_1611] {strides = array<i32>} : memref<16x128xf32, #tpu.memory_space<vmem>>, vector<1x16xf32>,
      %swap3A_1613 = vector.shape_cast %swap3A_1612 : vector<1x16xf32> to vector<16xf32>
      %swap3A_1614 = vector.shape_cast %mul3A_1609 : vector<16xf32> to vector<1x16xf32>
      tpu.vector_store %arg14[%swap3A_1610, %swap3A_1611], %swap3A_1614 {strides = array<i32>} : memref<16x128xf32, #tpu.memory_space<vmem>>, vector<1x16xf32>,
    }
    %scan3A_446 = arith.constant 16 : i32
    %add3A_447 = arith.constant 512 : i32
    %add3A_448 = arith.addi %add3A_447, %mul3A_2 : i32
    "tpu.region"() ({
      %run_scoped3A = tpu.sem_alloc : memref<!tpu.dma_semaphore, #tpu.memory_space<semaphore_mem>>
      %dma_start3A_676 = arith.constant 0 : i32
      %dma_start3A_677 = tpu.memref_slice %arg8[%add3A_448, %dma_start3A_676] : memref<1536x128xf32, #tpu.memory_space<hbm>> -> memref<16x128xf32, #tpu.memory_space<hbm>>
      %dma_start3A_678 = arith.constant 0 : i32
      %dma_start3A_679 = tpu.memref_slice %arg8[%add3A_448, %dma_start3A_678] : memref<1536x128xf32, #tpu.memory_space<hbm>> -> memref<16x128xf32, #tpu.memory_space<hbm>>
      tpu.enqueue_dma source(%arg14 : memref<16x128xf32, #tpu.memory_space<vmem>>) target(%dma_start3A_679 : memref<16x128xf32, #tpu.memory_space<hbm>>) target_semaphore(%run_scoped3A : memref<!tpu.dma_semaphore, #tpu.memory_space<semaphore_mem>>)
      %dma_wait3A_680 = arith.constant 0 : i32
      %dma_wait3A_681 = tpu.memref_slice %arg8[%add3A_448, %dma_wait3A_680] : memref<1536x128xf32, #tpu.memory_space<hbm>> -> memref<16x128xf32, #tpu.memory_space<hbm>>
      %dma_wait3A_682 = arith.constant 0 : i32
      %dma_wait3A_683 = tpu.memref_slice %arg8[%add3A_448, %dma_wait3A_682] : memref<1536x128xf32, #tpu.memory_space<hbm>> -> memref<16x128xf32, #tpu.memory_space<hbm>>
      tpu.wait_dma2 semaphore(%run_scoped3A : memref<!tpu.dma_semaphore, #tpu.memory_space<semaphore_mem>>) src(%arg14 : memref<16x128xf32, #tpu.memory_space<vmem>>) dst(%dma_wait3A_683 : memref<16x128xf32, #tpu.memory_space<hbm>>)
      tpu.yield
    }) : () -> ()
    "tpu.region"() ({
      %run_scoped3A = tpu.sem_alloc : memref<!tpu.dma_semaphore, #tpu.memory_space<semaphore_mem>>
      %dma_start3A_676 = arith.constant 0 : i32
      %dma_start3A_677 = tpu.memref_slice %arg5[%mul3A_2, %dma_start3A_676] : memref<512x16xi32, #tpu.memory_space<hbm>> -> memref<16x16xi32, #tpu.memory_space<hbm>>
      %dma_start3A_678 = arith.constant 0 : i32
      %dma_start3A_679 = tpu.memref_slice %arg5[%mul3A_2, %dma_start3A_678] : memref<512x16xi32, #tpu.memory_space<hbm>> -> memref<16x16xi32, #tpu.memory_space<hbm>>
      tpu.enqueue_dma source(%dma_start3A_679 : memref<16x16xi32, #tpu.memory_space<hbm>>) target(%arg11 : memref<16x16xi32, #tpu.memory_space<vmem>>) target_semaphore(%run_scoped3A : memref<!tpu.dma_semaphore, #tpu.memory_space<semaphore_mem>>)
      %dma_wait3A_680 = arith.constant 0 : i32
      %dma_wait3A_681 = tpu.memref_slice %arg5[%mul3A_2, %dma_wait3A_680] : memref<512x16xi32, #tpu.memory_space<hbm>> -> memref<16x16xi32, #tpu.memory_space<hbm>>
      %dma_wait3A_682 = arith.constant 0 : i32
      %dma_wait3A_683 = tpu.memref_slice %arg5[%mul3A_2, %dma_wait3A_682] : memref<512x16xi32, #tpu.memory_space<hbm>> -> memref<16x16xi32, #tpu.memory_space<hbm>>
      tpu.wait_dma2 semaphore(%run_scoped3A : memref<!tpu.dma_semaphore, #tpu.memory_space<semaphore_mem>>) src(%dma_wait3A_683 : memref<16x16xi32, #tpu.memory_space<hbm>>) dst(%arg11 : memref<16x16xi32, #tpu.memory_space<vmem>>)
      tpu.yield
    }) : () -> ()
    %get3A_449 = arith.constant 0 : i32
    %get3A_450 = arith.index_cast %get3A_449 : i32 to index
    %get3A_451 = arith.constant 0 : index
    %get3A_452 = tpu.vector_load %arg11[%get3A_450, %get3A_451] {strides = array<i32>} : memref<16x16xi32, #tpu.memory_space<vmem>>, vector<1x16xi32>,
    %get3A_453 = vector.shape_cast %get3A_452 : vector<1x16xi32> to vector<16xi32>
    %swap3A_454 = arith.constant 0 : i32
    %swap3A_455 = arith.index_cast %swap3A_454 : i32 to index
    %swap3A_456 = arith.constant 0 : index
    %swap3A_457 = tpu.vector_load %arg12[%swap3A_455, %swap3A_456] {strides = array<i32>} : memref<2x128xi32, #tpu.memory_space<vmem>>, vector<1x16xi32>,
    %swap3A_458 = vector.shape_cast %swap3A_457 : vector<1x16xi32> to vector<16xi32>
    %swap3A_459 = vector.shape_cast %get3A_453 : vector<16xi32> to vector<1x16xi32>
    tpu.vector_store %arg12[%swap3A_455, %swap3A_456], %swap3A_459 {strides = array<i32>} : memref<2x128xi32, #tpu.memory_space<vmem>>, vector<1x16xi32>,
    %get3A_460 = arith.constant 1 : i32
    %get3A_461 = arith.index_cast %get3A_460 : i32 to index
    %get3A_462 = arith.constant 0 : index
    %get3A_463 = tpu.vector_load %arg11[%get3A_461, %get3A_462] {strides = array<i32>} : memref<16x16xi32, #tpu.memory_space<vmem>>, vector<1x16xi32>,
    %get3A_464 = vector.shape_cast %get3A_463 : vector<1x16xi32> to vector<16xi32>
    %swap3A_465 = arith.constant 0 : i32
    %swap3A_466 = arith.index_cast %swap3A_465 : i32 to index
    %swap3A_467 = arith.constant 16 : index
    %swap3A_468 = tpu.vector_load %arg12[%swap3A_466, %swap3A_467] {strides = array<i32>} : memref<2x128xi32, #tpu.memory_space<vmem>>, vector<1x16xi32>,
    %swap3A_469 = vector.shape_cast %swap3A_468 : vector<1x16xi32> to vector<16xi32>
    %swap3A_470 = vector.shape_cast %get3A_464 : vector<16xi32> to vector<1x16xi32>
    tpu.vector_store %arg12[%swap3A_466, %swap3A_467], %swap3A_470 {strides = array<i32>} : memref<2x128xi32, #tpu.memory_space<vmem>>, vector<1x16xi32>,
    %get3A_471 = arith.constant 2 : i32
    %get3A_472 = arith.index_cast %get3A_471 : i32 to index
    %get3A_473 = arith.constant 0 : index
    %get3A_474 = tpu.vector_load %arg11[%get3A_472, %get3A_473] {strides = array<i32>} : memref<16x16xi32, #tpu.memory_space<vmem>>, vector<1x16xi32>,
    %get3A_475 = vector.shape_cast %get3A_474 : vector<1x16xi32> to vector<16xi32>
    %swap3A_476 = arith.constant 0 : i32
    %swap3A_477 = arith.index_cast %swap3A_476 : i32 to index
    %swap3A_478 = arith.constant 32 : index
    %swap3A_479 = tpu.vector_load %arg12[%swap3A_477, %swap3A_478] {strides = array<i32>} : memref<2x128xi32, #tpu.memory_space<vmem>>, vector<1x16xi32>,
    %swap3A_480 = vector.shape_cast %swap3A_479 : vector<1x16xi32> to vector<16xi32>
    %swap3A_481 = vector.shape_cast %get3A_475 : vector<16xi32> to vector<1x16xi32>
    tpu.vector_store %arg12[%swap3A_477, %swap3A_478], %swap3A_481 {strides = array<i32>} : memref<2x128xi32, #tpu.memory_space<vmem>>, vector<1x16xi32>,
    %get3A_482 = arith.constant 3 : i32
    %get3A_483 = arith.index_cast %get3A_482 : i32 to index
    %get3A_484 = arith.constant 0 : index
    %get3A_485 = tpu.vector_load %arg11[%get3A_483, %get3A_484] {strides = array<i32>} : memref<16x16xi32, #tpu.memory_space<vmem>>, vector<1x16xi32>,
    %get3A_486 = vector.shape_cast %get3A_485 : vector<1x16xi32> to vector<16xi32>
    %swap3A_487 = arith.constant 0 : i32
    %swap3A_488 = arith.index_cast %swap3A_487 : i32 to index
    %swap3A_489 = arith.constant 48 : index
    %swap3A_490 = tpu.vector_load %arg12[%swap3A_488, %swap3A_489] {strides = array<i32>} : memref<2x128xi32, #tpu.memory_space<vmem>>, vector<1x16xi32>,
    %swap3A_491 = vector.shape_cast %swap3A_490 : vector<1x16xi32> to vector<16xi32>
    %swap3A_492 = vector.shape_cast %get3A_486 : vector<16xi32> to vector<1x16xi32>
    tpu.vector_store %arg12[%swap3A_488, %swap3A_489], %swap3A_492 {strides = array<i32>} : memref<2x128xi32, #tpu.memory_space<vmem>>, vector<1x16xi32>,
    %get3A_493 = arith.constant 4 : i32
    %get3A_494 = arith.index_cast %get3A_493 : i32 to index
    %get3A_495 = arith.constant 0 : index
    %get3A_496 = tpu.vector_load %arg11[%get3A_494, %get3A_495] {strides = array<i32>} : memref<16x16xi32, #tpu.memory_space<vmem>>, vector<1x16xi32>,
    %get3A_497 = vector.shape_cast %get3A_496 : vector<1x16xi32> to vector<16xi32>
    %swap3A_498 = arith.constant 0 : i32
    %swap3A_499 = arith.index_cast %swap3A_498 : i32 to index
    %swap3A_500 = arith.constant 64 : index
    %swap3A_501 = tpu.vector_load %arg12[%swap3A_499, %swap3A_500] {strides = array<i32>} : memref<2x128xi32, #tpu.memory_space<vmem>>, vector<1x16xi32>,
    %swap3A_502 = vector.shape_cast %swap3A_501 : vector<1x16xi32> to vector<16xi32>
    %swap3A_503 = vector.shape_cast %get3A_497 : vector<16xi32> to vector<1x16xi32>
    tpu.vector_store %arg12[%swap3A_499, %swap3A_500], %swap3A_503 {strides = array<i32>} : memref<2x128xi32, #tpu.memory_space<vmem>>, vector<1x16xi32>,
    %get3A_504 = arith.constant 5 : i32
    %get3A_505 = arith.index_cast %get3A_504 : i32 to index
    %get3A_506 = arith.constant 0 : index
    %get3A_507 = tpu.vector_load %arg11[%get3A_505, %get3A_506] {strides = array<i32>} : memref<16x16xi32, #tpu.memory_space<vmem>>, vector<1x16xi32>,
    %get3A_508 = vector.shape_cast %get3A_507 : vector<1x16xi32> to vector<16xi32>
    %swap3A_509 = arith.constant 0 : i32
    %swap3A_510 = arith.index_cast %swap3A_509 : i32 to index
    %swap3A_511 = arith.constant 80 : index
    %swap3A_512 = tpu.vector_load %arg12[%swap3A_510, %swap3A_511] {strides = array<i32>} : memref<2x128xi32, #tpu.memory_space<vmem>>, vector<1x16xi32>,
    %swap3A_513 = vector.shape_cast %swap3A_512 : vector<1x16xi32> to vector<16xi32>
    %swap3A_514 = vector.shape_cast %get3A_508 : vector<16xi32> to vector<1x16xi32>
    tpu.vector_store %arg12[%swap3A_510, %swap3A_511], %swap3A_514 {strides = array<i32>} : memref<2x128xi32, #tpu.memory_space<vmem>>, vector<1x16xi32>,
    %get3A_515 = arith.constant 6 : i32
    %get3A_516 = arith.index_cast %get3A_515 : i32 to index
    %get3A_517 = arith.constant 0 : index
    %get3A_518 = tpu.vector_load %arg11[%get3A_516, %get3A_517] {strides = array<i32>} : memref<16x16xi32, #tpu.memory_space<vmem>>, vector<1x16xi32>,
    %get3A_519 = vector.shape_cast %get3A_518 : vector<1x16xi32> to vector<16xi32>
    %swap3A_520 = arith.constant 0 : i32
    %swap3A_521 = arith.index_cast %swap3A_520 : i32 to index
    %swap3A_522 = arith.constant 96 : index
    %swap3A_523 = tpu.vector_load %arg12[%swap3A_521, %swap3A_522] {strides = array<i32>} : memref<2x128xi32, #tpu.memory_space<vmem>>, vector<1x16xi32>,
    %swap3A_524 = vector.shape_cast %swap3A_523 : vector<1x16xi32> to vector<16xi32>
    %swap3A_525 = vector.shape_cast %get3A_519 : vector<16xi32> to vector<1x16xi32>
    tpu.vector_store %arg12[%swap3A_521, %swap3A_522], %swap3A_525 {strides = array<i32>} : memref<2x128xi32, #tpu.memory_space<vmem>>, vector<1x16xi32>,
    %get3A_526 = arith.constant 7 : i32
    %get3A_527 = arith.index_cast %get3A_526 : i32 to index
    %get3A_528 = arith.constant 0 : index
    %get3A_529 = tpu.vector_load %arg11[%get3A_527, %get3A_528] {strides = array<i32>} : memref<16x16xi32, #tpu.memory_space<vmem>>, vector<1x16xi32>,
    %get3A_530 = vector.shape_cast %get3A_529 : vector<1x16xi32> to vector<16xi32>
    %swap3A_531 = arith.constant 0 : i32
    %swap3A_532 = arith.index_cast %swap3A_531 : i32 to index
    %swap3A_533 = arith.constant 112 : index
    %swap3A_534 = tpu.vector_load %arg12[%swap3A_532, %swap3A_533] {strides = array<i32>} : memref<2x128xi32, #tpu.memory_space<vmem>>, vector<1x16xi32>,
    %swap3A_535 = vector.shape_cast %swap3A_534 : vector<1x16xi32> to vector<16xi32>
    %swap3A_536 = vector.shape_cast %get3A_530 : vector<16xi32> to vector<1x16xi32>
    tpu.vector_store %arg12[%swap3A_532, %swap3A_533], %swap3A_536 {strides = array<i32>} : memref<2x128xi32, #tpu.memory_space<vmem>>, vector<1x16xi32>,
    %get3A_537 = arith.constant 8 : i32
    %get3A_538 = arith.index_cast %get3A_537 : i32 to index
    %get3A_539 = arith.constant 0 : index
    %get3A_540 = tpu.vector_load %arg11[%get3A_538, %get3A_539] {strides = array<i32>} : memref<16x16xi32, #tpu.memory_space<vmem>>, vector<1x16xi32>,
    %get3A_541 = vector.shape_cast %get3A_540 : vector<1x16xi32> to vector<16xi32>
    %swap3A_542 = arith.constant 1 : i32
    %swap3A_543 = arith.index_cast %swap3A_542 : i32 to index
    %swap3A_544 = arith.constant 0 : index
    %swap3A_545 = tpu.vector_load %arg12[%swap3A_543, %swap3A_544] {strides = array<i32>} : memref<2x128xi32, #tpu.memory_space<vmem>>, vector<1x16xi32>,
    %swap3A_546 = vector.shape_cast %swap3A_545 : vector<1x16xi32> to vector<16xi32>
    %swap3A_547 = vector.shape_cast %get3A_541 : vector<16xi32> to vector<1x16xi32>
    tpu.vector_store %arg12[%swap3A_543, %swap3A_544], %swap3A_547 {strides = array<i32>} : memref<2x128xi32, #tpu.memory_space<vmem>>, vector<1x16xi32>,
    %get3A_548 = arith.constant 9 : i32
    %get3A_549 = arith.index_cast %get3A_548 : i32 to index
    %get3A_550 = arith.constant 0 : index
    %get3A_551 = tpu.vector_load %arg11[%get3A_549, %get3A_550] {strides = array<i32>} : memref<16x16xi32, #tpu.memory_space<vmem>>, vector<1x16xi32>,
    %get3A_552 = vector.shape_cast %get3A_551 : vector<1x16xi32> to vector<16xi32>
    %swap3A_553 = arith.constant 1 : i32
    %swap3A_554 = arith.index_cast %swap3A_553 : i32 to index
    %swap3A_555 = arith.constant 16 : index
    %swap3A_556 = tpu.vector_load %arg12[%swap3A_554, %swap3A_555] {strides = array<i32>} : memref<2x128xi32, #tpu.memory_space<vmem>>, vector<1x16xi32>,
    %swap3A_557 = vector.shape_cast %swap3A_556 : vector<1x16xi32> to vector<16xi32>
    %swap3A_558 = vector.shape_cast %get3A_552 : vector<16xi32> to vector<1x16xi32>
    tpu.vector_store %arg12[%swap3A_554, %swap3A_555], %swap3A_558 {strides = array<i32>} : memref<2x128xi32, #tpu.memory_space<vmem>>, vector<1x16xi32>,
    %get3A_559 = arith.constant 10 : i32
    %get3A_560 = arith.index_cast %get3A_559 : i32 to index
    %get3A_561 = arith.constant 0 : index
    %get3A_562 = tpu.vector_load %arg11[%get3A_560, %get3A_561] {strides = array<i32>} : memref<16x16xi32, #tpu.memory_space<vmem>>, vector<1x16xi32>,
    %get3A_563 = vector.shape_cast %get3A_562 : vector<1x16xi32> to vector<16xi32>
    %swap3A_564 = arith.constant 1 : i32
    %swap3A_565 = arith.index_cast %swap3A_564 : i32 to index
    %swap3A_566 = arith.constant 32 : index
    %swap3A_567 = tpu.vector_load %arg12[%swap3A_565, %swap3A_566] {strides = array<i32>} : memref<2x128xi32, #tpu.memory_space<vmem>>, vector<1x16xi32>,
    %swap3A_568 = vector.shape_cast %swap3A_567 : vector<1x16xi32> to vector<16xi32>
    %swap3A_569 = vector.shape_cast %get3A_563 : vector<16xi32> to vector<1x16xi32>
    tpu.vector_store %arg12[%swap3A_565, %swap3A_566], %swap3A_569 {strides = array<i32>} : memref<2x128xi32, #tpu.memory_space<vmem>>, vector<1x16xi32>,
    %get3A_570 = arith.constant 11 : i32
    %get3A_571 = arith.index_cast %get3A_570 : i32 to index
    %get3A_572 = arith.constant 0 : index
    %get3A_573 = tpu.vector_load %arg11[%get3A_571, %get3A_572] {strides = array<i32>} : memref<16x16xi32, #tpu.memory_space<vmem>>, vector<1x16xi32>,
    %get3A_574 = vector.shape_cast %get3A_573 : vector<1x16xi32> to vector<16xi32>
    %swap3A_575 = arith.constant 1 : i32
    %swap3A_576 = arith.index_cast %swap3A_575 : i32 to index
    %swap3A_577 = arith.constant 48 : index
    %swap3A_578 = tpu.vector_load %arg12[%swap3A_576, %swap3A_577] {strides = array<i32>} : memref<2x128xi32, #tpu.memory_space<vmem>>, vector<1x16xi32>,
    %swap3A_579 = vector.shape_cast %swap3A_578 : vector<1x16xi32> to vector<16xi32>
    %swap3A_580 = vector.shape_cast %get3A_574 : vector<16xi32> to vector<1x16xi32>
    tpu.vector_store %arg12[%swap3A_576, %swap3A_577], %swap3A_580 {strides = array<i32>} : memref<2x128xi32, #tpu.memory_space<vmem>>, vector<1x16xi32>,
    %get3A_581 = arith.constant 12 : i32
    %get3A_582 = arith.index_cast %get3A_581 : i32 to index
    %get3A_583 = arith.constant 0 : index
    %get3A_584 = tpu.vector_load %arg11[%get3A_582, %get3A_583] {strides = array<i32>} : memref<16x16xi32, #tpu.memory_space<vmem>>, vector<1x16xi32>,
    %get3A_585 = vector.shape_cast %get3A_584 : vector<1x16xi32> to vector<16xi32>
    %swap3A_586 = arith.constant 1 : i32
    %swap3A_587 = arith.index_cast %swap3A_586 : i32 to index
    %swap3A_588 = arith.constant 64 : index
    %swap3A_589 = tpu.vector_load %arg12[%swap3A_587, %swap3A_588] {strides = array<i32>} : memref<2x128xi32, #tpu.memory_space<vmem>>, vector<1x16xi32>,
    %swap3A_590 = vector.shape_cast %swap3A_589 : vector<1x16xi32> to vector<16xi32>
    %swap3A_591 = vector.shape_cast %get3A_585 : vector<16xi32> to vector<1x16xi32>
    tpu.vector_store %arg12[%swap3A_587, %swap3A_588], %swap3A_591 {strides = array<i32>} : memref<2x128xi32, #tpu.memory_space<vmem>>, vector<1x16xi32>,
    %get3A_592 = arith.constant 13 : i32
    %get3A_593 = arith.index_cast %get3A_592 : i32 to index
    %get3A_594 = arith.constant 0 : index
    %get3A_595 = tpu.vector_load %arg11[%get3A_593, %get3A_594] {strides = array<i32>} : memref<16x16xi32, #tpu.memory_space<vmem>>, vector<1x16xi32>,
    %get3A_596 = vector.shape_cast %get3A_595 : vector<1x16xi32> to vector<16xi32>
    %swap3A_597 = arith.constant 1 : i32
    %swap3A_598 = arith.index_cast %swap3A_597 : i32 to index
    %swap3A_599 = arith.constant 80 : index
    %swap3A_600 = tpu.vector_load %arg12[%swap3A_598, %swap3A_599] {strides = array<i32>} : memref<2x128xi32, #tpu.memory_space<vmem>>, vector<1x16xi32>,
    %swap3A_601 = vector.shape_cast %swap3A_600 : vector<1x16xi32> to vector<16xi32>
    %swap3A_602 = vector.shape_cast %get3A_596 : vector<16xi32> to vector<1x16xi32>
    tpu.vector_store %arg12[%swap3A_598, %swap3A_599], %swap3A_602 {strides = array<i32>} : memref<2x128xi32, #tpu.memory_space<vmem>>, vector<1x16xi32>,
    %get3A_603 = arith.constant 14 : i32
    %get3A_604 = arith.index_cast %get3A_603 : i32 to index
    %get3A_605 = arith.constant 0 : index
    %get3A_606 = tpu.vector_load %arg11[%get3A_604, %get3A_605] {strides = array<i32>} : memref<16x16xi32, #tpu.memory_space<vmem>>, vector<1x16xi32>,
    %get3A_607 = vector.shape_cast %get3A_606 : vector<1x16xi32> to vector<16xi32>
    %swap3A_608 = arith.constant 1 : i32
    %swap3A_609 = arith.index_cast %swap3A_608 : i32 to index
    %swap3A_610 = arith.constant 96 : index
    %swap3A_611 = tpu.vector_load %arg12[%swap3A_609, %swap3A_610] {strides = array<i32>} : memref<2x128xi32, #tpu.memory_space<vmem>>, vector<1x16xi32>,
    %swap3A_612 = vector.shape_cast %swap3A_611 : vector<1x16xi32> to vector<16xi32>
    %swap3A_613 = vector.shape_cast %get3A_607 : vector<16xi32> to vector<1x16xi32>
    tpu.vector_store %arg12[%swap3A_609, %swap3A_610], %swap3A_613 {strides = array<i32>} : memref<2x128xi32, #tpu.memory_space<vmem>>, vector<1x16xi32>,
    %get3A_614 = arith.constant 15 : i32
    %get3A_615 = arith.index_cast %get3A_614 : i32 to index
    %get3A_616 = arith.constant 0 : index
    %get3A_617 = tpu.vector_load %arg11[%get3A_615, %get3A_616] {strides = array<i32>} : memref<16x16xi32, #tpu.memory_space<vmem>>, vector<1x16xi32>,
    %get3A_618 = vector.shape_cast %get3A_617 : vector<1x16xi32> to vector<16xi32>
    %swap3A_619 = arith.constant 1 : i32
    %swap3A_620 = arith.index_cast %swap3A_619 : i32 to index
    %swap3A_621 = arith.constant 112 : index
    %swap3A_622 = tpu.vector_load %arg12[%swap3A_620, %swap3A_621] {strides = array<i32>} : memref<2x128xi32, #tpu.memory_space<vmem>>, vector<1x16xi32>,
    %swap3A_623 = vector.shape_cast %swap3A_622 : vector<1x16xi32> to vector<16xi32>
    %swap3A_624 = vector.shape_cast %get3A_618 : vector<16xi32> to vector<1x16xi32>
    tpu.vector_store %arg12[%swap3A_620, %swap3A_621], %swap3A_624 {strides = array<i32>} : memref<2x128xi32, #tpu.memory_space<vmem>>, vector<1x16xi32>,
    %dma_start3A_625 = arith.constant 0 : i32
    %dma_start3A_626 = arith.constant 0 : i32
    %dma_start3A_627 = arith.constant 0 : i32
    %dma_start3A_628 = tpu.memref_slice %arg13[%dma_start3A_626, %dma_start3A_627] : memref<256x128xf32, #tpu.memory_space<vmem>> -> memref<128x128xf32, #tpu.memory_space<vmem>>
    %dma_start3A_629 = arith.constant 0 : i32
    %dma_start3A_630 = tpu.memref_slice %arg12[%dma_start3A_625, %dma_start3A_629] : memref<2x128xi32, #tpu.memory_space<vmem>> -> memref<1x128xi32, #tpu.memory_space<vmem>>
    %dma_start3A_631 = tpu.memref_squeeze %dma_start3A_630 : memref<1x128xi32, #tpu.memory_space<vmem>> -> memref<128xi32, #tpu.memory_space<vmem>>
    %dma_start3A_632 = arith.constant 0 : i32
    %dma_start3A_633 = arith.constant 0 : i32
    %dma_start3A_634 = tpu.memref_slice %arg7[%dma_start3A_632, %dma_start3A_633] : memref<1000x128xf32, #tpu.memory_space<hbm>> -> memref<1000x128xf32, #tpu.memory_space<hbm>>
    tpu.enqueue_indirect_dma source(%dma_start3A_634 : memref<1000x128xf32, #tpu.memory_space<hbm>>) target(%dma_start3A_628 : memref<128x128xf32, #tpu.memory_space<vmem>>) offsets(%dma_start3A_631 : memref<128xi32, #tpu.memory_space<vmem>>) semaphore(%arg16 : memref<!tpu.dma_semaphore, #tpu.memory_space<semaphore_mem>>)
    %dma_start3A_635 = arith.constant 1 : i32
    %dma_start3A_636 = arith.constant 128 : i32
    %dma_start3A_637 = arith.constant 0 : i32
    %dma_start3A_638 = tpu.memref_slice %arg13[%dma_start3A_636, %dma_start3A_637] : memref<256x128xf32, #tpu.memory_space<vmem>> -> memref<128x128xf32, #tpu.memory_space<vmem>>
    %dma_start3A_639 = arith.constant 0 : i32
    %dma_start3A_640 = tpu.memref_slice %arg12[%dma_start3A_635, %dma_start3A_639] : memref<2x128xi32, #tpu.memory_space<vmem>> -> memref<1x128xi32, #tpu.memory_space<vmem>>
    %dma_start3A_641 = tpu.memref_squeeze %dma_start3A_640 : memref<1x128xi32, #tpu.memory_space<vmem>> -> memref<128xi32, #tpu.memory_space<vmem>>
    %dma_start3A_642 = arith.constant 0 : i32
    %dma_start3A_643 = arith.constant 0 : i32
    %dma_start3A_644 = tpu.memref_slice %arg7[%dma_start3A_642, %dma_start3A_643] : memref<1000x128xf32, #tpu.memory_space<hbm>> -> memref<1000x128xf32, #tpu.memory_space<hbm>>
    tpu.enqueue_indirect_dma source(%dma_start3A_644 : memref<1000x128xf32, #tpu.memory_space<hbm>>) target(%dma_start3A_638 : memref<128x128xf32, #tpu.memory_space<vmem>>) offsets(%dma_start3A_641 : memref<128xi32, #tpu.memory_space<vmem>>) semaphore(%arg16 : memref<!tpu.dma_semaphore, #tpu.memory_space<semaphore_mem>>)
    %dma_wait3A_645 = arith.constant 0 : i32
    %dma_wait3A_646 = arith.constant 0 : i32
    %dma_wait3A_647 = arith.constant 0 : i32
    %dma_wait3A_648 = tpu.memref_slice %arg13[%dma_wait3A_646, %dma_wait3A_647] : memref<256x128xf32, #tpu.memory_space<vmem>> -> memref<128x128xf32, #tpu.memory_space<vmem>>
    %dma_wait3A_649 = arith.constant 0 : i32
    %dma_wait3A_650 = tpu.memref_slice %arg12[%dma_wait3A_645, %dma_wait3A_649] : memref<2x128xi32, #tpu.memory_space<vmem>> -> memref<1x128xi32, #tpu.memory_space<vmem>>
    %dma_wait3A_651 = tpu.memref_squeeze %dma_wait3A_650 : memref<1x128xi32, #tpu.memory_space<vmem>> -> memref<128xi32, #tpu.memory_space<vmem>>
    %dma_wait3A_652 = arith.constant 0 : i32
    %dma_wait3A_653 = arith.constant 0 : i32
    %dma_wait3A_654 = tpu.memref_slice %arg7[%dma_wait3A_652, %dma_wait3A_653] : memref<1000x128xf32, #tpu.memory_space<hbm>> -> memref<1000x128xf32, #tpu.memory_space<hbm>>
    tpu.wait_indirect_dma semaphore(%arg16 : memref<!tpu.dma_semaphore, #tpu.memory_space<semaphore_mem>>) src(%dma_wait3A_654 : memref<1000x128xf32, #tpu.memory_space<hbm>>) dst(%dma_wait3A_648 : memref<128x128xf32, #tpu.memory_space<vmem>>)
    %dma_wait3A_655 = arith.constant 1 : i32
    %dma_wait3A_656 = arith.constant 128 : i32
    %dma_wait3A_657 = arith.constant 0 : i32
    %dma_wait3A_658 = tpu.memref_slice %arg13[%dma_wait3A_656, %dma_wait3A_657] : memref<256x128xf32, #tpu.memory_space<vmem>> -> memref<128x128xf32, #tpu.memory_space<vmem>>
    %dma_wait3A_659 = arith.constant 0 : i32
    %dma_wait3A_660 = tpu.memref_slice %arg12[%dma_wait3A_655, %dma_wait3A_659] : memref<2x128xi32, #tpu.memory_space<vmem>> -> memref<1x128xi32, #tpu.memory_space<vmem>>
    %dma_wait3A_661 = tpu.memref_squeeze %dma_wait3A_660 : memref<1x128xi32, #tpu.memory_space<vmem>> -> memref<128xi32, #tpu.memory_space<vmem>>
    %dma_wait3A_662 = arith.constant 0 : i32
    %dma_wait3A_663 = arith.constant 0 : i32
    %dma_wait3A_664 = tpu.memref_slice %arg7[%dma_wait3A_662, %dma_wait3A_663] : memref<1000x128xf32, #tpu.memory_space<hbm>> -> memref<1000x128xf32, #tpu.memory_space<hbm>>
    tpu.wait_indirect_dma semaphore(%arg16 : memref<!tpu.dma_semaphore, #tpu.memory_space<semaphore_mem>>) src(%dma_wait3A_664 : memref<1000x128xf32, #tpu.memory_space<hbm>>) dst(%dma_wait3A_658 : memref<128x128xf32, #tpu.memory_space<vmem>>)
    %scan3A_665 = arith.constant 0 : i32
    %scan3A_666 = arith.constant 0 : i32
    %scan3A_667 = arith.constant 16 : i32
    %scan3A_668 = arith.addi %scan3A_666, %scan3A_667 : i32
    %scan3A_669 = arith.constant 1 : i32
    scf.for %scan3A_676 = %scan3A_666 to %scan3A_668 step %scan3A_669  : i32 {
      %mul3A_677 = arith.constant 16 : i32
      %mul3A_678 = arith.muli %scan3A_676, %mul3A_677 : i32
      %get3A_679 = arith.index_cast %mul3A_678 : i32 to index
      %get3A_680 = arith.constant 0 : index
      %get3A_681 = tpu.vector_load %arg13[%get3A_679, %get3A_680] {strides = array<i32>} : memref<256x128xf32, #tpu.memory_space<vmem>>, vector<1x16xf32>,
      %get3A_682 = vector.shape_cast %get3A_681 : vector<1x16xf32> to vector<16xf32>
      %add3A_683 = arith.constant 1 : i32
      %add3A_684 = arith.addi %mul3A_678, %add3A_683 : i32
      %get3A_685 = arith.index_cast %add3A_684 : i32 to index
      %get3A_686 = arith.constant 0 : index
      %get3A_687 = tpu.vector_load %arg13[%get3A_685, %get3A_686] {strides = array<i32>} : memref<256x128xf32, #tpu.memory_space<vmem>>, vector<1x16xf32>,
      %get3A_688 = vector.shape_cast %get3A_687 : vector<1x16xf32> to vector<16xf32>
      %add3A_689 = arith.addf %get3A_682, %get3A_688 : vector<16xf32>
      %add3A_690 = arith.constant 2 : i32
      %add3A_691 = arith.addi %mul3A_678, %add3A_690 : i32
      %get3A_692 = arith.index_cast %add3A_691 : i32 to index
      %get3A_693 = arith.constant 0 : index
      %get3A_694 = tpu.vector_load %arg13[%get3A_692, %get3A_693] {strides = array<i32>} : memref<256x128xf32, #tpu.memory_space<vmem>>, vector<1x16xf32>,
      %get3A_695 = vector.shape_cast %get3A_694 : vector<1x16xf32> to vector<16xf32>
      %add3A_696 = arith.addf %add3A_689, %get3A_695 : vector<16xf32>
      %add3A_697 = arith.constant 3 : i32
      %add3A_698 = arith.addi %mul3A_678, %add3A_697 : i32
      %get3A_699 = arith.index_cast %add3A_698 : i32 to index
      %get3A_700 = arith.constant 0 : index
      %get3A_701 = tpu.vector_load %arg13[%get3A_699, %get3A_700] {strides = array<i32>} : memref<256x128xf32, #tpu.memory_space<vmem>>, vector<1x16xf32>,
      %get3A_702 = vector.shape_cast %get3A_701 : vector<1x16xf32> to vector<16xf32>
      %add3A_703 = arith.addf %add3A_696, %get3A_702 : vector<16xf32>
      %add3A_704 = arith.constant 4 : i32
      %add3A_705 = arith.addi %mul3A_678, %add3A_704 : i32
      %get3A_706 = arith.index_cast %add3A_705 : i32 to index
      %get3A_707 = arith.constant 0 : index
      %get3A_708 = tpu.vector_load %arg13[%get3A_706, %get3A_707] {strides = array<i32>} : memref<256x128xf32, #tpu.memory_space<vmem>>, vector<1x16xf32>,
      %get3A_709 = vector.shape_cast %get3A_708 : vector<1x16xf32> to vector<16xf32>
      %add3A_710 = arith.addf %add3A_703, %get3A_709 : vector<16xf32>
      %add3A_711 = arith.constant 5 : i32
      %add3A_712 = arith.addi %mul3A_678, %add3A_711 : i32
      %get3A_713 = arith.index_cast %add3A_712 : i32 to index
      %get3A_714 = arith.constant 0 : index
      %get3A_715 = tpu.vector_load %arg13[%get3A_713, %get3A_714] {strides = array<i32>} : memref<256x128xf32, #tpu.memory_space<vmem>>, vector<1x16xf32>,
      %get3A_716 = vector.shape_cast %get3A_715 : vector<1x16xf32> to vector<16xf32>
      %add3A_717 = arith.addf %add3A_710, %get3A_716 : vector<16xf32>
      %add3A_718 = arith.constant 6 : i32
      %add3A_719 = arith.addi %mul3A_678, %add3A_718 : i32
      %get3A_720 = arith.index_cast %add3A_719 : i32 to index
      %get3A_721 = arith.constant 0 : index
      %get3A_722 = tpu.vector_load %arg13[%get3A_720, %get3A_721] {strides = array<i32>} : memref<256x128xf32, #tpu.memory_space<vmem>>, vector<1x16xf32>,
      %get3A_723 = vector.shape_cast %get3A_722 : vector<1x16xf32> to vector<16xf32>
      %add3A_724 = arith.addf %add3A_717, %get3A_723 : vector<16xf32>
      %add3A_725 = arith.constant 7 : i32
      %add3A_726 = arith.addi %mul3A_678, %add3A_725 : i32
      %get3A_727 = arith.index_cast %add3A_726 : i32 to index
      %get3A_728 = arith.constant 0 : index
      %get3A_729 = tpu.vector_load %arg13[%get3A_727, %get3A_728] {strides = array<i32>} : memref<256x128xf32, #tpu.memory_space<vmem>>, vector<1x16xf32>,
      %get3A_730 = vector.shape_cast %get3A_729 : vector<1x16xf32> to vector<16xf32>
      %add3A_731 = arith.addf %add3A_724, %get3A_730 : vector<16xf32>
      %add3A_732 = arith.constant 8 : i32
      %add3A_733 = arith.addi %mul3A_678, %add3A_732 : i32
      %get3A_734 = arith.index_cast %add3A_733 : i32 to index
      %get3A_735 = arith.constant 0 : index
      %get3A_736 = tpu.vector_load %arg13[%get3A_734, %get3A_735] {strides = array<i32>} : memref<256x128xf32, #tpu.memory_space<vmem>>, vector<1x16xf32>,
      %get3A_737 = vector.shape_cast %get3A_736 : vector<1x16xf32> to vector<16xf32>
      %add3A_738 = arith.addf %add3A_731, %get3A_737 : vector<16xf32>
      %add3A_739 = arith.constant 9 : i32
      %add3A_740 = arith.addi %mul3A_678, %add3A_739 : i32
      %get3A_741 = arith.index_cast %add3A_740 : i32 to index
      %get3A_742 = arith.constant 0 : index
      %get3A_743 = tpu.vector_load %arg13[%get3A_741, %get3A_742] {strides = array<i32>} : memref<256x128xf32, #tpu.memory_space<vmem>>, vector<1x16xf32>,
      %get3A_744 = vector.shape_cast %get3A_743 : vector<1x16xf32> to vector<16xf32>
      %add3A_745 = arith.addf %add3A_738, %get3A_744 : vector<16xf32>
      %add3A_746 = arith.constant 10 : i32
      %add3A_747 = arith.addi %mul3A_678, %add3A_746 : i32
      %get3A_748 = arith.index_cast %add3A_747 : i32 to index
      %get3A_749 = arith.constant 0 : index
      %get3A_750 = tpu.vector_load %arg13[%get3A_748, %get3A_749] {strides = array<i32>} : memref<256x128xf32, #tpu.memory_space<vmem>>, vector<1x16xf32>,
      %get3A_751 = vector.shape_cast %get3A_750 : vector<1x16xf32> to vector<16xf32>
      %add3A_752 = arith.addf %add3A_745, %get3A_751 : vector<16xf32>
      %add3A_753 = arith.constant 11 : i32
      %add3A_754 = arith.addi %mul3A_678, %add3A_753 : i32
      %get3A_755 = arith.index_cast %add3A_754 : i32 to index
      %get3A_756 = arith.constant 0 : index
      %get3A_757 = tpu.vector_load %arg13[%get3A_755, %get3A_756] {strides = array<i32>} : memref<256x128xf32, #tpu.memory_space<vmem>>, vector<1x16xf32>,
      %get3A_758 = vector.shape_cast %get3A_757 : vector<1x16xf32> to vector<16xf32>
      %add3A_759 = arith.addf %add3A_752, %get3A_758 : vector<16xf32>
      %add3A_760 = arith.constant 12 : i32
      %add3A_761 = arith.addi %mul3A_678, %add3A_760 : i32
      %get3A_762 = arith.index_cast %add3A_761 : i32 to index
      %get3A_763 = arith.constant 0 : index
      %get3A_764 = tpu.vector_load %arg13[%get3A_762, %get3A_763] {strides = array<i32>} : memref<256x128xf32, #tpu.memory_space<vmem>>, vector<1x16xf32>,
      %get3A_765 = vector.shape_cast %get3A_764 : vector<1x16xf32> to vector<16xf32>
      %add3A_766 = arith.addf %add3A_759, %get3A_765 : vector<16xf32>
      %add3A_767 = arith.constant 13 : i32
      %add3A_768 = arith.addi %mul3A_678, %add3A_767 : i32
      %get3A_769 = arith.index_cast %add3A_768 : i32 to index
      %get3A_770 = arith.constant 0 : index
      %get3A_771 = tpu.vector_load %arg13[%get3A_769, %get3A_770] {strides = array<i32>} : memref<256x128xf32, #tpu.memory_space<vmem>>, vector<1x16xf32>,
      %get3A_772 = vector.shape_cast %get3A_771 : vector<1x16xf32> to vector<16xf32>
      %add3A_773 = arith.addf %add3A_766, %get3A_772 : vector<16xf32>
      %add3A_774 = arith.constant 14 : i32
      %add3A_775 = arith.addi %mul3A_678, %add3A_774 : i32
      %get3A_776 = arith.index_cast %add3A_775 : i32 to index
      %get3A_777 = arith.constant 0 : index
      %get3A_778 = tpu.vector_load %arg13[%get3A_776, %get3A_777] {strides = array<i32>} : memref<256x128xf32, #tpu.memory_space<vmem>>, vector<1x16xf32>,
      %get3A_779 = vector.shape_cast %get3A_778 : vector<1x16xf32> to vector<16xf32>
      %add3A_780 = arith.addf %add3A_773, %get3A_779 : vector<16xf32>
      %add3A_781 = arith.constant 15 : i32
      %add3A_782 = arith.addi %mul3A_678, %add3A_781 : i32
      %get3A_783 = arith.index_cast %add3A_782 : i32 to index
      %get3A_784 = arith.constant 0 : index
      %get3A_785 = tpu.vector_load %arg13[%get3A_783, %get3A_784] {strides = array<i32>} : memref<256x128xf32, #tpu.memory_space<vmem>>, vector<1x16xf32>,
      %get3A_786 = vector.shape_cast %get3A_785 : vector<1x16xf32> to vector<16xf32>
      %add3A_787 = arith.addf %add3A_780, %get3A_786 : vector<16xf32>
      %mul3A_788 = arith.constant 6.250000e-02 : f32
      %mul3A_789 = vector.broadcast %mul3A_788 : f32 to vector<16xf32>
      %mul3A_790 = arith.mulf %add3A_787, %mul3A_789 : vector<16xf32>
      %swap3A_791 = arith.index_cast %scan3A_676 : i32 to index
      %swap3A_792 = arith.constant 0 : index
      %swap3A_793 = tpu.vector_load %arg14[%swap3A_791, %swap3A_792] {strides = array<i32>} : memref<16x128xf32, #tpu.memory_space<vmem>>, vector<1x16xf32>,
      %swap3A_794 = vector.shape_cast %swap3A_793 : vector<1x16xf32> to vector<16xf32>
      %swap3A_795 = vector.shape_cast %mul3A_790 : vector<16xf32> to vector<1x16xf32>
      tpu.vector_store %arg14[%swap3A_791, %swap3A_792], %swap3A_795 {strides = array<i32>} : memref<16x128xf32, #tpu.memory_space<vmem>>, vector<1x16xf32>,
      %get3A_796 = arith.index_cast %mul3A_678 : i32 to index
      %get3A_797 = arith.constant 16 : index
      %get3A_798 = tpu.vector_load %arg13[%get3A_796, %get3A_797] {strides = array<i32>} : memref<256x128xf32, #tpu.memory_space<vmem>>, vector<1x16xf32>,
      %get3A_799 = vector.shape_cast %get3A_798 : vector<1x16xf32> to vector<16xf32>
      %add3A_800 = arith.constant 1 : i32
      %add3A_801 = arith.addi %mul3A_678, %add3A_800 : i32
      %get3A_802 = arith.index_cast %add3A_801 : i32 to index
      %get3A_803 = arith.constant 16 : index
      %get3A_804 = tpu.vector_load %arg13[%get3A_802, %get3A_803] {strides = array<i32>} : memref<256x128xf32, #tpu.memory_space<vmem>>, vector<1x16xf32>,
      %get3A_805 = vector.shape_cast %get3A_804 : vector<1x16xf32> to vector<16xf32>
      %add3A_806 = arith.addf %get3A_799, %get3A_805 : vector<16xf32>
      %add3A_807 = arith.constant 2 : i32
      %add3A_808 = arith.addi %mul3A_678, %add3A_807 : i32
      %get3A_809 = arith.index_cast %add3A_808 : i32 to index
      %get3A_810 = arith.constant 16 : index
      %get3A_811 = tpu.vector_load %arg13[%get3A_809, %get3A_810] {strides = array<i32>} : memref<256x128xf32, #tpu.memory_space<vmem>>, vector<1x16xf32>,
      %get3A_812 = vector.shape_cast %get3A_811 : vector<1x16xf32> to vector<16xf32>
      %add3A_813 = arith.addf %add3A_806, %get3A_812 : vector<16xf32>
      %add3A_814 = arith.constant 3 : i32
      %add3A_815 = arith.addi %mul3A_678, %add3A_814 : i32
      %get3A_816 = arith.index_cast %add3A_815 : i32 to index
      %get3A_817 = arith.constant 16 : index
      %get3A_818 = tpu.vector_load %arg13[%get3A_816, %get3A_817] {strides = array<i32>} : memref<256x128xf32, #tpu.memory_space<vmem>>, vector<1x16xf32>,
      %get3A_819 = vector.shape_cast %get3A_818 : vector<1x16xf32> to vector<16xf32>
      %add3A_820 = arith.addf %add3A_813, %get3A_819 : vector<16xf32>
      %add3A_821 = arith.constant 4 : i32
      %add3A_822 = arith.addi %mul3A_678, %add3A_821 : i32
      %get3A_823 = arith.index_cast %add3A_822 : i32 to index
      %get3A_824 = arith.constant 16 : index
      %get3A_825 = tpu.vector_load %arg13[%get3A_823, %get3A_824] {strides = array<i32>} : memref<256x128xf32, #tpu.memory_space<vmem>>, vector<1x16xf32>,
      %get3A_826 = vector.shape_cast %get3A_825 : vector<1x16xf32> to vector<16xf32>
      %add3A_827 = arith.addf %add3A_820, %get3A_826 : vector<16xf32>
      %add3A_828 = arith.constant 5 : i32
      %add3A_829 = arith.addi %mul3A_678, %add3A_828 : i32
      %get3A_830 = arith.index_cast %add3A_829 : i32 to index
      %get3A_831 = arith.constant 16 : index
      %get3A_832 = tpu.vector_load %arg13[%get3A_830, %get3A_831] {strides = array<i32>} : memref<256x128xf32, #tpu.memory_space<vmem>>, vector<1x16xf32>,
      %get3A_833 = vector.shape_cast %get3A_832 : vector<1x16xf32> to vector<16xf32>
      %add3A_834 = arith.addf %add3A_827, %get3A_833 : vector<16xf32>
      %add3A_835 = arith.constant 6 : i32
      %add3A_836 = arith.addi %mul3A_678, %add3A_835 : i32
      %get3A_837 = arith.index_cast %add3A_836 : i32 to index
      %get3A_838 = arith.constant 16 : index
      %get3A_839 = tpu.vector_load %arg13[%get3A_837, %get3A_838] {strides = array<i32>} : memref<256x128xf32, #tpu.memory_space<vmem>>, vector<1x16xf32>,
      %get3A_840 = vector.shape_cast %get3A_839 : vector<1x16xf32> to vector<16xf32>
      %add3A_841 = arith.addf %add3A_834, %get3A_840 : vector<16xf32>
      %add3A_842 = arith.constant 7 : i32
      %add3A_843 = arith.addi %mul3A_678, %add3A_842 : i32
      %get3A_844 = arith.index_cast %add3A_843 : i32 to index
      %get3A_845 = arith.constant 16 : index
      %get3A_846 = tpu.vector_load %arg13[%get3A_844, %get3A_845] {strides = array<i32>} : memref<256x128xf32, #tpu.memory_space<vmem>>, vector<1x16xf32>,
      %get3A_847 = vector.shape_cast %get3A_846 : vector<1x16xf32> to vector<16xf32>
      %add3A_848 = arith.addf %add3A_841, %get3A_847 : vector<16xf32>
      %add3A_849 = arith.constant 8 : i32
      %add3A_850 = arith.addi %mul3A_678, %add3A_849 : i32
      %get3A_851 = arith.index_cast %add3A_850 : i32 to index
      %get3A_852 = arith.constant 16 : index
      %get3A_853 = tpu.vector_load %arg13[%get3A_851, %get3A_852] {strides = array<i32>} : memref<256x128xf32, #tpu.memory_space<vmem>>, vector<1x16xf32>,
      %get3A_854 = vector.shape_cast %get3A_853 : vector<1x16xf32> to vector<16xf32>
      %add3A_855 = arith.addf %add3A_848, %get3A_854 : vector<16xf32>
      %add3A_856 = arith.constant 9 : i32
      %add3A_857 = arith.addi %mul3A_678, %add3A_856 : i32
      %get3A_858 = arith.index_cast %add3A_857 : i32 to index
      %get3A_859 = arith.constant 16 : index
      %get3A_860 = tpu.vector_load %arg13[%get3A_858, %get3A_859] {strides = array<i32>} : memref<256x128xf32, #tpu.memory_space<vmem>>, vector<1x16xf32>,
      %get3A_861 = vector.shape_cast %get3A_860 : vector<1x16xf32> to vector<16xf32>
      %add3A_862 = arith.addf %add3A_855, %get3A_861 : vector<16xf32>
      %add3A_863 = arith.constant 10 : i32
      %add3A_864 = arith.addi %mul3A_678, %add3A_863 : i32
      %get3A_865 = arith.index_cast %add3A_864 : i32 to index
      %get3A_866 = arith.constant 16 : index
      %get3A_867 = tpu.vector_load %arg13[%get3A_865, %get3A_866] {strides = array<i32>} : memref<256x128xf32, #tpu.memory_space<vmem>>, vector<1x16xf32>,
      %get3A_868 = vector.shape_cast %get3A_867 : vector<1x16xf32> to vector<16xf32>
      %add3A_869 = arith.addf %add3A_862, %get3A_868 : vector<16xf32>
      %add3A_870 = arith.constant 11 : i32
      %add3A_871 = arith.addi %mul3A_678, %add3A_870 : i32
      %get3A_872 = arith.index_cast %add3A_871 : i32 to index
      %get3A_873 = arith.constant 16 : index
      %get3A_874 = tpu.vector_load %arg13[%get3A_872, %get3A_873] {strides = array<i32>} : memref<256x128xf32, #tpu.memory_space<vmem>>, vector<1x16xf32>,
      %get3A_875 = vector.shape_cast %get3A_874 : vector<1x16xf32> to vector<16xf32>
      %add3A_876 = arith.addf %add3A_869, %get3A_875 : vector<16xf32>
      %add3A_877 = arith.constant 12 : i32
      %add3A_878 = arith.addi %mul3A_678, %add3A_877 : i32
      %get3A_879 = arith.index_cast %add3A_878 : i32 to index
      %get3A_880 = arith.constant 16 : index
      %get3A_881 = tpu.vector_load %arg13[%get3A_879, %get3A_880] {strides = array<i32>} : memref<256x128xf32, #tpu.memory_space<vmem>>, vector<1x16xf32>,
      %get3A_882 = vector.shape_cast %get3A_881 : vector<1x16xf32> to vector<16xf32>
      %add3A_883 = arith.addf %add3A_876, %get3A_882 : vector<16xf32>
      %add3A_884 = arith.constant 13 : i32
      %add3A_885 = arith.addi %mul3A_678, %add3A_884 : i32
      %get3A_886 = arith.index_cast %add3A_885 : i32 to index
      %get3A_887 = arith.constant 16 : index
      %get3A_888 = tpu.vector_load %arg13[%get3A_886, %get3A_887] {strides = array<i32>} : memref<256x128xf32, #tpu.memory_space<vmem>>, vector<1x16xf32>,
      %get3A_889 = vector.shape_cast %get3A_888 : vector<1x16xf32> to vector<16xf32>
      %add3A_890 = arith.addf %add3A_883, %get3A_889 : vector<16xf32>
      %add3A_891 = arith.constant 14 : i32
      %add3A_892 = arith.addi %mul3A_678, %add3A_891 : i32
      %get3A_893 = arith.index_cast %add3A_892 : i32 to index
      %get3A_894 = arith.constant 16 : index
      %get3A_895 = tpu.vector_load %arg13[%get3A_893, %get3A_894] {strides = array<i32>} : memref<256x128xf32, #tpu.memory_space<vmem>>, vector<1x16xf32>,
      %get3A_896 = vector.shape_cast %get3A_895 : vector<1x16xf32> to vector<16xf32>
      %add3A_897 = arith.addf %add3A_890, %get3A_896 : vector<16xf32>
      %add3A_898 = arith.constant 15 : i32
      %add3A_899 = arith.addi %mul3A_678, %add3A_898 : i32
      %get3A_900 = arith.index_cast %add3A_899 : i32 to index
      %get3A_901 = arith.constant 16 : index
      %get3A_902 = tpu.vector_load %arg13[%get3A_900, %get3A_901] {strides = array<i32>} : memref<256x128xf32, #tpu.memory_space<vmem>>, vector<1x16xf32>,
      %get3A_903 = vector.shape_cast %get3A_902 : vector<1x16xf32> to vector<16xf32>
      %add3A_904 = arith.addf %add3A_897, %get3A_903 : vector<16xf32>
      %mul3A_905 = arith.constant 6.250000e-02 : f32
      %mul3A_906 = vector.broadcast %mul3A_905 : f32 to vector<16xf32>
      %mul3A_907 = arith.mulf %add3A_904, %mul3A_906 : vector<16xf32>
      %swap3A_908 = arith.index_cast %scan3A_676 : i32 to index
      %swap3A_909 = arith.constant 16 : index
      %swap3A_910 = tpu.vector_load %arg14[%swap3A_908, %swap3A_909] {strides = array<i32>} : memref<16x128xf32, #tpu.memory_space<vmem>>, vector<1x16xf32>,
      %swap3A_911 = vector.shape_cast %swap3A_910 : vector<1x16xf32> to vector<16xf32>
      %swap3A_912 = vector.shape_cast %mul3A_907 : vector<16xf32> to vector<1x16xf32>
      tpu.vector_store %arg14[%swap3A_908, %swap3A_909], %swap3A_912 {strides = array<i32>} : memref<16x128xf32, #tpu.memory_space<vmem>>, vector<1x16xf32>,
      %get3A_913 = arith.index_cast %mul3A_678 : i32 to index
      %get3A_914 = arith.constant 32 : index
      %get3A_915 = tpu.vector_load %arg13[%get3A_913, %get3A_914] {strides = array<i32>} : memref<256x128xf32, #tpu.memory_space<vmem>>, vector<1x16xf32>,
      %get3A_916 = vector.shape_cast %get3A_915 : vector<1x16xf32> to vector<16xf32>
      %add3A_917 = arith.constant 1 : i32
      %add3A_918 = arith.addi %mul3A_678, %add3A_917 : i32
      %get3A_919 = arith.index_cast %add3A_918 : i32 to index
      %get3A_920 = arith.constant 32 : index
      %get3A_921 = tpu.vector_load %arg13[%get3A_919, %get3A_920] {strides = array<i32>} : memref<256x128xf32, #tpu.memory_space<vmem>>, vector<1x16xf32>,
      %get3A_922 = vector.shape_cast %get3A_921 : vector<1x16xf32> to vector<16xf32>
      %add3A_923 = arith.addf %get3A_916, %get3A_922 : vector<16xf32>
      %add3A_924 = arith.constant 2 : i32
      %add3A_925 = arith.addi %mul3A_678, %add3A_924 : i32
      %get3A_926 = arith.index_cast %add3A_925 : i32 to index
      %get3A_927 = arith.constant 32 : index
      %get3A_928 = tpu.vector_load %arg13[%get3A_926, %get3A_927] {strides = array<i32>} : memref<256x128xf32, #tpu.memory_space<vmem>>, vector<1x16xf32>,
      %get3A_929 = vector.shape_cast %get3A_928 : vector<1x16xf32> to vector<16xf32>
      %add3A_930 = arith.addf %add3A_923, %get3A_929 : vector<16xf32>
      %add3A_931 = arith.constant 3 : i32
      %add3A_932 = arith.addi %mul3A_678, %add3A_931 : i32
      %get3A_933 = arith.index_cast %add3A_932 : i32 to index
      %get3A_934 = arith.constant 32 : index
      %get3A_935 = tpu.vector_load %arg13[%get3A_933, %get3A_934] {strides = array<i32>} : memref<256x128xf32, #tpu.memory_space<vmem>>, vector<1x16xf32>,
      %get3A_936 = vector.shape_cast %get3A_935 : vector<1x16xf32> to vector<16xf32>
      %add3A_937 = arith.addf %add3A_930, %get3A_936 : vector<16xf32>
      %add3A_938 = arith.constant 4 : i32
      %add3A_939 = arith.addi %mul3A_678, %add3A_938 : i32
      %get3A_940 = arith.index_cast %add3A_939 : i32 to index
      %get3A_941 = arith.constant 32 : index
      %get3A_942 = tpu.vector_load %arg13[%get3A_940, %get3A_941] {strides = array<i32>} : memref<256x128xf32, #tpu.memory_space<vmem>>, vector<1x16xf32>,
      %get3A_943 = vector.shape_cast %get3A_942 : vector<1x16xf32> to vector<16xf32>
      %add3A_944 = arith.addf %add3A_937, %get3A_943 : vector<16xf32>
      %add3A_945 = arith.constant 5 : i32
      %add3A_946 = arith.addi %mul3A_678, %add3A_945 : i32
      %get3A_947 = arith.index_cast %add3A_946 : i32 to index
      %get3A_948 = arith.constant 32 : index
      %get3A_949 = tpu.vector_load %arg13[%get3A_947, %get3A_948] {strides = array<i32>} : memref<256x128xf32, #tpu.memory_space<vmem>>, vector<1x16xf32>,
      %get3A_950 = vector.shape_cast %get3A_949 : vector<1x16xf32> to vector<16xf32>
      %add3A_951 = arith.addf %add3A_944, %get3A_950 : vector<16xf32>
      %add3A_952 = arith.constant 6 : i32
      %add3A_953 = arith.addi %mul3A_678, %add3A_952 : i32
      %get3A_954 = arith.index_cast %add3A_953 : i32 to index
      %get3A_955 = arith.constant 32 : index
      %get3A_956 = tpu.vector_load %arg13[%get3A_954, %get3A_955] {strides = array<i32>} : memref<256x128xf32, #tpu.memory_space<vmem>>, vector<1x16xf32>,
      %get3A_957 = vector.shape_cast %get3A_956 : vector<1x16xf32> to vector<16xf32>
      %add3A_958 = arith.addf %add3A_951, %get3A_957 : vector<16xf32>
      %add3A_959 = arith.constant 7 : i32
      %add3A_960 = arith.addi %mul3A_678, %add3A_959 : i32
      %get3A_961 = arith.index_cast %add3A_960 : i32 to index
      %get3A_962 = arith.constant 32 : index
      %get3A_963 = tpu.vector_load %arg13[%get3A_961, %get3A_962] {strides = array<i32>} : memref<256x128xf32, #tpu.memory_space<vmem>>, vector<1x16xf32>,
      %get3A_964 = vector.shape_cast %get3A_963 : vector<1x16xf32> to vector<16xf32>
      %add3A_965 = arith.addf %add3A_958, %get3A_964 : vector<16xf32>
      %add3A_966 = arith.constant 8 : i32
      %add3A_967 = arith.addi %mul3A_678, %add3A_966 : i32
      %get3A_968 = arith.index_cast %add3A_967 : i32 to index
      %get3A_969 = arith.constant 32 : index
      %get3A_970 = tpu.vector_load %arg13[%get3A_968, %get3A_969] {strides = array<i32>} : memref<256x128xf32, #tpu.memory_space<vmem>>, vector<1x16xf32>,
      %get3A_971 = vector.shape_cast %get3A_970 : vector<1x16xf32> to vector<16xf32>
      %add3A_972 = arith.addf %add3A_965, %get3A_971 : vector<16xf32>
      %add3A_973 = arith.constant 9 : i32
      %add3A_974 = arith.addi %mul3A_678, %add3A_973 : i32
      %get3A_975 = arith.index_cast %add3A_974 : i32 to index
      %get3A_976 = arith.constant 32 : index
      %get3A_977 = tpu.vector_load %arg13[%get3A_975, %get3A_976] {strides = array<i32>} : memref<256x128xf32, #tpu.memory_space<vmem>>, vector<1x16xf32>,
      %get3A_978 = vector.shape_cast %get3A_977 : vector<1x16xf32> to vector<16xf32>
      %add3A_979 = arith.addf %add3A_972, %get3A_978 : vector<16xf32>
      %add3A_980 = arith.constant 10 : i32
      %add3A_981 = arith.addi %mul3A_678, %add3A_980 : i32
      %get3A_982 = arith.index_cast %add3A_981 : i32 to index
      %get3A_983 = arith.constant 32 : index
      %get3A_984 = tpu.vector_load %arg13[%get3A_982, %get3A_983] {strides = array<i32>} : memref<256x128xf32, #tpu.memory_space<vmem>>, vector<1x16xf32>,
      %get3A_985 = vector.shape_cast %get3A_984 : vector<1x16xf32> to vector<16xf32>
      %add3A_986 = arith.addf %add3A_979, %get3A_985 : vector<16xf32>
      %add3A_987 = arith.constant 11 : i32
      %add3A_988 = arith.addi %mul3A_678, %add3A_987 : i32
      %get3A_989 = arith.index_cast %add3A_988 : i32 to index
      %get3A_990 = arith.constant 32 : index
      %get3A_991 = tpu.vector_load %arg13[%get3A_989, %get3A_990] {strides = array<i32>} : memref<256x128xf32, #tpu.memory_space<vmem>>, vector<1x16xf32>,
      %get3A_992 = vector.shape_cast %get3A_991 : vector<1x16xf32> to vector<16xf32>
      %add3A_993 = arith.addf %add3A_986, %get3A_992 : vector<16xf32>
      %add3A_994 = arith.constant 12 : i32
      %add3A_995 = arith.addi %mul3A_678, %add3A_994 : i32
      %get3A_996 = arith.index_cast %add3A_995 : i32 to index
      %get3A_997 = arith.constant 32 : index
      %get3A_998 = tpu.vector_load %arg13[%get3A_996, %get3A_997] {strides = array<i32>} : memref<256x128xf32, #tpu.memory_space<vmem>>, vector<1x16xf32>,
      %get3A_999 = vector.shape_cast %get3A_998 : vector<1x16xf32> to vector<16xf32>
      %add3A_1000 = arith.addf %add3A_993, %get3A_999 : vector<16xf32>
      %add3A_1001 = arith.constant 13 : i32
      %add3A_1002 = arith.addi %mul3A_678, %add3A_1001 : i32
      %get3A_1003 = arith.index_cast %add3A_1002 : i32 to index
      %get3A_1004 = arith.constant 32 : index
      %get3A_1005 = tpu.vector_load %arg13[%get3A_1003, %get3A_1004] {strides = array<i32>} : memref<256x128xf32, #tpu.memory_space<vmem>>, vector<1x16xf32>,
      %get3A_1006 = vector.shape_cast %get3A_1005 : vector<1x16xf32> to vector<16xf32>
      %add3A_1007 = arith.addf %add3A_1000, %get3A_1006 : vector<16xf32>
      %add3A_1008 = arith.constant 14 : i32
      %add3A_1009 = arith.addi %mul3A_678, %add3A_1008 : i32
      %get3A_1010 = arith.index_cast %add3A_1009 : i32 to index
      %get3A_1011 = arith.constant 32 : index
      %get3A_1012 = tpu.vector_load %arg13[%get3A_1010, %get3A_1011] {strides = array<i32>} : memref<256x128xf32, #tpu.memory_space<vmem>>, vector<1x16xf32>,
      %get3A_1013 = vector.shape_cast %get3A_1012 : vector<1x16xf32> to vector<16xf32>
      %add3A_1014 = arith.addf %add3A_1007, %get3A_1013 : vector<16xf32>
      %add3A_1015 = arith.constant 15 : i32
      %add3A_1016 = arith.addi %mul3A_678, %add3A_1015 : i32
      %get3A_1017 = arith.index_cast %add3A_1016 : i32 to index
      %get3A_1018 = arith.constant 32 : index
      %get3A_1019 = tpu.vector_load %arg13[%get3A_1017, %get3A_1018] {strides = array<i32>} : memref<256x128xf32, #tpu.memory_space<vmem>>, vector<1x16xf32>,
      %get3A_1020 = vector.shape_cast %get3A_1019 : vector<1x16xf32> to vector<16xf32>
      %add3A_1021 = arith.addf %add3A_1014, %get3A_1020 : vector<16xf32>
      %mul3A_1022 = arith.constant 6.250000e-02 : f32
      %mul3A_1023 = vector.broadcast %mul3A_1022 : f32 to vector<16xf32>
      %mul3A_1024 = arith.mulf %add3A_1021, %mul3A_1023 : vector<16xf32>
      %swap3A_1025 = arith.index_cast %scan3A_676 : i32 to index
      %swap3A_1026 = arith.constant 32 : index
      %swap3A_1027 = tpu.vector_load %arg14[%swap3A_1025, %swap3A_1026] {strides = array<i32>} : memref<16x128xf32, #tpu.memory_space<vmem>>, vector<1x16xf32>,
      %swap3A_1028 = vector.shape_cast %swap3A_1027 : vector<1x16xf32> to vector<16xf32>
      %swap3A_1029 = vector.shape_cast %mul3A_1024 : vector<16xf32> to vector<1x16xf32>
      tpu.vector_store %arg14[%swap3A_1025, %swap3A_1026], %swap3A_1029 {strides = array<i32>} : memref<16x128xf32, #tpu.memory_space<vmem>>, vector<1x16xf32>,
      %get3A_1030 = arith.index_cast %mul3A_678 : i32 to index
      %get3A_1031 = arith.constant 48 : index
      %get3A_1032 = tpu.vector_load %arg13[%get3A_1030, %get3A_1031] {strides = array<i32>} : memref<256x128xf32, #tpu.memory_space<vmem>>, vector<1x16xf32>,
      %get3A_1033 = vector.shape_cast %get3A_1032 : vector<1x16xf32> to vector<16xf32>
      %add3A_1034 = arith.constant 1 : i32
      %add3A_1035 = arith.addi %mul3A_678, %add3A_1034 : i32
      %get3A_1036 = arith.index_cast %add3A_1035 : i32 to index
      %get3A_1037 = arith.constant 48 : index
      %get3A_1038 = tpu.vector_load %arg13[%get3A_1036, %get3A_1037] {strides = array<i32>} : memref<256x128xf32, #tpu.memory_space<vmem>>, vector<1x16xf32>,
      %get3A_1039 = vector.shape_cast %get3A_1038 : vector<1x16xf32> to vector<16xf32>
      %add3A_1040 = arith.addf %get3A_1033, %get3A_1039 : vector<16xf32>
      %add3A_1041 = arith.constant 2 : i32
      %add3A_1042 = arith.addi %mul3A_678, %add3A_1041 : i32
      %get3A_1043 = arith.index_cast %add3A_1042 : i32 to index
      %get3A_1044 = arith.constant 48 : index
      %get3A_1045 = tpu.vector_load %arg13[%get3A_1043, %get3A_1044] {strides = array<i32>} : memref<256x128xf32, #tpu.memory_space<vmem>>, vector<1x16xf32>,
      %get3A_1046 = vector.shape_cast %get3A_1045 : vector<1x16xf32> to vector<16xf32>
      %add3A_1047 = arith.addf %add3A_1040, %get3A_1046 : vector<16xf32>
      %add3A_1048 = arith.constant 3 : i32
      %add3A_1049 = arith.addi %mul3A_678, %add3A_1048 : i32
      %get3A_1050 = arith.index_cast %add3A_1049 : i32 to index
      %get3A_1051 = arith.constant 48 : index
      %get3A_1052 = tpu.vector_load %arg13[%get3A_1050, %get3A_1051] {strides = array<i32>} : memref<256x128xf32, #tpu.memory_space<vmem>>, vector<1x16xf32>,
      %get3A_1053 = vector.shape_cast %get3A_1052 : vector<1x16xf32> to vector<16xf32>
      %add3A_1054 = arith.addf %add3A_1047, %get3A_1053 : vector<16xf32>
      %add3A_1055 = arith.constant 4 : i32
      %add3A_1056 = arith.addi %mul3A_678, %add3A_1055 : i32
      %get3A_1057 = arith.index_cast %add3A_1056 : i32 to index
      %get3A_1058 = arith.constant 48 : index
      %get3A_1059 = tpu.vector_load %arg13[%get3A_1057, %get3A_1058] {strides = array<i32>} : memref<256x128xf32, #tpu.memory_space<vmem>>, vector<1x16xf32>,
      %get3A_1060 = vector.shape_cast %get3A_1059 : vector<1x16xf32> to vector<16xf32>
      %add3A_1061 = arith.addf %add3A_1054, %get3A_1060 : vector<16xf32>
      %add3A_1062 = arith.constant 5 : i32
      %add3A_1063 = arith.addi %mul3A_678, %add3A_1062 : i32
      %get3A_1064 = arith.index_cast %add3A_1063 : i32 to index
      %get3A_1065 = arith.constant 48 : index
      %get3A_1066 = tpu.vector_load %arg13[%get3A_1064, %get3A_1065] {strides = array<i32>} : memref<256x128xf32, #tpu.memory_space<vmem>>, vector<1x16xf32>,
      %get3A_1067 = vector.shape_cast %get3A_1066 : vector<1x16xf32> to vector<16xf32>
      %add3A_1068 = arith.addf %add3A_1061, %get3A_1067 : vector<16xf32>
      %add3A_1069 = arith.constant 6 : i32
      %add3A_1070 = arith.addi %mul3A_678, %add3A_1069 : i32
      %get3A_1071 = arith.index_cast %add3A_1070 : i32 to index
      %get3A_1072 = arith.constant 48 : index
      %get3A_1073 = tpu.vector_load %arg13[%get3A_1071, %get3A_1072] {strides = array<i32>} : memref<256x128xf32, #tpu.memory_space<vmem>>, vector<1x16xf32>,
      %get3A_1074 = vector.shape_cast %get3A_1073 : vector<1x16xf32> to vector<16xf32>
      %add3A_1075 = arith.addf %add3A_1068, %get3A_1074 : vector<16xf32>
      %add3A_1076 = arith.constant 7 : i32
      %add3A_1077 = arith.addi %mul3A_678, %add3A_1076 : i32
      %get3A_1078 = arith.index_cast %add3A_1077 : i32 to index
      %get3A_1079 = arith.constant 48 : index
      %get3A_1080 = tpu.vector_load %arg13[%get3A_1078, %get3A_1079] {strides = array<i32>} : memref<256x128xf32, #tpu.memory_space<vmem>>, vector<1x16xf32>,
      %get3A_1081 = vector.shape_cast %get3A_1080 : vector<1x16xf32> to vector<16xf32>
      %add3A_1082 = arith.addf %add3A_1075, %get3A_1081 : vector<16xf32>
      %add3A_1083 = arith.constant 8 : i32
      %add3A_1084 = arith.addi %mul3A_678, %add3A_1083 : i32
      %get3A_1085 = arith.index_cast %add3A_1084 : i32 to index
      %get3A_1086 = arith.constant 48 : index
      %get3A_1087 = tpu.vector_load %arg13[%get3A_1085, %get3A_1086] {strides = array<i32>} : memref<256x128xf32, #tpu.memory_space<vmem>>, vector<1x16xf32>,
      %get3A_1088 = vector.shape_cast %get3A_1087 : vector<1x16xf32> to vector<16xf32>
      %add3A_1089 = arith.addf %add3A_1082, %get3A_1088 : vector<16xf32>
      %add3A_1090 = arith.constant 9 : i32
      %add3A_1091 = arith.addi %mul3A_678, %add3A_1090 : i32
      %get3A_1092 = arith.index_cast %add3A_1091 : i32 to index
      %get3A_1093 = arith.constant 48 : index
      %get3A_1094 = tpu.vector_load %arg13[%get3A_1092, %get3A_1093] {strides = array<i32>} : memref<256x128xf32, #tpu.memory_space<vmem>>, vector<1x16xf32>,
      %get3A_1095 = vector.shape_cast %get3A_1094 : vector<1x16xf32> to vector<16xf32>
      %add3A_1096 = arith.addf %add3A_1089, %get3A_1095 : vector<16xf32>
      %add3A_1097 = arith.constant 10 : i32
      %add3A_1098 = arith.addi %mul3A_678, %add3A_1097 : i32
      %get3A_1099 = arith.index_cast %add3A_1098 : i32 to index
      %get3A_1100 = arith.constant 48 : index
      %get3A_1101 = tpu.vector_load %arg13[%get3A_1099, %get3A_1100] {strides = array<i32>} : memref<256x128xf32, #tpu.memory_space<vmem>>, vector<1x16xf32>,
      %get3A_1102 = vector.shape_cast %get3A_1101 : vector<1x16xf32> to vector<16xf32>
      %add3A_1103 = arith.addf %add3A_1096, %get3A_1102 : vector<16xf32>
      %add3A_1104 = arith.constant 11 : i32
      %add3A_1105 = arith.addi %mul3A_678, %add3A_1104 : i32
      %get3A_1106 = arith.index_cast %add3A_1105 : i32 to index
      %get3A_1107 = arith.constant 48 : index
      %get3A_1108 = tpu.vector_load %arg13[%get3A_1106, %get3A_1107] {strides = array<i32>} : memref<256x128xf32, #tpu.memory_space<vmem>>, vector<1x16xf32>,
      %get3A_1109 = vector.shape_cast %get3A_1108 : vector<1x16xf32> to vector<16xf32>
      %add3A_1110 = arith.addf %add3A_1103, %get3A_1109 : vector<16xf32>
      %add3A_1111 = arith.constant 12 : i32
      %add3A_1112 = arith.addi %mul3A_678, %add3A_1111 : i32
      %get3A_1113 = arith.index_cast %add3A_1112 : i32 to index
      %get3A_1114 = arith.constant 48 : index
      %get3A_1115 = tpu.vector_load %arg13[%get3A_1113, %get3A_1114] {strides = array<i32>} : memref<256x128xf32, #tpu.memory_space<vmem>>, vector<1x16xf32>,
      %get3A_1116 = vector.shape_cast %get3A_1115 : vector<1x16xf32> to vector<16xf32>
      %add3A_1117 = arith.addf %add3A_1110, %get3A_1116 : vector<16xf32>
      %add3A_1118 = arith.constant 13 : i32
      %add3A_1119 = arith.addi %mul3A_678, %add3A_1118 : i32
      %get3A_1120 = arith.index_cast %add3A_1119 : i32 to index
      %get3A_1121 = arith.constant 48 : index
      %get3A_1122 = tpu.vector_load %arg13[%get3A_1120, %get3A_1121] {strides = array<i32>} : memref<256x128xf32, #tpu.memory_space<vmem>>, vector<1x16xf32>,
      %get3A_1123 = vector.shape_cast %get3A_1122 : vector<1x16xf32> to vector<16xf32>
      %add3A_1124 = arith.addf %add3A_1117, %get3A_1123 : vector<16xf32>
      %add3A_1125 = arith.constant 14 : i32
      %add3A_1126 = arith.addi %mul3A_678, %add3A_1125 : i32
      %get3A_1127 = arith.index_cast %add3A_1126 : i32 to index
      %get3A_1128 = arith.constant 48 : index
      %get3A_1129 = tpu.vector_load %arg13[%get3A_1127, %get3A_1128] {strides = array<i32>} : memref<256x128xf32, #tpu.memory_space<vmem>>, vector<1x16xf32>,
      %get3A_1130 = vector.shape_cast %get3A_1129 : vector<1x16xf32> to vector<16xf32>
      %add3A_1131 = arith.addf %add3A_1124, %get3A_1130 : vector<16xf32>
      %add3A_1132 = arith.constant 15 : i32
      %add3A_1133 = arith.addi %mul3A_678, %add3A_1132 : i32
      %get3A_1134 = arith.index_cast %add3A_1133 : i32 to index
      %get3A_1135 = arith.constant 48 : index
      %get3A_1136 = tpu.vector_load %arg13[%get3A_1134, %get3A_1135] {strides = array<i32>} : memref<256x128xf32, #tpu.memory_space<vmem>>, vector<1x16xf32>,
      %get3A_1137 = vector.shape_cast %get3A_1136 : vector<1x16xf32> to vector<16xf32>
      %add3A_1138 = arith.addf %add3A_1131, %get3A_1137 : vector<16xf32>
      %mul3A_1139 = arith.constant 6.250000e-02 : f32
      %mul3A_1140 = vector.broadcast %mul3A_1139 : f32 to vector<16xf32>
      %mul3A_1141 = arith.mulf %add3A_1138, %mul3A_1140 : vector<16xf32>
      %swap3A_1142 = arith.index_cast %scan3A_676 : i32 to index
      %swap3A_1143 = arith.constant 48 : index
      %swap3A_1144 = tpu.vector_load %arg14[%swap3A_1142, %swap3A_1143] {strides = array<i32>} : memref<16x128xf32, #tpu.memory_space<vmem>>, vector<1x16xf32>,
      %swap3A_1145 = vector.shape_cast %swap3A_1144 : vector<1x16xf32> to vector<16xf32>
      %swap3A_1146 = vector.shape_cast %mul3A_1141 : vector<16xf32> to vector<1x16xf32>
      tpu.vector_store %arg14[%swap3A_1142, %swap3A_1143], %swap3A_1146 {strides = array<i32>} : memref<16x128xf32, #tpu.memory_space<vmem>>, vector<1x16xf32>,
      %get3A_1147 = arith.index_cast %mul3A_678 : i32 to index
      %get3A_1148 = arith.constant 64 : index
      %get3A_1149 = tpu.vector_load %arg13[%get3A_1147, %get3A_1148] {strides = array<i32>} : memref<256x128xf32, #tpu.memory_space<vmem>>, vector<1x16xf32>,
      %get3A_1150 = vector.shape_cast %get3A_1149 : vector<1x16xf32> to vector<16xf32>
      %add3A_1151 = arith.constant 1 : i32
      %add3A_1152 = arith.addi %mul3A_678, %add3A_1151 : i32
      %get3A_1153 = arith.index_cast %add3A_1152 : i32 to index
      %get3A_1154 = arith.constant 64 : index
      %get3A_1155 = tpu.vector_load %arg13[%get3A_1153, %get3A_1154] {strides = array<i32>} : memref<256x128xf32, #tpu.memory_space<vmem>>, vector<1x16xf32>,
      %get3A_1156 = vector.shape_cast %get3A_1155 : vector<1x16xf32> to vector<16xf32>
      %add3A_1157 = arith.addf %get3A_1150, %get3A_1156 : vector<16xf32>
      %add3A_1158 = arith.constant 2 : i32
      %add3A_1159 = arith.addi %mul3A_678, %add3A_1158 : i32
      %get3A_1160 = arith.index_cast %add3A_1159 : i32 to index
      %get3A_1161 = arith.constant 64 : index
      %get3A_1162 = tpu.vector_load %arg13[%get3A_1160, %get3A_1161] {strides = array<i32>} : memref<256x128xf32, #tpu.memory_space<vmem>>, vector<1x16xf32>,
      %get3A_1163 = vector.shape_cast %get3A_1162 : vector<1x16xf32> to vector<16xf32>
      %add3A_1164 = arith.addf %add3A_1157, %get3A_1163 : vector<16xf32>
      %add3A_1165 = arith.constant 3 : i32
      %add3A_1166 = arith.addi %mul3A_678, %add3A_1165 : i32
      %get3A_1167 = arith.index_cast %add3A_1166 : i32 to index
      %get3A_1168 = arith.constant 64 : index
      %get3A_1169 = tpu.vector_load %arg13[%get3A_1167, %get3A_1168] {strides = array<i32>} : memref<256x128xf32, #tpu.memory_space<vmem>>, vector<1x16xf32>,
      %get3A_1170 = vector.shape_cast %get3A_1169 : vector<1x16xf32> to vector<16xf32>
      %add3A_1171 = arith.addf %add3A_1164, %get3A_1170 : vector<16xf32>
      %add3A_1172 = arith.constant 4 : i32
      %add3A_1173 = arith.addi %mul3A_678, %add3A_1172 : i32
      %get3A_1174 = arith.index_cast %add3A_1173 : i32 to index
      %get3A_1175 = arith.constant 64 : index
      %get3A_1176 = tpu.vector_load %arg13[%get3A_1174, %get3A_1175] {strides = array<i32>} : memref<256x128xf32, #tpu.memory_space<vmem>>, vector<1x16xf32>,
      %get3A_1177 = vector.shape_cast %get3A_1176 : vector<1x16xf32> to vector<16xf32>
      %add3A_1178 = arith.addf %add3A_1171, %get3A_1177 : vector<16xf32>
      %add3A_1179 = arith.constant 5 : i32
      %add3A_1180 = arith.addi %mul3A_678, %add3A_1179 : i32
      %get3A_1181 = arith.index_cast %add3A_1180 : i32 to index
      %get3A_1182 = arith.constant 64 : index
      %get3A_1183 = tpu.vector_load %arg13[%get3A_1181, %get3A_1182] {strides = array<i32>} : memref<256x128xf32, #tpu.memory_space<vmem>>, vector<1x16xf32>,
      %get3A_1184 = vector.shape_cast %get3A_1183 : vector<1x16xf32> to vector<16xf32>
      %add3A_1185 = arith.addf %add3A_1178, %get3A_1184 : vector<16xf32>
      %add3A_1186 = arith.constant 6 : i32
      %add3A_1187 = arith.addi %mul3A_678, %add3A_1186 : i32
      %get3A_1188 = arith.index_cast %add3A_1187 : i32 to index
      %get3A_1189 = arith.constant 64 : index
      %get3A_1190 = tpu.vector_load %arg13[%get3A_1188, %get3A_1189] {strides = array<i32>} : memref<256x128xf32, #tpu.memory_space<vmem>>, vector<1x16xf32>,
      %get3A_1191 = vector.shape_cast %get3A_1190 : vector<1x16xf32> to vector<16xf32>
      %add3A_1192 = arith.addf %add3A_1185, %get3A_1191 : vector<16xf32>
      %add3A_1193 = arith.constant 7 : i32
      %add3A_1194 = arith.addi %mul3A_678, %add3A_1193 : i32
      %get3A_1195 = arith.index_cast %add3A_1194 : i32 to index
      %get3A_1196 = arith.constant 64 : index
      %get3A_1197 = tpu.vector_load %arg13[%get3A_1195, %get3A_1196] {strides = array<i32>} : memref<256x128xf32, #tpu.memory_space<vmem>>, vector<1x16xf32>,
      %get3A_1198 = vector.shape_cast %get3A_1197 : vector<1x16xf32> to vector<16xf32>
      %add3A_1199 = arith.addf %add3A_1192, %get3A_1198 : vector<16xf32>
      %add3A_1200 = arith.constant 8 : i32
      %add3A_1201 = arith.addi %mul3A_678, %add3A_1200 : i32
      %get3A_1202 = arith.index_cast %add3A_1201 : i32 to index
      %get3A_1203 = arith.constant 64 : index
      %get3A_1204 = tpu.vector_load %arg13[%get3A_1202, %get3A_1203] {strides = array<i32>} : memref<256x128xf32, #tpu.memory_space<vmem>>, vector<1x16xf32>,
      %get3A_1205 = vector.shape_cast %get3A_1204 : vector<1x16xf32> to vector<16xf32>
      %add3A_1206 = arith.addf %add3A_1199, %get3A_1205 : vector<16xf32>
      %add3A_1207 = arith.constant 9 : i32
      %add3A_1208 = arith.addi %mul3A_678, %add3A_1207 : i32
      %get3A_1209 = arith.index_cast %add3A_1208 : i32 to index
      %get3A_1210 = arith.constant 64 : index
      %get3A_1211 = tpu.vector_load %arg13[%get3A_1209, %get3A_1210] {strides = array<i32>} : memref<256x128xf32, #tpu.memory_space<vmem>>, vector<1x16xf32>,
      %get3A_1212 = vector.shape_cast %get3A_1211 : vector<1x16xf32> to vector<16xf32>
      %add3A_1213 = arith.addf %add3A_1206, %get3A_1212 : vector<16xf32>
      %add3A_1214 = arith.constant 10 : i32
      %add3A_1215 = arith.addi %mul3A_678, %add3A_1214 : i32
      %get3A_1216 = arith.index_cast %add3A_1215 : i32 to index
      %get3A_1217 = arith.constant 64 : index
      %get3A_1218 = tpu.vector_load %arg13[%get3A_1216, %get3A_1217] {strides = array<i32>} : memref<256x128xf32, #tpu.memory_space<vmem>>, vector<1x16xf32>,
      %get3A_1219 = vector.shape_cast %get3A_1218 : vector<1x16xf32> to vector<16xf32>
      %add3A_1220 = arith.addf %add3A_1213, %get3A_1219 : vector<16xf32>
      %add3A_1221 = arith.constant 11 : i32
      %add3A_1222 = arith.addi %mul3A_678, %add3A_1221 : i32
      %get3A_1223 = arith.index_cast %add3A_1222 : i32 to index
      %get3A_1224 = arith.constant 64 : index
      %get3A_1225 = tpu.vector_load %arg13[%get3A_1223, %get3A_1224] {strides = array<i32>} : memref<256x128xf32, #tpu.memory_space<vmem>>, vector<1x16xf32>,
      %get3A_1226 = vector.shape_cast %get3A_1225 : vector<1x16xf32> to vector<16xf32>
      %add3A_1227 = arith.addf %add3A_1220, %get3A_1226 : vector<16xf32>
      %add3A_1228 = arith.constant 12 : i32
      %add3A_1229 = arith.addi %mul3A_678, %add3A_1228 : i32
      %get3A_1230 = arith.index_cast %add3A_1229 : i32 to index
      %get3A_1231 = arith.constant 64 : index
      %get3A_1232 = tpu.vector_load %arg13[%get3A_1230, %get3A_1231] {strides = array<i32>} : memref<256x128xf32, #tpu.memory_space<vmem>>, vector<1x16xf32>,
      %get3A_1233 = vector.shape_cast %get3A_1232 : vector<1x16xf32> to vector<16xf32>
      %add3A_1234 = arith.addf %add3A_1227, %get3A_1233 : vector<16xf32>
      %add3A_1235 = arith.constant 13 : i32
      %add3A_1236 = arith.addi %mul3A_678, %add3A_1235 : i32
      %get3A_1237 = arith.index_cast %add3A_1236 : i32 to index
      %get3A_1238 = arith.constant 64 : index
      %get3A_1239 = tpu.vector_load %arg13[%get3A_1237, %get3A_1238] {strides = array<i32>} : memref<256x128xf32, #tpu.memory_space<vmem>>, vector<1x16xf32>,
      %get3A_1240 = vector.shape_cast %get3A_1239 : vector<1x16xf32> to vector<16xf32>
      %add3A_1241 = arith.addf %add3A_1234, %get3A_1240 : vector<16xf32>
      %add3A_1242 = arith.constant 14 : i32
      %add3A_1243 = arith.addi %mul3A_678, %add3A_1242 : i32
      %get3A_1244 = arith.index_cast %add3A_1243 : i32 to index
      %get3A_1245 = arith.constant 64 : index
      %get3A_1246 = tpu.vector_load %arg13[%get3A_1244, %get3A_1245] {strides = array<i32>} : memref<256x128xf32, #tpu.memory_space<vmem>>, vector<1x16xf32>,
      %get3A_1247 = vector.shape_cast %get3A_1246 : vector<1x16xf32> to vector<16xf32>
      %add3A_1248 = arith.addf %add3A_1241, %get3A_1247 : vector<16xf32>
      %add3A_1249 = arith.constant 15 : i32
      %add3A_1250 = arith.addi %mul3A_678, %add3A_1249 : i32
      %get3A_1251 = arith.index_cast %add3A_1250 : i32 to index
      %get3A_1252 = arith.constant 64 : index
      %get3A_1253 = tpu.vector_load %arg13[%get3A_1251, %get3A_1252] {strides = array<i32>} : memref<256x128xf32, #tpu.memory_space<vmem>>, vector<1x16xf32>,
      %get3A_1254 = vector.shape_cast %get3A_1253 : vector<1x16xf32> to vector<16xf32>
      %add3A_1255 = arith.addf %add3A_1248, %get3A_1254 : vector<16xf32>
      %mul3A_1256 = arith.constant 6.250000e-02 : f32
      %mul3A_1257 = vector.broadcast %mul3A_1256 : f32 to vector<16xf32>
      %mul3A_1258 = arith.mulf %add3A_1255, %mul3A_1257 : vector<16xf32>
      %swap3A_1259 = arith.index_cast %scan3A_676 : i32 to index
      %swap3A_1260 = arith.constant 64 : index
      %swap3A_1261 = tpu.vector_load %arg14[%swap3A_1259, %swap3A_1260] {strides = array<i32>} : memref<16x128xf32, #tpu.memory_space<vmem>>, vector<1x16xf32>,
      %swap3A_1262 = vector.shape_cast %swap3A_1261 : vector<1x16xf32> to vector<16xf32>
      %swap3A_1263 = vector.shape_cast %mul3A_1258 : vector<16xf32> to vector<1x16xf32>
      tpu.vector_store %arg14[%swap3A_1259, %swap3A_1260], %swap3A_1263 {strides = array<i32>} : memref<16x128xf32, #tpu.memory_space<vmem>>, vector<1x16xf32>,
      %get3A_1264 = arith.index_cast %mul3A_678 : i32 to index
      %get3A_1265 = arith.constant 80 : index
      %get3A_1266 = tpu.vector_load %arg13[%get3A_1264, %get3A_1265] {strides = array<i32>} : memref<256x128xf32, #tpu.memory_space<vmem>>, vector<1x16xf32>,
      %get3A_1267 = vector.shape_cast %get3A_1266 : vector<1x16xf32> to vector<16xf32>
      %add3A_1268 = arith.constant 1 : i32
      %add3A_1269 = arith.addi %mul3A_678, %add3A_1268 : i32
      %get3A_1270 = arith.index_cast %add3A_1269 : i32 to index
      %get3A_1271 = arith.constant 80 : index
      %get3A_1272 = tpu.vector_load %arg13[%get3A_1270, %get3A_1271] {strides = array<i32>} : memref<256x128xf32, #tpu.memory_space<vmem>>, vector<1x16xf32>,
      %get3A_1273 = vector.shape_cast %get3A_1272 : vector<1x16xf32> to vector<16xf32>
      %add3A_1274 = arith.addf %get3A_1267, %get3A_1273 : vector<16xf32>
      %add3A_1275 = arith.constant 2 : i32
      %add3A_1276 = arith.addi %mul3A_678, %add3A_1275 : i32
      %get3A_1277 = arith.index_cast %add3A_1276 : i32 to index
      %get3A_1278 = arith.constant 80 : index
      %get3A_1279 = tpu.vector_load %arg13[%get3A_1277, %get3A_1278] {strides = array<i32>} : memref<256x128xf32, #tpu.memory_space<vmem>>, vector<1x16xf32>,
      %get3A_1280 = vector.shape_cast %get3A_1279 : vector<1x16xf32> to vector<16xf32>
      %add3A_1281 = arith.addf %add3A_1274, %get3A_1280 : vector<16xf32>
      %add3A_1282 = arith.constant 3 : i32
      %add3A_1283 = arith.addi %mul3A_678, %add3A_1282 : i32
      %get3A_1284 = arith.index_cast %add3A_1283 : i32 to index
      %get3A_1285 = arith.constant 80 : index
      %get3A_1286 = tpu.vector_load %arg13[%get3A_1284, %get3A_1285] {strides = array<i32>} : memref<256x128xf32, #tpu.memory_space<vmem>>, vector<1x16xf32>,
      %get3A_1287 = vector.shape_cast %get3A_1286 : vector<1x16xf32> to vector<16xf32>
      %add3A_1288 = arith.addf %add3A_1281, %get3A_1287 : vector<16xf32>
      %add3A_1289 = arith.constant 4 : i32
      %add3A_1290 = arith.addi %mul3A_678, %add3A_1289 : i32
      %get3A_1291 = arith.index_cast %add3A_1290 : i32 to index
      %get3A_1292 = arith.constant 80 : index
      %get3A_1293 = tpu.vector_load %arg13[%get3A_1291, %get3A_1292] {strides = array<i32>} : memref<256x128xf32, #tpu.memory_space<vmem>>, vector<1x16xf32>,
      %get3A_1294 = vector.shape_cast %get3A_1293 : vector<1x16xf32> to vector<16xf32>
      %add3A_1295 = arith.addf %add3A_1288, %get3A_1294 : vector<16xf32>
      %add3A_1296 = arith.constant 5 : i32
      %add3A_1297 = arith.addi %mul3A_678, %add3A_1296 : i32
      %get3A_1298 = arith.index_cast %add3A_1297 : i32 to index
      %get3A_1299 = arith.constant 80 : index
      %get3A_1300 = tpu.vector_load %arg13[%get3A_1298, %get3A_1299] {strides = array<i32>} : memref<256x128xf32, #tpu.memory_space<vmem>>, vector<1x16xf32>,
      %get3A_1301 = vector.shape_cast %get3A_1300 : vector<1x16xf32> to vector<16xf32>
      %add3A_1302 = arith.addf %add3A_1295, %get3A_1301 : vector<16xf32>
      %add3A_1303 = arith.constant 6 : i32
      %add3A_1304 = arith.addi %mul3A_678, %add3A_1303 : i32
      %get3A_1305 = arith.index_cast %add3A_1304 : i32 to index
      %get3A_1306 = arith.constant 80 : index
      %get3A_1307 = tpu.vector_load %arg13[%get3A_1305, %get3A_1306] {strides = array<i32>} : memref<256x128xf32, #tpu.memory_space<vmem>>, vector<1x16xf32>,
      %get3A_1308 = vector.shape_cast %get3A_1307 : vector<1x16xf32> to vector<16xf32>
      %add3A_1309 = arith.addf %add3A_1302, %get3A_1308 : vector<16xf32>
      %add3A_1310 = arith.constant 7 : i32
      %add3A_1311 = arith.addi %mul3A_678, %add3A_1310 : i32
      %get3A_1312 = arith.index_cast %add3A_1311 : i32 to index
      %get3A_1313 = arith.constant 80 : index
      %get3A_1314 = tpu.vector_load %arg13[%get3A_1312, %get3A_1313] {strides = array<i32>} : memref<256x128xf32, #tpu.memory_space<vmem>>, vector<1x16xf32>,
      %get3A_1315 = vector.shape_cast %get3A_1314 : vector<1x16xf32> to vector<16xf32>
      %add3A_1316 = arith.addf %add3A_1309, %get3A_1315 : vector<16xf32>
      %add3A_1317 = arith.constant 8 : i32
      %add3A_1318 = arith.addi %mul3A_678, %add3A_1317 : i32
      %get3A_1319 = arith.index_cast %add3A_1318 : i32 to index
      %get3A_1320 = arith.constant 80 : index
      %get3A_1321 = tpu.vector_load %arg13[%get3A_1319, %get3A_1320] {strides = array<i32>} : memref<256x128xf32, #tpu.memory_space<vmem>>, vector<1x16xf32>,
      %get3A_1322 = vector.shape_cast %get3A_1321 : vector<1x16xf32> to vector<16xf32>
      %add3A_1323 = arith.addf %add3A_1316, %get3A_1322 : vector<16xf32>
      %add3A_1324 = arith.constant 9 : i32
      %add3A_1325 = arith.addi %mul3A_678, %add3A_1324 : i32
      %get3A_1326 = arith.index_cast %add3A_1325 : i32 to index
      %get3A_1327 = arith.constant 80 : index
      %get3A_1328 = tpu.vector_load %arg13[%get3A_1326, %get3A_1327] {strides = array<i32>} : memref<256x128xf32, #tpu.memory_space<vmem>>, vector<1x16xf32>,
      %get3A_1329 = vector.shape_cast %get3A_1328 : vector<1x16xf32> to vector<16xf32>
      %add3A_1330 = arith.addf %add3A_1323, %get3A_1329 : vector<16xf32>
      %add3A_1331 = arith.constant 10 : i32
      %add3A_1332 = arith.addi %mul3A_678, %add3A_1331 : i32
      %get3A_1333 = arith.index_cast %add3A_1332 : i32 to index
      %get3A_1334 = arith.constant 80 : index
      %get3A_1335 = tpu.vector_load %arg13[%get3A_1333, %get3A_1334] {strides = array<i32>} : memref<256x128xf32, #tpu.memory_space<vmem>>, vector<1x16xf32>,
      %get3A_1336 = vector.shape_cast %get3A_1335 : vector<1x16xf32> to vector<16xf32>
      %add3A_1337 = arith.addf %add3A_1330, %get3A_1336 : vector<16xf32>
      %add3A_1338 = arith.constant 11 : i32
      %add3A_1339 = arith.addi %mul3A_678, %add3A_1338 : i32
      %get3A_1340 = arith.index_cast %add3A_1339 : i32 to index
      %get3A_1341 = arith.constant 80 : index
      %get3A_1342 = tpu.vector_load %arg13[%get3A_1340, %get3A_1341] {strides = array<i32>} : memref<256x128xf32, #tpu.memory_space<vmem>>, vector<1x16xf32>,
      %get3A_1343 = vector.shape_cast %get3A_1342 : vector<1x16xf32> to vector<16xf32>
      %add3A_1344 = arith.addf %add3A_1337, %get3A_1343 : vector<16xf32>
      %add3A_1345 = arith.constant 12 : i32
      %add3A_1346 = arith.addi %mul3A_678, %add3A_1345 : i32
      %get3A_1347 = arith.index_cast %add3A_1346 : i32 to index
      %get3A_1348 = arith.constant 80 : index
      %get3A_1349 = tpu.vector_load %arg13[%get3A_1347, %get3A_1348] {strides = array<i32>} : memref<256x128xf32, #tpu.memory_space<vmem>>, vector<1x16xf32>,
      %get3A_1350 = vector.shape_cast %get3A_1349 : vector<1x16xf32> to vector<16xf32>
      %add3A_1351 = arith.addf %add3A_1344, %get3A_1350 : vector<16xf32>
      %add3A_1352 = arith.constant 13 : i32
      %add3A_1353 = arith.addi %mul3A_678, %add3A_1352 : i32
      %get3A_1354 = arith.index_cast %add3A_1353 : i32 to index
      %get3A_1355 = arith.constant 80 : index
      %get3A_1356 = tpu.vector_load %arg13[%get3A_1354, %get3A_1355] {strides = array<i32>} : memref<256x128xf32, #tpu.memory_space<vmem>>, vector<1x16xf32>,
      %get3A_1357 = vector.shape_cast %get3A_1356 : vector<1x16xf32> to vector<16xf32>
      %add3A_1358 = arith.addf %add3A_1351, %get3A_1357 : vector<16xf32>
      %add3A_1359 = arith.constant 14 : i32
      %add3A_1360 = arith.addi %mul3A_678, %add3A_1359 : i32
      %get3A_1361 = arith.index_cast %add3A_1360 : i32 to index
      %get3A_1362 = arith.constant 80 : index
      %get3A_1363 = tpu.vector_load %arg13[%get3A_1361, %get3A_1362] {strides = array<i32>} : memref<256x128xf32, #tpu.memory_space<vmem>>, vector<1x16xf32>,
      %get3A_1364 = vector.shape_cast %get3A_1363 : vector<1x16xf32> to vector<16xf32>
      %add3A_1365 = arith.addf %add3A_1358, %get3A_1364 : vector<16xf32>
      %add3A_1366 = arith.constant 15 : i32
      %add3A_1367 = arith.addi %mul3A_678, %add3A_1366 : i32
      %get3A_1368 = arith.index_cast %add3A_1367 : i32 to index
      %get3A_1369 = arith.constant 80 : index
      %get3A_1370 = tpu.vector_load %arg13[%get3A_1368, %get3A_1369] {strides = array<i32>} : memref<256x128xf32, #tpu.memory_space<vmem>>, vector<1x16xf32>,
      %get3A_1371 = vector.shape_cast %get3A_1370 : vector<1x16xf32> to vector<16xf32>
      %add3A_1372 = arith.addf %add3A_1365, %get3A_1371 : vector<16xf32>
      %mul3A_1373 = arith.constant 6.250000e-02 : f32
      %mul3A_1374 = vector.broadcast %mul3A_1373 : f32 to vector<16xf32>
      %mul3A_1375 = arith.mulf %add3A_1372, %mul3A_1374 : vector<16xf32>
      %swap3A_1376 = arith.index_cast %scan3A_676 : i32 to index
      %swap3A_1377 = arith.constant 80 : index
      %swap3A_1378 = tpu.vector_load %arg14[%swap3A_1376, %swap3A_1377] {strides = array<i32>} : memref<16x128xf32, #tpu.memory_space<vmem>>, vector<1x16xf32>,
      %swap3A_1379 = vector.shape_cast %swap3A_1378 : vector<1x16xf32> to vector<16xf32>
      %swap3A_1380 = vector.shape_cast %mul3A_1375 : vector<16xf32> to vector<1x16xf32>
      tpu.vector_store %arg14[%swap3A_1376, %swap3A_1377], %swap3A_1380 {strides = array<i32>} : memref<16x128xf32, #tpu.memory_space<vmem>>, vector<1x16xf32>,
      %get3A_1381 = arith.index_cast %mul3A_678 : i32 to index
      %get3A_1382 = arith.constant 96 : index
      %get3A_1383 = tpu.vector_load %arg13[%get3A_1381, %get3A_1382] {strides = array<i32>} : memref<256x128xf32, #tpu.memory_space<vmem>>, vector<1x16xf32>,
      %get3A_1384 = vector.shape_cast %get3A_1383 : vector<1x16xf32> to vector<16xf32>
      %add3A_1385 = arith.constant 1 : i32
      %add3A_1386 = arith.addi %mul3A_678, %add3A_1385 : i32
      %get3A_1387 = arith.index_cast %add3A_1386 : i32 to index
      %get3A_1388 = arith.constant 96 : index
      %get3A_1389 = tpu.vector_load %arg13[%get3A_1387, %get3A_1388] {strides = array<i32>} : memref<256x128xf32, #tpu.memory_space<vmem>>, vector<1x16xf32>,
      %get3A_1390 = vector.shape_cast %get3A_1389 : vector<1x16xf32> to vector<16xf32>
      %add3A_1391 = arith.addf %get3A_1384, %get3A_1390 : vector<16xf32>
      %add3A_1392 = arith.constant 2 : i32
      %add3A_1393 = arith.addi %mul3A_678, %add3A_1392 : i32
      %get3A_1394 = arith.index_cast %add3A_1393 : i32 to index
      %get3A_1395 = arith.constant 96 : index
      %get3A_1396 = tpu.vector_load %arg13[%get3A_1394, %get3A_1395] {strides = array<i32>} : memref<256x128xf32, #tpu.memory_space<vmem>>, vector<1x16xf32>,
      %get3A_1397 = vector.shape_cast %get3A_1396 : vector<1x16xf32> to vector<16xf32>
      %add3A_1398 = arith.addf %add3A_1391, %get3A_1397 : vector<16xf32>
      %add3A_1399 = arith.constant 3 : i32
      %add3A_1400 = arith.addi %mul3A_678, %add3A_1399 : i32
      %get3A_1401 = arith.index_cast %add3A_1400 : i32 to index
      %get3A_1402 = arith.constant 96 : index
      %get3A_1403 = tpu.vector_load %arg13[%get3A_1401, %get3A_1402] {strides = array<i32>} : memref<256x128xf32, #tpu.memory_space<vmem>>, vector<1x16xf32>,
      %get3A_1404 = vector.shape_cast %get3A_1403 : vector<1x16xf32> to vector<16xf32>
      %add3A_1405 = arith.addf %add3A_1398, %get3A_1404 : vector<16xf32>
      %add3A_1406 = arith.constant 4 : i32
      %add3A_1407 = arith.addi %mul3A_678, %add3A_1406 : i32
      %get3A_1408 = arith.index_cast %add3A_1407 : i32 to index
      %get3A_1409 = arith.constant 96 : index
      %get3A_1410 = tpu.vector_load %arg13[%get3A_1408, %get3A_1409] {strides = array<i32>} : memref<256x128xf32, #tpu.memory_space<vmem>>, vector<1x16xf32>,
      %get3A_1411 = vector.shape_cast %get3A_1410 : vector<1x16xf32> to vector<16xf32>
      %add3A_1412 = arith.addf %add3A_1405, %get3A_1411 : vector<16xf32>
      %add3A_1413 = arith.constant 5 : i32
      %add3A_1414 = arith.addi %mul3A_678, %add3A_1413 : i32
      %get3A_1415 = arith.index_cast %add3A_1414 : i32 to index
      %get3A_1416 = arith.constant 96 : index
      %get3A_1417 = tpu.vector_load %arg13[%get3A_1415, %get3A_1416] {strides = array<i32>} : memref<256x128xf32, #tpu.memory_space<vmem>>, vector<1x16xf32>,
      %get3A_1418 = vector.shape_cast %get3A_1417 : vector<1x16xf32> to vector<16xf32>
      %add3A_1419 = arith.addf %add3A_1412, %get3A_1418 : vector<16xf32>
      %add3A_1420 = arith.constant 6 : i32
      %add3A_1421 = arith.addi %mul3A_678, %add3A_1420 : i32
      %get3A_1422 = arith.index_cast %add3A_1421 : i32 to index
      %get3A_1423 = arith.constant 96 : index
      %get3A_1424 = tpu.vector_load %arg13[%get3A_1422, %get3A_1423] {strides = array<i32>} : memref<256x128xf32, #tpu.memory_space<vmem>>, vector<1x16xf32>,
      %get3A_1425 = vector.shape_cast %get3A_1424 : vector<1x16xf32> to vector<16xf32>
      %add3A_1426 = arith.addf %add3A_1419, %get3A_1425 : vector<16xf32>
      %add3A_1427 = arith.constant 7 : i32
      %add3A_1428 = arith.addi %mul3A_678, %add3A_1427 : i32
      %get3A_1429 = arith.index_cast %add3A_1428 : i32 to index
      %get3A_1430 = arith.constant 96 : index
      %get3A_1431 = tpu.vector_load %arg13[%get3A_1429, %get3A_1430] {strides = array<i32>} : memref<256x128xf32, #tpu.memory_space<vmem>>, vector<1x16xf32>,
      %get3A_1432 = vector.shape_cast %get3A_1431 : vector<1x16xf32> to vector<16xf32>
      %add3A_1433 = arith.addf %add3A_1426, %get3A_1432 : vector<16xf32>
      %add3A_1434 = arith.constant 8 : i32
      %add3A_1435 = arith.addi %mul3A_678, %add3A_1434 : i32
      %get3A_1436 = arith.index_cast %add3A_1435 : i32 to index
      %get3A_1437 = arith.constant 96 : index
      %get3A_1438 = tpu.vector_load %arg13[%get3A_1436, %get3A_1437] {strides = array<i32>} : memref<256x128xf32, #tpu.memory_space<vmem>>, vector<1x16xf32>,
      %get3A_1439 = vector.shape_cast %get3A_1438 : vector<1x16xf32> to vector<16xf32>
      %add3A_1440 = arith.addf %add3A_1433, %get3A_1439 : vector<16xf32>
      %add3A_1441 = arith.constant 9 : i32
      %add3A_1442 = arith.addi %mul3A_678, %add3A_1441 : i32
      %get3A_1443 = arith.index_cast %add3A_1442 : i32 to index
      %get3A_1444 = arith.constant 96 : index
      %get3A_1445 = tpu.vector_load %arg13[%get3A_1443, %get3A_1444] {strides = array<i32>} : memref<256x128xf32, #tpu.memory_space<vmem>>, vector<1x16xf32>,
      %get3A_1446 = vector.shape_cast %get3A_1445 : vector<1x16xf32> to vector<16xf32>
      %add3A_1447 = arith.addf %add3A_1440, %get3A_1446 : vector<16xf32>
      %add3A_1448 = arith.constant 10 : i32
      %add3A_1449 = arith.addi %mul3A_678, %add3A_1448 : i32
      %get3A_1450 = arith.index_cast %add3A_1449 : i32 to index
      %get3A_1451 = arith.constant 96 : index
      %get3A_1452 = tpu.vector_load %arg13[%get3A_1450, %get3A_1451] {strides = array<i32>} : memref<256x128xf32, #tpu.memory_space<vmem>>, vector<1x16xf32>,
      %get3A_1453 = vector.shape_cast %get3A_1452 : vector<1x16xf32> to vector<16xf32>
      %add3A_1454 = arith.addf %add3A_1447, %get3A_1453 : vector<16xf32>
      %add3A_1455 = arith.constant 11 : i32
      %add3A_1456 = arith.addi %mul3A_678, %add3A_1455 : i32
      %get3A_1457 = arith.index_cast %add3A_1456 : i32 to index
      %get3A_1458 = arith.constant 96 : index
      %get3A_1459 = tpu.vector_load %arg13[%get3A_1457, %get3A_1458] {strides = array<i32>} : memref<256x128xf32, #tpu.memory_space<vmem>>, vector<1x16xf32>,
      %get3A_1460 = vector.shape_cast %get3A_1459 : vector<1x16xf32> to vector<16xf32>
      %add3A_1461 = arith.addf %add3A_1454, %get3A_1460 : vector<16xf32>
      %add3A_1462 = arith.constant 12 : i32
      %add3A_1463 = arith.addi %mul3A_678, %add3A_1462 : i32
      %get3A_1464 = arith.index_cast %add3A_1463 : i32 to index
      %get3A_1465 = arith.constant 96 : index
      %get3A_1466 = tpu.vector_load %arg13[%get3A_1464, %get3A_1465] {strides = array<i32>} : memref<256x128xf32, #tpu.memory_space<vmem>>, vector<1x16xf32>,
      %get3A_1467 = vector.shape_cast %get3A_1466 : vector<1x16xf32> to vector<16xf32>
      %add3A_1468 = arith.addf %add3A_1461, %get3A_1467 : vector<16xf32>
      %add3A_1469 = arith.constant 13 : i32
      %add3A_1470 = arith.addi %mul3A_678, %add3A_1469 : i32
      %get3A_1471 = arith.index_cast %add3A_1470 : i32 to index
      %get3A_1472 = arith.constant 96 : index
      %get3A_1473 = tpu.vector_load %arg13[%get3A_1471, %get3A_1472] {strides = array<i32>} : memref<256x128xf32, #tpu.memory_space<vmem>>, vector<1x16xf32>,
      %get3A_1474 = vector.shape_cast %get3A_1473 : vector<1x16xf32> to vector<16xf32>
      %add3A_1475 = arith.addf %add3A_1468, %get3A_1474 : vector<16xf32>
      %add3A_1476 = arith.constant 14 : i32
      %add3A_1477 = arith.addi %mul3A_678, %add3A_1476 : i32
      %get3A_1478 = arith.index_cast %add3A_1477 : i32 to index
      %get3A_1479 = arith.constant 96 : index
      %get3A_1480 = tpu.vector_load %arg13[%get3A_1478, %get3A_1479] {strides = array<i32>} : memref<256x128xf32, #tpu.memory_space<vmem>>, vector<1x16xf32>,
      %get3A_1481 = vector.shape_cast %get3A_1480 : vector<1x16xf32> to vector<16xf32>
      %add3A_1482 = arith.addf %add3A_1475, %get3A_1481 : vector<16xf32>
      %add3A_1483 = arith.constant 15 : i32
      %add3A_1484 = arith.addi %mul3A_678, %add3A_1483 : i32
      %get3A_1485 = arith.index_cast %add3A_1484 : i32 to index
      %get3A_1486 = arith.constant 96 : index
      %get3A_1487 = tpu.vector_load %arg13[%get3A_1485, %get3A_1486] {strides = array<i32>} : memref<256x128xf32, #tpu.memory_space<vmem>>, vector<1x16xf32>,
      %get3A_1488 = vector.shape_cast %get3A_1487 : vector<1x16xf32> to vector<16xf32>
      %add3A_1489 = arith.addf %add3A_1482, %get3A_1488 : vector<16xf32>
      %mul3A_1490 = arith.constant 6.250000e-02 : f32
      %mul3A_1491 = vector.broadcast %mul3A_1490 : f32 to vector<16xf32>
      %mul3A_1492 = arith.mulf %add3A_1489, %mul3A_1491 : vector<16xf32>
      %swap3A_1493 = arith.index_cast %scan3A_676 : i32 to index
      %swap3A_1494 = arith.constant 96 : index
      %swap3A_1495 = tpu.vector_load %arg14[%swap3A_1493, %swap3A_1494] {strides = array<i32>} : memref<16x128xf32, #tpu.memory_space<vmem>>, vector<1x16xf32>,
      %swap3A_1496 = vector.shape_cast %swap3A_1495 : vector<1x16xf32> to vector<16xf32>
      %swap3A_1497 = vector.shape_cast %mul3A_1492 : vector<16xf32> to vector<1x16xf32>
      tpu.vector_store %arg14[%swap3A_1493, %swap3A_1494], %swap3A_1497 {strides = array<i32>} : memref<16x128xf32, #tpu.memory_space<vmem>>, vector<1x16xf32>,
      %get3A_1498 = arith.index_cast %mul3A_678 : i32 to index
      %get3A_1499 = arith.constant 112 : index
      %get3A_1500 = tpu.vector_load %arg13[%get3A_1498, %get3A_1499] {strides = array<i32>} : memref<256x128xf32, #tpu.memory_space<vmem>>, vector<1x16xf32>,
      %get3A_1501 = vector.shape_cast %get3A_1500 : vector<1x16xf32> to vector<16xf32>
      %add3A_1502 = arith.constant 1 : i32
      %add3A_1503 = arith.addi %mul3A_678, %add3A_1502 : i32
      %get3A_1504 = arith.index_cast %add3A_1503 : i32 to index
      %get3A_1505 = arith.constant 112 : index
      %get3A_1506 = tpu.vector_load %arg13[%get3A_1504, %get3A_1505] {strides = array<i32>} : memref<256x128xf32, #tpu.memory_space<vmem>>, vector<1x16xf32>,
      %get3A_1507 = vector.shape_cast %get3A_1506 : vector<1x16xf32> to vector<16xf32>
      %add3A_1508 = arith.addf %get3A_1501, %get3A_1507 : vector<16xf32>
      %add3A_1509 = arith.constant 2 : i32
      %add3A_1510 = arith.addi %mul3A_678, %add3A_1509 : i32
      %get3A_1511 = arith.index_cast %add3A_1510 : i32 to index
      %get3A_1512 = arith.constant 112 : index
      %get3A_1513 = tpu.vector_load %arg13[%get3A_1511, %get3A_1512] {strides = array<i32>} : memref<256x128xf32, #tpu.memory_space<vmem>>, vector<1x16xf32>,
      %get3A_1514 = vector.shape_cast %get3A_1513 : vector<1x16xf32> to vector<16xf32>
      %add3A_1515 = arith.addf %add3A_1508, %get3A_1514 : vector<16xf32>
      %add3A_1516 = arith.constant 3 : i32
      %add3A_1517 = arith.addi %mul3A_678, %add3A_1516 : i32
      %get3A_1518 = arith.index_cast %add3A_1517 : i32 to index
      %get3A_1519 = arith.constant 112 : index
      %get3A_1520 = tpu.vector_load %arg13[%get3A_1518, %get3A_1519] {strides = array<i32>} : memref<256x128xf32, #tpu.memory_space<vmem>>, vector<1x16xf32>,
      %get3A_1521 = vector.shape_cast %get3A_1520 : vector<1x16xf32> to vector<16xf32>
      %add3A_1522 = arith.addf %add3A_1515, %get3A_1521 : vector<16xf32>
      %add3A_1523 = arith.constant 4 : i32
      %add3A_1524 = arith.addi %mul3A_678, %add3A_1523 : i32
      %get3A_1525 = arith.index_cast %add3A_1524 : i32 to index
      %get3A_1526 = arith.constant 112 : index
      %get3A_1527 = tpu.vector_load %arg13[%get3A_1525, %get3A_1526] {strides = array<i32>} : memref<256x128xf32, #tpu.memory_space<vmem>>, vector<1x16xf32>,
      %get3A_1528 = vector.shape_cast %get3A_1527 : vector<1x16xf32> to vector<16xf32>
      %add3A_1529 = arith.addf %add3A_1522, %get3A_1528 : vector<16xf32>
      %add3A_1530 = arith.constant 5 : i32
      %add3A_1531 = arith.addi %mul3A_678, %add3A_1530 : i32
      %get3A_1532 = arith.index_cast %add3A_1531 : i32 to index
      %get3A_1533 = arith.constant 112 : index
      %get3A_1534 = tpu.vector_load %arg13[%get3A_1532, %get3A_1533] {strides = array<i32>} : memref<256x128xf32, #tpu.memory_space<vmem>>, vector<1x16xf32>,
      %get3A_1535 = vector.shape_cast %get3A_1534 : vector<1x16xf32> to vector<16xf32>
      %add3A_1536 = arith.addf %add3A_1529, %get3A_1535 : vector<16xf32>
      %add3A_1537 = arith.constant 6 : i32
      %add3A_1538 = arith.addi %mul3A_678, %add3A_1537 : i32
      %get3A_1539 = arith.index_cast %add3A_1538 : i32 to index
      %get3A_1540 = arith.constant 112 : index
      %get3A_1541 = tpu.vector_load %arg13[%get3A_1539, %get3A_1540] {strides = array<i32>} : memref<256x128xf32, #tpu.memory_space<vmem>>, vector<1x16xf32>,
      %get3A_1542 = vector.shape_cast %get3A_1541 : vector<1x16xf32> to vector<16xf32>
      %add3A_1543 = arith.addf %add3A_1536, %get3A_1542 : vector<16xf32>
      %add3A_1544 = arith.constant 7 : i32
      %add3A_1545 = arith.addi %mul3A_678, %add3A_1544 : i32
      %get3A_1546 = arith.index_cast %add3A_1545 : i32 to index
      %get3A_1547 = arith.constant 112 : index
      %get3A_1548 = tpu.vector_load %arg13[%get3A_1546, %get3A_1547] {strides = array<i32>} : memref<256x128xf32, #tpu.memory_space<vmem>>, vector<1x16xf32>,
      %get3A_1549 = vector.shape_cast %get3A_1548 : vector<1x16xf32> to vector<16xf32>
      %add3A_1550 = arith.addf %add3A_1543, %get3A_1549 : vector<16xf32>
      %add3A_1551 = arith.constant 8 : i32
      %add3A_1552 = arith.addi %mul3A_678, %add3A_1551 : i32
      %get3A_1553 = arith.index_cast %add3A_1552 : i32 to index
      %get3A_1554 = arith.constant 112 : index
      %get3A_1555 = tpu.vector_load %arg13[%get3A_1553, %get3A_1554] {strides = array<i32>} : memref<256x128xf32, #tpu.memory_space<vmem>>, vector<1x16xf32>,
      %get3A_1556 = vector.shape_cast %get3A_1555 : vector<1x16xf32> to vector<16xf32>
      %add3A_1557 = arith.addf %add3A_1550, %get3A_1556 : vector<16xf32>
      %add3A_1558 = arith.constant 9 : i32
      %add3A_1559 = arith.addi %mul3A_678, %add3A_1558 : i32
      %get3A_1560 = arith.index_cast %add3A_1559 : i32 to index
      %get3A_1561 = arith.constant 112 : index
      %get3A_1562 = tpu.vector_load %arg13[%get3A_1560, %get3A_1561] {strides = array<i32>} : memref<256x128xf32, #tpu.memory_space<vmem>>, vector<1x16xf32>,
      %get3A_1563 = vector.shape_cast %get3A_1562 : vector<1x16xf32> to vector<16xf32>
      %add3A_1564 = arith.addf %add3A_1557, %get3A_1563 : vector<16xf32>
      %add3A_1565 = arith.constant 10 : i32
      %add3A_1566 = arith.addi %mul3A_678, %add3A_1565 : i32
      %get3A_1567 = arith.index_cast %add3A_1566 : i32 to index
      %get3A_1568 = arith.constant 112 : index
      %get3A_1569 = tpu.vector_load %arg13[%get3A_1567, %get3A_1568] {strides = array<i32>} : memref<256x128xf32, #tpu.memory_space<vmem>>, vector<1x16xf32>,
      %get3A_1570 = vector.shape_cast %get3A_1569 : vector<1x16xf32> to vector<16xf32>
      %add3A_1571 = arith.addf %add3A_1564, %get3A_1570 : vector<16xf32>
      %add3A_1572 = arith.constant 11 : i32
      %add3A_1573 = arith.addi %mul3A_678, %add3A_1572 : i32
      %get3A_1574 = arith.index_cast %add3A_1573 : i32 to index
      %get3A_1575 = arith.constant 112 : index
      %get3A_1576 = tpu.vector_load %arg13[%get3A_1574, %get3A_1575] {strides = array<i32>} : memref<256x128xf32, #tpu.memory_space<vmem>>, vector<1x16xf32>,
      %get3A_1577 = vector.shape_cast %get3A_1576 : vector<1x16xf32> to vector<16xf32>
      %add3A_1578 = arith.addf %add3A_1571, %get3A_1577 : vector<16xf32>
      %add3A_1579 = arith.constant 12 : i32
      %add3A_1580 = arith.addi %mul3A_678, %add3A_1579 : i32
      %get3A_1581 = arith.index_cast %add3A_1580 : i32 to index
      %get3A_1582 = arith.constant 112 : index
      %get3A_1583 = tpu.vector_load %arg13[%get3A_1581, %get3A_1582] {strides = array<i32>} : memref<256x128xf32, #tpu.memory_space<vmem>>, vector<1x16xf32>,
      %get3A_1584 = vector.shape_cast %get3A_1583 : vector<1x16xf32> to vector<16xf32>
      %add3A_1585 = arith.addf %add3A_1578, %get3A_1584 : vector<16xf32>
      %add3A_1586 = arith.constant 13 : i32
      %add3A_1587 = arith.addi %mul3A_678, %add3A_1586 : i32
      %get3A_1588 = arith.index_cast %add3A_1587 : i32 to index
      %get3A_1589 = arith.constant 112 : index
      %get3A_1590 = tpu.vector_load %arg13[%get3A_1588, %get3A_1589] {strides = array<i32>} : memref<256x128xf32, #tpu.memory_space<vmem>>, vector<1x16xf32>,
      %get3A_1591 = vector.shape_cast %get3A_1590 : vector<1x16xf32> to vector<16xf32>
      %add3A_1592 = arith.addf %add3A_1585, %get3A_1591 : vector<16xf32>
      %add3A_1593 = arith.constant 14 : i32
      %add3A_1594 = arith.addi %mul3A_678, %add3A_1593 : i32
      %get3A_1595 = arith.index_cast %add3A_1594 : i32 to index
      %get3A_1596 = arith.constant 112 : index
      %get3A_1597 = tpu.vector_load %arg13[%get3A_1595, %get3A_1596] {strides = array<i32>} : memref<256x128xf32, #tpu.memory_space<vmem>>, vector<1x16xf32>,
      %get3A_1598 = vector.shape_cast %get3A_1597 : vector<1x16xf32> to vector<16xf32>
      %add3A_1599 = arith.addf %add3A_1592, %get3A_1598 : vector<16xf32>
      %add3A_1600 = arith.constant 15 : i32
      %add3A_1601 = arith.addi %mul3A_678, %add3A_1600 : i32
      %get3A_1602 = arith.index_cast %add3A_1601 : i32 to index
      %get3A_1603 = arith.constant 112 : index
      %get3A_1604 = tpu.vector_load %arg13[%get3A_1602, %get3A_1603] {strides = array<i32>} : memref<256x128xf32, #tpu.memory_space<vmem>>, vector<1x16xf32>,
      %get3A_1605 = vector.shape_cast %get3A_1604 : vector<1x16xf32> to vector<16xf32>
      %add3A_1606 = arith.addf %add3A_1599, %get3A_1605 : vector<16xf32>
      %mul3A_1607 = arith.constant 6.250000e-02 : f32
      %mul3A_1608 = vector.broadcast %mul3A_1607 : f32 to vector<16xf32>
      %mul3A_1609 = arith.mulf %add3A_1606, %mul3A_1608 : vector<16xf32>
      %swap3A_1610 = arith.index_cast %scan3A_676 : i32 to index
      %swap3A_1611 = arith.constant 112 : index
      %swap3A_1612 = tpu.vector_load %arg14[%swap3A_1610, %swap3A_1611] {strides = array<i32>} : memref<16x128xf32, #tpu.memory_space<vmem>>, vector<1x16xf32>,
      %swap3A_1613 = vector.shape_cast %swap3A_1612 : vector<1x16xf32> to vector<16xf32>
      %swap3A_1614 = vector.shape_cast %mul3A_1609 : vector<16xf32> to vector<1x16xf32>
      tpu.vector_store %arg14[%swap3A_1610, %swap3A_1611], %swap3A_1614 {strides = array<i32>} : memref<16x128xf32, #tpu.memory_space<vmem>>, vector<1x16xf32>,
    }
    %scan3A_670 = arith.constant 16 : i32
    %add3A_671 = arith.constant 1024 : i32
    %add3A_672 = arith.addi %add3A_671, %mul3A_2 : i32
    "tpu.region"() ({
      %run_scoped3A = tpu.sem_alloc : memref<!tpu.dma_semaphore, #tpu.memory_space<semaphore_mem>>
      %dma_start3A_676 = arith.constant 0 : i32
      %dma_start3A_677 = tpu.memref_slice %arg8[%add3A_672, %dma_start3A_676] : memref<1536x128xf32, #tpu.memory_space<hbm>> -> memref<16x128xf32, #tpu.memory_space<hbm>>
      %dma_start3A_678 = arith.constant 0 : i32
      %dma_start3A_679 = tpu.memref_slice %arg8[%add3A_672, %dma_start3A_678] : memref<1536x128xf32, #tpu.memory_space<hbm>> -> memref<16x128xf32, #tpu.memory_space<hbm>>
      tpu.enqueue_dma source(%arg14 : memref<16x128xf32, #tpu.memory_space<vmem>>) target(%dma_start3A_679 : memref<16x128xf32, #tpu.memory_space<hbm>>) target_semaphore(%run_scoped3A : memref<!tpu.dma_semaphore, #tpu.memory_space<semaphore_mem>>)
      %dma_wait3A_680 = arith.constant 0 : i32
      %dma_wait3A_681 = tpu.memref_slice %arg8[%add3A_672, %dma_wait3A_680] : memref<1536x128xf32, #tpu.memory_space<hbm>> -> memref<16x128xf32, #tpu.memory_space<hbm>>
      %dma_wait3A_682 = arith.constant 0 : i32
      %dma_wait3A_683 = tpu.memref_slice %arg8[%add3A_672, %dma_wait3A_682] : memref<1536x128xf32, #tpu.memory_space<hbm>> -> memref<16x128xf32, #tpu.memory_space<hbm>>
      tpu.wait_dma2 semaphore(%run_scoped3A : memref<!tpu.dma_semaphore, #tpu.memory_space<semaphore_mem>>) src(%arg14 : memref<16x128xf32, #tpu.memory_space<vmem>>) dst(%dma_wait3A_683 : memref<16x128xf32, #tpu.memory_space<hbm>>)
      tpu.yield
    }) : () -> ()
    %dma_wait3A_673 = arith.constant 0 : i32
    %dma_wait3A_674 = arith.constant 0 : i32
    %dma_wait3A_675 = tpu.memref_slice %arg6[%dma_wait3A_673, %dma_wait3A_674] : memref<100000x128xf32, #tpu.memory_space<hbm>> -> memref<100000x128xf32, #tpu.memory_space<hbm>>
    tpu.wait_indirect_dma semaphore(%arg17 : memref<!tpu.dma_semaphore, #tpu.memory_space<semaphore_mem>>) src(%dma_wait3A_675 : memref<100000x128xf32, #tpu.memory_space<hbm>>) dst(%arg15 : memref<16x128xf32, #tpu.memory_space<vmem>>)
    "tpu.region"() ({
      %run_scoped3A = tpu.sem_alloc : memref<!tpu.dma_semaphore, #tpu.memory_space<semaphore_mem>>
      %dma_start3A_676 = arith.constant 0 : i32
      %dma_start3A_677 = tpu.memref_slice %arg9[%mul3A_2, %dma_start3A_676] : memref<512x128xf32, #tpu.memory_space<hbm>> -> memref<16x128xf32, #tpu.memory_space<hbm>>
      %dma_start3A_678 = arith.constant 0 : i32
      %dma_start3A_679 = tpu.memref_slice %arg9[%mul3A_2, %dma_start3A_678] : memref<512x128xf32, #tpu.memory_space<hbm>> -> memref<16x128xf32, #tpu.memory_space<hbm>>
      tpu.enqueue_dma source(%arg15 : memref<16x128xf32, #tpu.memory_space<vmem>>) target(%dma_start3A_679 : memref<16x128xf32, #tpu.memory_space<hbm>>) target_semaphore(%run_scoped3A : memref<!tpu.dma_semaphore, #tpu.memory_space<semaphore_mem>>)
      %dma_wait3A_680 = arith.constant 0 : i32
      %dma_wait3A_681 = tpu.memref_slice %arg9[%mul3A_2, %dma_wait3A_680] : memref<512x128xf32, #tpu.memory_space<hbm>> -> memref<16x128xf32, #tpu.memory_space<hbm>>
      %dma_wait3A_682 = arith.constant 0 : i32
      %dma_wait3A_683 = tpu.memref_slice %arg9[%mul3A_2, %dma_wait3A_682] : memref<512x128xf32, #tpu.memory_space<hbm>> -> memref<16x128xf32, #tpu.memory_space<hbm>>
      tpu.wait_dma2 semaphore(%run_scoped3A : memref<!tpu.dma_semaphore, #tpu.memory_space<semaphore_mem>>) src(%arg15 : memref<16x128xf32, #tpu.memory_space<vmem>>) dst(%dma_wait3A_683 : memref<16x128xf32, #tpu.memory_space<hbm>>)
      tpu.yield
    }) : () -> ()
    return
  }
}

module attributes {stable_mosaic.version = 14 : i64} {
  func.func @_lse_body(%arg0: i32, %arg1: memref<1536x128xf32, #tpu.memory_space<vmem>>, %arg2: memref<512x128xf32, #tpu.memory_space<vmem>>, %arg3: memref<2000x128xf32, #tpu.memory_space<vmem>>, %arg4: memref<512x1xf32, #tpu.memory_space<vmem>>, %arg5: memref<1x1xf32, #tpu.memory_space<vmem>>, %arg6: memref<1536x1xf32, #tpu.memory_space<vmem>>) attributes {dimension_semantics = [#tpu.dimension_semantics<arbitrary>], iteration_bounds = array<i64: 50>, scalar_prefetch = 0 : i64, scratch_operands = 1 : i64, tpu.core_type = #tpu.core_type<tc>, window_params = [{pipeline_mode = #tpu.pipeline_mode<synchronous>, transform_indices = @transform_0, window_bounds = array<i64: 1536, 128>}, {pipeline_mode = #tpu.pipeline_mode<synchronous>, transform_indices = @transform_1, window_bounds = array<i64: 512, 128>}, {transform_indices = @transform_2, window_bounds = array<i64: 2000, 128>}, {pipeline_mode = #tpu.pipeline_mode<synchronous>, transform_indices = @transform_3, window_bounds = array<i64: 512, 1>}, {pipeline_mode = #tpu.pipeline_mode<synchronous>, transform_indices = @transform_4, window_bounds = array<i64: 1, 1>}]} {
    %eq3A = arith.constant 0 : i32
    %eq3A_0 = arith.cmpi eq, %arg0, %eq3A : i32
    %convert_element_type3A = arith.extui %eq3A_0 : i1 to i32
    %cond3A = arith.constant 0 : i32
    %cond3A_1 = arith.cmpi ne, %convert_element_type3A, %cond3A : i32
    scf.if %cond3A_1 {
      %broadcast_in_dim3A_21 = arith.constant 0.000000e+00 : f32
      %broadcast_in_dim3A_22 = vector.broadcast %broadcast_in_dim3A_21 : f32 to vector<1536x1xf32>
      %swap3A_23 = arith.constant 0 : index
      %swap3A_24 = arith.constant 0 : index
      %swap3A_25 = vector.load %arg6[%swap3A_23, %swap3A_24] : memref<1536x1xf32, #tpu.memory_space<vmem>>, vector<1536x1xf32>
      tpu.vector_store %arg6[%swap3A_23, %swap3A_24], %broadcast_in_dim3A_22 {strides = array<i32>} : memref<1536x1xf32, #tpu.memory_space<vmem>>, vector<1536x1xf32>,
    } else {
    }
    %get3A = arith.constant 0 : index
    %get3A_2 = arith.constant 0 : index
    %get3A_3 = vector.load %arg1[%get3A, %get3A_2] : memref<1536x128xf32, #tpu.memory_space<vmem>>, vector<1536x128xf32>
    %convert_element_type3A_4 = arith.truncf %get3A_3 : vector<1536x128xf32> to vector<1536x128xbf16>
    %get3A_5 = arith.constant 0 : index
    %get3A_6 = arith.constant 0 : index
    %get3A_7 = vector.load %arg3[%get3A_5, %get3A_6] : memref<2000x128xf32, #tpu.memory_space<vmem>>, vector<2000x128xf32>
    %convert_element_type3A_8 = arith.truncf %get3A_7 : vector<2000x128xf32> to vector<2000x128xbf16>
    %dot_general3A = arith.constant dense<0.000000e+00> : vector<1536x2000xf32>
    %dot_general3A_9 = tpu.matmul %convert_element_type3A_4, %convert_element_type3A_8, %dot_general3A {dimension_numbers = #tpu.dot_dimension_numbers<[1], [1], [0], [0], [0, 0, 1, 0], [], []>, transpose_lhs_hint = false} : vector<1536x128xbf16>, vector<2000x128xbf16>, vector<1536x2000xf32> -> vector<1536x2000xf32>
    %exp3A = math.exp %dot_general3A_9 : vector<1536x2000xf32>
    %reduce_sum3A = arith.constant dense<0.000000e+00> : vector<1536xf32>
    %reduce_sum3A_10 = vector.multi_reduction <add>, %exp3A, %reduce_sum3A [1] : vector<1536x2000xf32> to vector<1536xf32>
    %broadcast_in_dim3A = vector.shape_cast %reduce_sum3A_10 : vector<1536xf32> to vector<1536x1xf32>
    %get3A_11 = arith.constant 0 : index
    %get3A_12 = arith.constant 0 : index
    %get3A_13 = vector.load %arg6[%get3A_11, %get3A_12] : memref<1536x1xf32, #tpu.memory_space<vmem>>, vector<1536x1xf32>
    %add3A = arith.addf %get3A_13, %broadcast_in_dim3A : vector<1536x1xf32>
    %swap3A = arith.constant 0 : index
    %swap3A_14 = arith.constant 0 : index
    %swap3A_15 = vector.load %arg6[%swap3A, %swap3A_14] : memref<1536x1xf32, #tpu.memory_space<vmem>>, vector<1536x1xf32>
    tpu.vector_store %arg6[%swap3A, %swap3A_14], %add3A {strides = array<i32>} : memref<1536x1xf32, #tpu.memory_space<vmem>>, vector<1536x1xf32>,
    %eq3A_16 = arith.constant 49 : i32
    %eq3A_17 = arith.cmpi eq, %arg0, %eq3A_16 : i32
    %convert_element_type3A_18 = arith.extui %eq3A_17 : i1 to i32
    %cond3A_19 = arith.constant 0 : i32
    %cond3A_20 = arith.cmpi ne, %convert_element_type3A_18, %cond3A_19 : i32
    scf.if %cond3A_20 {
      %get3A_21 = arith.constant 0 : index
      %get3A_22 = arith.constant 0 : index
      %get3A_23 = vector.load %arg6[%get3A_21, %get3A_22] : memref<1536x1xf32, #tpu.memory_space<vmem>>, vector<1536x1xf32>
      %log3A = math.log %get3A_23 : vector<1536x1xf32>
      %get3A_24 = arith.constant 0 : index
      %get3A_25 = arith.constant 0 : index
      %get3A_26 = vector.load %arg1[%get3A_24, %get3A_25] : memref<1536x128xf32, #tpu.memory_space<vmem>>, vector<1536x128xf32>
      %get3A_27 = arith.constant 0 : index
      %get3A_28 = arith.constant 0 : index
      %get3A_29 = vector.load %arg2[%get3A_27, %get3A_28] : memref<512x128xf32, #tpu.memory_space<vmem>>, vector<512x128xf32>
      %slice3A = vector.extract_strided_slice %get3A_26 {offsets = [0, 0], sizes = [512, 128], strides = [1, 1]} : vector<1536x128xf32> to vector<512x128xf32>
      %mul3A = arith.mulf %slice3A, %get3A_29 : vector<512x128xf32>
      %reduce_sum3A_30 = arith.constant dense<0.000000e+00> : vector<512xf32>
      %reduce_sum3A_31 = vector.multi_reduction <add>, %mul3A, %reduce_sum3A_30 [1] : vector<512x128xf32> to vector<512xf32>
      %broadcast_in_dim3A_32 = vector.shape_cast %reduce_sum3A_31 : vector<512xf32> to vector<512x1xf32>
      %slice3A_33 = vector.extract_strided_slice %get3A_26 {offsets = [512, 0], sizes = [512, 128], strides = [1, 1]} : vector<1536x128xf32> to vector<512x128xf32>
      %mul3A_34 = arith.mulf %slice3A_33, %get3A_29 : vector<512x128xf32>
      %reduce_sum3A_35 = arith.constant dense<0.000000e+00> : vector<512xf32>
      %reduce_sum3A_36 = vector.multi_reduction <add>, %mul3A_34, %reduce_sum3A_35 [1] : vector<512x128xf32> to vector<512xf32>
      %broadcast_in_dim3A_37 = vector.shape_cast %reduce_sum3A_36 : vector<512xf32> to vector<512x1xf32>
      %slice3A_38 = vector.extract_strided_slice %get3A_26 {offsets = [1024, 0], sizes = [512, 128], strides = [1, 1]} : vector<1536x128xf32> to vector<512x128xf32>
      %mul3A_39 = arith.mulf %slice3A_38, %get3A_29 : vector<512x128xf32>
      %reduce_sum3A_40 = arith.constant dense<0.000000e+00> : vector<512xf32>
      %reduce_sum3A_41 = vector.multi_reduction <add>, %mul3A_39, %reduce_sum3A_40 [1] : vector<512x128xf32> to vector<512xf32>
      %broadcast_in_dim3A_42 = vector.shape_cast %reduce_sum3A_41 : vector<512xf32> to vector<512x1xf32>
      %slice3A_43 = vector.extract_strided_slice %log3A {offsets = [0, 0], sizes = [512, 1], strides = [1, 1]} : vector<1536x1xf32> to vector<512x1xf32>
      %sub3A = arith.subf %broadcast_in_dim3A_32, %slice3A_43 : vector<512x1xf32>
      %mul3A_44 = arith.constant 4.000000e-01 : f32
      %mul3A_45 = vector.broadcast %mul3A_44 : f32 to vector<512x1xf32>
      %mul3A_46 = arith.mulf %mul3A_45, %sub3A : vector<512x1xf32>
      %slice3A_47 = vector.extract_strided_slice %log3A {offsets = [512, 0], sizes = [512, 1], strides = [1, 1]} : vector<1536x1xf32> to vector<512x1xf32>
      %sub3A_48 = arith.subf %broadcast_in_dim3A_37, %slice3A_47 : vector<512x1xf32>
      %mul3A_49 = arith.constant 3.000000e-01 : f32
      %mul3A_50 = vector.broadcast %mul3A_49 : f32 to vector<512x1xf32>
      %mul3A_51 = arith.mulf %mul3A_50, %sub3A_48 : vector<512x1xf32>
      %add3A_52 = arith.addf %mul3A_46, %mul3A_51 : vector<512x1xf32>
      %slice3A_53 = vector.extract_strided_slice %log3A {offsets = [1024, 0], sizes = [512, 1], strides = [1, 1]} : vector<1536x1xf32> to vector<512x1xf32>
      %sub3A_54 = arith.subf %broadcast_in_dim3A_42, %slice3A_53 : vector<512x1xf32>
      %mul3A_55 = arith.constant 3.000000e-01 : f32
      %mul3A_56 = vector.broadcast %mul3A_55 : f32 to vector<512x1xf32>
      %mul3A_57 = arith.mulf %mul3A_56, %sub3A_54 : vector<512x1xf32>
      %add3A_58 = arith.addf %add3A_52, %mul3A_57 : vector<512x1xf32>
      %swap3A_59 = arith.constant 0 : index
      %swap3A_60 = arith.constant 0 : index
      %swap3A_61 = vector.load %arg4[%swap3A_59, %swap3A_60] : memref<512x1xf32, #tpu.memory_space<vmem>>, vector<512x1xf32>
      tpu.vector_store %arg4[%swap3A_59, %swap3A_60], %add3A_58 {strides = array<i32>} : memref<512x1xf32, #tpu.memory_space<vmem>>, vector<512x1xf32>,
      %reduce_sum3A_62 = vector.shape_cast %add3A_58 : vector<512x1xf32> to vector<1x512x1xf32>
      %reduce_sum3A_63 = arith.constant dense<0.000000e+00> : vector<1xf32>
      %reduce_sum3A_64 = vector.multi_reduction <add>, %reduce_sum3A_62, %reduce_sum3A_63 [1, 2] : vector<1x512x1xf32> to vector<1xf32>
      %reduce_sum3A_65 = vector.shape_cast %reduce_sum3A_64 : vector<1xf32> to vector<1x1x1xf32>
      %reduce_sum3A_66 = vector.extract %reduce_sum3A_65[0, 0, 0] : f32 from vector<1x1x1xf32>
      %reshape3A = vector.broadcast %reduce_sum3A_66 : f32 to vector<1x1xf32>
      %neg3A = arith.constant 0.000000e+00 : f32
      %neg3A_67 = vector.broadcast %neg3A : f32 to vector<1x1xf32>
      %neg3A_68 = arith.subf %neg3A_67, %reshape3A : vector<1x1xf32>
      %swap3A_69 = arith.constant 0 : index
      %swap3A_70 = arith.constant 0 : index
      %swap3A_71 = vector.load %arg5[%swap3A_69, %swap3A_70] : memref<1x1xf32, #tpu.memory_space<vmem>>, vector<1x1xf32>
      tpu.vector_store %arg5[%swap3A_69, %swap3A_70], %neg3A_68 {strides = array<i32>} : memref<1x1xf32, #tpu.memory_space<vmem>>, vector<1x1xf32>,
    } else {
    }
    return
  }
  func.func @transform_0(%arg0: i32) -> (i32, i32) {
    %c0_i32 = arith.constant 0 : i32
    %c0_i32_0 = arith.constant 0 : i32
    %c0_i32_1 = arith.constant 0 : i32
    return %c0_i32, %c0_i32_0 : i32, i32
  }
  func.func @transform_1(%arg0: i32) -> (i32, i32) {
    %c0_i32 = arith.constant 0 : i32
    %c0_i32_0 = arith.constant 0 : i32
    %c0_i32_1 = arith.constant 0 : i32
    return %c0_i32, %c0_i32_0 : i32, i32
  }
  func.func @transform_2(%arg0: i32) -> (i32, i32) {
    %c0_i32 = arith.constant 0 : i32
    %c0_i32_0 = arith.constant 0 : i32
    return %arg0, %c0_i32 : i32, i32
  }
  func.func @transform_3(%arg0: i32) -> (i32, i32) {
    %c0_i32 = arith.constant 0 : i32
    %c0_i32_0 = arith.constant 0 : i32
    %c0_i32_1 = arith.constant 0 : i32
    return %c0_i32, %c0_i32_0 : i32, i32
  }
  func.func @transform_4(%arg0: i32) -> (i32, i32) {
    %c0_i32 = arith.constant 0 : i32
    %c0_i32_0 = arith.constant 0 : i32
    %c0_i32_1 = arith.constant 0 : i32
    return %c0_i32, %c0_i32_0 : i32, i32
  }
}

</mosaic_0001>

<sc_bundles>
// kernel: kernel.5.cloned.1.call-start
scs
__scs_entry_jumppad:
0x0: {  	(pc) =	sbr.rel $0x88, $3  }
0x1: {  	(tag) =	ssettag $0x0;
	lr =	simm.s32 $0x1  }
0x2: {  	[smem:$0x3F9B] =	sst lr;
	_ =	strace $0xD0000000  }
0x3: {  	_ = 	snop  }
0x4: {  	_ = 	snop  }
0x5: {  	_ = 	snop  }
0x6: {  	_ = 	snop  }
0x7: {  	_ = 	snop  }
__scs_overlays_trampoline_lowered:
0x8: {  	[smem:$0x3FAA] =	sst s0  }
0x9: {  	[smem:$0x3FAB] =	sst s1  }
0xa: {  	[smem:$0x3FAC] =	sst s2  }
0xb: {  	[smem:$0x3FAD] =	sst s3  }
0xc: {  	[smem:$0x3FAE] =	sst s4  }
0xd: {  	[smem:$0x3FAF] =	sst s5  }
0xe: {  	[smem:$0x3FB0] =	sst s6  }
0xf: {  	[smem:$0x3FB1] =	sst s7  }
0x10: {  	[smem:$0x3FB2] =	sst s8  }
0x11: {  	[smem:$0x3FB3] =	sst s9;
	s0 =	simm.s32 @!p0 $0x0  }
0x12: {  	s1 =	sld [smem:$0x3F99];
	s0 =	simm.s32 @p0 $0x1  }
0x13: {  	[smem:$0x3FB4] =	sst s0;
	s0 =	simm.s32 @!p1 $0x0  }
0x14: {  	s2 =	sld [smem:$0x3F98];
	s0 =	simm.s32 @p1 $0x1  }
0x15: {  	[smem:$0x3FB5] =	sst s0;
	s0 =	simm.s32 @!p2 $0x0  }
0x16: {  	s3 =	sld [smem:$0x3FDB];
	s0 =	simm.s32 @p2 $0x1  }
0x17: {  	s4 =	simm.s32 $0x1BF5;
	[smem:$0x3FB7] =	sst s0  }
0x18: {  	s0 =	sld [smem:$0x3F9A];
	_ =	swait.ge [sflag:s4], $0x0  }
0x19: {  	s7 =	sld [smem:$0x3F9B]  }
0x1a: {  	s8 =	sadd.s32 $0xFFFFE003, lr  }
0x1b: {  	s9 =	sadd.s32 $0xFFFFFEF7, lr;
	s5 =	simm.s32 $0xFFFFFFFF;
	p2 =	slt.u32 s8, $0xFFFFF086  }
0x1c: {  	p1 =	slt.u32 s9, $0xF7A;
	s5 =	simm.s32 @!p2 $0x0  }
0x1d: {  	s5 =	simm.s32 @p1 $0x1;
	p0 =	seq.s32 s7, s2  }
0x1e: {  	s7 =	smul.u32 @!p0 $0xF7A, s2;
	p2 =	seq.s32 @!p0 s5, $0x0  }
0x1f: {  	s9 =	smul.u32 $0xF7A, s1;
	s8 =	simm.s32 @!p0 $0x1BF5;
	p2 =	por !p2, p0  }
0x20: {  	[sflag:s8] =	ssyncset.s32 @!p0 $0xFFFFF086;
	s6 =	sadd.s32 @!p0 s3, s7;
	s7 =	simm.s32 @!p0 $0x108  }
0x21: {  	s3 =	sadd.s32 s3, s9;
	s6 =	sadd.s32 @!p0 $0x88, s6;
	s7 =	simm.s32 @p2 $0x1082  }
0x22: {  	[simem:s7], [sflag:s8] =	dma.local @!p0 [hbm:s6], $0xF7A  }
0x23: {  	s9 =	sor.u32 $0xD0000000, s2;
	s6 =	simm.s32 $0x108;
	_ =	swait.ge @!p0 [sflag:s8], $0x0  }
0x24: {  	s3 =	sadd.s32 $0x88, s3;
	s6 =	simm.s32 @!p1 $0x1082;
	[sflag:s4] =	ssyncset.s32 $0xFFFFF086  }
0x25: {  	[simem:s6], [sflag:s4] =	dma.local [hbm:s3], $0xF7A  }
0x26: {  	[smem:$0x3F9B] =	sst s1;
	(tag) =	ssettag s2;
	_ =	strace s9  }
0x27: {  	s1 =	sld [smem:$0x3FAB]  }
0x28: {  	s2 =	sld [smem:$0x3FAC]  }
0x29: {  	s4 =	sld [smem:$0x3FAE]  }
0x2a: {  	p0 =	seq.s32 s5, $0x0;
	s5 =	sld [smem:$0x3FAF]  }
0x2b: {  	s6 =	sld [smem:$0x3FB0]  }
0x2c: {  	s7 =	sld [smem:$0x3FB1]  }
0x2d: {  	s3 =	simm.s32 $0x108;
	s8 =	sld [smem:$0x3FB2]  }
0x2e: {  	s3 =	simm.s32 @!p0 $0x1082;
	s9 =	sld [smem:$0x3FB3]  }
0x2f: {  	lr =	sadd.s32 s0, s3;
	s0 =	sld [smem:$0x3FAA]  }
0x30: {  	s3 =	sld [smem:$0x3FAD]  }
0x31: {  	[smem:$0x3FB6] =	sst s10  }
0x32: {  	s10 =	sld [smem:$0x3FB4];
	_ =	sdelay $0x3  }
0x33: {  	p0 =	seq.s32 s10, $0x1;
	s10 =	sld [smem:$0x3FB6];
	_ =	sdelay $0x3  }
0x34: {  	[smem:$0x3FB6] =	sst s10  }
0x35: {  	s10 =	sld [smem:$0x3FB5];
	_ =	sdelay $0x3  }
0x36: {  	p1 =	seq.s32 s10, $0x1;
	s10 =	sld [smem:$0x3FB6];
	_ =	sdelay $0x3  }
0x37: {  	[smem:$0x3FB6] =	sst s10  }
0x38: {  	s10 =	sld [smem:$0x3FB7]  }
0x39: {  	_ = 	snop;
	(pc) =	sbr.ind lr, $3  }
0x3a: {  	_ = 	snop  }
0x3b: {  	_ = 	snop  }
0x3c: {  	p2 =	seq.s32 s10, $0x1;
	s10 =	sld [smem:$0x3FB6]  }
0x3d: {  	_ =	shalt  }
0x3e: {  	_ =	shalt  }
0x3f: {  	_ =	shalt  }
0x40: {  	_ =	shalt  }
0x41: {  	_ =	shalt  }
0x42: {  	_ =	shalt  }
0x43: {  	_ =	shalt  }
0x44: {  	_ =	shalt  }
0x45: {  	_ =	shalt  }
0x46: {  	_ =	shalt  }
0x47: {  	_ =	shalt  }
0x48: {  	_ =	shalt  }
0x49: {  	_ =	shalt  }
0x4a: {  	_ =	shalt  }
0x4b: {  	_ =	shalt  }
0x4c: {  	_ =	shalt  }
0x4d: {  	_ =	shalt  }
0x4e: {  	_ =	shalt  }
0x4f: {  	_ =	shalt  }
0x50: {  	_ =	shalt  }
0x51: {  	_ =	shalt  }
0x52: {  	_ =	shalt  }
0x53: {  	_ =	shalt  }
0x54: {  	_ =	shalt  }
0x55: {  	_ =	shalt  }
0x56: {  	_ =	shalt  }
0x57: {  	_ =	shalt  }
0x58: {  	_ =	shalt  }
0x59: {  	_ =	shalt  }
0x5a: {  	_ =	shalt  }
0x5b: {  	_ =	shalt  }
0x5c: {  	_ =	shalt  }
0x5d: {  	_ =	shalt  }
0x5e: {  	_ =	shalt  }
0x5f: {  	_ =	shalt  }
0x60: {  	_ =	shalt  }
0x61: {  	_ =	shalt  }
0x62: {  	_ =	shalt  }
0x63: {  	_ =	shalt  }
0x64: {  	_ =	shalt  }
0x65: {  	_ =	shalt  }
0x66: {  	_ =	shalt  }
0x67: {  	_ =	shalt  }
0x68: {  	_ =	shalt  }
0x69: {  	_ =	shalt  }
0x6a: {  	_ =	shalt  }
0x6b: {  	_ =	shalt  }
0x6c: {  	_ =	shalt  }
0x6d: {  	_ =	shalt  }
0x6e: {  	_ =	shalt  }
0x6f: {  	_ =	shalt  }
0x70: {  	_ =	shalt  }
0x71: {  	_ =	shalt  }
0x72: {  	_ =	shalt  }
0x73: {  	_ =	shalt  }
0x74: {  	_ =	shalt  }
0x75: {  	_ =	shalt  }
0x76: {  	_ =	shalt  }
0x77: {  	_ =	shalt  }
0x78: {  	_ =	shalt  }
0x79: {  	_ =	shalt  }
0x7a: {  	_ =	shalt  }
0x7b: {  	_ =	shalt  }
0x7c: {  	_ =	shalt  }
0x7d: {  	_ =	shalt  }
0x7e: {  	_ =	shalt  }
0x7f: {  	_ =	shalt  }
0x80: {  	_ =	shalt  }
0x81: {  	_ =	shalt  }
0x82: {  	_ =	shalt  }
0x83: {  	_ =	shalt  }
0x84: {  	_ =	shalt  }
0x85: {  	_ =	shalt  }
0x86: {  	_ =	shalt  }
0x87: {  	_ =	shalt  }
.Lfunc_end0:
.L_simem_size_0:
called_computation_lowered:
.L_overlay_start_0:
0x88: {  	s2 =	sld [smem:$0x3FD9]  }
0x89: {  	s3 =	sld [smem:$0x3FFE];
	_ =	sdelay $0x1  }
0x8a: {  	s1 =	srdreg.scid  }
0x8b: {  	s0 =	sand.u32 $0x1, s1  }
0x8c: {  	s24 =	sshll.u32 s0, $0xA;
	s2 =	sadd.s32 s3, s2  }
0x8d: {  	s2 =	sadd.s32 s2, s24  }
0x8e: {  	[smem:$0x3FC2] =	sst s2  }
0x8f: {  	_ = 	snop  }
0x90: {  	s2 =	sld [smem:$0x3FD0];
	_ =	sdelay $0x2  }
0x91: {  	s25 =	simm.s32 $0xC;
	s4 =	simm.s32 $0x110  }
0x92: {  	[smem:s4], [sflag:s25] =	dma.local [hbm:s2], $0x1  }
0x93: {  	_ =	swait.eq [sflag:s25], $0x1  }
0x94: {  	[sflag:s25] =	ssyncset.done $0x0  }
0x95: {  	s2 =	simm.s32 $0x0;
	s26 =	sld [smem:$0x110];
	[sflag:s25] =	ssyncadd.s32 $0xFFFFFFFF  }
0x96: {  	[smem:$0xF] =	sst s2  }
0x97: {  	(tm) =	ssettm $0x1  }
0x98: {  	s28 =	sld [smem:$0x3FFB];
	_ =	sdelay $0x3  }
0x99: {  	_ =	strace s28  }
0x9a: {  	s4 =	sld [smem:$0x3FFC];
	_ =	sdelay $0x3  }
0x9b: {  	_ =	strace s4  }
0x9c: {  	s4 =	sld [smem:$0x3FFD];
	_ =	sdelay $0x3  }
0x9d: {  	_ =	strace s4  }
0x9e: {  	s29 =	simm.s32 $0x1B8B;
	_ =	strace $0x8FFFFFFF  }
0x9f: {  	_ =	swait.ge [sflag:s29], $0x1  }
0xa0: {  	s30 =	simm.s32 $0x1B8E;
	s7 =	simm.s32 $0xB;
	[sflag:s29] =	ssyncset.done $0x0  }
0xa1: {  	s5 =	simm.s32 $0x10;
	s6 =	sld [smem:$0x3FFE];
	[sflag:s29] =	ssyncadd.s32 $0xFFFFFFFF  }
0xa2: {  	s11 =	simm.s32 $0x10;
	s31 =	sshll.u32 s0, $0x5;
	[smem:$0x3FD2] =	sst s30  }
0xa3: {  	s8 =	sshll.u32 s0, $0xC;
	s3 =	sadd.s32 s31, s26;
	_ =	strace $0x80000046  }
0xa4: {  	[smem:s5], [sflag:s7] =	dma.local [hbm:s3], $0x20  }
0xa5: {  	s3 =	sadd.s32 $0x188E00, s6;
	s10 =	sadd.s32 s8, s6;
	_ =	swait.ge [sflag:s7], $0x20  }
0xa6: {  	s4 =	sadd.s32 $0x30F800, s6;
	s9 =	sadd.s32 $0x496200, s10;
	[sflag:s7] =	ssyncset.done $0x0  }
0xa7: {  	s6 =	sadd.s32 $0x2400, s6;
	s8 =	sadd.s32 $0x498200, s10;
	[sflag:s7] =	ssyncadd.s32 $0xFFFFFFE0  }
0xa8: {  	s10 =	sadd.s32 $0x49A200, s10;
	s7 =	simm.s32 $0xA;
	s12 =	sld [smem:$0x10]  }
.LBB1_1:
0xa9: {  	p0 =	sne.s32 s11, $0xFF0;
	_ =	sdelay $0x2  }
0xaa: {  	s13 =	sadd.s32 s2, s10;
	s5 =	sadd.s32 $0x1, s5;
	s12 =	sshll.u32 s12, $0x4  }
0xab: {  	s14 =	sadd.s32 s2, s9;
	s2 =	sadd.s32 s2, s8;
	s12 =	sand.u32 $0x1FFFFFF0, s12  }
0xac: {  	s15 =	sadd.s32 s6, s12;
	s16 =	sadd.s32 s3, s12;
	s12 =	sadd.s32 s4, s12  }
0xad: {  	[hbm:s14], [sflag:s7] =	dma.local [hbm:s15], $0x10  }
.Ltmp0:
0xae: {  	_ = 	snop;
	(pc) =	sbr.rel @p0 .LBB1_1-.Ltmp0, $3  }
0xaf: {  	[hbm:s2], [sflag:s7] =	dma.local [hbm:s16], $0x10  }
0xb0: {  	[hbm:s13], [sflag:s7] =	dma.local [hbm:s12], $0x10  }
0xb1: {  	s2 =	smov.u32 s11;
	s11 =	sadd.s32 $0x10, s11;
	s12 =	sld [smem:s5+$0x0]  }
0xb2: {  	_ =	sdelay $0x2  }
0xb3: {  	s10 =	sadd.s32 s2, s10;
	s9 =	sadd.s32 s2, s9;
	s5 =	sshll.u32 s12, $0x4  }
0xb4: {  	s26 =	sadd.s32 s2, s8;
	s28 =	simm.s32 $0xA;
	s5 =	sand.u32 $0x1FFFFFF0, s5  }
0xb5: {  	s6 =	sadd.s32 s6, s5;
	s3 =	sadd.s32 s3, s5;
	s4 =	sadd.s32 s4, s5  }
0xb6: {  	[hbm:s9], [sflag:s7] =	dma.local [hbm:s6], $0x10  }
0xb7: {  	[hbm:s26], [sflag:s7] =	dma.local [hbm:s3], $0x10  }
0xb8: {  	[hbm:s10], [sflag:s7] =	dma.local [hbm:s4], $0x10  }
0xb9: {  	_ =	swait.ge [sflag:s28], $0x1000  }
0xba: {  	[sflag:s28] =	ssyncset.done $0x0  }
0xbb: {  	[sflag:s28] =	ssyncadd.s32 $0xFFFFF000;
	_ =	sdelay $0x2  }
0xbc: {  	_ =	swait.ge [sflag:s28], $0x1000  }
0xbd: {  	[sflag:s28] =	ssyncset.done $0x0  }
0xbe: {  	[sflag:s28] =	ssyncadd.s32 $0xFFFFF000;
	_ =	sdelay $0x2  }
0xbf: {  	_ =	swait.ge [sflag:s28], $0x1000  }
0xc0: {  	[sflag:s28] =	ssyncset.done $0x0  }
0xc1: {  	[sflag:s28] =	ssyncadd.s32 $0xFFFFF000  }
0xc2: {  	_ =	strace $0x90000046  }
0xc3: {  	_ =	sfence  }
0xc4: {  	s29 =	sld [smem:$0x0];
	_ =	sdelay $0x2  }
0xc5: {  	s30 =	sshll.u32 s1, $0xD;
	s31 =	sshrl.u32 s1, $0x2  }
0xc6: {  	s3 =	sand.u32 $0x4000, s30;
	s1 =	sadd.s32 s31, s29  }
0xc7: {  	s0 =	sor.u32 s3, s0;
	s1 =	sshll.u32 s1, $0x11  }
0xc8: {  	s0 =	sor.u32 s1, s0  }
0xc9: {  	s0 =	sadd.s32 $0x8F2B, s0;
	(pc) =	sbr.abs _section_cstart, $3  }
0xca: {  	[sflag:s0] =	ssyncadd.remote.s32 $0x1  }
0xcb: {  	_ =	strace $0x9FFFFFFF  }
0xcc: {  	(tm) =	ssettm $0x7FFFFFFF  }
0xcd: {  	_ =	shalt  }

// kernel: kernel.8.cloned.1.call-start
scs
__scs_entry_jumppad:
0x0: {  	(pc) =	sbr.rel $0x88, $3  }
0x1: {  	(tag) =	ssettag $0x0;
	lr =	simm.s32 $0x1  }
0x2: {  	[smem:$0x3F9B] =	sst lr;
	_ =	strace $0xD0000000  }
0x3: {  	_ = 	snop  }
0x4: {  	_ = 	snop  }
0x5: {  	_ = 	snop  }
0x6: {  	_ = 	snop  }
0x7: {  	_ = 	snop  }
__scs_overlays_trampoline_lowered:
0x8: {  	[smem:$0x3FAA] =	sst s0  }
0x9: {  	[smem:$0x3FAB] =	sst s1  }
0xa: {  	[smem:$0x3FAC] =	sst s2  }
0xb: {  	[smem:$0x3FAD] =	sst s3  }
0xc: {  	[smem:$0x3FAE] =	sst s4  }
0xd: {  	[smem:$0x3FAF] =	sst s5  }
0xe: {  	[smem:$0x3FB0] =	sst s6  }
0xf: {  	[smem:$0x3FB1] =	sst s7  }
0x10: {  	[smem:$0x3FB2] =	sst s8  }
0x11: {  	[smem:$0x3FB3] =	sst s9;
	s0 =	simm.s32 @!p0 $0x0  }
0x12: {  	s1 =	sld [smem:$0x3F99];
	s0 =	simm.s32 @p0 $0x1  }
0x13: {  	[smem:$0x3FB4] =	sst s0;
	s0 =	simm.s32 @!p1 $0x0  }
0x14: {  	s2 =	sld [smem:$0x3F98];
	s0 =	simm.s32 @p1 $0x1  }
0x15: {  	[smem:$0x3FB5] =	sst s0;
	s0 =	simm.s32 @!p2 $0x0  }
0x16: {  	s3 =	sld [smem:$0x3FDB];
	s0 =	simm.s32 @p2 $0x1  }
0x17: {  	s4 =	simm.s32 $0x1BF5;
	[smem:$0x3FB7] =	sst s0  }
0x18: {  	s0 =	sld [smem:$0x3F9A];
	_ =	swait.ge [sflag:s4], $0x0  }
0x19: {  	s7 =	sld [smem:$0x3F9B]  }
0x1a: {  	s8 =	sadd.s32 $0xFFFFE003, lr  }
0x1b: {  	s9 =	sadd.s32 $0xFFFFFEF7, lr;
	s5 =	simm.s32 $0xFFFFFFFF;
	p2 =	slt.u32 s8, $0xFFFFF086  }
0x1c: {  	p1 =	slt.u32 s9, $0xF7A;
	s5 =	simm.s32 @!p2 $0x0  }
0x1d: {  	s5 =	simm.s32 @p1 $0x1;
	p0 =	seq.s32 s7, s2  }
0x1e: {  	s7 =	smul.u32 @!p0 $0xF7A, s2;
	p2 =	seq.s32 @!p0 s5, $0x0  }
0x1f: {  	s9 =	smul.u32 $0xF7A, s1;
	s8 =	simm.s32 @!p0 $0x1BF5;
	p2 =	por !p2, p0  }
0x20: {  	[sflag:s8] =	ssyncset.s32 @!p0 $0xFFFFF086;
	s6 =	sadd.s32 @!p0 s3, s7;
	s7 =	simm.s32 @!p0 $0x108  }
0x21: {  	s3 =	sadd.s32 s3, s9;
	s6 =	sadd.s32 @!p0 $0x88, s6;
	s7 =	simm.s32 @p2 $0x1082  }
0x22: {  	[simem:s7], [sflag:s8] =	dma.local @!p0 [hbm:s6], $0xF7A  }
0x23: {  	s9 =	sor.u32 $0xD0000000, s2;
	s6 =	simm.s32 $0x108;
	_ =	swait.ge @!p0 [sflag:s8], $0x0  }
0x24: {  	s3 =	sadd.s32 $0x88, s3;
	s6 =	simm.s32 @!p1 $0x1082;
	[sflag:s4] =	ssyncset.s32 $0xFFFFF086  }
0x25: {  	[simem:s6], [sflag:s4] =	dma.local [hbm:s3], $0xF7A  }
0x26: {  	[smem:$0x3F9B] =	sst s1;
	(tag) =	ssettag s2;
	_ =	strace s9  }
0x27: {  	s1 =	sld [smem:$0x3FAB]  }
0x28: {  	s2 =	sld [smem:$0x3FAC]  }
0x29: {  	s4 =	sld [smem:$0x3FAE]  }
0x2a: {  	p0 =	seq.s32 s5, $0x0;
	s5 =	sld [smem:$0x3FAF]  }
0x2b: {  	s6 =	sld [smem:$0x3FB0]  }
0x2c: {  	s7 =	sld [smem:$0x3FB1]  }
0x2d: {  	s3 =	simm.s32 $0x108;
	s8 =	sld [smem:$0x3FB2]  }
0x2e: {  	s3 =	simm.s32 @!p0 $0x1082;
	s9 =	sld [smem:$0x3FB3]  }
0x2f: {  	lr =	sadd.s32 s0, s3;
	s0 =	sld [smem:$0x3FAA]  }
0x30: {  	s3 =	sld [smem:$0x3FAD]  }
0x31: {  	[smem:$0x3FB6] =	sst s10  }
0x32: {  	s10 =	sld [smem:$0x3FB4];
	_ =	sdelay $0x3  }
0x33: {  	p0 =	seq.s32 s10, $0x1;
	s10 =	sld [smem:$0x3FB6];
	_ =	sdelay $0x3  }
0x34: {  	[smem:$0x3FB6] =	sst s10  }
0x35: {  	s10 =	sld [smem:$0x3FB5];
	_ =	sdelay $0x3  }
0x36: {  	p1 =	seq.s32 s10, $0x1;
	s10 =	sld [smem:$0x3FB6];
	_ =	sdelay $0x3  }
0x37: {  	[smem:$0x3FB6] =	sst s10  }
0x38: {  	s10 =	sld [smem:$0x3FB7]  }
0x39: {  	_ = 	snop;
	(pc) =	sbr.ind lr, $3  }
0x3a: {  	_ = 	snop  }
0x3b: {  	_ = 	snop  }
0x3c: {  	p2 =	seq.s32 s10, $0x1;
	s10 =	sld [smem:$0x3FB6]  }
0x3d: {  	_ =	shalt  }
0x3e: {  	_ =	shalt  }
0x3f: {  	_ =	shalt  }
0x40: {  	_ =	shalt  }
0x41: {  	_ =	shalt  }
0x42: {  	_ =	shalt  }
0x43: {  	_ =	shalt  }
0x44: {  	_ =	shalt  }
0x45: {  	_ =	shalt  }
0x46: {  	_ =	shalt  }
0x47: {  	_ =	shalt  }
0x48: {  	_ =	shalt  }
0x49: {  	_ =	shalt  }
0x4a: {  	_ =	shalt  }
0x4b: {  	_ =	shalt  }
0x4c: {  	_ =	shalt  }
0x4d: {  	_ =	shalt  }
0x4e: {  	_ =	shalt  }
0x4f: {  	_ =	shalt  }
0x50: {  	_ =	shalt  }
0x51: {  	_ =	shalt  }
0x52: {  	_ =	shalt  }
0x53: {  	_ =	shalt  }
0x54: {  	_ =	shalt  }
0x55: {  	_ =	shalt  }
0x56: {  	_ =	shalt  }
0x57: {  	_ =	shalt  }
0x58: {  	_ =	shalt  }
0x59: {  	_ =	shalt  }
0x5a: {  	_ =	shalt  }
0x5b: {  	_ =	shalt  }
0x5c: {  	_ =	shalt  }
0x5d: {  	_ =	shalt  }
0x5e: {  	_ =	shalt  }
0x5f: {  	_ =	shalt  }
0x60: {  	_ =	shalt  }
0x61: {  	_ =	shalt  }
0x62: {  	_ =	shalt  }
0x63: {  	_ =	shalt  }
0x64: {  	_ =	shalt  }
0x65: {  	_ =	shalt  }
0x66: {  	_ =	shalt  }
0x67: {  	_ =	shalt  }
0x68: {  	_ =	shalt  }
0x69: {  	_ =	shalt  }
0x6a: {  	_ =	shalt  }
0x6b: {  	_ =	shalt  }
0x6c: {  	_ =	shalt  }
0x6d: {  	_ =	shalt  }
0x6e: {  	_ =	shalt  }
0x6f: {  	_ =	shalt  }
0x70: {  	_ =	shalt  }
0x71: {  	_ =	shalt  }
0x72: {  	_ =	shalt  }
0x73: {  	_ =	shalt  }
0x74: {  	_ =	shalt  }
0x75: {  	_ =	shalt  }
0x76: {  	_ =	shalt  }
0x77: {  	_ =	shalt  }
0x78: {  	_ =	shalt  }
0x79: {  	_ =	shalt  }
0x7a: {  	_ =	shalt  }
0x7b: {  	_ =	shalt  }
0x7c: {  	_ =	shalt  }
0x7d: {  	_ =	shalt  }
0x7e: {  	_ =	shalt  }
0x7f: {  	_ =	shalt  }
0x80: {  	_ =	shalt  }
0x81: {  	_ =	shalt  }
0x82: {  	_ =	shalt  }
0x83: {  	_ =	shalt  }
0x84: {  	_ =	shalt  }
0x85: {  	_ =	shalt  }
0x86: {  	_ =	shalt  }
0x87: {  	_ =	shalt  }
.Lfunc_end0:
.L_simem_size_0:
called_computation.1_lowered:
.L_overlay_start_0:
0x88: {  	s2 =	sld [smem:$0x3FD9]  }
0x89: {  	s3 =	sld [smem:$0x3FFE];
	_ =	sdelay $0x1  }
0x8a: {  	s1 =	srdreg.scid  }
0x8b: {  	s0 =	sand.u32 $0x1, s1  }
0x8c: {  	s14 =	sshll.u32 s0, $0xA;
	s2 =	sadd.s32 s3, s2  }
0x8d: {  	s2 =	sadd.s32 s2, s14  }
0x8e: {  	[smem:$0x3FC2] =	sst s2  }
0x8f: {  	_ = 	snop  }
0x90: {  	s2 =	sld [smem:$0x3FD0];
	_ =	sdelay $0x1  }
0x91: {  	s15 =	sld [smem:$0x3FC5]  }
0x92: {  	s5 =	simm.s32 $0xA;
	s6 =	simm.s32 $0x10;
	s4 =	sld [smem:$0x3FC4]  }
0x93: {  	[smem:s6], [sflag:s5] =	dma.local [hbm:s2], $0x1  }
0x94: {  	_ =	swait.eq [sflag:s5], $0x1  }
0x95: {  	[sflag:s5] =	ssyncset.done $0x0  }
0x96: {  	[sflag:s5] =	ssyncadd.s32 $0xFFFFFFFF  }
0x97: {  	s16 =	sld [smem:$0x10];
	(tm) =	ssettm $0x1  }
0x98: {  	s17 =	sld [smem:$0x3FFB];
	_ =	sdelay $0x3  }
0x99: {  	_ =	strace s17  }
0x9a: {  	s5 =	sld [smem:$0x3FFC];
	_ =	sdelay $0x3  }
0x9b: {  	_ =	strace s5  }
0x9c: {  	s5 =	sld [smem:$0x3FFD];
	_ =	sdelay $0x3  }
0x9d: {  	_ =	strace s5  }
0x9e: {  	_ =	strace $0x8FFFFFFF  }
0x9f: {  	s18 =	sld [smem:$0x3FDB];
	_ =	sdelay $0x1  }
0xa0: {  	s19 =	simm.s32 $_scs_section_size  }
0xa1: {  	s7 =	simm.s32 $_size__tile_overlayer_lowered;
	s8 =	simm.s32 $_tile_overlayer_lowered  }
0xa2: {  	s22 =	simm.s32 $0x1BFF;
	s21 =	sshll.u32 s8, $0x1;
	s5 =	sadd.s32 s19, s18  }
0xa3: {  	s9 =	simm.s32 $0x0;
	s20 =	sshll.u32 s7, $0x1;
	s7 =	sadd.s32 s21, s5  }
0xa4: {  	[timem:s9], [sflag:s22] =	dma.local [hbm:s7], s20  }
0xa5: {  	_ =	swait.ge [sflag:s22], s20  }
0xa6: {  	s6 =	ssub.s32 $0x0, s20;
	[sflag:s22] =	ssyncset.done $0x0  }
0xa7: {  	[sflag:s22] =	ssyncadd.s32 s6;
	_ =	sdelay $0x1  }
0xa8: {  	s23 =	simm.s32 $0x1B8B  }
0xa9: {  	_ =	swait.ge [sflag:s23], $0x1  }
0xaa: {  	[sflag:s23] =	ssyncset.done $0x0  }
0xab: {  	s25 =	simm.s32 $0x1B8E;
	s24 =	sld [smem:$0x3FFE];
	[sflag:s23] =	ssyncadd.s32 $0xFFFFFFFF  }
0xac: {  	s26 =	simm.s32 $execute0_lowered;
	[smem:$0x3FD2] =	sst s25  }
0xad: {  	s7 =	sshll.u32 s26, $0x1;
	_ =	strace $0x80000047;
	[dreg:$0x1] =	wrdreg $0xFFFFFFFF  }
0xae: {  	s28 =	simm.s32 $_size_execute0_lowered;
	s5 =	sadd.s32 s5, s7;
	[dreg:$0x0] =	wrdreg $0x0  }
0xaf: {  	s7 =	sshll.u32 s28, $0x1;
	[dreg:$0x2] =	wrdreg s5  }
0xb0: {  	[dreg:$0x3] =	wrdreg s7  }
0xb1: {  	[dreg:$0x4] =	wrdreg $0xC0  }
0xb2: {  	_ =	task [dreg:s9], $0x5FFFF  }
0xb3: {  	[dreg:$0x1] =	wrdreg $0xFFFFFFFF  }
0xb4: {  	[dreg:$0x0] =	wrdreg $0x60  }
0xb5: {  	[dreg:$0x2] =	wrdreg s16  }
0xb6: {  	[dreg:$0x3] =	wrdreg s24  }
0xb7: {  	[dreg:$0x4] =	wrdreg s15  }
0xb8: {  	[dreg:$0x5] =	wrdreg s4  }
0xb9: {  	[dreg:$0x6] =	wrdreg $0x9  }
0xba: {  	_ =	task.clear_ibuf [dreg:s9], $0x7FFFF;
	_ =	strace $0x90000047  }
0xbb: {  	s29 =	simm.s32 $0x9;
	_ =	strace $0x80000049  }
0xbc: {  	_ =	swait.ge [sflag:s29], $0x1  }
0xbd: {  	[sflag:s29] =	ssyncadd.s32 $0xFFFFFFFF  }
0xbe: {  	_ =	strace $0x90000049  }
0xbf: {  	_ =	sfence  }
0xc0: {  	s30 =	sld [smem:$0x0];
	_ =	sdelay $0x2  }
0xc1: {  	s31 =	sshll.u32 s1, $0xD;
	s1 =	sshrl.u32 s1, $0x2  }
0xc2: {  	s3 =	sand.u32 $0x4000, s31;
	s1 =	sadd.s32 s1, s30  }
0xc3: {  	s0 =	sor.u32 s3, s0;
	s1 =	sshll.u32 s1, $0x11  }
0xc4: {  	s0 =	sor.u32 s1, s0  }
0xc5: {  	s0 =	sadd.s32 $0x8F2B, s0  }
0xc6: {  	[sflag:s0] =	ssyncadd.remote.s32 $0x1  }
0xc7: {  	_ =	sfence.sel $0xFFFF  }
0xc8: {  	[dreg:$0x0] =	wrdreg $0xFFFFFFFF;
	(pc) =	sbr.abs _section_cstart, $3  }
0xc9: {  	[dreg:$0x1] =	wrdreg $0xFFFFFFFF  }
0xca: {  	_ =	task.clear_ibuf [dreg:s9], $0x2FFFF;
	_ =	strace $0x9FFFFFFF  }
0xcb: {  	(tm) =	ssettm $0x7FFFFFFF  }
tec
execute0_lowered:
.L_overlay_start_1:
0x0: {  	(tag) =	ssettag $0x1  }
0x1: {  	s5 =	rddreg [dreg:$0x0]  }
0x2: {  	s6 =	rddreg [dreg:$0x1]  }
0x3: {  	s2 =	rddreg [dreg:$0x2]  }
0x4: {  	s3 =	rddreg [dreg:$0x3];
	s4 =	srdreg.scid  }
0x5: {  	s0 =	rddreg [dreg:$0x4];
	s1 =	stileid.u32;
	s14 =	simm.s32 $0x3  }
0x6: {  	s15 =	simm.s32 $0x10;
	s16 =	simm.s32 $0x9180;
	s17 =	simm.s32 $0x80  }
0x7: {  	s18 =	simm.s32 $0x880;
	s19 =	simm.s32 $0x980;
	s20 =	simm.s32 $0x900  }
0x8: {  	s21 =	simm.s32 $0x4980;
	s22 =	simm.s32 $0x1;
	s23 =	simm.s32 $0x8980  }
0x9: {  	s24 =	simm.s32 $0x2;
	s25 =	simm.s32 $0x0;
	s7 =	sand.u32 $0x1, s4  }
0xa: {  	s4 =	simm.s32 $0x0;
	s8 =	sshll.u32 s1, $0x5;
	s9 =	sshll.u32 s7, $0x4  }
0xb: {  	[smem:$0x7FF] =	sst s4;
	s7 =	ssub.s32 $0x2, s7;
	s8 =	sor.u32 s9, s8  }
0xc: {  	_ =	strace $0x80000048;
	s10 =	sshrl.u32 s7, $0x1;
	s9 =	sshll.u32 s8, $0x4  }
0xd: {  	s13 =	ssub.s32 s7, s10;
	s31 =	sshrl.u32 s8, $0x3;
	s12 =	sadd.s32 s9, s6  }
0xe: {  	s5 =	sadd.s32 s5, s31;
	s13 =	smax.u32 s13, $0x1;
	s6 =	sadd.s32 $0x496200, s12  }
0xf: {  	s7 =	sadd.s32 $0x498200, s12;
	s8 =	sadd.s32 $0x2400, s12;
	s9 =	sadd.s32 $0x4400, s12  }
0x10: {  	s10 =	sadd.s32 $0x49A200, s12;
	s11 =	sadd.s32 $0x6400, s12;
	s12 =	sadd.s32 $0x8400, s12  }
.LBB2_1:
0x11: {  	[tilespmem:s4], [sflag:$0x3] =	stream.linear.gather [hbm4b:s5+s4], $0x10, $0x38;
	[tilespmem:$0x9980] =	vst v63  }
0x12: {  	_ =	swait.ge [sflag:s14], $0x10  }
0x13: {  	[sflag:s14] =	ssyncset.done $0x0  }
0x14: {  	[sflag:s14] =	ssyncadd.s32 $0xFFFFFFF0  }
0x15: {  	[tilespmem:s16], [sflag:$0x2] =	stream.indirect.gather [hbm4b:s2+s15], $0x80, s4, s15, $0xb8;
	[tilespmem:$0x9980] =	vst v63  }
0x16: {  	_ = 	snop  }
0x17: {  	[tilespmem:s17], [sflag:$0x3] =	stream.linear.gather [hbm4b:s6+s4], $0x800, $0x38;
	[tilespmem:$0x9980] =	vst v63  }
0x18: {  	_ =	swait.ge [sflag:s14], $0x800  }
0x19: {  	[sflag:s14] =	ssyncset.done $0x0  }
0x1a: {  	[sflag:s14] =	ssyncadd.s32 $0xFFFFF800  }
0x1b: {  	v0 =	vld [tilespmem:$0x80]  }
0x1c: {  	v1 =	vld [tilespmem:$0x100]  }
0x1d: {  	v2 =	vld [tilespmem:$0x180]  }
0x1e: {  	v3 =	vld [tilespmem:$0x200]  }
0x1f: {  	v4 =	vld [tilespmem:$0x280]  }
0x20: {  	[tilespmem:$0x880] =	vst v0;
	v0 =	vld [tilespmem:$0x300]  }
0x21: {  	[tilespmem:$0x890] =	vst v1;
	v1 =	vld [tilespmem:$0x380]  }
0x22: {  	[tilespmem:$0x8A0] =	vst v2;
	v2 =	vld [tilespmem:$0x400]  }
0x23: {  	[tilespmem:$0x8B0] =	vst v3;
	v3 =	vld [tilespmem:$0x480]  }
0x24: {  	[tilespmem:$0x8C0] =	vst v4;
	v4 =	vld [tilespmem:$0x500]  }
0x25: {  	[tilespmem:$0x8D0] =	vst v0;
	v0 =	vld [tilespmem:$0x580]  }
0x26: {  	[tilespmem:$0x8E0] =	vst v1;
	v1 =	vld [tilespmem:$0x600]  }
0x27: {  	[tilespmem:$0x8F0] =	vst v2;
	v2 =	vld [tilespmem:$0x680]  }
0x28: {  	[tilespmem:$0x900] =	vst v3;
	v3 =	vld [tilespmem:$0x700]  }
0x29: {  	[tilespmem:$0x910] =	vst v4;
	v4 =	vld [tilespmem:$0x780]  }
0x2a: {  	[tilespmem:$0x920] =	vst v0;
	v0 =	vld [tilespmem:$0x800]  }
0x2b: {  	[tilespmem:$0x930] =	vst v1  }
0x2c: {  	[tilespmem:$0x940] =	vst v2  }
0x2d: {  	[tilespmem:$0x950] =	vst v3  }
0x2e: {  	[tilespmem:$0x960] =	vst v4  }
0x2f: {  	[tilespmem:$0x970] =	vst v0  }
0x30: {  	[tilespmem:s19], [sflag:$0x1] =	stream.indirect.gather [hbm4b:s2+s17], $0x80, s18, s17, $0xb8;
	[tilespmem:$0x9980] =	vst v63  }
0x31: {  	_ = 	snop  }
0x32: {  	[tilespmem:s21], [sflag:$0x1] =	stream.indirect.gather [hbm4b:s2+s17], $0x80, s20, s17, $0xb8;
	[tilespmem:$0x9980] =	vst v63  }
0x33: {  	_ =	swait.ge [sflag:s22], $0x4000  }
0x34: {  	[sflag:s22] =	ssyncset.done $0x0  }
0x35: {  	[sflag:s22] =	ssyncadd.s32 $0xFFFFC000  }
0x36: {  	_ =	swait.ge [sflag:s22], $0x4000  }
0x37: {  	[sflag:s22] =	ssyncset.done $0x0  }
0x38: {  	s26 =	simm.s32 $0xD80;
	[sflag:s22] =	ssyncadd.s32 $0xFFFFC000  }
0x39: {  	v0 =	vld [tilespmem:s26+$0xFFFFFC80]  }
0x3a: {  	v1 =	vld [tilespmem:s26+$0xFFFFFC00];
	_ =	sdelay $0x1  }
0x3b: {  	v2 =	vld [tilespmem:s26+$0xFFFFFD00];
	_ =	sdelay $0x1  }
0x3c: {  	v3 =	vld [tilespmem:s26+$0xFFFFFD80]  }
0x3d: {  	v0 =	vadd.f32 v0, v1  }
0x3e: {  	v1 =	vld [tilespmem:s26+$0xFFFFFE00]  }
0x3f: {  	v0 =	vadd.f32 v2, v0  }
0x40: {  	v2 =	vld [tilespmem:s26+$0xFFFFFE80]  }
0x41: {  	v0 =	vadd.f32 v3, v0  }
0x42: {  	v3 =	vld [tilespmem:s26+$0xFFFFFF00]  }
0x43: {  	v0 =	vadd.f32 v1, v0  }
0x44: {  	v1 =	vld [tilespmem:s26+$0xFFFFFF80]  }
0x45: {  	v0 =	vadd.f32 v2, v0  }
0x46: {  	v2 =	vld [tilespmem:s26+$0x0]  }
0x47: {  	v0 =	vadd.f32 v3, v0  }
0x48: {  	v3 =	vld [tilespmem:s26+$0x80]  }
0x49: {  	v0 =	vadd.f32 v1, v0  }
0x4a: {  	v1 =	vld [tilespmem:s26+$0x100]  }
0x4b: {  	v0 =	vadd.f32 v2, v0  }
0x4c: {  	v2 =	vld [tilespmem:s26+$0x180]  }
0x4d: {  	v0 =	vadd.f32 v3, v0  }
0x4e: {  	v3 =	vld [tilespmem:s26+$0x200]  }
0x4f: {  	v0 =	vadd.f32 v1, v0  }
0x50: {  	v1 =	vld [tilespmem:s26+$0x280]  }
0x51: {  	v0 =	vadd.f32 v2, v0  }
0x52: {  	v2 =	vld [tilespmem:s26+$0x300]  }
0x53: {  	v0 =	vadd.f32 v3, v0  }
0x54: {  	v3 =	vld [tilespmem:s26+$0x380]  }
0x55: {  	v0 =	vadd.f32 v1, v0;
	_ =	sdelay $0x1  }
0x56: {  	v0 =	vadd.f32 v2, v0;
	_ =	sdelay $0x1  }
0x57: {  	v0 =	vadd.f32 v3, v0;
	_ =	sdelay $0x1  }
0x58: {  	v0 =	vmul.f32 $6.250000000e-02, v0  }
0x59: {  	s28 =	simm.s32 $0x0  }
0x5a: {  	[tilespmem:s28+$0x8980] =	vst v0  }
0x5b: {  	v0 =	vld [tilespmem:s26+$0xFFFFFC10]  }
0x5c: {  	v1 =	vld [tilespmem:s26+$0xFFFFFC90];
	_ =	sdelay $0x1  }
0x5d: {  	v2 =	vld [tilespmem:s26+$0xFFFFFD10];
	_ =	sdelay $0x1  }
0x5e: {  	v3 =	vld [tilespmem:s26+$0xFFFFFD90]  }
0x5f: {  	v0 =	vadd.f32 v1, v0  }
0x60: {  	v1 =	vld [tilespmem:s26+$0xFFFFFE10]  }
0x61: {  	v0 =	vadd.f32 v2, v0  }
0x62: {  	v2 =	vld [tilespmem:s26+$0xFFFFFE90]  }
0x63: {  	v0 =	vadd.f32 v3, v0  }
0x64: {  	v3 =	vld [tilespmem:s26+$0xFFFFFF10]  }
0x65: {  	v0 =	vadd.f32 v1, v0  }
0x66: {  	v1 =	vld [tilespmem:s26+$0xFFFFFF90]  }
0x67: {  	v0 =	vadd.f32 v2, v0  }
0x68: {  	v2 =	vld [tilespmem:s26+$0x10]  }
0x69: {  	v0 =	vadd.f32 v3, v0  }
0x6a: {  	v3 =	vld [tilespmem:s26+$0x90]  }
0x6b: {  	v0 =	vadd.f32 v1, v0  }
0x6c: {  	v1 =	vld [tilespmem:s26+$0x110]  }
0x6d: {  	v0 =	vadd.f32 v2, v0  }
0x6e: {  	v2 =	vld [tilespmem:s26+$0x190]  }
0x6f: {  	v0 =	vadd.f32 v3, v0  }
0x70: {  	v3 =	vld [tilespmem:s26+$0x210]  }
0x71: {  	v0 =	vadd.f32 v1, v0  }
0x72: {  	v1 =	vld [tilespmem:s26+$0x290]  }
0x73: {  	v0 =	vadd.f32 v2, v0  }
0x74: {  	v2 =	vld [tilespmem:s26+$0x310]  }
0x75: {  	v0 =	vadd.f32 v3, v0  }
0x76: {  	v3 =	vld [tilespmem:s26+$0x390]  }
0x77: {  	v0 =	vadd.f32 v1, v0;
	_ =	sdelay $0x1  }
0x78: {  	v0 =	vadd.f32 v2, v0;
	_ =	sdelay $0x1  }
0x79: {  	v0 =	vadd.f32 v3, v0;
	_ =	sdelay $0x1  }
0x7a: {  	v0 =	vmul.f32 $6.250000000e-02, v0;
	_ =	sdelay $0x1  }
0x7b: {  	[tilespmem:s28+$0x8990] =	vst v0  }
0x7c: {  	v0 =	vld [tilespmem:s26+$0xFFFFFC20]  }
0x7d: {  	v1 =	vld [tilespmem:s26+$0xFFFFFCA0];
	_ =	sdelay $0x1  }
0x7e: {  	v2 =	vld [tilespmem:s26+$0xFFFFFD20];
	_ =	sdelay $0x1  }
0x7f: {  	v3 =	vld [tilespmem:s26+$0xFFFFFDA0]  }
0x80: {  	v0 =	vadd.f32 v1, v0  }
0x81: {  	v1 =	vld [tilespmem:s26+$0xFFFFFE20]  }
0x82: {  	v0 =	vadd.f32 v2, v0  }
0x83: {  	v2 =	vld [tilespmem:s26+$0xFFFFFEA0]  }
0x84: {  	v0 =	vadd.f32 v3, v0  }
0x85: {  	v3 =	vld [tilespmem:s26+$0xFFFFFF20]  }
0x86: {  	v0 =	vadd.f32 v1, v0  }
0x87: {  	v1 =	vld [tilespmem:s26+$0xFFFFFFA0]  }
0x88: {  	v0 =	vadd.f32 v2, v0  }
0x89: {  	v2 =	vld [tilespmem:s26+$0x20]  }
0x8a: {  	v0 =	vadd.f32 v3, v0  }
0x8b: {  	v3 =	vld [tilespmem:s26+$0xA0]  }
0x8c: {  	v0 =	vadd.f32 v1, v0  }
0x8d: {  	v1 =	vld [tilespmem:s26+$0x120]  }
0x8e: {  	v0 =	vadd.f32 v2, v0  }
0x8f: {  	v2 =	vld [tilespmem:s26+$0x1A0]  }
0x90: {  	v0 =	vadd.f32 v3, v0  }
0x91: {  	v3 =	vld [tilespmem:s26+$0x220]  }
0x92: {  	v0 =	vadd.f32 v1, v0  }
0x93: {  	v1 =	vld [tilespmem:s26+$0x2A0]  }
0x94: {  	v0 =	vadd.f32 v2, v0  }
0x95: {  	v2 =	vld [tilespmem:s26+$0x320]  }
0x96: {  	v0 =	vadd.f32 v3, v0  }
0x97: {  	v3 =	vld [tilespmem:s26+$0x3A0]  }
0x98: {  	v0 =	vadd.f32 v1, v0;
	_ =	sdelay $0x1  }
0x99: {  	v0 =	vadd.f32 v2, v0;
	_ =	sdelay $0x1  }
0x9a: {  	v0 =	vadd.f32 v3, v0;
	_ =	sdelay $0x1  }
0x9b: {  	v0 =	vmul.f32 $6.250000000e-02, v0;
	_ =	sdelay $0x1  }
0x9c: {  	[tilespmem:s28+$0x89A0] =	vst v0  }
0x9d: {  	v0 =	vld [tilespmem:s26+$0xFFFFFC30]  }
0x9e: {  	v1 =	vld [tilespmem:s26+$0xFFFFFCB0];
	_ =	sdelay $0x1  }
0x9f: {  	v2 =	vld [tilespmem:s26+$0xFFFFFD30];
	_ =	sdelay $0x1  }
0xa0: {  	v3 =	vld [tilespmem:s26+$0xFFFFFDB0]  }
0xa1: {  	v0 =	vadd.f32 v1, v0  }
0xa2: {  	v1 =	vld [tilespmem:s26+$0xFFFFFE30]  }
0xa3: {  	v0 =	vadd.f32 v2, v0  }
0xa4: {  	v2 =	vld [tilespmem:s26+$0xFFFFFEB0]  }
0xa5: {  	v0 =	vadd.f32 v3, v0  }
0xa6: {  	v3 =	vld [tilespmem:s26+$0xFFFFFF30]  }
0xa7: {  	v0 =	vadd.f32 v1, v0  }
0xa8: {  	v1 =	vld [tilespmem:s26+$0xFFFFFFB0]  }
0xa9: {  	v0 =	vadd.f32 v2, v0  }
0xaa: {  	v2 =	vld [tilespmem:s26+$0x30]  }
0xab: {  	v0 =	vadd.f32 v3, v0  }
0xac: {  	v3 =	vld [tilespmem:s26+$0xB0]  }
0xad: {  	v0 =	vadd.f32 v1, v0  }
0xae: {  	v1 =	vld [tilespmem:s26+$0x130]  }
0xaf: {  	v0 =	vadd.f32 v2, v0  }
0xb0: {  	v2 =	vld [tilespmem:s26+$0x1B0]  }
0xb1: {  	v0 =	vadd.f32 v3, v0  }
0xb2: {  	v3 =	vld [tilespmem:s26+$0x230]  }
0xb3: {  	v0 =	vadd.f32 v1, v0  }
0xb4: {  	v1 =	vld [tilespmem:s26+$0x2B0]  }
0xb5: {  	v0 =	vadd.f32 v2, v0  }
0xb6: {  	v2 =	vld [tilespmem:s26+$0x330]  }
0xb7: {  	v0 =	vadd.f32 v3, v0  }
0xb8: {  	v3 =	vld [tilespmem:s26+$0x3B0]  }
0xb9: {  	v0 =	vadd.f32 v1, v0;
	_ =	sdelay $0x1  }
0xba: {  	v0 =	vadd.f32 v2, v0;
	_ =	sdelay $0x1  }
0xbb: {  	v0 =	vadd.f32 v3, v0;
	_ =	sdelay $0x1  }
0xbc: {  	v0 =	vmul.f32 $6.250000000e-02, v0;
	_ =	sdelay $0x1  }
0xbd: {  	[tilespmem:s28+$0x89B0] =	vst v0  }
0xbe: {  	v0 =	vld [tilespmem:s26+$0xFFFFFC40]  }
0xbf: {  	v1 =	vld [tilespmem:s26+$0xFFFFFCC0];
	_ =	sdelay $0x1  }
0xc0: {  	v2 =	vld [tilespmem:s26+$0xFFFFFD40];
	_ =	sdelay $0x1  }
0xc1: {  	v3 =	vld [tilespmem:s26+$0xFFFFFDC0]  }
0xc2: {  	v0 =	vadd.f32 v1, v0  }
0xc3: {  	v1 =	vld [tilespmem:s26+$0xFFFFFE40]  }
0xc4: {  	v0 =	vadd.f32 v2, v0  }
0xc5: {  	v2 =	vld [tilespmem:s26+$0xFFFFFEC0]  }
0xc6: {  	v0 =	vadd.f32 v3, v0  }
0xc7: {  	v3 =	vld [tilespmem:s26+$0xFFFFFF40]  }
0xc8: {  	v0 =	vadd.f32 v1, v0  }
0xc9: {  	v1 =	vld [tilespmem:s26+$0xFFFFFFC0]  }
0xca: {  	v0 =	vadd.f32 v2, v0  }
0xcb: {  	v2 =	vld [tilespmem:s26+$0x40]  }
0xcc: {  	v0 =	vadd.f32 v3, v0  }
0xcd: {  	v3 =	vld [tilespmem:s26+$0xC0]  }
0xce: {  	v0 =	vadd.f32 v1, v0  }
0xcf: {  	v1 =	vld [tilespmem:s26+$0x140]  }
0xd0: {  	v0 =	vadd.f32 v2, v0  }
0xd1: {  	v2 =	vld [tilespmem:s26+$0x1C0]  }
0xd2: {  	v0 =	vadd.f32 v3, v0  }
0xd3: {  	v3 =	vld [tilespmem:s26+$0x240]  }
0xd4: {  	v0 =	vadd.f32 v1, v0  }
0xd5: {  	v1 =	vld [tilespmem:s26+$0x2C0]  }
0xd6: {  	v0 =	vadd.f32 v2, v0  }
0xd7: {  	v2 =	vld [tilespmem:s26+$0x340]  }
0xd8: {  	v0 =	vadd.f32 v3, v0  }
0xd9: {  	v3 =	vld [tilespmem:s26+$0x3C0]  }
0xda: {  	v0 =	vadd.f32 v1, v0;
	_ =	sdelay $0x1  }
0xdb: {  	v0 =	vadd.f32 v2, v0;
	_ =	sdelay $0x1  }
0xdc: {  	v0 =	vadd.f32 v3, v0;
	_ =	sdelay $0x1  }
0xdd: {  	v0 =	vmul.f32 $6.250000000e-02, v0;
	_ =	sdelay $0x1  }
0xde: {  	[tilespmem:s28+$0x89C0] =	vst v0  }
0xdf: {  	v0 =	vld [tilespmem:s26+$0xFFFFFC50]  }
0xe0: {  	v1 =	vld [tilespmem:s26+$0xFFFFFCD0];
	_ =	sdelay $0x1  }
0xe1: {  	v2 =	vld [tilespmem:s26+$0xFFFFFD50];
	_ =	sdelay $0x1  }
0xe2: {  	v3 =	vld [tilespmem:s26+$0xFFFFFDD0]  }
0xe3: {  	v0 =	vadd.f32 v1, v0  }
0xe4: {  	v1 =	vld [tilespmem:s26+$0xFFFFFE50]  }
0xe5: {  	v0 =	vadd.f32 v2, v0  }
0xe6: {  	v2 =	vld [tilespmem:s26+$0xFFFFFED0]  }
0xe7: {  	v0 =	vadd.f32 v3, v0  }
0xe8: {  	v3 =	vld [tilespmem:s26+$0xFFFFFF50]  }
0xe9: {  	v0 =	vadd.f32 v1, v0  }
0xea: {  	v1 =	vld [tilespmem:s26+$0xFFFFFFD0]  }
0xeb: {  	v0 =	vadd.f32 v2, v0  }
0xec: {  	v2 =	vld [tilespmem:s26+$0x50]  }
0xed: {  	v0 =	vadd.f32 v3, v0  }
0xee: {  	v3 =	vld [tilespmem:s26+$0xD0]  }
0xef: {  	v0 =	vadd.f32 v1, v0  }
0xf0: {  	v1 =	vld [tilespmem:s26+$0x150]  }
0xf1: {  	v0 =	vadd.f32 v2, v0  }
0xf2: {  	v2 =	vld [tilespmem:s26+$0x1D0]  }
0xf3: {  	v0 =	vadd.f32 v3, v0  }
0xf4: {  	v3 =	vld [tilespmem:s26+$0x250]  }
0xf5: {  	v0 =	vadd.f32 v1, v0  }
0xf6: {  	v1 =	vld [tilespmem:s26+$0x2D0]  }
0xf7: {  	v0 =	vadd.f32 v2, v0  }
0xf8: {  	v2 =	vld [tilespmem:s26+$0x350]  }
0xf9: {  	v0 =	vadd.f32 v3, v0  }
0xfa: {  	v3 =	vld [tilespmem:s26+$0x3D0]  }
0xfb: {  	v0 =	vadd.f32 v1, v0;
	_ =	sdelay $0x1  }
0xfc: {  	v0 =	vadd.f32 v2, v0;
	_ =	sdelay $0x1  }
0xfd: {  	v0 =	vadd.f32 v3, v0;
	_ =	sdelay $0x1  }
0xfe: {  	v0 =	vmul.f32 $6.250000000e-02, v0;
	_ =	sdelay $0x1  }
0xff: {  	[tilespmem:s28+$0x89D0] =	vst v0  }
0x100: {  	v0 =	vld [tilespmem:s26+$0xFFFFFC60]  }
0x101: {  	v1 =	vld [tilespmem:s26+$0xFFFFFCE0];
	_ =	sdelay $0x1  }
0x102: {  	v2 =	vld [tilespmem:s26+$0xFFFFFD60];
	_ =	sdelay $0x1  }
0x103: {  	v3 =	vld [tilespmem:s26+$0xFFFFFDE0]  }
0x104: {  	v0 =	vadd.f32 v1, v0  }
0x105: {  	v1 =	vld [tilespmem:s26+$0xFFFFFE60]  }
0x106: {  	v0 =	vadd.f32 v2, v0  }
0x107: {  	v2 =	vld [tilespmem:s26+$0xFFFFFEE0]  }
0x108: {  	v0 =	vadd.f32 v3, v0  }
0x109: {  	v3 =	vld [tilespmem:s26+$0xFFFFFF60]  }
0x10a: {  	v0 =	vadd.f32 v1, v0  }
0x10b: {  	v1 =	vld [tilespmem:s26+$0xFFFFFFE0]  }
0x10c: {  	v0 =	vadd.f32 v2, v0  }
0x10d: {  	v2 =	vld [tilespmem:s26+$0x60]  }
0x10e: {  	v0 =	vadd.f32 v3, v0  }
0x10f: {  	v3 =	vld [tilespmem:s26+$0xE0]  }
0x110: {  	v0 =	vadd.f32 v1, v0  }
0x111: {  	v1 =	vld [tilespmem:s26+$0x160]  }
0x112: {  	v0 =	vadd.f32 v2, v0  }
0x113: {  	v2 =	vld [tilespmem:s26+$0x1E0]  }
0x114: {  	v0 =	vadd.f32 v3, v0  }
0x115: {  	v3 =	vld [tilespmem:s26+$0x260]  }
0x116: {  	v0 =	vadd.f32 v1, v0  }
0x117: {  	v1 =	vld [tilespmem:s26+$0x2E0]  }
0x118: {  	v0 =	vadd.f32 v2, v0  }
0x119: {  	v2 =	vld [tilespmem:s26+$0x360]  }
0x11a: {  	v0 =	vadd.f32 v3, v0  }
0x11b: {  	v3 =	vld [tilespmem:s26+$0x3E0]  }
0x11c: {  	v0 =	vadd.f32 v1, v0;
	_ =	sdelay $0x1  }
0x11d: {  	v0 =	vadd.f32 v2, v0;
	_ =	sdelay $0x1  }
0x11e: {  	v0 =	vadd.f32 v3, v0;
	_ =	sdelay $0x1  }
0x11f: {  	v0 =	vmul.f32 $6.250000000e-02, v0;
	_ =	sdelay $0x1  }
0x120: {  	[tilespmem:s28+$0x89E0] =	vst v0  }
0x121: {  	v0 =	vld [tilespmem:s26+$0xFFFFFC70]  }
0x122: {  	v1 =	vld [tilespmem:s26+$0xFFFFFCF0];
	_ =	sdelay $0x1  }
0x123: {  	v2 =	vld [tilespmem:s26+$0xFFFFFD70];
	_ =	sdelay $0x1  }
0x124: {  	v3 =	vld [tilespmem:s26+$0xFFFFFDF0]  }
0x125: {  	v0 =	vadd.f32 v1, v0  }
0x126: {  	v1 =	vld [tilespmem:s26+$0xFFFFFE70]  }
0x127: {  	v0 =	vadd.f32 v2, v0  }
0x128: {  	v2 =	vld [tilespmem:s26+$0xFFFFFEF0]  }
0x129: {  	v0 =	vadd.f32 v3, v0  }
0x12a: {  	v3 =	vld [tilespmem:s26+$0xFFFFFF70]  }
0x12b: {  	v0 =	vadd.f32 v1, v0  }
0x12c: {  	v1 =	vld [tilespmem:s26+$0xFFFFFFF0]  }
0x12d: {  	v0 =	vadd.f32 v2, v0  }
0x12e: {  	v2 =	vld [tilespmem:s26+$0x70]  }
0x12f: {  	v0 =	vadd.f32 v3, v0  }
0x130: {  	v3 =	vld [tilespmem:s26+$0xF0]  }
0x131: {  	v0 =	vadd.f32 v1, v0  }
0x132: {  	v1 =	vld [tilespmem:s26+$0x170]  }
0x133: {  	v0 =	vadd.f32 v2, v0  }
0x134: {  	v4 =	vld [tilespmem:s26+$0x1F0]  }
0x135: {  	v0 =	vadd.f32 v3, v0  }
0x136: {  	v3 =	vld [tilespmem:s26+$0x270]  }
0x137: {  	v0 =	vadd.f32 v1, v0  }
0x138: {  	v2 =	vld [tilespmem:s26+$0x2F0]  }
0x139: {  	v4 =	vadd.f32 v4, v0  }
0x13a: {  	v0 =	vld [tilespmem:s26+$0x370]  }
0x13b: {  	s29 =	simm.s32 $0x200;
	v1 =	vld [tilespmem:s26+$0x3F0];
	v3 =	vadd.f32 v3, v4  }
.LBB2_2:
0x13c: {  	p0 =	sne.s32 s29, $0x1E00  }
0x13d: {  	s26 =	sadd.s32 $0x800, s26;
	s30 =	smov.u32 s29;
	s29 =	sadd.s32 $0x200, s29;
	v2 =	vadd.f32 v2, v3  }
0x13e: {  	_ = 	snop  }
0x13f: {  	v0 =	vadd.f32 v0, v2;
	_ =	sdelay $0x1  }
0x140: {  	v0 =	vadd.f32 v1, v0;
	_ =	sdelay $0x1  }
0x141: {  	v0 =	vmul.f32 $6.250000000e-02, v0;
	_ =	sdelay $0x1  }
0x142: {  	[tilespmem:s28+$0x89F0] =	vst v0  }
0x143: {  	v0 =	vld [tilespmem:s26+$0xFFFFFC80]  }
0x144: {  	v1 =	vld [tilespmem:s26+$0xFFFFFC00]  }
0x145: {  	v2 =	vld [tilespmem:s26+$0xFFFFFD00];
	_ =	sdelay $0x2  }
0x146: {  	v3 =	vld [tilespmem:s26+$0xFFFFFD80]  }
0x147: {  	v0 =	vadd.f32 v0, v1  }
0x148: {  	v1 =	vld [tilespmem:s26+$0xFFFFFE00]  }
0x149: {  	v0 =	vadd.f32 v2, v0  }
0x14a: {  	v2 =	vld [tilespmem:s26+$0xFFFFFE80]  }
0x14b: {  	v0 =	vadd.f32 v3, v0  }
0x14c: {  	v3 =	vld [tilespmem:s26+$0xFFFFFF00]  }
0x14d: {  	v0 =	vadd.f32 v1, v0  }
0x14e: {  	v1 =	vld [tilespmem:s26+$0xFFFFFF80]  }
0x14f: {  	v0 =	vadd.f32 v2, v0  }
0x150: {  	v2 =	vld [tilespmem:s26+$0x0]  }
0x151: {  	v0 =	vadd.f32 v3, v0  }
0x152: {  	v3 =	vld [tilespmem:s26+$0x80]  }
0x153: {  	v0 =	vadd.f32 v1, v0  }
0x154: {  	v1 =	vld [tilespmem:s26+$0x100]  }
0x155: {  	v0 =	vadd.f32 v2, v0  }
0x156: {  	v2 =	vld [tilespmem:s26+$0x180]  }
0x157: {  	v0 =	vadd.f32 v3, v0  }
0x158: {  	v3 =	vld [tilespmem:s26+$0x200]  }
0x159: {  	v0 =	vadd.f32 v1, v0  }
0x15a: {  	v1 =	vld [tilespmem:s26+$0x280]  }
0x15b: {  	v0 =	vadd.f32 v2, v0  }
0x15c: {  	v2 =	vld [tilespmem:s26+$0x300]  }
0x15d: {  	v0 =	vadd.f32 v3, v0  }
0x15e: {  	v3 =	vld [tilespmem:s26+$0x380]  }
0x15f: {  	v0 =	vadd.f32 v1, v0;
	_ =	sdelay $0x1  }
0x160: {  	v0 =	vadd.f32 v2, v0;
	_ =	sdelay $0x1  }
0x161: {  	v0 =	vadd.f32 v3, v0;
	_ =	sdelay $0x1  }
0x162: {  	v0 =	vmul.f32 $6.250000000e-02, v0  }
0x163: {  	s28 =	sshra.s32 s30, $0x2  }
0x164: {  	[tilespmem:s28+$0x8980] =	vst v0  }
0x165: {  	v0 =	vld [tilespmem:s26+$0xFFFFFC10]  }
0x166: {  	v1 =	vld [tilespmem:s26+$0xFFFFFC90];
	_ =	sdelay $0x1  }
0x167: {  	v2 =	vld [tilespmem:s26+$0xFFFFFD10];
	_ =	sdelay $0x1  }
0x168: {  	v3 =	vld [tilespmem:s26+$0xFFFFFD90]  }
0x169: {  	v0 =	vadd.f32 v1, v0  }
0x16a: {  	v1 =	vld [tilespmem:s26+$0xFFFFFE10]  }
0x16b: {  	v0 =	vadd.f32 v2, v0  }
0x16c: {  	v2 =	vld [tilespmem:s26+$0xFFFFFE90]  }
0x16d: {  	v0 =	vadd.f32 v3, v0  }
0x16e: {  	v3 =	vld [tilespmem:s26+$0xFFFFFF10]  }
0x16f: {  	v0 =	vadd.f32 v1, v0  }
0x170: {  	v1 =	vld [tilespmem:s26+$0xFFFFFF90]  }
0x171: {  	v0 =	vadd.f32 v2, v0  }
0x172: {  	v2 =	vld [tilespmem:s26+$0x10]  }
0x173: {  	v0 =	vadd.f32 v3, v0  }
0x174: {  	v3 =	vld [tilespmem:s26+$0x90]  }
0x175: {  	v0 =	vadd.f32 v1, v0  }
0x176: {  	v1 =	vld [tilespmem:s26+$0x110]  }
0x177: {  	v0 =	vadd.f32 v2, v0  }
0x178: {  	v2 =	vld [tilespmem:s26+$0x190]  }
0x179: {  	v0 =	vadd.f32 v3, v0  }
0x17a: {  	v3 =	vld [tilespmem:s26+$0x210]  }
0x17b: {  	v0 =	vadd.f32 v1, v0  }
0x17c: {  	v1 =	vld [tilespmem:s26+$0x290]  }
0x17d: {  	v0 =	vadd.f32 v2, v0  }
0x17e: {  	v2 =	vld [tilespmem:s26+$0x310]  }
0x17f: {  	v0 =	vadd.f32 v3, v0  }
0x180: {  	v3 =	vld [tilespmem:s26+$0x390]  }
0x181: {  	v0 =	vadd.f32 v1, v0;
	_ =	sdelay $0x1  }
0x182: {  	v0 =	vadd.f32 v2, v0;
	_ =	sdelay $0x1  }
0x183: {  	v0 =	vadd.f32 v3, v0;
	_ =	sdelay $0x1  }
0x184: {  	v0 =	vmul.f32 $6.250000000e-02, v0;
	_ =	sdelay $0x1  }
0x185: {  	[tilespmem:s28+$0x8990] =	vst v0  }
0x186: {  	v0 =	vld [tilespmem:s26+$0xFFFFFC20]  }
0x187: {  	v1 =	vld [tilespmem:s26+$0xFFFFFCA0];
	_ =	sdelay $0x1  }
0x188: {  	v2 =	vld [tilespmem:s26+$0xFFFFFD20];
	_ =	sdelay $0x1  }
0x189: {  	v3 =	vld [tilespmem:s26+$0xFFFFFDA0]  }
0x18a: {  	v0 =	vadd.f32 v1, v0  }
0x18b: {  	v1 =	vld [tilespmem:s26+$0xFFFFFE20]  }
0x18c: {  	v0 =	vadd.f32 v2, v0  }
0x18d: {  	v2 =	vld [tilespmem:s26+$0xFFFFFEA0]  }
0x18e: {  	v0 =	vadd.f32 v3, v0  }
0x18f: {  	v3 =	vld [tilespmem:s26+$0xFFFFFF20]  }
0x190: {  	v0 =	vadd.f32 v1, v0  }
0x191: {  	v1 =	vld [tilespmem:s26+$0xFFFFFFA0]  }
0x192: {  	v0 =	vadd.f32 v2, v0  }
0x193: {  	v2 =	vld [tilespmem:s26+$0x20]  }
0x194: {  	v0 =	vadd.f32 v3, v0  }
0x195: {  	v3 =	vld [tilespmem:s26+$0xA0]  }
0x196: {  	v0 =	vadd.f32 v1, v0  }
0x197: {  	v1 =	vld [tilespmem:s26+$0x120]  }
0x198: {  	v0 =	vadd.f32 v2, v0  }
0x199: {  	v2 =	vld [tilespmem:s26+$0x1A0]  }
0x19a: {  	v0 =	vadd.f32 v3, v0  }
0x19b: {  	v3 =	vld [tilespmem:s26+$0x220]  }
0x19c: {  	v0 =	vadd.f32 v1, v0  }
0x19d: {  	v1 =	vld [tilespmem:s26+$0x2A0]  }
0x19e: {  	v0 =	vadd.f32 v2, v0  }
0x19f: {  	v2 =	vld [tilespmem:s26+$0x320]  }
0x1a0: {  	v0 =	vadd.f32 v3, v0  }
0x1a1: {  	v3 =	vld [tilespmem:s26+$0x3A0]  }
0x1a2: {  	v0 =	vadd.f32 v1, v0;
	_ =	sdelay $0x1  }
0x1a3: {  	v0 =	vadd.f32 v2, v0;
	_ =	sdelay $0x1  }
0x1a4: {  	v0 =	vadd.f32 v3, v0;
	_ =	sdelay $0x1  }
0x1a5: {  	v0 =	vmul.f32 $6.250000000e-02, v0;
	_ =	sdelay $0x1  }
0x1a6: {  	[tilespmem:s28+$0x89A0] =	vst v0  }
0x1a7: {  	v0 =	vld [tilespmem:s26+$0xFFFFFC30]  }
0x1a8: {  	v1 =	vld [tilespmem:s26+$0xFFFFFCB0];
	_ =	sdelay $0x1  }
0x1a9: {  	v2 =	vld [tilespmem:s26+$0xFFFFFD30];
	_ =	sdelay $0x1  }
0x1aa: {  	v3 =	vld [tilespmem:s26+$0xFFFFFDB0]  }
0x1ab: {  	v0 =	vadd.f32 v1, v0  }
0x1ac: {  	v1 =	vld [tilespmem:s26+$0xFFFFFE30]  }
0x1ad: {  	v0 =	vadd.f32 v2, v0  }
0x1ae: {  	v2 =	vld [tilespmem:s26+$0xFFFFFEB0]  }
0x1af: {  	v0 =	vadd.f32 v3, v0  }
0x1b0: {  	v3 =	vld [tilespmem:s26+$0xFFFFFF30]  }
0x1b1: {  	v0 =	vadd.f32 v1, v0  }
0x1b2: {  	v1 =	vld [tilespmem:s26+$0xFFFFFFB0]  }
0x1b3: {  	v0 =	vadd.f32 v2, v0  }
0x1b4: {  	v2 =	vld [tilespmem:s26+$0x30]  }
0x1b5: {  	v0 =	vadd.f32 v3, v0  }
0x1b6: {  	v3 =	vld [tilespmem:s26+$0xB0]  }
0x1b7: {  	v0 =	vadd.f32 v1, v0  }
0x1b8: {  	v1 =	vld [tilespmem:s26+$0x130]  }
0x1b9: {  	v0 =	vadd.f32 v2, v0  }
0x1ba: {  	v2 =	vld [tilespmem:s26+$0x1B0]  }
0x1bb: {  	v0 =	vadd.f32 v3, v0  }
0x1bc: {  	v3 =	vld [tilespmem:s26+$0x230]  }
0x1bd: {  	v0 =	vadd.f32 v1, v0  }
0x1be: {  	v1 =	vld [tilespmem:s26+$0x2B0]  }
0x1bf: {  	v0 =	vadd.f32 v2, v0  }
0x1c0: {  	v2 =	vld [tilespmem:s26+$0x330]  }
0x1c1: {  	v0 =	vadd.f32 v3, v0  }
0x1c2: {  	v3 =	vld [tilespmem:s26+$0x3B0]  }
0x1c3: {  	v0 =	vadd.f32 v1, v0;
	_ =	sdelay $0x1  }
0x1c4: {  	v0 =	vadd.f32 v2, v0;
	_ =	sdelay $0x1  }
0x1c5: {  	v0 =	vadd.f32 v3, v0;
	_ =	sdelay $0x1  }
0x1c6: {  	v0 =	vmul.f32 $6.250000000e-02, v0;
	_ =	sdelay $0x1  }
0x1c7: {  	[tilespmem:s28+$0x89B0] =	vst v0  }
0x1c8: {  	v0 =	vld [tilespmem:s26+$0xFFFFFC40]  }
0x1c9: {  	v1 =	vld [tilespmem:s26+$0xFFFFFCC0];
	_ =	sdelay $0x1  }
0x1ca: {  	v2 =	vld [tilespmem:s26+$0xFFFFFD40];
	_ =	sdelay $0x1  }
0x1cb: {  	v3 =	vld [tilespmem:s26+$0xFFFFFDC0]  }
0x1cc: {  	v0 =	vadd.f32 v1, v0  }
0x1cd: {  	v1 =	vld [tilespmem:s26+$0xFFFFFE40]  }
0x1ce: {  	v0 =	vadd.f32 v2, v0  }
0x1cf: {  	v2 =	vld [tilespmem:s26+$0xFFFFFEC0]  }
0x1d0: {  	v0 =	vadd.f32 v3, v0  }
0x1d1: {  	v3 =	vld [tilespmem:s26+$0xFFFFFF40]  }
0x1d2: {  	v0 =	vadd.f32 v1, v0  }
0x1d3: {  	v1 =	vld [tilespmem:s26+$0xFFFFFFC0]  }
0x1d4: {  	v0 =	vadd.f32 v2, v0  }
0x1d5: {  	v2 =	vld [tilespmem:s26+$0x40]  }
0x1d6: {  	v0 =	vadd.f32 v3, v0  }
0x1d7: {  	v3 =	vld [tilespmem:s26+$0xC0]  }
0x1d8: {  	v0 =	vadd.f32 v1, v0  }
0x1d9: {  	v1 =	vld [tilespmem:s26+$0x140]  }
0x1da: {  	v0 =	vadd.f32 v2, v0  }
0x1db: {  	v2 =	vld [tilespmem:s26+$0x1C0]  }
0x1dc: {  	v0 =	vadd.f32 v3, v0  }
0x1dd: {  	v3 =	vld [tilespmem:s26+$0x240]  }
0x1de: {  	v0 =	vadd.f32 v1, v0  }
0x1df: {  	v1 =	vld [tilespmem:s26+$0x2C0]  }
0x1e0: {  	v0 =	vadd.f32 v2, v0  }
0x1e1: {  	v2 =	vld [tilespmem:s26+$0x340]  }
0x1e2: {  	v0 =	vadd.f32 v3, v0  }
0x1e3: {  	v3 =	vld [tilespmem:s26+$0x3C0]  }
0x1e4: {  	v0 =	vadd.f32 v1, v0;
	_ =	sdelay $0x1  }
0x1e5: {  	v0 =	vadd.f32 v2, v0;
	_ =	sdelay $0x1  }
0x1e6: {  	v0 =	vadd.f32 v3, v0;
	_ =	sdelay $0x1  }
0x1e7: {  	v0 =	vmul.f32 $6.250000000e-02, v0;
	_ =	sdelay $0x1  }
0x1e8: {  	[tilespmem:s28+$0x89C0] =	vst v0  }
0x1e9: {  	v0 =	vld [tilespmem:s26+$0xFFFFFC50]  }
0x1ea: {  	v1 =	vld [tilespmem:s26+$0xFFFFFCD0]  }
0x1eb: {  	v2 =	vld [tilespmem:s26+$0xFFFFFD50]  }
0x1ec: {  	v3 =	vld [tilespmem:s26+$0xFFFFFDD0]  }
0x1ed: {  	v4 =	vld [tilespmem:s26+$0xFFFFFE50]  }
0x1ee: {  	v5 =	vld [tilespmem:s26+$0xFFFFFED0]  }
0x1ef: {  	v0 =	vadd.f32 v1, v0;
	v1 =	vld [tilespmem:s26+$0xFFFFFF50]  }
0x1f0: {  	v6 =	vld [tilespmem:s26+$0xFFFFFFD0]  }
0x1f1: {  	v0 =	vadd.f32 v2, v0;
	v2 =	vld [tilespmem:s26+$0x50]  }
0x1f2: {  	v7 =	vld [tilespmem:s26+$0xD0]  }
0x1f3: {  	v0 =	vadd.f32 v3, v0;
	v3 =	vld [tilespmem:s26+$0x150]  }
0x1f4: {  	v8 =	vld [tilespmem:s26+$0x1D0]  }
0x1f5: {  	v0 =	vadd.f32 v4, v0;
	v4 =	vld [tilespmem:s26+$0x250]  }
0x1f6: {  	v9 =	vld [tilespmem:s26+$0x2D0]  }
0x1f7: {  	v0 =	vadd.f32 v5, v0;
	v5 =	vld [tilespmem:s26+$0x350]  }
0x1f8: {  	v10 =	vld [tilespmem:s26+$0x3D0]  }
0x1f9: {  	v0 =	vadd.f32 v1, v0;
	_ =	sdelay $0x1  }
0x1fa: {  	v0 =	vadd.f32 v6, v0;
	_ =	sdelay $0x1  }
0x1fb: {  	v0 =	vadd.f32 v2, v0;
	_ =	sdelay $0x1  }
0x1fc: {  	v0 =	vadd.f32 v7, v0;
	_ =	sdelay $0x1  }
0x1fd: {  	v0 =	vadd.f32 v3, v0;
	_ =	sdelay $0x1  }
0x1fe: {  	v0 =	vadd.f32 v8, v0;
	_ =	sdelay $0x1  }
0x1ff: {  	v0 =	vadd.f32 v4, v0;
	_ =	sdelay $0x1  }
0x200: {  	v0 =	vadd.f32 v9, v0;
	_ =	sdelay $0x1  }
0x201: {  	v0 =	vadd.f32 v5, v0;
	_ =	sdelay $0x1  }
0x202: {  	v0 =	vadd.f32 v10, v0;
	_ =	sdelay $0x1  }
0x203: {  	v0 =	vmul.f32 $6.250000000e-02, v0;
	_ =	sdelay $0x1  }
0x204: {  	[tilespmem:s28+$0x89D0] =	vst v0  }
0x205: {  	v0 =	vld [tilespmem:s26+$0xFFFFFC60]  }
0x206: {  	v1 =	vld [tilespmem:s26+$0xFFFFFCE0]  }
0x207: {  	v2 =	vld [tilespmem:s26+$0xFFFFFD60]  }
0x208: {  	v3 =	vld [tilespmem:s26+$0xFFFFFDE0]  }
0x209: {  	v4 =	vld [tilespmem:s26+$0xFFFFFE60]  }
0x20a: {  	v5 =	vld [tilespmem:s26+$0xFFFFFEE0]  }
0x20b: {  	v0 =	vadd.f32 v1, v0;
	v1 =	vld [tilespmem:s26+$0xFFFFFF60]  }
0x20c: {  	v6 =	vld [tilespmem:s26+$0xFFFFFFE0]  }
0x20d: {  	v0 =	vadd.f32 v2, v0;
	v2 =	vld [tilespmem:s26+$0x60]  }
0x20e: {  	v7 =	vld [tilespmem:s26+$0xE0]  }
0x20f: {  	v0 =	vadd.f32 v3, v0;
	v3 =	vld [tilespmem:s26+$0x160]  }
0x210: {  	v8 =	vld [tilespmem:s26+$0x1E0]  }
0x211: {  	v0 =	vadd.f32 v4, v0;
	v4 =	vld [tilespmem:s26+$0x260]  }
0x212: {  	v9 =	vld [tilespmem:s26+$0x2E0]  }
0x213: {  	v0 =	vadd.f32 v5, v0;
	v5 =	vld [tilespmem:s26+$0x360]  }
0x214: {  	v10 =	vld [tilespmem:s26+$0x3E0]  }
0x215: {  	v0 =	vadd.f32 v1, v0;
	_ =	sdelay $0x1  }
0x216: {  	v0 =	vadd.f32 v6, v0;
	_ =	sdelay $0x1  }
0x217: {  	v0 =	vadd.f32 v2, v0;
	_ =	sdelay $0x1  }
0x218: {  	v0 =	vadd.f32 v7, v0;
	_ =	sdelay $0x1  }
0x219: {  	v0 =	vadd.f32 v3, v0;
	_ =	sdelay $0x1  }
0x21a: {  	v0 =	vadd.f32 v8, v0;
	_ =	sdelay $0x1  }
0x21b: {  	v0 =	vadd.f32 v4, v0;
	_ =	sdelay $0x1  }
0x21c: {  	v0 =	vadd.f32 v9, v0;
	_ =	sdelay $0x1  }
0x21d: {  	v0 =	vadd.f32 v5, v0;
	_ =	sdelay $0x1  }
0x21e: {  	v0 =	vadd.f32 v10, v0;
	_ =	sdelay $0x1  }
0x21f: {  	v0 =	vmul.f32 $6.250000000e-02, v0;
	_ =	sdelay $0x1  }
0x220: {  	[tilespmem:s28+$0x89E0] =	vst v0  }
0x221: {  	v0 =	vld [tilespmem:s26+$0xFFFFFC70]  }
0x222: {  	v1 =	vld [tilespmem:s26+$0xFFFFFCF0]  }
0x223: {  	v2 =	vld [tilespmem:s26+$0xFFFFFD70]  }
0x224: {  	v3 =	vld [tilespmem:s26+$0xFFFFFDF0]  }
0x225: {  	v4 =	vld [tilespmem:s26+$0xFFFFFE70]  }
0x226: {  	v5 =	vld [tilespmem:s26+$0xFFFFFEF0]  }
0x227: {  	v0 =	vadd.f32 v1, v0;
	v6 =	vld [tilespmem:s26+$0xFFFFFF70]  }
0x228: {  	v7 =	vld [tilespmem:s26+$0xFFFFFFF0]  }
0x229: {  	v0 =	vadd.f32 v2, v0;
	v8 =	vld [tilespmem:s26+$0x70]  }
0x22a: {  	v9 =	vld [tilespmem:s26+$0xF0]  }
0x22b: {  	v0 =	vadd.f32 v3, v0;
	v3 =	vld [tilespmem:s26+$0x170]  }
0x22c: {  	v10 =	vld [tilespmem:s26+$0x1F0]  }
0x22d: {  	v0 =	vadd.f32 v4, v0;
	v4 =	vld [tilespmem:s26+$0x270]  }
0x22e: {  	v2 =	vld [tilespmem:s26+$0x2F0]  }
0x22f: {  	v5 =	vadd.f32 v5, v0;
	v0 =	vld [tilespmem:s26+$0x370]  }
0x230: {  	v1 =	vld [tilespmem:s26+$0x3F0]  }
0x231: {  	v5 =	vadd.f32 v6, v5;
	_ =	sdelay $0x1  }
0x232: {  	v5 =	vadd.f32 v7, v5;
	_ =	sdelay $0x1  }
0x233: {  	v5 =	vadd.f32 v8, v5;
	_ =	sdelay $0x1  }
0x234: {  	v5 =	vadd.f32 v9, v5;
	_ =	sdelay $0x1  }
.Ltmp0:
0x235: {  	v3 =	vadd.f32 v3, v5;
	(pc) =	sbr.rel @p0 .LBB2_2-.Ltmp0, $3  }
0x236: {  	_ = 	snop  }
0x237: {  	v3 =	vadd.f32 v10, v3;
	_ =	sdelay $0x1  }
0x238: {  	v3 =	vadd.f32 v4, v3  }
0x239: {  	_ = 	snop  }
0x23a: {  	v2 =	vadd.f32 v2, v3;
	_ =	sdelay $0x1  }
0x23b: {  	v0 =	vadd.f32 v0, v2;
	_ =	sdelay $0x1  }
0x23c: {  	v0 =	vadd.f32 v1, v0;
	_ =	sdelay $0x1  }
0x23d: {  	v0 =	vmul.f32 $6.250000000e-02, v0;
	_ =	sdelay $0x1  }
0x23e: {  	s26 =	simm.s32 $0x0;
	[tilespmem:s28+$0x89F0] =	vst v0  }
0x23f: {  	[hbm4b:s8+s26] =	stream.linear.scatter [tilespmem:s23], [sflag:$0x3], $0x800, $0x38;
	[tilespmem:$0x9980] =	vst v63  }
0x240: {  	_ =	swait.ge [sflag:s14], $0x800  }
0x241: {  	[sflag:s14] =	ssyncset.done $0x0  }
0x242: {  	[sflag:s14] =	ssyncadd.s32 $0xFFFFF800  }
0x243: {  	[tilespmem:s17], [sflag:$0x3] =	stream.linear.gather [hbm4b:s7+s26], $0x800, $0x38;
	[tilespmem:$0x9980] =	vst v63  }
0x244: {  	_ =	swait.ge [sflag:s14], $0x800  }
0x245: {  	[sflag:s14] =	ssyncset.done $0x0  }
0x246: {  	[sflag:s14] =	ssyncadd.s32 $0xFFFFF800  }
0x247: {  	v0 =	vld [tilespmem:$0x80]  }
0x248: {  	v1 =	vld [tilespmem:$0x100]  }
0x249: {  	v2 =	vld [tilespmem:$0x180]  }
0x24a: {  	v3 =	vld [tilespmem:$0x200]  }
0x24b: {  	v4 =	vld [tilespmem:$0x280]  }
0x24c: {  	[tilespmem:$0x880] =	vst v0;
	v0 =	vld [tilespmem:$0x300]  }
0x24d: {  	[tilespmem:$0x890] =	vst v1;
	v1 =	vld [tilespmem:$0x380]  }
0x24e: {  	[tilespmem:$0x8A0] =	vst v2;
	v2 =	vld [tilespmem:$0x400]  }
0x24f: {  	[tilespmem:$0x8B0] =	vst v3;
	v3 =	vld [tilespmem:$0x480]  }
0x250: {  	[tilespmem:$0x8C0] =	vst v4;
	v4 =	vld [tilespmem:$0x500]  }
0x251: {  	[tilespmem:$0x8D0] =	vst v0;
	v0 =	vld [tilespmem:$0x580]  }
0x252: {  	[tilespmem:$0x8E0] =	vst v1;
	v1 =	vld [tilespmem:$0x600]  }
0x253: {  	[tilespmem:$0x8F0] =	vst v2;
	v2 =	vld [tilespmem:$0x680]  }
0x254: {  	[tilespmem:$0x900] =	vst v3;
	v3 =	vld [tilespmem:$0x700]  }
0x255: {  	[tilespmem:$0x910] =	vst v4;
	v4 =	vld [tilespmem:$0x780]  }
0x256: {  	[tilespmem:$0x920] =	vst v0;
	v0 =	vld [tilespmem:$0x800]  }
0x257: {  	[tilespmem:$0x930] =	vst v1  }
0x258: {  	[tilespmem:$0x940] =	vst v2  }
0x259: {  	[tilespmem:$0x950] =	vst v3  }
0x25a: {  	[tilespmem:$0x960] =	vst v4  }
0x25b: {  	[tilespmem:$0x970] =	vst v0  }
0x25c: {  	[tilespmem:s19], [sflag:$0x1] =	stream.indirect.gather [hbm4b:s2+s17], $0x80, s18, s17, $0xb8;
	[tilespmem:$0x9980] =	vst v63  }
0x25d: {  	_ = 	snop  }
0x25e: {  	[tilespmem:s21], [sflag:$0x1] =	stream.indirect.gather [hbm4b:s2+s17], $0x80, s20, s17, $0xb8;
	[tilespmem:$0x9980] =	vst v63  }
0x25f: {  	_ =	swait.ge [sflag:s22], $0x4000  }
0x260: {  	[sflag:s22] =	ssyncset.done $0x0  }
0x261: {  	[sflag:s22] =	ssyncadd.s32 $0xFFFFC000  }
0x262: {  	_ =	swait.ge [sflag:s22], $0x4000  }
0x263: {  	[sflag:s22] =	ssyncset.done $0x0  }
0x264: {  	s26 =	simm.s32 $0xD80;
	[sflag:s22] =	ssyncadd.s32 $0xFFFFC000  }
0x265: {  	v0 =	vld [tilespmem:s26+$0xFFFFFC80]  }
0x266: {  	v1 =	vld [tilespmem:s26+$0xFFFFFC00];
	_ =	sdelay $0x1  }
0x267: {  	v2 =	vld [tilespmem:s26+$0xFFFFFD00];
	_ =	sdelay $0x1  }
0x268: {  	v3 =	vld [tilespmem:s26+$0xFFFFFD80]  }
0x269: {  	v0 =	vadd.f32 v0, v1  }
0x26a: {  	v1 =	vld [tilespmem:s26+$0xFFFFFE00]  }
0x26b: {  	v0 =	vadd.f32 v2, v0  }
0x26c: {  	v2 =	vld [tilespmem:s26+$0xFFFFFE80]  }
0x26d: {  	v0 =	vadd.f32 v3, v0  }
0x26e: {  	v3 =	vld [tilespmem:s26+$0xFFFFFF00]  }
0x26f: {  	v0 =	vadd.f32 v1, v0  }
0x270: {  	v1 =	vld [tilespmem:s26+$0xFFFFFF80]  }
0x271: {  	v0 =	vadd.f32 v2, v0  }
0x272: {  	v2 =	vld [tilespmem:s26+$0x0]  }
0x273: {  	v0 =	vadd.f32 v3, v0  }
0x274: {  	v3 =	vld [tilespmem:s26+$0x80]  }
0x275: {  	v0 =	vadd.f32 v1, v0  }
0x276: {  	v1 =	vld [tilespmem:s26+$0x100]  }
0x277: {  	v0 =	vadd.f32 v2, v0  }
0x278: {  	v2 =	vld [tilespmem:s26+$0x180]  }
0x279: {  	v0 =	vadd.f32 v3, v0  }
0x27a: {  	v3 =	vld [tilespmem:s26+$0x200]  }
0x27b: {  	v0 =	vadd.f32 v1, v0  }
0x27c: {  	v1 =	vld [tilespmem:s26+$0x280]  }
0x27d: {  	v0 =	vadd.f32 v2, v0  }
0x27e: {  	v2 =	vld [tilespmem:s26+$0x300]  }
0x27f: {  	v0 =	vadd.f32 v3, v0  }
0x280: {  	v3 =	vld [tilespmem:s26+$0x380]  }
0x281: {  	v0 =	vadd.f32 v1, v0;
	_ =	sdelay $0x1  }
0x282: {  	v0 =	vadd.f32 v2, v0;
	_ =	sdelay $0x1  }
0x283: {  	v0 =	vadd.f32 v3, v0;
	_ =	sdelay $0x1  }
0x284: {  	v0 =	vmul.f32 $6.250000000e-02, v0  }
0x285: {  	s28 =	simm.s32 $0x0  }
0x286: {  	[tilespmem:s28+$0x8980] =	vst v0  }
0x287: {  	v0 =	vld [tilespmem:s26+$0xFFFFFC10]  }
0x288: {  	v1 =	vld [tilespmem:s26+$0xFFFFFC90];
	_ =	sdelay $0x1  }
0x289: {  	v2 =	vld [tilespmem:s26+$0xFFFFFD10];
	_ =	sdelay $0x1  }
0x28a: {  	v3 =	vld [tilespmem:s26+$0xFFFFFD90]  }
0x28b: {  	v0 =	vadd.f32 v1, v0  }
0x28c: {  	v1 =	vld [tilespmem:s26+$0xFFFFFE10]  }
0x28d: {  	v0 =	vadd.f32 v2, v0  }
0x28e: {  	v2 =	vld [tilespmem:s26+$0xFFFFFE90]  }
0x28f: {  	v0 =	vadd.f32 v3, v0  }
0x290: {  	v3 =	vld [tilespmem:s26+$0xFFFFFF10]  }
0x291: {  	v0 =	vadd.f32 v1, v0  }
0x292: {  	v1 =	vld [tilespmem:s26+$0xFFFFFF90]  }
0x293: {  	v0 =	vadd.f32 v2, v0  }
0x294: {  	v2 =	vld [tilespmem:s26+$0x10]  }
0x295: {  	v0 =	vadd.f32 v3, v0  }
0x296: {  	v3 =	vld [tilespmem:s26+$0x90]  }
0x297: {  	v0 =	vadd.f32 v1, v0  }
0x298: {  	v1 =	vld [tilespmem:s26+$0x110]  }
0x299: {  	v0 =	vadd.f32 v2, v0  }
0x29a: {  	v2 =	vld [tilespmem:s26+$0x190]  }
0x29b: {  	v0 =	vadd.f32 v3, v0  }
0x29c: {  	v3 =	vld [tilespmem:s26+$0x210]  }
0x29d: {  	v0 =	vadd.f32 v1, v0  }
0x29e: {  	v1 =	vld [tilespmem:s26+$0x290]  }
0x29f: {  	v0 =	vadd.f32 v2, v0  }
0x2a0: {  	v2 =	vld [tilespmem:s26+$0x310]  }
0x2a1: {  	v0 =	vadd.f32 v3, v0  }
0x2a2: {  	v3 =	vld [tilespmem:s26+$0x390]  }
0x2a3: {  	v0 =	vadd.f32 v1, v0;
	_ =	sdelay $0x1  }
0x2a4: {  	v0 =	vadd.f32 v2, v0;
	_ =	sdelay $0x1  }
0x2a5: {  	v0 =	vadd.f32 v3, v0;
	_ =	sdelay $0x1  }
0x2a6: {  	v0 =	vmul.f32 $6.250000000e-02, v0;
	_ =	sdelay $0x1  }
0x2a7: {  	[tilespmem:s28+$0x8990] =	vst v0  }
0x2a8: {  	v0 =	vld [tilespmem:s26+$0xFFFFFC20]  }
0x2a9: {  	v1 =	vld [tilespmem:s26+$0xFFFFFCA0];
	_ =	sdelay $0x1  }
0x2aa: {  	v2 =	vld [tilespmem:s26+$0xFFFFFD20];
	_ =	sdelay $0x1  }
0x2ab: {  	v3 =	vld [tilespmem:s26+$0xFFFFFDA0]  }
0x2ac: {  	v0 =	vadd.f32 v1, v0  }
0x2ad: {  	v1 =	vld [tilespmem:s26+$0xFFFFFE20]  }
0x2ae: {  	v0 =	vadd.f32 v2, v0  }
0x2af: {  	v2 =	vld [tilespmem:s26+$0xFFFFFEA0]  }
0x2b0: {  	v0 =	vadd.f32 v3, v0  }
0x2b1: {  	v3 =	vld [tilespmem:s26+$0xFFFFFF20]  }
0x2b2: {  	v0 =	vadd.f32 v1, v0  }
0x2b3: {  	v1 =	vld [tilespmem:s26+$0xFFFFFFA0]  }
0x2b4: {  	v0 =	vadd.f32 v2, v0  }
0x2b5: {  	v2 =	vld [tilespmem:s26+$0x20]  }
0x2b6: {  	v0 =	vadd.f32 v3, v0  }
0x2b7: {  	v3 =	vld [tilespmem:s26+$0xA0]  }
0x2b8: {  	v0 =	vadd.f32 v1, v0  }
0x2b9: {  	v1 =	vld [tilespmem:s26+$0x120]  }
0x2ba: {  	v0 =	vadd.f32 v2, v0  }
0x2bb: {  	v2 =	vld [tilespmem:s26+$0x1A0]  }
0x2bc: {  	v0 =	vadd.f32 v3, v0  }
0x2bd: {  	v3 =	vld [tilespmem:s26+$0x220]  }
0x2be: {  	v0 =	vadd.f32 v1, v0  }
0x2bf: {  	v1 =	vld [tilespmem:s26+$0x2A0]  }
0x2c0: {  	v0 =	vadd.f32 v2, v0  }
0x2c1: {  	v2 =	vld [tilespmem:s26+$0x320]  }
0x2c2: {  	v0 =	vadd.f32 v3, v0  }
0x2c3: {  	v3 =	vld [tilespmem:s26+$0x3A0]  }
0x2c4: {  	v0 =	vadd.f32 v1, v0;
	_ =	sdelay $0x1  }
0x2c5: {  	v0 =	vadd.f32 v2, v0;
	_ =	sdelay $0x1  }
0x2c6: {  	v0 =	vadd.f32 v3, v0;
	_ =	sdelay $0x1  }
0x2c7: {  	v0 =	vmul.f32 $6.250000000e-02, v0;
	_ =	sdelay $0x1  }
0x2c8: {  	[tilespmem:s28+$0x89A0] =	vst v0  }
0x2c9: {  	v0 =	vld [tilespmem:s26+$0xFFFFFC30]  }
0x2ca: {  	v1 =	vld [tilespmem:s26+$0xFFFFFCB0];
	_ =	sdelay $0x1  }
0x2cb: {  	v2 =	vld [tilespmem:s26+$0xFFFFFD30];
	_ =	sdelay $0x1  }
0x2cc: {  	v3 =	vld [tilespmem:s26+$0xFFFFFDB0]  }
0x2cd: {  	v0 =	vadd.f32 v1, v0  }
0x2ce: {  	v1 =	vld [tilespmem:s26+$0xFFFFFE30]  }
0x2cf: {  	v0 =	vadd.f32 v2, v0  }
0x2d0: {  	v2 =	vld [tilespmem:s26+$0xFFFFFEB0]  }
0x2d1: {  	v0 =	vadd.f32 v3, v0  }
0x2d2: {  	v3 =	vld [tilespmem:s26+$0xFFFFFF30]  }
0x2d3: {  	v0 =	vadd.f32 v1, v0  }
0x2d4: {  	v1 =	vld [tilespmem:s26+$0xFFFFFFB0]  }
0x2d5: {  	v0 =	vadd.f32 v2, v0  }
0x2d6: {  	v2 =	vld [tilespmem:s26+$0x30]  }
0x2d7: {  	v0 =	vadd.f32 v3, v0  }
0x2d8: {  	v3 =	vld [tilespmem:s26+$0xB0]  }
0x2d9: {  	v0 =	vadd.f32 v1, v0  }
0x2da: {  	v1 =	vld [tilespmem:s26+$0x130]  }
0x2db: {  	v0 =	vadd.f32 v2, v0  }
0x2dc: {  	v2 =	vld [tilespmem:s26+$0x1B0]  }
0x2dd: {  	v0 =	vadd.f32 v3, v0  }
0x2de: {  	v3 =	vld [tilespmem:s26+$0x230]  }
0x2df: {  	v0 =	vadd.f32 v1, v0  }
0x2e0: {  	v1 =	vld [tilespmem:s26+$0x2B0]  }
0x2e1: {  	v0 =	vadd.f32 v2, v0  }
0x2e2: {  	v2 =	vld [tilespmem:s26+$0x330]  }
0x2e3: {  	v0 =	vadd.f32 v3, v0  }
0x2e4: {  	v3 =	vld [tilespmem:s26+$0x3B0]  }
0x2e5: {  	v0 =	vadd.f32 v1, v0;
	_ =	sdelay $0x1  }
0x2e6: {  	v0 =	vadd.f32 v2, v0;
	_ =	sdelay $0x1  }
0x2e7: {  	v0 =	vadd.f32 v3, v0;
	_ =	sdelay $0x1  }
0x2e8: {  	v0 =	vmul.f32 $6.250000000e-02, v0;
	_ =	sdelay $0x1  }
0x2e9: {  	[tilespmem:s28+$0x89B0] =	vst v0  }
0x2ea: {  	v0 =	vld [tilespmem:s26+$0xFFFFFC40]  }
0x2eb: {  	v1 =	vld [tilespmem:s26+$0xFFFFFCC0];
	_ =	sdelay $0x1  }
0x2ec: {  	v2 =	vld [tilespmem:s26+$0xFFFFFD40];
	_ =	sdelay $0x1  }
0x2ed: {  	v3 =	vld [tilespmem:s26+$0xFFFFFDC0]  }
0x2ee: {  	v0 =	vadd.f32 v1, v0  }
0x2ef: {  	v1 =	vld [tilespmem:s26+$0xFFFFFE40]  }
0x2f0: {  	v0 =	vadd.f32 v2, v0  }
0x2f1: {  	v2 =	vld [tilespmem:s26+$0xFFFFFEC0]  }
0x2f2: {  	v0 =	vadd.f32 v3, v0  }
0x2f3: {  	v3 =	vld [tilespmem:s26+$0xFFFFFF40]  }
0x2f4: {  	v0 =	vadd.f32 v1, v0  }
0x2f5: {  	v1 =	vld [tilespmem:s26+$0xFFFFFFC0]  }
0x2f6: {  	v0 =	vadd.f32 v2, v0  }
0x2f7: {  	v2 =	vld [tilespmem:s26+$0x40]  }
0x2f8: {  	v0 =	vadd.f32 v3, v0  }
0x2f9: {  	v3 =	vld [tilespmem:s26+$0xC0]  }
0x2fa: {  	v0 =	vadd.f32 v1, v0  }
0x2fb: {  	v1 =	vld [tilespmem:s26+$0x140]  }
0x2fc: {  	v0 =	vadd.f32 v2, v0  }
0x2fd: {  	v2 =	vld [tilespmem:s26+$0x1C0]  }
0x2fe: {  	v0 =	vadd.f32 v3, v0  }
0x2ff: {  	v3 =	vld [tilespmem:s26+$0x240]  }
0x300: {  	v0 =	vadd.f32 v1, v0  }
0x301: {  	v1 =	vld [tilespmem:s26+$0x2C0]  }
0x302: {  	v0 =	vadd.f32 v2, v0  }
0x303: {  	v2 =	vld [tilespmem:s26+$0x340]  }
0x304: {  	v0 =	vadd.f32 v3, v0  }
0x305: {  	v3 =	vld [tilespmem:s26+$0x3C0]  }
0x306: {  	v0 =	vadd.f32 v1, v0;
	_ =	sdelay $0x1  }
0x307: {  	v0 =	vadd.f32 v2, v0;
	_ =	sdelay $0x1  }
0x308: {  	v0 =	vadd.f32 v3, v0;
	_ =	sdelay $0x1  }
0x309: {  	v0 =	vmul.f32 $6.250000000e-02, v0;
	_ =	sdelay $0x1  }
0x30a: {  	[tilespmem:s28+$0x89C0] =	vst v0  }
0x30b: {  	v0 =	vld [tilespmem:s26+$0xFFFFFC50]  }
0x30c: {  	v1 =	vld [tilespmem:s26+$0xFFFFFCD0];
	_ =	sdelay $0x1  }
0x30d: {  	v2 =	vld [tilespmem:s26+$0xFFFFFD50];
	_ =	sdelay $0x1  }
0x30e: {  	v3 =	vld [tilespmem:s26+$0xFFFFFDD0]  }
0x30f: {  	v0 =	vadd.f32 v1, v0  }
0x310: {  	v1 =	vld [tilespmem:s26+$0xFFFFFE50]  }
0x311: {  	v0 =	vadd.f32 v2, v0  }
0x312: {  	v2 =	vld [tilespmem:s26+$0xFFFFFED0]  }
0x313: {  	v0 =	vadd.f32 v3, v0  }
0x314: {  	v3 =	vld [tilespmem:s26+$0xFFFFFF50]  }
0x315: {  	v0 =	vadd.f32 v1, v0  }
0x316: {  	v1 =	vld [tilespmem:s26+$0xFFFFFFD0]  }
0x317: {  	v0 =	vadd.f32 v2, v0  }
0x318: {  	v2 =	vld [tilespmem:s26+$0x50]  }
0x319: {  	v0 =	vadd.f32 v3, v0  }
0x31a: {  	v3 =	vld [tilespmem:s26+$0xD0]  }
0x31b: {  	v0 =	vadd.f32 v1, v0  }
0x31c: {  	v1 =	vld [tilespmem:s26+$0x150]  }
0x31d: {  	v0 =	vadd.f32 v2, v0  }
0x31e: {  	v2 =	vld [tilespmem:s26+$0x1D0]  }
0x31f: {  	v0 =	vadd.f32 v3, v0  }
0x320: {  	v3 =	vld [tilespmem:s26+$0x250]  }
0x321: {  	v0 =	vadd.f32 v1, v0  }
0x322: {  	v1 =	vld [tilespmem:s26+$0x2D0]  }
0x323: {  	v0 =	vadd.f32 v2, v0  }
0x324: {  	v2 =	vld [tilespmem:s26+$0x350]  }
0x325: {  	v0 =	vadd.f32 v3, v0  }
0x326: {  	v3 =	vld [tilespmem:s26+$0x3D0]  }
0x327: {  	v0 =	vadd.f32 v1, v0;
	_ =	sdelay $0x1  }
0x328: {  	v0 =	vadd.f32 v2, v0;
	_ =	sdelay $0x1  }
0x329: {  	v0 =	vadd.f32 v3, v0;
	_ =	sdelay $0x1  }
0x32a: {  	v0 =	vmul.f32 $6.250000000e-02, v0;
	_ =	sdelay $0x1  }
0x32b: {  	[tilespmem:s28+$0x89D0] =	vst v0  }
0x32c: {  	v0 =	vld [tilespmem:s26+$0xFFFFFC60]  }
0x32d: {  	v1 =	vld [tilespmem:s26+$0xFFFFFCE0];
	_ =	sdelay $0x1  }
0x32e: {  	v2 =	vld [tilespmem:s26+$0xFFFFFD60];
	_ =	sdelay $0x1  }
0x32f: {  	v3 =	vld [tilespmem:s26+$0xFFFFFDE0]  }
0x330: {  	v0 =	vadd.f32 v1, v0  }
0x331: {  	v1 =	vld [tilespmem:s26+$0xFFFFFE60]  }
0x332: {  	v0 =	vadd.f32 v2, v0  }
0x333: {  	v2 =	vld [tilespmem:s26+$0xFFFFFEE0]  }
0x334: {  	v0 =	vadd.f32 v3, v0  }
0x335: {  	v3 =	vld [tilespmem:s26+$0xFFFFFF60]  }
0x336: {  	v0 =	vadd.f32 v1, v0  }
0x337: {  	v1 =	vld [tilespmem:s26+$0xFFFFFFE0]  }
0x338: {  	v0 =	vadd.f32 v2, v0  }
0x339: {  	v2 =	vld [tilespmem:s26+$0x60]  }
0x33a: {  	v0 =	vadd.f32 v3, v0  }
0x33b: {  	v3 =	vld [tilespmem:s26+$0xE0]  }
0x33c: {  	v0 =	vadd.f32 v1, v0  }
0x33d: {  	v1 =	vld [tilespmem:s26+$0x160]  }
0x33e: {  	v0 =	vadd.f32 v2, v0  }
0x33f: {  	v2 =	vld [tilespmem:s26+$0x1E0]  }
0x340: {  	v0 =	vadd.f32 v3, v0  }
0x341: {  	v3 =	vld [tilespmem:s26+$0x260]  }
0x342: {  	v0 =	vadd.f32 v1, v0  }
0x343: {  	v1 =	vld [tilespmem:s26+$0x2E0]  }
0x344: {  	v0 =	vadd.f32 v2, v0  }
0x345: {  	v2 =	vld [tilespmem:s26+$0x360]  }
0x346: {  	v0 =	vadd.f32 v3, v0  }
0x347: {  	v3 =	vld [tilespmem:s26+$0x3E0]  }
0x348: {  	v0 =	vadd.f32 v1, v0;
	_ =	sdelay $0x1  }
0x349: {  	v0 =	vadd.f32 v2, v0;
	_ =	sdelay $0x1  }
0x34a: {  	v0 =	vadd.f32 v3, v0;
	_ =	sdelay $0x1  }
0x34b: {  	v0 =	vmul.f32 $6.250000000e-02, v0;
	_ =	sdelay $0x1  }
0x34c: {  	[tilespmem:s28+$0x89E0] =	vst v0  }
0x34d: {  	v0 =	vld [tilespmem:s26+$0xFFFFFC70]  }
0x34e: {  	v1 =	vld [tilespmem:s26+$0xFFFFFCF0];
	_ =	sdelay $0x1  }
0x34f: {  	v2 =	vld [tilespmem:s26+$0xFFFFFD70];
	_ =	sdelay $0x1  }
0x350: {  	v3 =	vld [tilespmem:s26+$0xFFFFFDF0]  }
0x351: {  	v0 =	vadd.f32 v1, v0  }
0x352: {  	v1 =	vld [tilespmem:s26+$0xFFFFFE70]  }
0x353: {  	v0 =	vadd.f32 v2, v0  }
0x354: {  	v2 =	vld [tilespmem:s26+$0xFFFFFEF0]  }
0x355: {  	v0 =	vadd.f32 v3, v0  }
0x356: {  	v3 =	vld [tilespmem:s26+$0xFFFFFF70]  }
0x357: {  	v0 =	vadd.f32 v1, v0  }
0x358: {  	v1 =	vld [tilespmem:s26+$0xFFFFFFF0]  }
0x359: {  	v0 =	vadd.f32 v2, v0  }
0x35a: {  	v2 =	vld [tilespmem:s26+$0x70]  }
0x35b: {  	v0 =	vadd.f32 v3, v0  }
0x35c: {  	v3 =	vld [tilespmem:s26+$0xF0]  }
0x35d: {  	v0 =	vadd.f32 v1, v0  }
0x35e: {  	v1 =	vld [tilespmem:s26+$0x170]  }
0x35f: {  	v0 =	vadd.f32 v2, v0  }
0x360: {  	v4 =	vld [tilespmem:s26+$0x1F0]  }
0x361: {  	v0 =	vadd.f32 v3, v0  }
0x362: {  	v3 =	vld [tilespmem:s26+$0x270]  }
0x363: {  	v0 =	vadd.f32 v1, v0  }
0x364: {  	v2 =	vld [tilespmem:s26+$0x2F0]  }
0x365: {  	v4 =	vadd.f32 v4, v0  }
0x366: {  	v0 =	vld [tilespmem:s26+$0x370]  }
0x367: {  	s29 =	simm.s32 $0x200;
	v1 =	vld [tilespmem:s26+$0x3F0];
	v3 =	vadd.f32 v3, v4  }
.LBB2_4:
0x368: {  	p0 =	sne.s32 s29, $0x1E00  }
0x369: {  	s26 =	sadd.s32 $0x800, s26;
	s30 =	smov.u32 s29;
	s29 =	sadd.s32 $0x200, s29;
	v2 =	vadd.f32 v2, v3  }
0x36a: {  	_ = 	snop  }
0x36b: {  	v0 =	vadd.f32 v0, v2;
	_ =	sdelay $0x1  }
0x36c: {  	v0 =	vadd.f32 v1, v0;
	_ =	sdelay $0x1  }
0x36d: {  	v0 =	vmul.f32 $6.250000000e-02, v0;
	_ =	sdelay $0x1  }
0x36e: {  	[tilespmem:s28+$0x89F0] =	vst v0  }
0x36f: {  	v0 =	vld [tilespmem:s26+$0xFFFFFC80]  }
0x370: {  	v1 =	vld [tilespmem:s26+$0xFFFFFC00]  }
0x371: {  	v2 =	vld [tilespmem:s26+$0xFFFFFD00];
	_ =	sdelay $0x2  }
0x372: {  	v3 =	vld [tilespmem:s26+$0xFFFFFD80]  }
0x373: {  	v0 =	vadd.f32 v0, v1  }
0x374: {  	v1 =	vld [tilespmem:s26+$0xFFFFFE00]  }
0x375: {  	v0 =	vadd.f32 v2, v0  }
0x376: {  	v2 =	vld [tilespmem:s26+$0xFFFFFE80]  }
0x377: {  	v0 =	vadd.f32 v3, v0  }
0x378: {  	v3 =	vld [tilespmem:s26+$0xFFFFFF00]  }
0x379: {  	v0 =	vadd.f32 v1, v0  }
0x37a: {  	v1 =	vld [tilespmem:s26+$0xFFFFFF80]  }
0x37b: {  	v0 =	vadd.f32 v2, v0  }
0x37c: {  	v2 =	vld [tilespmem:s26+$0x0]  }
0x37d: {  	v0 =	vadd.f32 v3, v0  }
0x37e: {  	v3 =	vld [tilespmem:s26+$0x80]  }
0x37f: {  	v0 =	vadd.f32 v1, v0  }
0x380: {  	v1 =	vld [tilespmem:s26+$0x100]  }
0x381: {  	v0 =	vadd.f32 v2, v0  }
0x382: {  	v2 =	vld [tilespmem:s26+$0x180]  }
0x383: {  	v0 =	vadd.f32 v3, v0  }
0x384: {  	v3 =	vld [tilespmem:s26+$0x200]  }
0x385: {  	v0 =	vadd.f32 v1, v0  }
0x386: {  	v1 =	vld [tilespmem:s26+$0x280]  }
0x387: {  	v0 =	vadd.f32 v2, v0  }
0x388: {  	v2 =	vld [tilespmem:s26+$0x300]  }
0x389: {  	v0 =	vadd.f32 v3, v0  }
0x38a: {  	v3 =	vld [tilespmem:s26+$0x380]  }
0x38b: {  	v0 =	vadd.f32 v1, v0;
	_ =	sdelay $0x1  }
0x38c: {  	v0 =	vadd.f32 v2, v0;
	_ =	sdelay $0x1  }
0x38d: {  	v0 =	vadd.f32 v3, v0;
	_ =	sdelay $0x1  }
0x38e: {  	v0 =	vmul.f32 $6.250000000e-02, v0  }
0x38f: {  	s28 =	sshra.s32 s30, $0x2  }
0x390: {  	[tilespmem:s28+$0x8980] =	vst v0  }
0x391: {  	v0 =	vld [tilespmem:s26+$0xFFFFFC10]  }
0x392: {  	v1 =	vld [tilespmem:s26+$0xFFFFFC90];
	_ =	sdelay $0x1  }
0x393: {  	v2 =	vld [tilespmem:s26+$0xFFFFFD10];
	_ =	sdelay $0x1  }
0x394: {  	v3 =	vld [tilespmem:s26+$0xFFFFFD90]  }
0x395: {  	v0 =	vadd.f32 v1, v0  }
0x396: {  	v1 =	vld [tilespmem:s26+$0xFFFFFE10]  }
0x397: {  	v0 =	vadd.f32 v2, v0  }
0x398: {  	v2 =	vld [tilespmem:s26+$0xFFFFFE90]  }
0x399: {  	v0 =	vadd.f32 v3, v0  }
0x39a: {  	v3 =	vld [tilespmem:s26+$0xFFFFFF10]  }
0x39b: {  	v0 =	vadd.f32 v1, v0  }
0x39c: {  	v1 =	vld [tilespmem:s26+$0xFFFFFF90]  }
0x39d: {  	v0 =	vadd.f32 v2, v0  }
0x39e: {  	v2 =	vld [tilespmem:s26+$0x10]  }
0x39f: {  	v0 =	vadd.f32 v3, v0  }
0x3a0: {  	v3 =	vld [tilespmem:s26+$0x90]  }
0x3a1: {  	v0 =	vadd.f32 v1, v0  }
0x3a2: {  	v1 =	vld [tilespmem:s26+$0x110]  }
0x3a3: {  	v0 =	vadd.f32 v2, v0  }
0x3a4: {  	v2 =	vld [tilespmem:s26+$0x190]  }
0x3a5: {  	v0 =	vadd.f32 v3, v0  }
0x3a6: {  	v3 =	vld [tilespmem:s26+$0x210]  }
0x3a7: {  	v0 =	vadd.f32 v1, v0  }
0x3a8: {  	v1 =	vld [tilespmem:s26+$0x290]  }
0x3a9: {  	v0 =	vadd.f32 v2, v0  }
0x3aa: {  	v2 =	vld [tilespmem:s26+$0x310]  }
0x3ab: {  	v0 =	vadd.f32 v3, v0  }
0x3ac: {  	v3 =	vld [tilespmem:s26+$0x390]  }
0x3ad: {  	v0 =	vadd.f32 v1, v0;
	_ =	sdelay $0x1  }
0x3ae: {  	v0 =	vadd.f32 v2, v0;
	_ =	sdelay $0x1  }
0x3af: {  	v0 =	vadd.f32 v3, v0;
	_ =	sdelay $0x1  }
0x3b0: {  	v0 =	vmul.f32 $6.250000000e-02, v0;
	_ =	sdelay $0x1  }
0x3b1: {  	[tilespmem:s28+$0x8990] =	vst v0  }
0x3b2: {  	v0 =	vld [tilespmem:s26+$0xFFFFFC20]  }
0x3b3: {  	v1 =	vld [tilespmem:s26+$0xFFFFFCA0];
	_ =	sdelay $0x1  }
0x3b4: {  	v2 =	vld [tilespmem:s26+$0xFFFFFD20];
	_ =	sdelay $0x1  }
0x3b5: {  	v3 =	vld [tilespmem:s26+$0xFFFFFDA0]  }
0x3b6: {  	v0 =	vadd.f32 v1, v0  }
0x3b7: {  	v1 =	vld [tilespmem:s26+$0xFFFFFE20]  }
0x3b8: {  	v0 =	vadd.f32 v2, v0  }
0x3b9: {  	v2 =	vld [tilespmem:s26+$0xFFFFFEA0]  }
0x3ba: {  	v0 =	vadd.f32 v3, v0  }
0x3bb: {  	v3 =	vld [tilespmem:s26+$0xFFFFFF20]  }
0x3bc: {  	v0 =	vadd.f32 v1, v0  }
0x3bd: {  	v1 =	vld [tilespmem:s26+$0xFFFFFFA0]  }
0x3be: {  	v0 =	vadd.f32 v2, v0  }
0x3bf: {  	v2 =	vld [tilespmem:s26+$0x20]  }
0x3c0: {  	v0 =	vadd.f32 v3, v0  }
0x3c1: {  	v3 =	vld [tilespmem:s26+$0xA0]  }
0x3c2: {  	v0 =	vadd.f32 v1, v0  }
0x3c3: {  	v1 =	vld [tilespmem:s26+$0x120]  }
0x3c4: {  	v0 =	vadd.f32 v2, v0  }
0x3c5: {  	v2 =	vld [tilespmem:s26+$0x1A0]  }
0x3c6: {  	v0 =	vadd.f32 v3, v0  }
0x3c7: {  	v3 =	vld [tilespmem:s26+$0x220]  }
0x3c8: {  	v0 =	vadd.f32 v1, v0  }
0x3c9: {  	v1 =	vld [tilespmem:s26+$0x2A0]  }
0x3ca: {  	v0 =	vadd.f32 v2, v0  }
0x3cb: {  	v2 =	vld [tilespmem:s26+$0x320]  }
0x3cc: {  	v0 =	vadd.f32 v3, v0  }
0x3cd: {  	v3 =	vld [tilespmem:s26+$0x3A0]  }
0x3ce: {  	v0 =	vadd.f32 v1, v0;
	_ =	sdelay $0x1  }
0x3cf: {  	v0 =	vadd.f32 v2, v0;
	_ =	sdelay $0x1  }
0x3d0: {  	v0 =	vadd.f32 v3, v0;
	_ =	sdelay $0x1  }
0x3d1: {  	v0 =	vmul.f32 $6.250000000e-02, v0;
	_ =	sdelay $0x1  }
0x3d2: {  	[tilespmem:s28+$0x89A0] =	vst v0  }
0x3d3: {  	v0 =	vld [tilespmem:s26+$0xFFFFFC30]  }
0x3d4: {  	v1 =	vld [tilespmem:s26+$0xFFFFFCB0];
	_ =	sdelay $0x1  }
0x3d5: {  	v2 =	vld [tilespmem:s26+$0xFFFFFD30];
	_ =	sdelay $0x1  }
0x3d6: {  	v3 =	vld [tilespmem:s26+$0xFFFFFDB0]  }
0x3d7: {  	v0 =	vadd.f32 v1, v0  }
0x3d8: {  	v1 =	vld [tilespmem:s26+$0xFFFFFE30]  }
0x3d9: {  	v0 =	vadd.f32 v2, v0  }
0x3da: {  	v2 =	vld [tilespmem:s26+$0xFFFFFEB0]  }
0x3db: {  	v0 =	vadd.f32 v3, v0  }
0x3dc: {  	v3 =	vld [tilespmem:s26+$0xFFFFFF30]  }
0x3dd: {  	v0 =	vadd.f32 v1, v0  }
0x3de: {  	v1 =	vld [tilespmem:s26+$0xFFFFFFB0]  }
0x3df: {  	v0 =	vadd.f32 v2, v0  }
0x3e0: {  	v2 =	vld [tilespmem:s26+$0x30]  }
0x3e1: {  	v0 =	vadd.f32 v3, v0  }
0x3e2: {  	v3 =	vld [tilespmem:s26+$0xB0]  }
0x3e3: {  	v0 =	vadd.f32 v1, v0  }
0x3e4: {  	v1 =	vld [tilespmem:s26+$0x130]  }
0x3e5: {  	v0 =	vadd.f32 v2, v0  }
0x3e6: {  	v2 =	vld [tilespmem:s26+$0x1B0]  }
0x3e7: {  	v0 =	vadd.f32 v3, v0  }
0x3e8: {  	v3 =	vld [tilespmem:s26+$0x230]  }
0x3e9: {  	v0 =	vadd.f32 v1, v0  }
0x3ea: {  	v1 =	vld [tilespmem:s26+$0x2B0]  }
0x3eb: {  	v0 =	vadd.f32 v2, v0  }
0x3ec: {  	v2 =	vld [tilespmem:s26+$0x330]  }
0x3ed: {  	v0 =	vadd.f32 v3, v0  }
0x3ee: {  	v3 =	vld [tilespmem:s26+$0x3B0]  }
0x3ef: {  	v0 =	vadd.f32 v1, v0;
	_ =	sdelay $0x1  }
0x3f0: {  	v0 =	vadd.f32 v2, v0;
	_ =	sdelay $0x1  }
0x3f1: {  	v0 =	vadd.f32 v3, v0;
	_ =	sdelay $0x1  }
0x3f2: {  	v0 =	vmul.f32 $6.250000000e-02, v0;
	_ =	sdelay $0x1  }
0x3f3: {  	[tilespmem:s28+$0x89B0] =	vst v0  }
0x3f4: {  	v0 =	vld [tilespmem:s26+$0xFFFFFC40]  }
0x3f5: {  	v1 =	vld [tilespmem:s26+$0xFFFFFCC0];
	_ =	sdelay $0x1  }
0x3f6: {  	v2 =	vld [tilespmem:s26+$0xFFFFFD40];
	_ =	sdelay $0x1  }
0x3f7: {  	v3 =	vld [tilespmem:s26+$0xFFFFFDC0]  }
0x3f8: {  	v0 =	vadd.f32 v1, v0  }
0x3f9: {  	v1 =	vld [tilespmem:s26+$0xFFFFFE40]  }
0x3fa: {  	v0 =	vadd.f32 v2, v0  }
0x3fb: {  	v2 =	vld [tilespmem:s26+$0xFFFFFEC0]  }
0x3fc: {  	v0 =	vadd.f32 v3, v0  }
0x3fd: {  	v3 =	vld [tilespmem:s26+$0xFFFFFF40]  }
0x3fe: {  	v0 =	vadd.f32 v1, v0  }
0x3ff: {  	v1 =	vld [tilespmem:s26+$0xFFFFFFC0]  }
0x400: {  	v0 =	vadd.f32 v2, v0  }
0x401: {  	v2 =	vld [tilespmem:s26+$0x40]  }
0x402: {  	v0 =	vadd.f32 v3, v0  }
0x403: {  	v3 =	vld [tilespmem:s26+$0xC0]  }
0x404: {  	v0 =	vadd.f32 v1, v0  }
0x405: {  	v1 =	vld [tilespmem:s26+$0x140]  }
0x406: {  	v0 =	vadd.f32 v2, v0  }
0x407: {  	v2 =	vld [tilespmem:s26+$0x1C0]  }
0x408: {  	v0 =	vadd.f32 v3, v0  }
0x409: {  	v3 =	vld [tilespmem:s26+$0x240]  }
0x40a: {  	v0 =	vadd.f32 v1, v0  }
0x40b: {  	v1 =	vld [tilespmem:s26+$0x2C0]  }
0x40c: {  	v0 =	vadd.f32 v2, v0  }
0x40d: {  	v2 =	vld [tilespmem:s26+$0x340]  }
0x40e: {  	v0 =	vadd.f32 v3, v0  }
0x40f: {  	v3 =	vld [tilespmem:s26+$0x3C0]  }
0x410: {  	v0 =	vadd.f32 v1, v0;
	_ =	sdelay $0x1  }
0x411: {  	v0 =	vadd.f32 v2, v0;
	_ =	sdelay $0x1  }
0x412: {  	v0 =	vadd.f32 v3, v0;
	_ =	sdelay $0x1  }
0x413: {  	v0 =	vmul.f32 $6.250000000e-02, v0;
	_ =	sdelay $0x1  }
0x414: {  	[tilespmem:s28+$0x89C0] =	vst v0  }
0x415: {  	v0 =	vld [tilespmem:s26+$0xFFFFFC50]  }
0x416: {  	v1 =	vld [tilespmem:s26+$0xFFFFFCD0]  }
0x417: {  	v2 =	vld [tilespmem:s26+$0xFFFFFD50]  }
0x418: {  	v3 =	vld [tilespmem:s26+$0xFFFFFDD0]  }
0x419: {  	v4 =	vld [tilespmem:s26+$0xFFFFFE50]  }
0x41a: {  	v5 =	vld [tilespmem:s26+$0xFFFFFED0]  }
0x41b: {  	v0 =	vadd.f32 v1, v0;
	v1 =	vld [tilespmem:s26+$0xFFFFFF50]  }
0x41c: {  	v6 =	vld [tilespmem:s26+$0xFFFFFFD0]  }
0x41d: {  	v0 =	vadd.f32 v2, v0;
	v2 =	vld [tilespmem:s26+$0x50]  }
0x41e: {  	v7 =	vld [tilespmem:s26+$0xD0]  }
0x41f: {  	v0 =	vadd.f32 v3, v0;
	v3 =	vld [tilespmem:s26+$0x150]  }
0x420: {  	v8 =	vld [tilespmem:s26+$0x1D0]  }
0x421: {  	v0 =	vadd.f32 v4, v0;
	v4 =	vld [tilespmem:s26+$0x250]  }
0x422: {  	v9 =	vld [tilespmem:s26+$0x2D0]  }
0x423: {  	v0 =	vadd.f32 v5, v0;
	v5 =	vld [tilespmem:s26+$0x350]  }
0x424: {  	v10 =	vld [tilespmem:s26+$0x3D0]  }
0x425: {  	v0 =	vadd.f32 v1, v0;
	_ =	sdelay $0x1  }
0x426: {  	v0 =	vadd.f32 v6, v0;
	_ =	sdelay $0x1  }
0x427: {  	v0 =	vadd.f32 v2, v0;
	_ =	sdelay $0x1  }
0x428: {  	v0 =	vadd.f32 v7, v0;
	_ =	sdelay $0x1  }
0x429: {  	v0 =	vadd.f32 v3, v0;
	_ =	sdelay $0x1  }
0x42a: {  	v0 =	vadd.f32 v8, v0;
	_ =	sdelay $0x1  }
0x42b: {  	v0 =	vadd.f32 v4, v0;
	_ =	sdelay $0x1  }
0x42c: {  	v0 =	vadd.f32 v9, v0;
	_ =	sdelay $0x1  }
0x42d: {  	v0 =	vadd.f32 v5, v0;
	_ =	sdelay $0x1  }
0x42e: {  	v0 =	vadd.f32 v10, v0;
	_ =	sdelay $0x1  }
0x42f: {  	v0 =	vmul.f32 $6.250000000e-02, v0;
	_ =	sdelay $0x1  }
0x430: {  	[tilespmem:s28+$0x89D0] =	vst v0  }
0x431: {  	v0 =	vld [tilespmem:s26+$0xFFFFFC60]  }
0x432: {  	v1 =	vld [tilespmem:s26+$0xFFFFFCE0]  }
0x433: {  	v2 =	vld [tilespmem:s26+$0xFFFFFD60]  }
0x434: {  	v3 =	vld [tilespmem:s26+$0xFFFFFDE0]  }
0x435: {  	v4 =	vld [tilespmem:s26+$0xFFFFFE60]  }
0x436: {  	v5 =	vld [tilespmem:s26+$0xFFFFFEE0]  }
0x437: {  	v0 =	vadd.f32 v1, v0;
	v1 =	vld [tilespmem:s26+$0xFFFFFF60]  }
0x438: {  	v6 =	vld [tilespmem:s26+$0xFFFFFFE0]  }
0x439: {  	v0 =	vadd.f32 v2, v0;
	v2 =	vld [tilespmem:s26+$0x60]  }
0x43a: {  	v7 =	vld [tilespmem:s26+$0xE0]  }
0x43b: {  	v0 =	vadd.f32 v3, v0;
	v3 =	vld [tilespmem:s26+$0x160]  }
0x43c: {  	v8 =	vld [tilespmem:s26+$0x1E0]  }
0x43d: {  	v0 =	vadd.f32 v4, v0;
	v4 =	vld [tilespmem:s26+$0x260]  }
0x43e: {  	v9 =	vld [tilespmem:s26+$0x2E0]  }
0x43f: {  	v0 =	vadd.f32 v5, v0;
	v5 =	vld [tilespmem:s26+$0x360]  }
0x440: {  	v10 =	vld [tilespmem:s26+$0x3E0]  }
0x441: {  	v0 =	vadd.f32 v1, v0;
	_ =	sdelay $0x1  }
0x442: {  	v0 =	vadd.f32 v6, v0;
	_ =	sdelay $0x1  }
0x443: {  	v0 =	vadd.f32 v2, v0;
	_ =	sdelay $0x1  }
0x444: {  	v0 =	vadd.f32 v7, v0;
	_ =	sdelay $0x1  }
0x445: {  	v0 =	vadd.f32 v3, v0;
	_ =	sdelay $0x1  }
0x446: {  	v0 =	vadd.f32 v8, v0;
	_ =	sdelay $0x1  }
0x447: {  	v0 =	vadd.f32 v4, v0;
	_ =	sdelay $0x1  }
0x448: {  	v0 =	vadd.f32 v9, v0;
	_ =	sdelay $0x1  }
0x449: {  	v0 =	vadd.f32 v5, v0;
	_ =	sdelay $0x1  }
0x44a: {  	v0 =	vadd.f32 v10, v0;
	_ =	sdelay $0x1  }
0x44b: {  	v0 =	vmul.f32 $6.250000000e-02, v0;
	_ =	sdelay $0x1  }
0x44c: {  	[tilespmem:s28+$0x89E0] =	vst v0  }
0x44d: {  	v0 =	vld [tilespmem:s26+$0xFFFFFC70]  }
0x44e: {  	v1 =	vld [tilespmem:s26+$0xFFFFFCF0]  }
0x44f: {  	v2 =	vld [tilespmem:s26+$0xFFFFFD70]  }
0x450: {  	v3 =	vld [tilespmem:s26+$0xFFFFFDF0]  }
0x451: {  	v4 =	vld [tilespmem:s26+$0xFFFFFE70]  }
0x452: {  	v5 =	vld [tilespmem:s26+$0xFFFFFEF0]  }
0x453: {  	v0 =	vadd.f32 v1, v0;
	v6 =	vld [tilespmem:s26+$0xFFFFFF70]  }
0x454: {  	v7 =	vld [tilespmem:s26+$0xFFFFFFF0]  }
0x455: {  	v0 =	vadd.f32 v2, v0;
	v8 =	vld [tilespmem:s26+$0x70]  }
0x456: {  	v9 =	vld [tilespmem:s26+$0xF0]  }
0x457: {  	v0 =	vadd.f32 v3, v0;
	v3 =	vld [tilespmem:s26+$0x170]  }
0x458: {  	v10 =	vld [tilespmem:s26+$0x1F0]  }
0x459: {  	v0 =	vadd.f32 v4, v0;
	v4 =	vld [tilespmem:s26+$0x270]  }
0x45a: {  	v2 =	vld [tilespmem:s26+$0x2F0]  }
0x45b: {  	v5 =	vadd.f32 v5, v0;
	v0 =	vld [tilespmem:s26+$0x370]  }
0x45c: {  	v1 =	vld [tilespmem:s26+$0x3F0]  }
0x45d: {  	v5 =	vadd.f32 v6, v5;
	_ =	sdelay $0x1  }
0x45e: {  	v5 =	vadd.f32 v7, v5;
	_ =	sdelay $0x1  }
0x45f: {  	v5 =	vadd.f32 v8, v5;
	_ =	sdelay $0x1  }
0x460: {  	v5 =	vadd.f32 v9, v5;
	_ =	sdelay $0x1  }
.Ltmp1:
0x461: {  	v3 =	vadd.f32 v3, v5;
	(pc) =	sbr.rel @p0 .LBB2_4-.Ltmp1, $3  }
0x462: {  	_ = 	snop  }
0x463: {  	v3 =	vadd.f32 v10, v3;
	_ =	sdelay $0x1  }
0x464: {  	v3 =	vadd.f32 v4, v3  }
0x465: {  	_ = 	snop  }
0x466: {  	v2 =	vadd.f32 v2, v3;
	_ =	sdelay $0x1  }
0x467: {  	v0 =	vadd.f32 v0, v2;
	_ =	sdelay $0x1  }
0x468: {  	v0 =	vadd.f32 v1, v0;
	_ =	sdelay $0x1  }
0x469: {  	v0 =	vmul.f32 $6.250000000e-02, v0;
	_ =	sdelay $0x1  }
0x46a: {  	s26 =	simm.s32 $0x0;
	[tilespmem:s28+$0x89F0] =	vst v0  }
0x46b: {  	[hbm4b:s9+s26] =	stream.linear.scatter [tilespmem:s23], [sflag:$0x3], $0x800, $0x38;
	[tilespmem:$0x9980] =	vst v63  }
0x46c: {  	_ =	swait.ge [sflag:s14], $0x800  }
0x46d: {  	[sflag:s14] =	ssyncset.done $0x0  }
0x46e: {  	[sflag:s14] =	ssyncadd.s32 $0xFFFFF800  }
0x46f: {  	[tilespmem:s17], [sflag:$0x3] =	stream.linear.gather [hbm4b:s10+s26], $0x800, $0x38;
	[tilespmem:$0x9980] =	vst v63  }
0x470: {  	_ =	swait.ge [sflag:s14], $0x800  }
0x471: {  	[sflag:s14] =	ssyncset.done $0x0  }
0x472: {  	[sflag:s14] =	ssyncadd.s32 $0xFFFFF800  }
0x473: {  	v0 =	vld [tilespmem:$0x80]  }
0x474: {  	v1 =	vld [tilespmem:$0x100]  }
0x475: {  	v2 =	vld [tilespmem:$0x180]  }
0x476: {  	v3 =	vld [tilespmem:$0x200]  }
0x477: {  	v4 =	vld [tilespmem:$0x280]  }
0x478: {  	[tilespmem:$0x880] =	vst v0;
	v0 =	vld [tilespmem:$0x300]  }
0x479: {  	[tilespmem:$0x890] =	vst v1;
	v1 =	vld [tilespmem:$0x380]  }
0x47a: {  	[tilespmem:$0x8A0] =	vst v2;
	v2 =	vld [tilespmem:$0x400]  }
0x47b: {  	[tilespmem:$0x8B0] =	vst v3;
	v3 =	vld [tilespmem:$0x480]  }
0x47c: {  	[tilespmem:$0x8C0] =	vst v4;
	v4 =	vld [tilespmem:$0x500]  }
0x47d: {  	[tilespmem:$0x8D0] =	vst v0;
	v0 =	vld [tilespmem:$0x580]  }
0x47e: {  	[tilespmem:$0x8E0] =	vst v1;
	v1 =	vld [tilespmem:$0x600]  }
0x47f: {  	[tilespmem:$0x8F0] =	vst v2;
	v2 =	vld [tilespmem:$0x680]  }
0x480: {  	[tilespmem:$0x900] =	vst v3;
	v3 =	vld [tilespmem:$0x700]  }
0x481: {  	[tilespmem:$0x910] =	vst v4;
	v4 =	vld [tilespmem:$0x780]  }
0x482: {  	[tilespmem:$0x920] =	vst v0;
	v0 =	vld [tilespmem:$0x800]  }
0x483: {  	[tilespmem:$0x930] =	vst v1  }
0x484: {  	[tilespmem:$0x940] =	vst v2  }
0x485: {  	[tilespmem:$0x950] =	vst v3  }
0x486: {  	[tilespmem:$0x960] =	vst v4  }
0x487: {  	[tilespmem:$0x970] =	vst v0  }
0x488: {  	[tilespmem:s19], [sflag:$0x1] =	stream.indirect.gather [hbm4b:s3+s17], $0x80, s18, s17, $0xb8;
	[tilespmem:$0x9980] =	vst v63  }
0x489: {  	_ = 	snop  }
0x48a: {  	[tilespmem:s21], [sflag:$0x1] =	stream.indirect.gather [hbm4b:s3+s17], $0x80, s20, s17, $0xb8;
	[tilespmem:$0x9980] =	vst v63  }
0x48b: {  	_ =	swait.ge [sflag:s22], $0x4000  }
0x48c: {  	[sflag:s22] =	ssyncset.done $0x0  }
0x48d: {  	[sflag:s22] =	ssyncadd.s32 $0xFFFFC000  }
0x48e: {  	_ =	swait.ge [sflag:s22], $0x4000  }
0x48f: {  	[sflag:s22] =	ssyncset.done $0x0  }
0x490: {  	s26 =	simm.s32 $0xD80;
	[sflag:s22] =	ssyncadd.s32 $0xFFFFC000  }
0x491: {  	v0 =	vld [tilespmem:s26+$0xFFFFFC80]  }
0x492: {  	v1 =	vld [tilespmem:s26+$0xFFFFFC00];
	_ =	sdelay $0x1  }
0x493: {  	v2 =	vld [tilespmem:s26+$0xFFFFFD00];
	_ =	sdelay $0x1  }
0x494: {  	v3 =	vld [tilespmem:s26+$0xFFFFFD80]  }
0x495: {  	v0 =	vadd.f32 v0, v1  }
0x496: {  	v1 =	vld [tilespmem:s26+$0xFFFFFE00]  }
0x497: {  	v0 =	vadd.f32 v2, v0  }
0x498: {  	v2 =	vld [tilespmem:s26+$0xFFFFFE80]  }
0x499: {  	v0 =	vadd.f32 v3, v0  }
0x49a: {  	v3 =	vld [tilespmem:s26+$0xFFFFFF00]  }
0x49b: {  	v0 =	vadd.f32 v1, v0  }
0x49c: {  	v1 =	vld [tilespmem:s26+$0xFFFFFF80]  }
0x49d: {  	v0 =	vadd.f32 v2, v0  }
0x49e: {  	v2 =	vld [tilespmem:s26+$0x0]  }
0x49f: {  	v0 =	vadd.f32 v3, v0  }
0x4a0: {  	v3 =	vld [tilespmem:s26+$0x80]  }
0x4a1: {  	v0 =	vadd.f32 v1, v0  }
0x4a2: {  	v1 =	vld [tilespmem:s26+$0x100]  }
0x4a3: {  	v0 =	vadd.f32 v2, v0  }
0x4a4: {  	v2 =	vld [tilespmem:s26+$0x180]  }
0x4a5: {  	v0 =	vadd.f32 v3, v0  }
0x4a6: {  	v3 =	vld [tilespmem:s26+$0x200]  }
0x4a7: {  	v0 =	vadd.f32 v1, v0  }
0x4a8: {  	v1 =	vld [tilespmem:s26+$0x280]  }
0x4a9: {  	v0 =	vadd.f32 v2, v0  }
0x4aa: {  	v2 =	vld [tilespmem:s26+$0x300]  }
0x4ab: {  	v0 =	vadd.f32 v3, v0  }
0x4ac: {  	v3 =	vld [tilespmem:s26+$0x380]  }
0x4ad: {  	v0 =	vadd.f32 v1, v0;
	_ =	sdelay $0x1  }
0x4ae: {  	v0 =	vadd.f32 v2, v0;
	_ =	sdelay $0x1  }
0x4af: {  	v0 =	vadd.f32 v3, v0;
	_ =	sdelay $0x1  }
0x4b0: {  	v0 =	vmul.f32 $6.250000000e-02, v0  }
0x4b1: {  	s28 =	simm.s32 $0x0  }
0x4b2: {  	[tilespmem:s28+$0x8980] =	vst v0  }
0x4b3: {  	v0 =	vld [tilespmem:s26+$0xFFFFFC10]  }
0x4b4: {  	v1 =	vld [tilespmem:s26+$0xFFFFFC90];
	_ =	sdelay $0x1  }
0x4b5: {  	v2 =	vld [tilespmem:s26+$0xFFFFFD10];
	_ =	sdelay $0x1  }
0x4b6: {  	v3 =	vld [tilespmem:s26+$0xFFFFFD90]  }
0x4b7: {  	v0 =	vadd.f32 v1, v0  }
0x4b8: {  	v1 =	vld [tilespmem:s26+$0xFFFFFE10]  }
0x4b9: {  	v0 =	vadd.f32 v2, v0  }
0x4ba: {  	v2 =	vld [tilespmem:s26+$0xFFFFFE90]  }
0x4bb: {  	v0 =	vadd.f32 v3, v0  }
0x4bc: {  	v3 =	vld [tilespmem:s26+$0xFFFFFF10]  }
0x4bd: {  	v0 =	vadd.f32 v1, v0  }
0x4be: {  	v1 =	vld [tilespmem:s26+$0xFFFFFF90]  }
0x4bf: {  	v0 =	vadd.f32 v2, v0  }
0x4c0: {  	v2 =	vld [tilespmem:s26+$0x10]  }
0x4c1: {  	v0 =	vadd.f32 v3, v0  }
0x4c2: {  	v3 =	vld [tilespmem:s26+$0x90]  }
0x4c3: {  	v0 =	vadd.f32 v1, v0  }
0x4c4: {  	v1 =	vld [tilespmem:s26+$0x110]  }
0x4c5: {  	v0 =	vadd.f32 v2, v0  }
0x4c6: {  	v2 =	vld [tilespmem:s26+$0x190]  }
0x4c7: {  	v0 =	vadd.f32 v3, v0  }
0x4c8: {  	v3 =	vld [tilespmem:s26+$0x210]  }
0x4c9: {  	v0 =	vadd.f32 v1, v0  }
0x4ca: {  	v1 =	vld [tilespmem:s26+$0x290]  }
0x4cb: {  	v0 =	vadd.f32 v2, v0  }
0x4cc: {  	v2 =	vld [tilespmem:s26+$0x310]  }
0x4cd: {  	v0 =	vadd.f32 v3, v0  }
0x4ce: {  	v3 =	vld [tilespmem:s26+$0x390]  }
0x4cf: {  	v0 =	vadd.f32 v1, v0;
	_ =	sdelay $0x1  }
0x4d0: {  	v0 =	vadd.f32 v2, v0;
	_ =	sdelay $0x1  }
0x4d1: {  	v0 =	vadd.f32 v3, v0;
	_ =	sdelay $0x1  }
0x4d2: {  	v0 =	vmul.f32 $6.250000000e-02, v0;
	_ =	sdelay $0x1  }
0x4d3: {  	[tilespmem:s28+$0x8990] =	vst v0  }
0x4d4: {  	v0 =	vld [tilespmem:s26+$0xFFFFFC20]  }
0x4d5: {  	v1 =	vld [tilespmem:s26+$0xFFFFFCA0];
	_ =	sdelay $0x1  }
0x4d6: {  	v2 =	vld [tilespmem:s26+$0xFFFFFD20];
	_ =	sdelay $0x1  }
0x4d7: {  	v3 =	vld [tilespmem:s26+$0xFFFFFDA0]  }
0x4d8: {  	v0 =	vadd.f32 v1, v0  }
0x4d9: {  	v1 =	vld [tilespmem:s26+$0xFFFFFE20]  }
0x4da: {  	v0 =	vadd.f32 v2, v0  }
0x4db: {  	v2 =	vld [tilespmem:s26+$0xFFFFFEA0]  }
0x4dc: {  	v0 =	vadd.f32 v3, v0  }
0x4dd: {  	v3 =	vld [tilespmem:s26+$0xFFFFFF20]  }
0x4de: {  	v0 =	vadd.f32 v1, v0  }
0x4df: {  	v1 =	vld [tilespmem:s26+$0xFFFFFFA0]  }
0x4e0: {  	v0 =	vadd.f32 v2, v0  }
0x4e1: {  	v2 =	vld [tilespmem:s26+$0x20]  }
0x4e2: {  	v0 =	vadd.f32 v3, v0  }
0x4e3: {  	v3 =	vld [tilespmem:s26+$0xA0]  }
0x4e4: {  	v0 =	vadd.f32 v1, v0  }
0x4e5: {  	v1 =	vld [tilespmem:s26+$0x120]  }
0x4e6: {  	v0 =	vadd.f32 v2, v0  }
0x4e7: {  	v2 =	vld [tilespmem:s26+$0x1A0]  }
0x4e8: {  	v0 =	vadd.f32 v3, v0  }
0x4e9: {  	v3 =	vld [tilespmem:s26+$0x220]  }
0x4ea: {  	v0 =	vadd.f32 v1, v0  }
0x4eb: {  	v1 =	vld [tilespmem:s26+$0x2A0]  }
0x4ec: {  	v0 =	vadd.f32 v2, v0  }
0x4ed: {  	v2 =	vld [tilespmem:s26+$0x320]  }
0x4ee: {  	v0 =	vadd.f32 v3, v0  }
0x4ef: {  	v3 =	vld [tilespmem:s26+$0x3A0]  }
0x4f0: {  	v0 =	vadd.f32 v1, v0;
	_ =	sdelay $0x1  }
0x4f1: {  	v0 =	vadd.f32 v2, v0;
	_ =	sdelay $0x1  }
0x4f2: {  	v0 =	vadd.f32 v3, v0;
	_ =	sdelay $0x1  }
0x4f3: {  	v0 =	vmul.f32 $6.250000000e-02, v0;
	_ =	sdelay $0x1  }
0x4f4: {  	[tilespmem:s28+$0x89A0] =	vst v0  }
0x4f5: {  	v0 =	vld [tilespmem:s26+$0xFFFFFC30]  }
0x4f6: {  	v1 =	vld [tilespmem:s26+$0xFFFFFCB0];
	_ =	sdelay $0x1  }
0x4f7: {  	v2 =	vld [tilespmem:s26+$0xFFFFFD30];
	_ =	sdelay $0x1  }
0x4f8: {  	v3 =	vld [tilespmem:s26+$0xFFFFFDB0]  }
0x4f9: {  	v0 =	vadd.f32 v1, v0  }
0x4fa: {  	v1 =	vld [tilespmem:s26+$0xFFFFFE30]  }
0x4fb: {  	v0 =	vadd.f32 v2, v0  }
0x4fc: {  	v2 =	vld [tilespmem:s26+$0xFFFFFEB0]  }
0x4fd: {  	v0 =	vadd.f32 v3, v0  }
0x4fe: {  	v3 =	vld [tilespmem:s26+$0xFFFFFF30]  }
0x4ff: {  	v0 =	vadd.f32 v1, v0  }
0x500: {  	v1 =	vld [tilespmem:s26+$0xFFFFFFB0]  }
0x501: {  	v0 =	vadd.f32 v2, v0  }
0x502: {  	v2 =	vld [tilespmem:s26+$0x30]  }
0x503: {  	v0 =	vadd.f32 v3, v0  }
0x504: {  	v3 =	vld [tilespmem:s26+$0xB0]  }
0x505: {  	v0 =	vadd.f32 v1, v0  }
0x506: {  	v1 =	vld [tilespmem:s26+$0x130]  }
0x507: {  	v0 =	vadd.f32 v2, v0  }
0x508: {  	v2 =	vld [tilespmem:s26+$0x1B0]  }
0x509: {  	v0 =	vadd.f32 v3, v0  }
0x50a: {  	v3 =	vld [tilespmem:s26+$0x230]  }
0x50b: {  	v0 =	vadd.f32 v1, v0  }
0x50c: {  	v1 =	vld [tilespmem:s26+$0x2B0]  }
0x50d: {  	v0 =	vadd.f32 v2, v0  }
0x50e: {  	v2 =	vld [tilespmem:s26+$0x330]  }
0x50f: {  	v0 =	vadd.f32 v3, v0  }
0x510: {  	v3 =	vld [tilespmem:s26+$0x3B0]  }
0x511: {  	v0 =	vadd.f32 v1, v0;
	_ =	sdelay $0x1  }
0x512: {  	v0 =	vadd.f32 v2, v0;
	_ =	sdelay $0x1  }
0x513: {  	v0 =	vadd.f32 v3, v0;
	_ =	sdelay $0x1  }
0x514: {  	v0 =	vmul.f32 $6.250000000e-02, v0;
	_ =	sdelay $0x1  }
0x515: {  	[tilespmem:s28+$0x89B0] =	vst v0  }
0x516: {  	v0 =	vld [tilespmem:s26+$0xFFFFFC40]  }
0x517: {  	v1 =	vld [tilespmem:s26+$0xFFFFFCC0];
	_ =	sdelay $0x1  }
0x518: {  	v2 =	vld [tilespmem:s26+$0xFFFFFD40];
	_ =	sdelay $0x1  }
0x519: {  	v3 =	vld [tilespmem:s26+$0xFFFFFDC0]  }
0x51a: {  	v0 =	vadd.f32 v1, v0  }
0x51b: {  	v1 =	vld [tilespmem:s26+$0xFFFFFE40]  }
0x51c: {  	v0 =	vadd.f32 v2, v0  }
0x51d: {  	v2 =	vld [tilespmem:s26+$0xFFFFFEC0]  }
0x51e: {  	v0 =	vadd.f32 v3, v0  }
0x51f: {  	v3 =	vld [tilespmem:s26+$0xFFFFFF40]  }
0x520: {  	v0 =	vadd.f32 v1, v0  }
0x521: {  	v1 =	vld [tilespmem:s26+$0xFFFFFFC0]  }
0x522: {  	v0 =	vadd.f32 v2, v0  }
0x523: {  	v2 =	vld [tilespmem:s26+$0x40]  }
0x524: {  	v0 =	vadd.f32 v3, v0  }
0x525: {  	v3 =	vld [tilespmem:s26+$0xC0]  }
0x526: {  	v0 =	vadd.f32 v1, v0  }
0x527: {  	v1 =	vld [tilespmem:s26+$0x140]  }
0x528: {  	v0 =	vadd.f32 v2, v0  }
0x529: {  	v2 =	vld [tilespmem:s26+$0x1C0]  }
0x52a: {  	v0 =	vadd.f32 v3, v0  }
0x52b: {  	v3 =	vld [tilespmem:s26+$0x240]  }
0x52c: {  	v0 =	vadd.f32 v1, v0  }
0x52d: {  	v1 =	vld [tilespmem:s26+$0x2C0]  }
0x52e: {  	v0 =	vadd.f32 v2, v0  }
0x52f: {  	v2 =	vld [tilespmem:s26+$0x340]  }
0x530: {  	v0 =	vadd.f32 v3, v0  }
0x531: {  	v3 =	vld [tilespmem:s26+$0x3C0]  }
0x532: {  	v0 =	vadd.f32 v1, v0;
	_ =	sdelay $0x1  }
0x533: {  	v0 =	vadd.f32 v2, v0;
	_ =	sdelay $0x1  }
0x534: {  	v0 =	vadd.f32 v3, v0;
	_ =	sdelay $0x1  }
0x535: {  	v0 =	vmul.f32 $6.250000000e-02, v0;
	_ =	sdelay $0x1  }
0x536: {  	[tilespmem:s28+$0x89C0] =	vst v0  }
0x537: {  	v0 =	vld [tilespmem:s26+$0xFFFFFC50]  }
0x538: {  	v1 =	vld [tilespmem:s26+$0xFFFFFCD0];
	_ =	sdelay $0x1  }
0x539: {  	v2 =	vld [tilespmem:s26+$0xFFFFFD50];
	_ =	sdelay $0x1  }
0x53a: {  	v3 =	vld [tilespmem:s26+$0xFFFFFDD0]  }
0x53b: {  	v0 =	vadd.f32 v1, v0  }
0x53c: {  	v1 =	vld [tilespmem:s26+$0xFFFFFE50]  }
0x53d: {  	v0 =	vadd.f32 v2, v0  }
0x53e: {  	v2 =	vld [tilespmem:s26+$0xFFFFFED0]  }
0x53f: {  	v0 =	vadd.f32 v3, v0  }
0x540: {  	v3 =	vld [tilespmem:s26+$0xFFFFFF50]  }
0x541: {  	v0 =	vadd.f32 v1, v0  }
0x542: {  	v1 =	vld [tilespmem:s26+$0xFFFFFFD0]  }
0x543: {  	v0 =	vadd.f32 v2, v0  }
0x544: {  	v2 =	vld [tilespmem:s26+$0x50]  }
0x545: {  	v0 =	vadd.f32 v3, v0  }
0x546: {  	v3 =	vld [tilespmem:s26+$0xD0]  }
0x547: {  	v0 =	vadd.f32 v1, v0  }
0x548: {  	v1 =	vld [tilespmem:s26+$0x150]  }
0x549: {  	v0 =	vadd.f32 v2, v0  }
0x54a: {  	v2 =	vld [tilespmem:s26+$0x1D0]  }
0x54b: {  	v0 =	vadd.f32 v3, v0  }
0x54c: {  	v3 =	vld [tilespmem:s26+$0x250]  }
0x54d: {  	v0 =	vadd.f32 v1, v0  }
0x54e: {  	v1 =	vld [tilespmem:s26+$0x2D0]  }
0x54f: {  	v0 =	vadd.f32 v2, v0  }
0x550: {  	v2 =	vld [tilespmem:s26+$0x350]  }
0x551: {  	v0 =	vadd.f32 v3, v0  }
0x552: {  	v3 =	vld [tilespmem:s26+$0x3D0]  }
0x553: {  	v0 =	vadd.f32 v1, v0;
	_ =	sdelay $0x1  }
0x554: {  	v0 =	vadd.f32 v2, v0;
	_ =	sdelay $0x1  }
0x555: {  	v0 =	vadd.f32 v3, v0;
	_ =	sdelay $0x1  }
0x556: {  	v0 =	vmul.f32 $6.250000000e-02, v0;
	_ =	sdelay $0x1  }
0x557: {  	[tilespmem:s28+$0x89D0] =	vst v0  }
0x558: {  	v0 =	vld [tilespmem:s26+$0xFFFFFC60]  }
0x559: {  	v1 =	vld [tilespmem:s26+$0xFFFFFCE0];
	_ =	sdelay $0x1  }
0x55a: {  	v2 =	vld [tilespmem:s26+$0xFFFFFD60];
	_ =	sdelay $0x1  }
0x55b: {  	v3 =	vld [tilespmem:s26+$0xFFFFFDE0]  }
0x55c: {  	v0 =	vadd.f32 v1, v0  }
0x55d: {  	v1 =	vld [tilespmem:s26+$0xFFFFFE60]  }
0x55e: {  	v0 =	vadd.f32 v2, v0  }
0x55f: {  	v2 =	vld [tilespmem:s26+$0xFFFFFEE0]  }
0x560: {  	v0 =	vadd.f32 v3, v0  }
0x561: {  	v3 =	vld [tilespmem:s26+$0xFFFFFF60]  }
0x562: {  	v0 =	vadd.f32 v1, v0  }
0x563: {  	v1 =	vld [tilespmem:s26+$0xFFFFFFE0]  }
0x564: {  	v0 =	vadd.f32 v2, v0  }
0x565: {  	v2 =	vld [tilespmem:s26+$0x60]  }
0x566: {  	v0 =	vadd.f32 v3, v0  }
0x567: {  	v3 =	vld [tilespmem:s26+$0xE0]  }
0x568: {  	v0 =	vadd.f32 v1, v0  }
0x569: {  	v1 =	vld [tilespmem:s26+$0x160]  }
0x56a: {  	v0 =	vadd.f32 v2, v0  }
0x56b: {  	v2 =	vld [tilespmem:s26+$0x1E0]  }
0x56c: {  	v0 =	vadd.f32 v3, v0  }
0x56d: {  	v3 =	vld [tilespmem:s26+$0x260]  }
0x56e: {  	v0 =	vadd.f32 v1, v0  }
0x56f: {  	v1 =	vld [tilespmem:s26+$0x2E0]  }
0x570: {  	v0 =	vadd.f32 v2, v0  }
0x571: {  	v2 =	vld [tilespmem:s26+$0x360]  }
0x572: {  	v0 =	vadd.f32 v3, v0  }
0x573: {  	v3 =	vld [tilespmem:s26+$0x3E0]  }
0x574: {  	v0 =	vadd.f32 v1, v0;
	_ =	sdelay $0x1  }
0x575: {  	v0 =	vadd.f32 v2, v0;
	_ =	sdelay $0x1  }
0x576: {  	v0 =	vadd.f32 v3, v0;
	_ =	sdelay $0x1  }
0x577: {  	v0 =	vmul.f32 $6.250000000e-02, v0;
	_ =	sdelay $0x1  }
0x578: {  	[tilespmem:s28+$0x89E0] =	vst v0  }
0x579: {  	v0 =	vld [tilespmem:s26+$0xFFFFFC70]  }
0x57a: {  	v1 =	vld [tilespmem:s26+$0xFFFFFCF0];
	_ =	sdelay $0x1  }
0x57b: {  	v2 =	vld [tilespmem:s26+$0xFFFFFD70];
	_ =	sdelay $0x1  }
0x57c: {  	v3 =	vld [tilespmem:s26+$0xFFFFFDF0]  }
0x57d: {  	v0 =	vadd.f32 v1, v0  }
0x57e: {  	v1 =	vld [tilespmem:s26+$0xFFFFFE70]  }
0x57f: {  	v0 =	vadd.f32 v2, v0  }
0x580: {  	v2 =	vld [tilespmem:s26+$0xFFFFFEF0]  }
0x581: {  	v0 =	vadd.f32 v3, v0  }
0x582: {  	v3 =	vld [tilespmem:s26+$0xFFFFFF70]  }
0x583: {  	v0 =	vadd.f32 v1, v0  }
0x584: {  	v1 =	vld [tilespmem:s26+$0xFFFFFFF0]  }
0x585: {  	v0 =	vadd.f32 v2, v0  }
0x586: {  	v2 =	vld [tilespmem:s26+$0x70]  }
0x587: {  	v0 =	vadd.f32 v3, v0  }
0x588: {  	v3 =	vld [tilespmem:s26+$0xF0]  }
0x589: {  	v0 =	vadd.f32 v1, v0  }
0x58a: {  	v1 =	vld [tilespmem:s26+$0x170]  }
0x58b: {  	v0 =	vadd.f32 v2, v0  }
0x58c: {  	v4 =	vld [tilespmem:s26+$0x1F0]  }
0x58d: {  	v0 =	vadd.f32 v3, v0  }
0x58e: {  	v3 =	vld [tilespmem:s26+$0x270]  }
0x58f: {  	v0 =	vadd.f32 v1, v0  }
0x590: {  	v2 =	vld [tilespmem:s26+$0x2F0]  }
0x591: {  	v4 =	vadd.f32 v4, v0  }
0x592: {  	v0 =	vld [tilespmem:s26+$0x370]  }
0x593: {  	s29 =	simm.s32 $0x200;
	v1 =	vld [tilespmem:s26+$0x3F0];
	v3 =	vadd.f32 v3, v4  }
.LBB2_6:
0x594: {  	p0 =	sne.s32 s29, $0x1E00  }
0x595: {  	s26 =	sadd.s32 $0x800, s26;
	s30 =	smov.u32 s29;
	s29 =	sadd.s32 $0x200, s29;
	v2 =	vadd.f32 v2, v3  }
0x596: {  	_ = 	snop  }
0x597: {  	v0 =	vadd.f32 v0, v2;
	_ =	sdelay $0x1  }
0x598: {  	v0 =	vadd.f32 v1, v0;
	_ =	sdelay $0x1  }
0x599: {  	v0 =	vmul.f32 $6.250000000e-02, v0;
	_ =	sdelay $0x1  }
0x59a: {  	[tilespmem:s28+$0x89F0] =	vst v0  }
0x59b: {  	v0 =	vld [tilespmem:s26+$0xFFFFFC80]  }
0x59c: {  	v1 =	vld [tilespmem:s26+$0xFFFFFC00]  }
0x59d: {  	v2 =	vld [tilespmem:s26+$0xFFFFFD00];
	_ =	sdelay $0x2  }
0x59e: {  	v3 =	vld [tilespmem:s26+$0xFFFFFD80]  }
0x59f: {  	v0 =	vadd.f32 v0, v1  }
0x5a0: {  	v1 =	vld [tilespmem:s26+$0xFFFFFE00]  }
0x5a1: {  	v0 =	vadd.f32 v2, v0  }
0x5a2: {  	v2 =	vld [tilespmem:s26+$0xFFFFFE80]  }
0x5a3: {  	v0 =	vadd.f32 v3, v0  }
0x5a4: {  	v3 =	vld [tilespmem:s26+$0xFFFFFF00]  }
0x5a5: {  	v0 =	vadd.f32 v1, v0  }
0x5a6: {  	v1 =	vld [tilespmem:s26+$0xFFFFFF80]  }
0x5a7: {  	v0 =	vadd.f32 v2, v0  }
0x5a8: {  	v2 =	vld [tilespmem:s26+$0x0]  }
0x5a9: {  	v0 =	vadd.f32 v3, v0  }
0x5aa: {  	v3 =	vld [tilespmem:s26+$0x80]  }
0x5ab: {  	v0 =	vadd.f32 v1, v0  }
0x5ac: {  	v1 =	vld [tilespmem:s26+$0x100]  }
0x5ad: {  	v0 =	vadd.f32 v2, v0  }
0x5ae: {  	v2 =	vld [tilespmem:s26+$0x180]  }
0x5af: {  	v0 =	vadd.f32 v3, v0  }
0x5b0: {  	v3 =	vld [tilespmem:s26+$0x200]  }
0x5b1: {  	v0 =	vadd.f32 v1, v0  }
0x5b2: {  	v1 =	vld [tilespmem:s26+$0x280]  }
0x5b3: {  	v0 =	vadd.f32 v2, v0  }
0x5b4: {  	v2 =	vld [tilespmem:s26+$0x300]  }
0x5b5: {  	v0 =	vadd.f32 v3, v0  }
0x5b6: {  	v3 =	vld [tilespmem:s26+$0x380]  }
0x5b7: {  	v0 =	vadd.f32 v1, v0;
	_ =	sdelay $0x1  }
0x5b8: {  	v0 =	vadd.f32 v2, v0;
	_ =	sdelay $0x1  }
0x5b9: {  	v0 =	vadd.f32 v3, v0;
	_ =	sdelay $0x1  }
0x5ba: {  	v0 =	vmul.f32 $6.250000000e-02, v0  }
0x5bb: {  	s28 =	sshra.s32 s30, $0x2  }
0x5bc: {  	[tilespmem:s28+$0x8980] =	vst v0  }
0x5bd: {  	v0 =	vld [tilespmem:s26+$0xFFFFFC10]  }
0x5be: {  	v1 =	vld [tilespmem:s26+$0xFFFFFC90];
	_ =	sdelay $0x1  }
0x5bf: {  	v2 =	vld [tilespmem:s26+$0xFFFFFD10];
	_ =	sdelay $0x1  }
0x5c0: {  	v3 =	vld [tilespmem:s26+$0xFFFFFD90]  }
0x5c1: {  	v0 =	vadd.f32 v1, v0  }
0x5c2: {  	v1 =	vld [tilespmem:s26+$0xFFFFFE10]  }
0x5c3: {  	v0 =	vadd.f32 v2, v0  }
0x5c4: {  	v2 =	vld [tilespmem:s26+$0xFFFFFE90]  }
0x5c5: {  	v0 =	vadd.f32 v3, v0  }
0x5c6: {  	v3 =	vld [tilespmem:s26+$0xFFFFFF10]  }
0x5c7: {  	v0 =	vadd.f32 v1, v0  }
0x5c8: {  	v1 =	vld [tilespmem:s26+$0xFFFFFF90]  }
0x5c9: {  	v0 =	vadd.f32 v2, v0  }
0x5ca: {  	v2 =	vld [tilespmem:s26+$0x10]  }
0x5cb: {  	v0 =	vadd.f32 v3, v0  }
0x5cc: {  	v3 =	vld [tilespmem:s26+$0x90]  }
0x5cd: {  	v0 =	vadd.f32 v1, v0  }
0x5ce: {  	v1 =	vld [tilespmem:s26+$0x110]  }
0x5cf: {  	v0 =	vadd.f32 v2, v0  }
0x5d0: {  	v2 =	vld [tilespmem:s26+$0x190]  }
0x5d1: {  	v0 =	vadd.f32 v3, v0  }
0x5d2: {  	v3 =	vld [tilespmem:s26+$0x210]  }
0x5d3: {  	v0 =	vadd.f32 v1, v0  }
0x5d4: {  	v1 =	vld [tilespmem:s26+$0x290]  }
0x5d5: {  	v0 =	vadd.f32 v2, v0  }
0x5d6: {  	v2 =	vld [tilespmem:s26+$0x310]  }
0x5d7: {  	v0 =	vadd.f32 v3, v0  }
0x5d8: {  	v3 =	vld [tilespmem:s26+$0x390]  }
0x5d9: {  	v0 =	vadd.f32 v1, v0;
	_ =	sdelay $0x1  }
0x5da: {  	v0 =	vadd.f32 v2, v0;
	_ =	sdelay $0x1  }
0x5db: {  	v0 =	vadd.f32 v3, v0;
	_ =	sdelay $0x1  }
0x5dc: {  	v0 =	vmul.f32 $6.250000000e-02, v0;
	_ =	sdelay $0x1  }
0x5dd: {  	[tilespmem:s28+$0x8990] =	vst v0  }
0x5de: {  	v0 =	vld [tilespmem:s26+$0xFFFFFC20]  }
0x5df: {  	v1 =	vld [tilespmem:s26+$0xFFFFFCA0];
	_ =	sdelay $0x1  }
0x5e0: {  	v2 =	vld [tilespmem:s26+$0xFFFFFD20];
	_ =	sdelay $0x1  }
0x5e1: {  	v3 =	vld [tilespmem:s26+$0xFFFFFDA0]  }
0x5e2: {  	v0 =	vadd.f32 v1, v0  }
0x5e3: {  	v1 =	vld [tilespmem:s26+$0xFFFFFE20]  }
0x5e4: {  	v0 =	vadd.f32 v2, v0  }
0x5e5: {  	v2 =	vld [tilespmem:s26+$0xFFFFFEA0]  }
0x5e6: {  	v0 =	vadd.f32 v3, v0  }
0x5e7: {  	v3 =	vld [tilespmem:s26+$0xFFFFFF20]  }
0x5e8: {  	v0 =	vadd.f32 v1, v0  }
0x5e9: {  	v1 =	vld [tilespmem:s26+$0xFFFFFFA0]  }
0x5ea: {  	v0 =	vadd.f32 v2, v0  }
0x5eb: {  	v2 =	vld [tilespmem:s26+$0x20]  }
0x5ec: {  	v0 =	vadd.f32 v3, v0  }
0x5ed: {  	v3 =	vld [tilespmem:s26+$0xA0]  }
0x5ee: {  	v0 =	vadd.f32 v1, v0  }
0x5ef: {  	v1 =	vld [tilespmem:s26+$0x120]  }
0x5f0: {  	v0 =	vadd.f32 v2, v0  }
0x5f1: {  	v2 =	vld [tilespmem:s26+$0x1A0]  }
0x5f2: {  	v0 =	vadd.f32 v3, v0  }
0x5f3: {  	v3 =	vld [tilespmem:s26+$0x220]  }
0x5f4: {  	v0 =	vadd.f32 v1, v0  }
0x5f5: {  	v1 =	vld [tilespmem:s26+$0x2A0]  }
0x5f6: {  	v0 =	vadd.f32 v2, v0  }
0x5f7: {  	v2 =	vld [tilespmem:s26+$0x320]  }
0x5f8: {  	v0 =	vadd.f32 v3, v0  }
0x5f9: {  	v3 =	vld [tilespmem:s26+$0x3A0]  }
0x5fa: {  	v0 =	vadd.f32 v1, v0;
	_ =	sdelay $0x1  }
0x5fb: {  	v0 =	vadd.f32 v2, v0;
	_ =	sdelay $0x1  }
0x5fc: {  	v0 =	vadd.f32 v3, v0;
	_ =	sdelay $0x1  }
0x5fd: {  	v0 =	vmul.f32 $6.250000000e-02, v0;
	_ =	sdelay $0x1  }
0x5fe: {  	[tilespmem:s28+$0x89A0] =	vst v0  }
0x5ff: {  	v0 =	vld [tilespmem:s26+$0xFFFFFC30]  }
0x600: {  	v1 =	vld [tilespmem:s26+$0xFFFFFCB0];
	_ =	sdelay $0x1  }
0x601: {  	v2 =	vld [tilespmem:s26+$0xFFFFFD30];
	_ =	sdelay $0x1  }
0x602: {  	v3 =	vld [tilespmem:s26+$0xFFFFFDB0]  }
0x603: {  	v0 =	vadd.f32 v1, v0  }
0x604: {  	v1 =	vld [tilespmem:s26+$0xFFFFFE30]  }
0x605: {  	v0 =	vadd.f32 v2, v0  }
0x606: {  	v2 =	vld [tilespmem:s26+$0xFFFFFEB0]  }
0x607: {  	v0 =	vadd.f32 v3, v0  }
0x608: {  	v3 =	vld [tilespmem:s26+$0xFFFFFF30]  }
0x609: {  	v0 =	vadd.f32 v1, v0  }
0x60a: {  	v1 =	vld [tilespmem:s26+$0xFFFFFFB0]  }
0x60b: {  	v0 =	vadd.f32 v2, v0  }
0x60c: {  	v2 =	vld [tilespmem:s26+$0x30]  }
0x60d: {  	v0 =	vadd.f32 v3, v0  }
0x60e: {  	v3 =	vld [tilespmem:s26+$0xB0]  }
0x60f: {  	v0 =	vadd.f32 v1, v0  }
0x610: {  	v1 =	vld [tilespmem:s26+$0x130]  }
0x611: {  	v0 =	vadd.f32 v2, v0  }
0x612: {  	v2 =	vld [tilespmem:s26+$0x1B0]  }
0x613: {  	v0 =	vadd.f32 v3, v0  }
0x614: {  	v3 =	vld [tilespmem:s26+$0x230]  }
0x615: {  	v0 =	vadd.f32 v1, v0  }
0x616: {  	v1 =	vld [tilespmem:s26+$0x2B0]  }
0x617: {  	v0 =	vadd.f32 v2, v0  }
0x618: {  	v2 =	vld [tilespmem:s26+$0x330]  }
0x619: {  	v0 =	vadd.f32 v3, v0  }
0x61a: {  	v3 =	vld [tilespmem:s26+$0x3B0]  }
0x61b: {  	v0 =	vadd.f32 v1, v0;
	_ =	sdelay $0x1  }
0x61c: {  	v0 =	vadd.f32 v2, v0;
	_ =	sdelay $0x1  }
0x61d: {  	v0 =	vadd.f32 v3, v0;
	_ =	sdelay $0x1  }
0x61e: {  	v0 =	vmul.f32 $6.250000000e-02, v0;
	_ =	sdelay $0x1  }
0x61f: {  	[tilespmem:s28+$0x89B0] =	vst v0  }
0x620: {  	v0 =	vld [tilespmem:s26+$0xFFFFFC40]  }
0x621: {  	v1 =	vld [tilespmem:s26+$0xFFFFFCC0];
	_ =	sdelay $0x1  }
0x622: {  	v2 =	vld [tilespmem:s26+$0xFFFFFD40];
	_ =	sdelay $0x1  }
0x623: {  	v3 =	vld [tilespmem:s26+$0xFFFFFDC0]  }
0x624: {  	v0 =	vadd.f32 v1, v0  }
0x625: {  	v1 =	vld [tilespmem:s26+$0xFFFFFE40]  }
0x626: {  	v0 =	vadd.f32 v2, v0  }
0x627: {  	v2 =	vld [tilespmem:s26+$0xFFFFFEC0]  }
0x628: {  	v0 =	vadd.f32 v3, v0  }
0x629: {  	v3 =	vld [tilespmem:s26+$0xFFFFFF40]  }
0x62a: {  	v0 =	vadd.f32 v1, v0  }
0x62b: {  	v1 =	vld [tilespmem:s26+$0xFFFFFFC0]  }
0x62c: {  	v0 =	vadd.f32 v2, v0  }
0x62d: {  	v2 =	vld [tilespmem:s26+$0x40]  }
0x62e: {  	v0 =	vadd.f32 v3, v0  }
0x62f: {  	v3 =	vld [tilespmem:s26+$0xC0]  }
0x630: {  	v0 =	vadd.f32 v1, v0  }
0x631: {  	v1 =	vld [tilespmem:s26+$0x140]  }
0x632: {  	v0 =	vadd.f32 v2, v0  }
0x633: {  	v2 =	vld [tilespmem:s26+$0x1C0]  }
0x634: {  	v0 =	vadd.f32 v3, v0  }
0x635: {  	v3 =	vld [tilespmem:s26+$0x240]  }
0x636: {  	v0 =	vadd.f32 v1, v0  }
0x637: {  	v1 =	vld [tilespmem:s26+$0x2C0]  }
0x638: {  	v0 =	vadd.f32 v2, v0  }
0x639: {  	v2 =	vld [tilespmem:s26+$0x340]  }
0x63a: {  	v0 =	vadd.f32 v3, v0  }
0x63b: {  	v3 =	vld [tilespmem:s26+$0x3C0]  }
0x63c: {  	v0 =	vadd.f32 v1, v0;
	_ =	sdelay $0x1  }
0x63d: {  	v0 =	vadd.f32 v2, v0;
	_ =	sdelay $0x1  }
0x63e: {  	v0 =	vadd.f32 v3, v0;
	_ =	sdelay $0x1  }
0x63f: {  	v0 =	vmul.f32 $6.250000000e-02, v0;
	_ =	sdelay $0x1  }
0x640: {  	[tilespmem:s28+$0x89C0] =	vst v0  }
0x641: {  	v0 =	vld [tilespmem:s26+$0xFFFFFC50]  }
0x642: {  	v1 =	vld [tilespmem:s26+$0xFFFFFCD0]  }
0x643: {  	v2 =	vld [tilespmem:s26+$0xFFFFFD50]  }
0x644: {  	v3 =	vld [tilespmem:s26+$0xFFFFFDD0]  }
0x645: {  	v4 =	vld [tilespmem:s26+$0xFFFFFE50]  }
0x646: {  	v5 =	vld [tilespmem:s26+$0xFFFFFED0]  }
0x647: {  	v0 =	vadd.f32 v1, v0;
	v1 =	vld [tilespmem:s26+$0xFFFFFF50]  }
0x648: {  	v6 =	vld [tilespmem:s26+$0xFFFFFFD0]  }
0x649: {  	v0 =	vadd.f32 v2, v0;
	v2 =	vld [tilespmem:s26+$0x50]  }
0x64a: {  	v7 =	vld [tilespmem:s26+$0xD0]  }
0x64b: {  	v0 =	vadd.f32 v3, v0;
	v3 =	vld [tilespmem:s26+$0x150]  }
0x64c: {  	v8 =	vld [tilespmem:s26+$0x1D0]  }
0x64d: {  	v0 =	vadd.f32 v4, v0;
	v4 =	vld [tilespmem:s26+$0x250]  }
0x64e: {  	v9 =	vld [tilespmem:s26+$0x2D0]  }
0x64f: {  	v0 =	vadd.f32 v5, v0;
	v5 =	vld [tilespmem:s26+$0x350]  }
0x650: {  	v10 =	vld [tilespmem:s26+$0x3D0]  }
0x651: {  	v0 =	vadd.f32 v1, v0;
	_ =	sdelay $0x1  }
0x652: {  	v0 =	vadd.f32 v6, v0;
	_ =	sdelay $0x1  }
0x653: {  	v0 =	vadd.f32 v2, v0;
	_ =	sdelay $0x1  }
0x654: {  	v0 =	vadd.f32 v7, v0;
	_ =	sdelay $0x1  }
0x655: {  	v0 =	vadd.f32 v3, v0;
	_ =	sdelay $0x1  }
0x656: {  	v0 =	vadd.f32 v8, v0;
	_ =	sdelay $0x1  }
0x657: {  	v0 =	vadd.f32 v4, v0;
	_ =	sdelay $0x1  }
0x658: {  	v0 =	vadd.f32 v9, v0;
	_ =	sdelay $0x1  }
0x659: {  	v0 =	vadd.f32 v5, v0;
	_ =	sdelay $0x1  }
0x65a: {  	v0 =	vadd.f32 v10, v0;
	_ =	sdelay $0x1  }
0x65b: {  	v0 =	vmul.f32 $6.250000000e-02, v0;
	_ =	sdelay $0x1  }
0x65c: {  	[tilespmem:s28+$0x89D0] =	vst v0  }
0x65d: {  	v0 =	vld [tilespmem:s26+$0xFFFFFC60]  }
0x65e: {  	v1 =	vld [tilespmem:s26+$0xFFFFFCE0]  }
0x65f: {  	v2 =	vld [tilespmem:s26+$0xFFFFFD60]  }
0x660: {  	v3 =	vld [tilespmem:s26+$0xFFFFFDE0]  }
0x661: {  	v4 =	vld [tilespmem:s26+$0xFFFFFE60]  }
0x662: {  	v5 =	vld [tilespmem:s26+$0xFFFFFEE0]  }
0x663: {  	v0 =	vadd.f32 v1, v0;
	v1 =	vld [tilespmem:s26+$0xFFFFFF60]  }
0x664: {  	v6 =	vld [tilespmem:s26+$0xFFFFFFE0]  }
0x665: {  	v0 =	vadd.f32 v2, v0;
	v2 =	vld [tilespmem:s26+$0x60]  }
0x666: {  	v7 =	vld [tilespmem:s26+$0xE0]  }
0x667: {  	v0 =	vadd.f32 v3, v0;
	v3 =	vld [tilespmem:s26+$0x160]  }
0x668: {  	v8 =	vld [tilespmem:s26+$0x1E0]  }
0x669: {  	v0 =	vadd.f32 v4, v0;
	v4 =	vld [tilespmem:s26+$0x260]  }
0x66a: {  	v9 =	vld [tilespmem:s26+$0x2E0]  }
0x66b: {  	v0 =	vadd.f32 v5, v0;
	v5 =	vld [tilespmem:s26+$0x360]  }
0x66c: {  	v10 =	vld [tilespmem:s26+$0x3E0]  }
0x66d: {  	v0 =	vadd.f32 v1, v0;
	_ =	sdelay $0x1  }
0x66e: {  	v0 =	vadd.f32 v6, v0;
	_ =	sdelay $0x1  }
0x66f: {  	v0 =	vadd.f32 v2, v0;
	_ =	sdelay $0x1  }
0x670: {  	v0 =	vadd.f32 v7, v0;
	_ =	sdelay $0x1  }
0x671: {  	v0 =	vadd.f32 v3, v0;
	_ =	sdelay $0x1  }
0x672: {  	v0 =	vadd.f32 v8, v0;
	_ =	sdelay $0x1  }
0x673: {  	v0 =	vadd.f32 v4, v0;
	_ =	sdelay $0x1  }
0x674: {  	v0 =	vadd.f32 v9, v0;
	_ =	sdelay $0x1  }
0x675: {  	v0 =	vadd.f32 v5, v0;
	_ =	sdelay $0x1  }
0x676: {  	v0 =	vadd.f32 v10, v0;
	_ =	sdelay $0x1  }
0x677: {  	v0 =	vmul.f32 $6.250000000e-02, v0;
	_ =	sdelay $0x1  }
0x678: {  	[tilespmem:s28+$0x89E0] =	vst v0  }
0x679: {  	v0 =	vld [tilespmem:s26+$0xFFFFFC70]  }
0x67a: {  	v1 =	vld [tilespmem:s26+$0xFFFFFCF0]  }
0x67b: {  	v2 =	vld [tilespmem:s26+$0xFFFFFD70]  }
0x67c: {  	v3 =	vld [tilespmem:s26+$0xFFFFFDF0]  }
0x67d: {  	v4 =	vld [tilespmem:s26+$0xFFFFFE70]  }
0x67e: {  	v5 =	vld [tilespmem:s26+$0xFFFFFEF0]  }
0x67f: {  	v0 =	vadd.f32 v1, v0;
	v6 =	vld [tilespmem:s26+$0xFFFFFF70]  }
0x680: {  	v7 =	vld [tilespmem:s26+$0xFFFFFFF0]  }
0x681: {  	v0 =	vadd.f32 v2, v0;
	v8 =	vld [tilespmem:s26+$0x70]  }
0x682: {  	v9 =	vld [tilespmem:s26+$0xF0]  }
0x683: {  	v0 =	vadd.f32 v3, v0;
	v3 =	vld [tilespmem:s26+$0x170]  }
0x684: {  	v10 =	vld [tilespmem:s26+$0x1F0]  }
0x685: {  	v0 =	vadd.f32 v4, v0;
	v4 =	vld [tilespmem:s26+$0x270]  }
0x686: {  	v2 =	vld [tilespmem:s26+$0x2F0]  }
0x687: {  	v5 =	vadd.f32 v5, v0;
	v0 =	vld [tilespmem:s26+$0x370]  }
0x688: {  	v1 =	vld [tilespmem:s26+$0x3F0]  }
0x689: {  	v5 =	vadd.f32 v6, v5;
	_ =	sdelay $0x1  }
0x68a: {  	v5 =	vadd.f32 v7, v5;
	_ =	sdelay $0x1  }
0x68b: {  	v5 =	vadd.f32 v8, v5;
	_ =	sdelay $0x1  }
0x68c: {  	v5 =	vadd.f32 v9, v5;
	_ =	sdelay $0x1  }
.Ltmp2:
0x68d: {  	v3 =	vadd.f32 v3, v5;
	(pc) =	sbr.rel @p0 .LBB2_6-.Ltmp2, $3  }
0x68e: {  	_ = 	snop  }
0x68f: {  	v3 =	vadd.f32 v10, v3;
	_ =	sdelay $0x1  }
0x690: {  	v3 =	vadd.f32 v4, v3  }
0x691: {  	_ = 	snop  }
0x692: {  	v2 =	vadd.f32 v2, v3;
	_ =	sdelay $0x1  }
0x693: {  	v0 =	vadd.f32 v0, v2;
	_ =	sdelay $0x1  }
0x694: {  	v0 =	vadd.f32 v1, v0;
	_ =	sdelay $0x1  }
0x695: {  	v0 =	vmul.f32 $6.250000000e-02, v0;
	_ =	sdelay $0x1  }
0x696: {  	[tilespmem:s28+$0x89F0] =	vst v0  }
0x697: {  	[hbm4b:s11+s4] =	stream.linear.scatter [tilespmem:s23], [sflag:$0x3], $0x800, $0x38;
	[tilespmem:$0x9980] =	vst v63  }
0x698: {  	_ =	swait.ge [sflag:s14], $0x800  }
0x699: {  	[sflag:s14] =	ssyncset.done $0x0  }
0x69a: {  	[sflag:s14] =	ssyncadd.s32 $0xFFFFF800  }
0x69b: {  	s25 =	sadd.s32 $0x1, s25;
	_ =	swait.ge [sflag:s24], $0x800  }
0x69c: {  	p0 =	sne.s32 s25, s13;
	[sflag:s24] =	ssyncset.done $0x0  }
.Ltmp3:
0x69d: {  	[sflag:s24] =	ssyncadd.s32 $0xFFFFF800;
	(pc) =	sbr.rel @p0 .LBB2_1-.Ltmp3, $4  }
0x69e: {  	[hbm4b:s12+s4] =	stream.linear.scatter [tilespmem:s16], [sflag:$0x3], $0x800, $0x38;
	[tilespmem:$0x9980] =	vst v63  }
0x69f: {  	_ =	swait.ge [sflag:s14], $0x800  }
0x6a0: {  	[sflag:s14] =	ssyncset.done $0x0  }
0x6a1: {  	[sflag:s14] =	ssyncadd.s32 $0xFFFFF800  }
0x6a2: {  	_ =	sfence.sel $0x180000  }
0x6a3: {  	[bflag:$0x0] =	sbarrier.arrive $0xFFFF  }
0x6a4: {  	p0 =	sne.s32 s1, $0x0;
	_ =	strace $0x90000048  }
0x6a5: {  	s0 =	sadd.s32 @!p0 $0x100000, s0;
	[bflag:$0x2] =	sbarrier.arrive $0xFFFF  }
0x6a6: {  	[sflag:s0] =	ssyncadd.tile.s32 @!p0 $0x1;
	_ =	shalt  }
.Lfunc_end2:
_tile_overlayer_lowered:
.L_overlay_start_2:
0x6a7: {  	(tag) =	ssettag $0x2  }
0x6a8: {  	s0 =	rddreg [dreg:$0x0];
	s2 =	stileid.u32  }
0x6a9: {  	s1 =	rddreg [dreg:$0x1];
	p0 =	sne.s32 s2, $0x0  }
0x6aa: {  	s3 =	rddreg [dreg:$0x2];
	[bflag:$0x3] =	sbarrier.arrive $0xFFFF;
	s2 =	simm.s32 @!p0 $0x1C03  }
0x6ab: {  	[timem:s3], [sflag:s2] =	dma.local @!p0 [hbm:s0], s1  }
0x6ac: {  	s0 =	simm.s32 @!p0 $0x3  }
0x6ad: {  	_ =	swait.ge @!p0 [sflag:s0], s1  }
0x6ae: {  	s1 =	ssub.s32 @!p0 $0x0, s1;
	[sflag:s0] =	ssyncset.done @!p0 $0x0  }
0x6af: {  	[sflag:s0] =	ssyncadd.s32 @!p0 s1  }
0x6b0: {  	[bflag:$0x3] =	sbarrier.arrive $0xFFFF  }
0x6b1: {  	_ =	shalt  }

</sc_bundles>
